<compile_context>
chip_gen: v7x
topology: tpu7x:2x2x1
jax: 0.10.2.dev20260603
libtpu: 0.0.44.dev20260713+nightly
codegen_flags: <defaults>
</compile_context>

<pallas_src>
import functools

import jax
import jax.numpy as jnp
from jax import lax
from jax.experimental import pallas as pl
from jax.experimental.pallas import tpu as pltpu
from jax.experimental.pallas import tpu_sc as plsc

N_NODES = 10000
N_EDGES = 320000
NP = 10240

NC = 2
NS = 16
NW = NC * NS
EPW = N_EDGES // NW
CH = 128
NFULL = EPW // CH
TAIL = EPW - NFULL * CH
RPS = NP // NS
ZCH = 128
NBUF = 6
DEGW = 16

_mesh = plsc.VectorSubcoreMesh(core_axis_name="c", subcore_axis_name="s")
_sc_params = pltpu.CompilerParams(use_tc_tiling_on_sc=False)


def _zero_fill(buf, h):
    @pl.loop(0, buf.shape[0])
    def _(r):
        @pl.loop(0, h // 16)
        def _(c):
            buf[r, pl.ds(c * 16, 16)] = jnp.zeros((16,), jnp.float32)


def _make_edge_scatter(h):

    @functools.partial(
        pl.kernel,
        out_type=jax.ShapeDtypeStruct((NC, NP, h), jnp.float32),
        mesh=_mesh,
        scratch_types=[
            pltpu.VMEM((EPW,), jnp.int32),
            pltpu.VMEM((EPW,), jnp.int32),
            [pltpu.VMEM((CH, h), jnp.float32) for _ in range(NBUF)],
            pltpu.VMEM((ZCH, h), jnp.float32),
            pltpu.VMEM_SHARED((NP, h), jnp.float32),
            [pltpu.SemaphoreType.DMA for _ in range(NBUF)],
            [pltpu.SemaphoreType.DMA for _ in range(NBUF)],
        ],
        compiler_params=_sc_params,
    )
    def k(edge_hbm, y_hbm, out_hbm, sidx, didx, bufs, zbuf, acc, gsems, ssems):
        cid = lax.axis_index("c")
        sid = lax.axis_index("s")
        wid = cid * NS + sid

        _zero_fill(zbuf, h)

        @pl.loop(0, RPS // ZCH)
        def _(t):
            pltpu.sync_copy(zbuf, acc.at[pl.ds(sid * RPS + t * ZCH, ZCH)])

        pltpu.sync_copy(edge_hbm.at[0, pl.ds(wid * EPW, EPW)], sidx)
        pltpu.sync_copy(edge_hbm.at[1, pl.ds(wid * EPW, EPW)], didx)
        plsc.subcore_barrier()

        def gather(t, b):
            pltpu.make_async_copy(y_hbm.at[sidx.at[pl.ds(t * CH, CH)]],
                                  bufs[b], gsems[b]).start()

        def gather_wait(b):
            pltpu.make_async_copy(y_hbm.at[sidx.at[pl.ds(0, CH)]],
                                  bufs[b], gsems[b]).wait()

        def scat(t, b):
            pltpu.async_copy(bufs[b], acc.at[didx.at[pl.ds(t * CH, CH)]],
                             ssems[b], add=True)

        def scat_wait(b):
            pltpu.make_async_copy(bufs[b], acc.at[didx.at[pl.ds(0, CH)]],
                                  ssems[b]).wait()

        for b in range(NBUF):
            gather(b, b)

        @pl.loop(0, NFULL, step=NBUF)
        def _(t):
            for b in range(NBUF):
                gather_wait(b)
                scat(t + b, b)
            for b in range(NBUF):
                @pl.when(t + b + NBUF < NFULL)
                def _(b=b):
                    scat_wait(b)
                    gather(t + b + NBUF, b)

        for b in range(NBUF):
            scat_wait(b)

        pltpu.sync_copy(y_hbm.at[sidx.at[pl.ds(NFULL * CH, TAIL)]],
                        bufs[0].at[pl.ds(0, TAIL)])
        pltpu.sync_copy(bufs[0].at[pl.ds(0, TAIL)],
                        acc.at[didx.at[pl.ds(NFULL * CH, TAIL)]], add=True)

        plsc.subcore_barrier()
        pltpu.sync_copy(acc.at[pl.ds(sid * RPS, RPS)],
                        out_hbm.at[cid, pl.ds(sid * RPS, RPS)])

    return k


_edge_scatter = {32: _make_edge_scatter(32), 64: _make_edge_scatter(64)}


@functools.partial(
    pl.kernel,
    out_type=jax.ShapeDtypeStruct((NC, NP, DEGW), jnp.float32),
    mesh=_mesh,
    scratch_types=[
        pltpu.VMEM((EPW,), jnp.int32),
        pltpu.VMEM((CH, DEGW), jnp.float32),
        pltpu.VMEM((ZCH, DEGW), jnp.float32),
        pltpu.VMEM_SHARED((NP, DEGW), jnp.float32),
        pltpu.SemaphoreType.DMA,
    ],
    compiler_params=_sc_params,
)
def _deg_kernel(edge_hbm, out_hbm, didx, obuf, zbuf, acc, dsem):
    cid = lax.axis_index("c")
    sid = lax.axis_index("s")
    wid = cid * NS + sid

    _zero_fill(zbuf, DEGW)

    @pl.loop(0, obuf.shape[0])
    def _(r):
        obuf[r, pl.ds(0, 16)] = jnp.ones((16,), jnp.float32)

    @pl.loop(0, RPS // ZCH)
    def _(t):
        pltpu.sync_copy(zbuf, acc.at[pl.ds(sid * RPS + t * ZCH, ZCH)])

    pltpu.sync_copy(edge_hbm.at[1, pl.ds(wid * EPW, EPW)], didx)
    plsc.subcore_barrier()

    @pl.loop(0, NFULL, step=NBUF)
    def _(t):
        for b in range(NBUF):
            pltpu.async_copy(obuf, acc.at[didx.at[pl.ds((t + b) * CH, CH)]],
                             dsem, add=True)
        for b in range(NBUF):
            pltpu.make_async_copy(obuf, acc.at[didx.at[pl.ds(0, CH)]],
                                  dsem).wait()

    pltpu.sync_copy(obuf.at[pl.ds(0, TAIL)],
                    acc.at[didx.at[pl.ds(NFULL * CH, TAIL)]], add=True)

    plsc.subcore_barrier()
    pltpu.sync_copy(acc.at[pl.ds(sid * RPS, RPS)],
                    out_hbm.at[cid, pl.ds(sid * RPS, RPS)])



def _mm_body(x_ref, w_ref, xw_ref):
    xw_ref[...] = jnp.dot(x_ref[...], w_ref[...],
                          preferred_element_type=jnp.float32)


def _scale0_body(deg_ref, xw_ref, dinv_ref, y_ref):
    deg = (deg_ref[0, pl.ds(0, N_NODES), 0:1]
           + deg_ref[1, pl.ds(0, N_NODES), 0:1] + 1.0)
    dinv = lax.rsqrt(deg)
    dinv_ref[...] = dinv
    y_ref[...] = dinv * xw_ref[...]


def _stage_mid_body(acc_ref, y_ref, dinv_ref, b_ref, w_ref, yout_ref):
    dinv = dinv_ref[...]
    acc = acc_ref[0, pl.ds(0, N_NODES), :] + acc_ref[1, pl.ds(0, N_NODES), :]
    h = jax.nn.relu(dinv * (acc + y_ref[...]) + b_ref[...])
    yout_ref[...] = dinv * jnp.dot(h, w_ref[...],
                                   preferred_element_type=jnp.float32)


def _stage3_body(acc_ref, y_ref, dinv_ref, b_ref, out_ref):
    acc = acc_ref[0, pl.ds(0, N_NODES), :] + acc_ref[1, pl.ds(0, N_NODES), :]
    z = dinv_ref[...] * (acc + y_ref[...]) + b_ref[...]
    m = jnp.max(z, axis=1, keepdims=True)
    e = jnp.exp(z - m)
    out_ref[...] = (z - m) - jnp.log(jnp.sum(e, axis=1, keepdims=True))


def _mm(x, w):
    return pl.pallas_call(
        _mm_body,
        out_shape=jax.ShapeDtypeStruct((N_NODES, w.shape[1]), jnp.float32),
    )(x, w)


def _scale0(deg, xw):
    return pl.pallas_call(
        _scale0_body,
        out_shape=(jax.ShapeDtypeStruct((N_NODES, 1), jnp.float32),
                   jax.ShapeDtypeStruct((N_NODES, xw.shape[1]), jnp.float32)),
    )(deg, xw)


def _stage_mid(acc, y, dinv, b, w):
    return pl.pallas_call(
        _stage_mid_body,
        out_shape=jax.ShapeDtypeStruct((N_NODES, w.shape[1]), jnp.float32),
    )(acc, y, dinv, b.reshape(1, -1), w)


def _stage3(acc, y, dinv, b):
    return pl.pallas_call(
        _stage3_body,
        out_shape=jax.ShapeDtypeStruct((N_NODES, y.shape[1]), jnp.float32),
    )(acc, y, dinv, b.reshape(1, -1))


def kernel(x, edge_index, W1, b1, W2, b2, W3, b3):
    degp = _deg_kernel(edge_index)
    xw1 = _mm(x, W1)
    dinv, y1 = _scale0(degp, xw1)

    acc1 = _edge_scatter[32](edge_index, y1)
    y2 = _stage_mid(acc1, y1, dinv, b1, W2)

    acc2 = _edge_scatter[64](edge_index, y2)
    y3 = _stage_mid(acc2, y2, dinv, b2, W3)

    acc3 = _edge_scatter[64](edge_index, y3)
    return _stage3(acc3, y3, dinv, b3)

# --- scband reference (transcript-rebuilt; emitter-appended) ---
"""Pipeline reference for scband-gnnmodel-74002286510426 (READ-ONLY COPY).

The authoritative reference and input builder live on the scoring server;
editing this copy changes nothing except your own understanding.
"""

import jax, jax.numpy as jnp
import numpy as np

N_NODES = 10000
N_EDGES = 320000
D_IN = 128
H1 = 32
H2 = 64
N_CLASSES = 64


def gcn_conv(x, edge_index, W, b):
    # GCNConv with added self-loops and symmetric normalization (PyG default).
    n = x.shape[0]
    loops = jnp.arange(n, dtype=edge_index.dtype)
    src = jnp.concatenate([edge_index[0], loops])
    dst = jnp.concatenate([edge_index[1], loops])
    ones = jnp.ones(src.shape[0], dtype=x.dtype)
    deg = jax.ops.segment_sum(ones, dst, num_segments=n)
    dinv = jnp.where(deg > 0, jax.lax.rsqrt(jnp.maximum(deg, 1e-12)), 0.0)
    norm = dinv[src] * dinv[dst]
    xw = x @ W
    msg = xw[src] * norm[:, None]
    out = jax.ops.segment_sum(msg, dst, num_segments=n)
    return out + b


def setup_inputs(seed: int = 0) -> dict:
    key = jax.random.key(seed)
    ks = jax.random.split(key, 9)
    x = jax.random.normal(ks[0], (N_NODES, D_IN), dtype=jnp.float32)
    edge_index = jax.random.randint(ks[1], (2, N_EDGES), 0, N_NODES).astype(jnp.int32)
    W1 = jax.random.normal(ks[2], (D_IN, H1), dtype=jnp.float32) * (1.0 / np.sqrt(D_IN))
    b1 = jnp.zeros((H1,), dtype=jnp.float32)
    W2 = jax.random.normal(ks[3], (H1, H2), dtype=jnp.float32) * (1.0 / np.sqrt(H1))
    b2 = jnp.zeros((H2,), dtype=jnp.float32)
    W3 = jax.random.normal(ks[4], (H2, N_CLASSES), dtype=jnp.float32) * (1.0 / np.sqrt(H2))
    b3 = jnp.zeros((N_CLASSES,), dtype=jnp.float32)
    return {"x": x, "edge_index": edge_index, "W1": W1, "b1": b1, "W2": W2, "b2": b2, "W3": W3, "b3": b3}


def reference(x, edge_index, W1, b1, W2, b2, W3, b3):
    # Eval mode: F.dropout(training=False) is identity.
    h = jax.nn.relu(gcn_conv(x, edge_index, W1, b1))
    h = jax.nn.relu(gcn_conv(h, edge_index, W2, b2))
    h = gcn_conv(h, edge_index, W3, b3)
    return jax.nn.log_softmax(h, axis=1)

if __name__ == "__main__":
    import jax
    _d = setup_inputs()
    print(jax.jit(kernel)(*tuple(_d.values())))

</pallas_src>

<mosaic_0001>
#map = affine_map<(d0, d1) -> (0, 0)>
#map1 = affine_map<(d0, d1) -> (0, 0, 0)>
module attributes {stable_mosaic.version = 14 : i64} {
  func.func @_deg_kernel(%arg0: i32, %arg1: i32, %arg2: memref<2x320000xi32, #tpu.memory_space<hbm>>, %arg3: memref<2x10240x16xf32, #tpu.memory_space<hbm>>, %arg4: memref<10000xi32, #tpu.memory_space<vmem>>, %arg5: memref<128x16xf32, #tpu.memory_space<vmem>>, %arg6: memref<128x16xf32, #tpu.memory_space<vmem>>, %arg7: memref<10240x16xf32, #tpu.memory_space<vmem_shared>>, %arg8: memref<!tpu.dma_semaphore, #tpu.memory_space<semaphore_mem>>) attributes {dimension_semantics = [#tpu.dimension_semantics<core_parallel>, #tpu.dimension_semantics<subcore_parallel>], iteration_bounds = array<i64: 2, 16>, scalar_prefetch = 0 : i64, scratch_operands = 5 : i64, tpu.core_type = #tpu.core_type<sc_vector_subcore>, window_params = [{transform_indices = #map}, {transform_indices = #map1}]} {
    %mul3A = arith.constant 16 : i32
    %mul3A_0 = arith.muli %arg0, %mul3A : i32
    %add3A = arith.addi %mul3A_0, %arg1 : i32
    %scan3A = arith.constant 0 : i32
    %scan3A_1 = arith.constant 128 : i32
    %scan3A_2 = arith.addi %scan3A, %scan3A_1 : i32
    %scan3A_3 = arith.constant 1 : i32
    scf.for %scan3A_27 = %scan3A to %scan3A_2 step %scan3A_3  : i32 {
      %mul3A_28 = arith.constant 1 : i32
      %mul3A_29 = arith.muli %scan3A_27, %mul3A_28 : i32
      %add3A_30 = arith.constant 0 : i32
      %add3A_31 = arith.addi %add3A_30, %mul3A_29 : i32
      %scan3A_32 = arith.constant 0 : i32
      %mul3A_33 = arith.constant 1 : i32
      %mul3A_34 = arith.muli %scan3A_32, %mul3A_33 : i32
      %add3A_35 = arith.constant 0 : i32
      %add3A_36 = arith.addi %add3A_35, %mul3A_34 : i32
      %broadcast_in_dim3A = arith.constant 0.000000e+00 : f32
      %broadcast_in_dim3A_37 = vector.broadcast %broadcast_in_dim3A : f32 to vector<16xf32>
      %mul3A_38 = arith.constant 16 : i32
      %mul3A_39 = arith.muli %add3A_36, %mul3A_38 : i32
      %swap3A = arith.index_cast %add3A_31 : i32 to index
      %swap3A_40 = arith.index_cast %mul3A_39 : i32 to index
      %swap3A_41 = tpu.vector_load %arg6[%swap3A, %swap3A_40] {strides = array<i32>} : memref<128x16xf32, #tpu.memory_space<vmem>>, vector<1x16xf32>,
      %swap3A_42 = vector.shape_cast %swap3A_41 : vector<1x16xf32> to vector<16xf32>
      %swap3A_43 = vector.shape_cast %broadcast_in_dim3A_37 : vector<16xf32> to vector<1x16xf32>
      tpu.vector_store %arg6[%swap3A, %swap3A_40], %swap3A_43 {strides = array<i32>} : memref<128x16xf32, #tpu.memory_space<vmem>>, vector<1x16xf32>,
      %scan3A_44 = arith.constant 1 : i32
    }
    %scan3A_4 = arith.constant 128 : i32
    %scan3A_5 = arith.constant 0 : i32
    %scan3A_6 = arith.constant 128 : i32
    %scan3A_7 = arith.addi %scan3A_5, %scan3A_6 : i32
    %scan3A_8 = arith.constant 1 : i32
    scf.for %scan3A_27 = %scan3A_5 to %scan3A_7 step %scan3A_8  : i32 {
      %mul3A_28 = arith.constant 1 : i32
      %mul3A_29 = arith.muli %scan3A_27, %mul3A_28 : i32
      %add3A_30 = arith.constant 0 : i32
      %add3A_31 = arith.addi %add3A_30, %mul3A_29 : i32
      %broadcast_in_dim3A = arith.constant 1.000000e+00 : f32
      %broadcast_in_dim3A_32 = vector.broadcast %broadcast_in_dim3A : f32 to vector<16xf32>
      %swap3A = arith.index_cast %add3A_31 : i32 to index
      %swap3A_33 = arith.constant 0 : index
      %swap3A_34 = tpu.vector_load %arg5[%swap3A, %swap3A_33] {strides = array<i32>} : memref<128x16xf32, #tpu.memory_space<vmem>>, vector<1x16xf32>,
      %swap3A_35 = vector.shape_cast %swap3A_34 : vector<1x16xf32> to vector<16xf32>
      %swap3A_36 = vector.shape_cast %broadcast_in_dim3A_32 : vector<16xf32> to vector<1x16xf32>
      tpu.vector_store %arg5[%swap3A, %swap3A_33], %swap3A_36 {strides = array<i32>} : memref<128x16xf32, #tpu.memory_space<vmem>>, vector<1x16xf32>,
    }
    %scan3A_9 = arith.constant 128 : i32
    %scan3A_10 = arith.constant 0 : i32
    %scan3A_11 = arith.constant 5 : i32
    %scan3A_12 = arith.addi %scan3A_10, %scan3A_11 : i32
    %scan3A_13 = arith.constant 1 : i32
    scf.for %scan3A_27 = %scan3A_10 to %scan3A_12 step %scan3A_13  : i32 {
      %mul3A_28 = arith.constant 1 : i32
      %mul3A_29 = arith.muli %scan3A_27, %mul3A_28 : i32
      %add3A_30 = arith.constant 0 : i32
      %add3A_31 = arith.addi %add3A_30, %mul3A_29 : i32
      %mul3A_32 = arith.constant 640 : i32
      %mul3A_33 = arith.muli %arg1, %mul3A_32 : i32
      %mul3A_34 = arith.constant 128 : i32
      %mul3A_35 = arith.muli %add3A_31, %mul3A_34 : i32
      %add3A_36 = arith.addi %mul3A_33, %mul3A_35 : i32
      "tpu.region"() ({
        %run_scoped3A_37 = tpu.sem_alloc : memref<!tpu.dma_semaphore, #tpu.memory_space<semaphore_mem>>
        %dma_start3A = arith.constant 0 : i32
        %dma_start3A_38 = tpu.memref_slice %arg7[%add3A_36, %dma_start3A] : memref<10240x16xf32, #tpu.memory_space<vmem_shared>> -> memref<128x16xf32, #tpu.memory_space<vmem_shared>>
        %dma_start3A_39 = arith.constant 0 : i32
        %dma_start3A_40 = tpu.memref_slice %arg7[%add3A_36, %dma_start3A_39] : memref<10240x16xf32, #tpu.memory_space<vmem_shared>> -> memref<128x16xf32, #tpu.memory_space<vmem_shared>>
        tpu.enqueue_dma source(%arg6 : memref<128x16xf32, #tpu.memory_space<vmem>>) target(%dma_start3A_40 : memref<128x16xf32, #tpu.memory_space<vmem_shared>>) target_semaphore(%run_scoped3A_37 : memref<!tpu.dma_semaphore, #tpu.memory_space<semaphore_mem>>)
        %dma_wait3A = arith.constant 0 : i32
        %dma_wait3A_41 = tpu.memref_slice %arg7[%add3A_36, %dma_wait3A] : memref<10240x16xf32, #tpu.memory_space<vmem_shared>> -> memref<128x16xf32, #tpu.memory_space<vmem_shared>>
        %dma_wait3A_42 = arith.constant 0 : i32
        %dma_wait3A_43 = tpu.memref_slice %arg7[%add3A_36, %dma_wait3A_42] : memref<10240x16xf32, #tpu.memory_space<vmem_shared>> -> memref<128x16xf32, #tpu.memory_space<vmem_shared>>
        tpu.wait_dma2 semaphore(%run_scoped3A_37 : memref<!tpu.dma_semaphore, #tpu.memory_space<semaphore_mem>>) src(%arg6 : memref<128x16xf32, #tpu.memory_space<vmem>>) dst(%dma_wait3A_43 : memref<128x16xf32, #tpu.memory_space<vmem_shared>>)
        tpu.yield
      }) : () -> ()
    }
    %scan3A_14 = arith.constant 5 : i32
    %mul3A_15 = arith.constant 10000 : i32
    %mul3A_16 = arith.muli %add3A, %mul3A_15 : i32
    %run_scoped3A = arith.constant 1 : i32
    "tpu.region"() ({
      %run_scoped3A_27 = tpu.sem_alloc : memref<!tpu.dma_semaphore, #tpu.memory_space<semaphore_mem>>
      %dma_start3A = tpu.memref_slice %arg2[%run_scoped3A, %mul3A_16] : memref<2x320000xi32, #tpu.memory_space<hbm>> -> memref<1x10000xi32, #tpu.memory_space<hbm>>
      %dma_start3A_28 = tpu.memref_squeeze %dma_start3A : memref<1x10000xi32, #tpu.memory_space<hbm>> -> memref<10000xi32, #tpu.memory_space<hbm>>
      %dma_start3A_29 = tpu.memref_slice %arg2[%run_scoped3A, %mul3A_16] : memref<2x320000xi32, #tpu.memory_space<hbm>> -> memref<1x10000xi32, #tpu.memory_space<hbm>>
      %dma_start3A_30 = tpu.memref_squeeze %dma_start3A_29 : memref<1x10000xi32, #tpu.memory_space<hbm>> -> memref<10000xi32, #tpu.memory_space<hbm>>
      tpu.enqueue_dma source(%dma_start3A_30 : memref<10000xi32, #tpu.memory_space<hbm>>) target(%arg4 : memref<10000xi32, #tpu.memory_space<vmem>>) target_semaphore(%run_scoped3A_27 : memref<!tpu.dma_semaphore, #tpu.memory_space<semaphore_mem>>)
      %dma_wait3A = tpu.memref_slice %arg2[%run_scoped3A, %mul3A_16] : memref<2x320000xi32, #tpu.memory_space<hbm>> -> memref<1x10000xi32, #tpu.memory_space<hbm>>
      %dma_wait3A_31 = tpu.memref_squeeze %dma_wait3A : memref<1x10000xi32, #tpu.memory_space<hbm>> -> memref<10000xi32, #tpu.memory_space<hbm>>
      %dma_wait3A_32 = tpu.memref_slice %arg2[%run_scoped3A, %mul3A_16] : memref<2x320000xi32, #tpu.memory_space<hbm>> -> memref<1x10000xi32, #tpu.memory_space<hbm>>
      %dma_wait3A_33 = tpu.memref_squeeze %dma_wait3A_32 : memref<1x10000xi32, #tpu.memory_space<hbm>> -> memref<10000xi32, #tpu.memory_space<hbm>>
      tpu.wait_dma2 semaphore(%run_scoped3A_27 : memref<!tpu.dma_semaphore, #tpu.memory_space<semaphore_mem>>) src(%dma_wait3A_33 : memref<10000xi32, #tpu.memory_space<hbm>>) dst(%arg4 : memref<10000xi32, #tpu.memory_space<vmem>>)
      tpu.yield
    }) : () -> ()
    %barrier3A = arith.constant 0 : index
    tpu.barrier barrier_id(%barrier3A)
    %scan3A_17 = arith.constant 0 : i32
    %scan3A_18 = arith.constant 13 : i32
    %scan3A_19 = arith.addi %scan3A_17, %scan3A_18 : i32
    %scan3A_20 = arith.constant 1 : i32
    scf.for %scan3A_27 = %scan3A_17 to %scan3A_19 step %scan3A_20  : i32 {
      %mul3A_28 = arith.constant 6 : i32
      %mul3A_29 = arith.muli %scan3A_27, %mul3A_28 : i32
      %add3A_30 = arith.constant 0 : i32
      %add3A_31 = arith.addi %add3A_30, %mul3A_29 : i32
      %add3A_32 = arith.constant 0 : i32
      %add3A_33 = arith.addi %add3A_31, %add3A_32 : i32
      %mul3A_34 = arith.constant 128 : i32
      %mul3A_35 = arith.muli %add3A_33, %mul3A_34 : i32
      %dma_start3A = tpu.memref_slice %arg4[%mul3A_35] : memref<10000xi32, #tpu.memory_space<vmem>> -> memref<128xi32, #tpu.memory_space<vmem>>
      %dma_start3A_36 = arith.constant 0 : i32
      %dma_start3A_37 = arith.constant 0 : i32
      %dma_start3A_38 = tpu.memref_slice %arg7[%dma_start3A_36, %dma_start3A_37] : memref<10240x16xf32, #tpu.memory_space<vmem_shared>> -> memref<10240x16xf32, #tpu.memory_space<vmem_shared>>
      tpu.enqueue_indirect_dma source(%arg5 : memref<128x16xf32, #tpu.memory_space<vmem>>) target(%dma_start3A_38 : memref<10240x16xf32, #tpu.memory_space<vmem_shared>>) offsets(%dma_start3A : memref<128xi32, #tpu.memory_space<vmem>>) semaphore(%arg8 : memref<!tpu.dma_semaphore, #tpu.memory_space<semaphore_mem>>) {add = true}
      %add3A_39 = arith.constant 1 : i32
      %add3A_40 = arith.addi %add3A_31, %add3A_39 : i32
      %mul3A_41 = arith.constant 128 : i32
      %mul3A_42 = arith.muli %add3A_40, %mul3A_41 : i32
      %dma_start3A_43 = tpu.memref_slice %arg4[%mul3A_42] : memref<10000xi32, #tpu.memory_space<vmem>> -> memref<128xi32, #tpu.memory_space<vmem>>
      %dma_start3A_44 = arith.constant 0 : i32
      %dma_start3A_45 = arith.constant 0 : i32
      %dma_start3A_46 = tpu.memref_slice %arg7[%dma_start3A_44, %dma_start3A_45] : memref<10240x16xf32, #tpu.memory_space<vmem_shared>> -> memref<10240x16xf32, #tpu.memory_space<vmem_shared>>
      tpu.enqueue_indirect_dma source(%arg5 : memref<128x16xf32, #tpu.memory_space<vmem>>) target(%dma_start3A_46 : memref<10240x16xf32, #tpu.memory_space<vmem_shared>>) offsets(%dma_start3A_43 : memref<128xi32, #tpu.memory_space<vmem>>) semaphore(%arg8 : memref<!tpu.dma_semaphore, #tpu.memory_space<semaphore_mem>>) {add = true}
      %add3A_47 = arith.constant 2 : i32
      %add3A_48 = arith.addi %add3A_31, %add3A_47 : i32
      %mul3A_49 = arith.constant 128 : i32
      %mul3A_50 = arith.muli %add3A_48, %mul3A_49 : i32
      %dma_start3A_51 = tpu.memref_slice %arg4[%mul3A_50] : memref<10000xi32, #tpu.memory_space<vmem>> -> memref<128xi32, #tpu.memory_space<vmem>>
      %dma_start3A_52 = arith.constant 0 : i32
      %dma_start3A_53 = arith.constant 0 : i32
      %dma_start3A_54 = tpu.memref_slice %arg7[%dma_start3A_52, %dma_start3A_53] : memref<10240x16xf32, #tpu.memory_space<vmem_shared>> -> memref<10240x16xf32, #tpu.memory_space<vmem_shared>>
      tpu.enqueue_indirect_dma source(%arg5 : memref<128x16xf32, #tpu.memory_space<vmem>>) target(%dma_start3A_54 : memref<10240x16xf32, #tpu.memory_space<vmem_shared>>) offsets(%dma_start3A_51 : memref<128xi32, #tpu.memory_space<vmem>>) semaphore(%arg8 : memref<!tpu.dma_semaphore, #tpu.memory_space<semaphore_mem>>) {add = true}
      %add3A_55 = arith.constant 3 : i32
      %add3A_56 = arith.addi %add3A_31, %add3A_55 : i32
      %mul3A_57 = arith.constant 128 : i32
      %mul3A_58 = arith.muli %add3A_56, %mul3A_57 : i32
      %dma_start3A_59 = tpu.memref_slice %arg4[%mul3A_58] : memref<10000xi32, #tpu.memory_space<vmem>> -> memref<128xi32, #tpu.memory_space<vmem>>
      %dma_start3A_60 = arith.constant 0 : i32
      %dma_start3A_61 = arith.constant 0 : i32
      %dma_start3A_62 = tpu.memref_slice %arg7[%dma_start3A_60, %dma_start3A_61] : memref<10240x16xf32, #tpu.memory_space<vmem_shared>> -> memref<10240x16xf32, #tpu.memory_space<vmem_shared>>
      tpu.enqueue_indirect_dma source(%arg5 : memref<128x16xf32, #tpu.memory_space<vmem>>) target(%dma_start3A_62 : memref<10240x16xf32, #tpu.memory_space<vmem_shared>>) offsets(%dma_start3A_59 : memref<128xi32, #tpu.memory_space<vmem>>) semaphore(%arg8 : memref<!tpu.dma_semaphore, #tpu.memory_space<semaphore_mem>>) {add = true}
      %add3A_63 = arith.constant 4 : i32
      %add3A_64 = arith.addi %add3A_31, %add3A_63 : i32
      %mul3A_65 = arith.constant 128 : i32
      %mul3A_66 = arith.muli %add3A_64, %mul3A_65 : i32
      %dma_start3A_67 = tpu.memref_slice %arg4[%mul3A_66] : memref<10000xi32, #tpu.memory_space<vmem>> -> memref<128xi32, #tpu.memory_space<vmem>>
      %dma_start3A_68 = arith.constant 0 : i32
      %dma_start3A_69 = arith.constant 0 : i32
      %dma_start3A_70 = tpu.memref_slice %arg7[%dma_start3A_68, %dma_start3A_69] : memref<10240x16xf32, #tpu.memory_space<vmem_shared>> -> memref<10240x16xf32, #tpu.memory_space<vmem_shared>>
      tpu.enqueue_indirect_dma source(%arg5 : memref<128x16xf32, #tpu.memory_space<vmem>>) target(%dma_start3A_70 : memref<10240x16xf32, #tpu.memory_space<vmem_shared>>) offsets(%dma_start3A_67 : memref<128xi32, #tpu.memory_space<vmem>>) semaphore(%arg8 : memref<!tpu.dma_semaphore, #tpu.memory_space<semaphore_mem>>) {add = true}
      %add3A_71 = arith.constant 5 : i32
      %add3A_72 = arith.addi %add3A_31, %add3A_71 : i32
      %mul3A_73 = arith.constant 128 : i32
      %mul3A_74 = arith.muli %add3A_72, %mul3A_73 : i32
      %dma_start3A_75 = tpu.memref_slice %arg4[%mul3A_74] : memref<10000xi32, #tpu.memory_space<vmem>> -> memref<128xi32, #tpu.memory_space<vmem>>
      %dma_start3A_76 = arith.constant 0 : i32
      %dma_start3A_77 = arith.constant 0 : i32
      %dma_start3A_78 = tpu.memref_slice %arg7[%dma_start3A_76, %dma_start3A_77] : memref<10240x16xf32, #tpu.memory_space<vmem_shared>> -> memref<10240x16xf32, #tpu.memory_space<vmem_shared>>
      tpu.enqueue_indirect_dma source(%arg5 : memref<128x16xf32, #tpu.memory_space<vmem>>) target(%dma_start3A_78 : memref<10240x16xf32, #tpu.memory_space<vmem_shared>>) offsets(%dma_start3A_75 : memref<128xi32, #tpu.memory_space<vmem>>) semaphore(%arg8 : memref<!tpu.dma_semaphore, #tpu.memory_space<semaphore_mem>>) {add = true}
      %dma_wait3A = arith.constant 0 : i32
      %dma_wait3A_79 = tpu.memref_slice %arg4[%dma_wait3A] : memref<10000xi32, #tpu.memory_space<vmem>> -> memref<128xi32, #tpu.memory_space<vmem>>
      %dma_wait3A_80 = arith.constant 0 : i32
      %dma_wait3A_81 = arith.constant 0 : i32
      %dma_wait3A_82 = tpu.memref_slice %arg7[%dma_wait3A_80, %dma_wait3A_81] : memref<10240x16xf32, #tpu.memory_space<vmem_shared>> -> memref<10240x16xf32, #tpu.memory_space<vmem_shared>>
      tpu.wait_indirect_dma semaphore(%arg8 : memref<!tpu.dma_semaphore, #tpu.memory_space<semaphore_mem>>) src(%arg5 : memref<128x16xf32, #tpu.memory_space<vmem>>) dst(%dma_wait3A_82 : memref<10240x16xf32, #tpu.memory_space<vmem_shared>>)
      %dma_wait3A_83 = arith.constant 0 : i32
      %dma_wait3A_84 = tpu.memref_slice %arg4[%dma_wait3A_83] : memref<10000xi32, #tpu.memory_space<vmem>> -> memref<128xi32, #tpu.memory_space<vmem>>
      %dma_wait3A_85 = arith.constant 0 : i32
      %dma_wait3A_86 = arith.constant 0 : i32
      %dma_wait3A_87 = tpu.memref_slice %arg7[%dma_wait3A_85, %dma_wait3A_86] : memref<10240x16xf32, #tpu.memory_space<vmem_shared>> -> memref<10240x16xf32, #tpu.memory_space<vmem_shared>>
      tpu.wait_indirect_dma semaphore(%arg8 : memref<!tpu.dma_semaphore, #tpu.memory_space<semaphore_mem>>) src(%arg5 : memref<128x16xf32, #tpu.memory_space<vmem>>) dst(%dma_wait3A_87 : memref<10240x16xf32, #tpu.memory_space<vmem_shared>>)
      %dma_wait3A_88 = arith.constant 0 : i32
      %dma_wait3A_89 = tpu.memref_slice %arg4[%dma_wait3A_88] : memref<10000xi32, #tpu.memory_space<vmem>> -> memref<128xi32, #tpu.memory_space<vmem>>
      %dma_wait3A_90 = arith.constant 0 : i32
      %dma_wait3A_91 = arith.constant 0 : i32
      %dma_wait3A_92 = tpu.memref_slice %arg7[%dma_wait3A_90, %dma_wait3A_91] : memref<10240x16xf32, #tpu.memory_space<vmem_shared>> -> memref<10240x16xf32, #tpu.memory_space<vmem_shared>>
      tpu.wait_indirect_dma semaphore(%arg8 : memref<!tpu.dma_semaphore, #tpu.memory_space<semaphore_mem>>) src(%arg5 : memref<128x16xf32, #tpu.memory_space<vmem>>) dst(%dma_wait3A_92 : memref<10240x16xf32, #tpu.memory_space<vmem_shared>>)
      %dma_wait3A_93 = arith.constant 0 : i32
      %dma_wait3A_94 = tpu.memref_slice %arg4[%dma_wait3A_93] : memref<10000xi32, #tpu.memory_space<vmem>> -> memref<128xi32, #tpu.memory_space<vmem>>
      %dma_wait3A_95 = arith.constant 0 : i32
      %dma_wait3A_96 = arith.constant 0 : i32
      %dma_wait3A_97 = tpu.memref_slice %arg7[%dma_wait3A_95, %dma_wait3A_96] : memref<10240x16xf32, #tpu.memory_space<vmem_shared>> -> memref<10240x16xf32, #tpu.memory_space<vmem_shared>>
      tpu.wait_indirect_dma semaphore(%arg8 : memref<!tpu.dma_semaphore, #tpu.memory_space<semaphore_mem>>) src(%arg5 : memref<128x16xf32, #tpu.memory_space<vmem>>) dst(%dma_wait3A_97 : memref<10240x16xf32, #tpu.memory_space<vmem_shared>>)
      %dma_wait3A_98 = arith.constant 0 : i32
      %dma_wait3A_99 = tpu.memref_slice %arg4[%dma_wait3A_98] : memref<10000xi32, #tpu.memory_space<vmem>> -> memref<128xi32, #tpu.memory_space<vmem>>
      %dma_wait3A_100 = arith.constant 0 : i32
      %dma_wait3A_101 = arith.constant 0 : i32
      %dma_wait3A_102 = tpu.memref_slice %arg7[%dma_wait3A_100, %dma_wait3A_101] : memref<10240x16xf32, #tpu.memory_space<vmem_shared>> -> memref<10240x16xf32, #tpu.memory_space<vmem_shared>>
      tpu.wait_indirect_dma semaphore(%arg8 : memref<!tpu.dma_semaphore, #tpu.memory_space<semaphore_mem>>) src(%arg5 : memref<128x16xf32, #tpu.memory_space<vmem>>) dst(%dma_wait3A_102 : memref<10240x16xf32, #tpu.memory_space<vmem_shared>>)
      %dma_wait3A_103 = arith.constant 0 : i32
      %dma_wait3A_104 = tpu.memref_slice %arg4[%dma_wait3A_103] : memref<10000xi32, #tpu.memory_space<vmem>> -> memref<128xi32, #tpu.memory_space<vmem>>
      %dma_wait3A_105 = arith.constant 0 : i32
      %dma_wait3A_106 = arith.constant 0 : i32
      %dma_wait3A_107 = tpu.memref_slice %arg7[%dma_wait3A_105, %dma_wait3A_106] : memref<10240x16xf32, #tpu.memory_space<vmem_shared>> -> memref<10240x16xf32, #tpu.memory_space<vmem_shared>>
      tpu.wait_indirect_dma semaphore(%arg8 : memref<!tpu.dma_semaphore, #tpu.memory_space<semaphore_mem>>) src(%arg5 : memref<128x16xf32, #tpu.memory_space<vmem>>) dst(%dma_wait3A_107 : memref<10240x16xf32, #tpu.memory_space<vmem_shared>>)
    }
    %scan3A_21 = arith.constant 13 : i32
    "tpu.region"() ({
      %run_scoped3A_27 = tpu.sem_alloc : memref<!tpu.dma_semaphore, #tpu.memory_space<semaphore_mem>>
      %dma_start3A = arith.constant 0 : i32
      %dma_start3A_28 = arith.constant 0 : i32
      %dma_start3A_29 = tpu.memref_slice %arg5[%dma_start3A, %dma_start3A_28] : memref<128x16xf32, #tpu.memory_space<vmem>> -> memref<16x16xf32, #tpu.memory_space<vmem>>
      %dma_start3A_30 = arith.constant 9984 : i32
      %dma_start3A_31 = tpu.memref_slice %arg4[%dma_start3A_30] : memref<10000xi32, #tpu.memory_space<vmem>> -> memref<16xi32, #tpu.memory_space<vmem>>
      %dma_start3A_32 = arith.constant 0 : i32
      %dma_start3A_33 = arith.constant 0 : i32
      %dma_start3A_34 = tpu.memref_slice %arg7[%dma_start3A_32, %dma_start3A_33] : memref<10240x16xf32, #tpu.memory_space<vmem_shared>> -> memref<10240x16xf32, #tpu.memory_space<vmem_shared>>
      tpu.enqueue_indirect_dma source(%dma_start3A_29 : memref<16x16xf32, #tpu.memory_space<vmem>>) target(%dma_start3A_34 : memref<10240x16xf32, #tpu.memory_space<vmem_shared>>) offsets(%dma_start3A_31 : memref<16xi32, #tpu.memory_space<vmem>>) semaphore(%run_scoped3A_27 : memref<!tpu.dma_semaphore, #tpu.memory_space<semaphore_mem>>) {add = true}
      %dma_wait3A = arith.constant 0 : i32
      %dma_wait3A_35 = arith.constant 0 : i32
      %dma_wait3A_36 = tpu.memref_slice %arg5[%dma_wait3A, %dma_wait3A_35] : memref<128x16xf32, #tpu.memory_space<vmem>> -> memref<16x16xf32, #tpu.memory_space<vmem>>
      %dma_wait3A_37 = arith.constant 9984 : i32
      %dma_wait3A_38 = tpu.memref_slice %arg4[%dma_wait3A_37] : memref<10000xi32, #tpu.memory_space<vmem>> -> memref<16xi32, #tpu.memory_space<vmem>>
      %dma_wait3A_39 = arith.constant 0 : i32
      %dma_wait3A_40 = arith.constant 0 : i32
      %dma_wait3A_41 = tpu.memref_slice %arg7[%dma_wait3A_39, %dma_wait3A_40] : memref<10240x16xf32, #tpu.memory_space<vmem_shared>> -> memref<10240x16xf32, #tpu.memory_space<vmem_shared>>
      tpu.wait_indirect_dma semaphore(%run_scoped3A_27 : memref<!tpu.dma_semaphore, #tpu.memory_space<semaphore_mem>>) src(%dma_wait3A_36 : memref<16x16xf32, #tpu.memory_space<vmem>>) dst(%dma_wait3A_41 : memref<10240x16xf32, #tpu.memory_space<vmem_shared>>)
      tpu.yield
    }) : () -> ()
    %barrier3A_22 = arith.constant 0 : index
    tpu.barrier barrier_id(%barrier3A_22)
    %mul3A_23 = arith.constant 640 : i32
    %mul3A_24 = arith.muli %arg1, %mul3A_23 : i32
    %mul3A_25 = arith.constant 640 : i32
    %mul3A_26 = arith.muli %arg1, %mul3A_25 : i32
    "tpu.region"() ({
      %run_scoped3A_27 = tpu.sem_alloc : memref<!tpu.dma_semaphore, #tpu.memory_space<semaphore_mem>>
      %dma_start3A = arith.constant 0 : i32
      %dma_start3A_28 = tpu.memref_slice %arg3[%arg0, %mul3A_26, %dma_start3A] : memref<2x10240x16xf32, #tpu.memory_space<hbm>> -> memref<1x640x16xf32, #tpu.memory_space<hbm>>
      %dma_start3A_29 = tpu.memref_squeeze %dma_start3A_28 : memref<1x640x16xf32, #tpu.memory_space<hbm>> -> memref<640x16xf32, #tpu.memory_space<hbm>>
      %dma_start3A_30 = arith.constant 0 : i32
      %dma_start3A_31 = tpu.memref_slice %arg7[%mul3A_24, %dma_start3A_30] : memref<10240x16xf32, #tpu.memory_space<vmem_shared>> -> memref<640x16xf32, #tpu.memory_space<vmem_shared>>
      tpu.enqueue_dma source(%dma_start3A_31 : memref<640x16xf32, #tpu.memory_space<vmem_shared>>) target(%dma_start3A_29 : memref<640x16xf32, #tpu.memory_space<hbm>>) target_semaphore(%run_scoped3A_27 : memref<!tpu.dma_semaphore, #tpu.memory_space<semaphore_mem>>)
      %dma_wait3A = arith.constant 0 : i32
      %dma_wait3A_32 = tpu.memref_slice %arg3[%arg0, %mul3A_26, %dma_wait3A] : memref<2x10240x16xf32, #tpu.memory_space<hbm>> -> memref<1x640x16xf32, #tpu.memory_space<hbm>>
      %dma_wait3A_33 = tpu.memref_squeeze %dma_wait3A_32 : memref<1x640x16xf32, #tpu.memory_space<hbm>> -> memref<640x16xf32, #tpu.memory_space<hbm>>
      %dma_wait3A_34 = arith.constant 0 : i32
      %dma_wait3A_35 = tpu.memref_slice %arg7[%mul3A_24, %dma_wait3A_34] : memref<10240x16xf32, #tpu.memory_space<vmem_shared>> -> memref<640x16xf32, #tpu.memory_space<vmem_shared>>
      tpu.wait_dma2 semaphore(%run_scoped3A_27 : memref<!tpu.dma_semaphore, #tpu.memory_space<semaphore_mem>>) src(%dma_wait3A_35 : memref<640x16xf32, #tpu.memory_space<vmem_shared>>) dst(%dma_wait3A_33 : memref<640x16xf32, #tpu.memory_space<hbm>>)
      tpu.yield
    }) : () -> ()
    return
  }
}

#map = affine_map<(d0, d1) -> (0, 0)>
#map1 = affine_map<(d0, d1) -> (0, 0, 0)>
module attributes {stable_mosaic.version = 14 : i64} {
  func.func @k(%arg0: i32, %arg1: i32, %arg2: memref<2x320000xi32, #tpu.memory_space<hbm>>, %arg3: memref<10000x64xf32, #tpu.memory_space<hbm>>, %arg4: memref<2x10240x64xf32, #tpu.memory_space<hbm>>, %arg5: memref<10000xi32, #tpu.memory_space<vmem>>, %arg6: memref<10000xi32, #tpu.memory_space<vmem>>, %arg7: memref<128x64xf32, #tpu.memory_space<vmem>>, %arg8: memref<128x64xf32, #tpu.memory_space<vmem>>, %arg9: memref<128x64xf32, #tpu.memory_space<vmem>>, %arg10: memref<128x64xf32, #tpu.memory_space<vmem>>, %arg11: memref<128x64xf32, #tpu.memory_space<vmem>>, %arg12: memref<128x64xf32, #tpu.memory_space<vmem>>, %arg13: memref<128x64xf32, #tpu.memory_space<vmem>>, %arg14: memref<10240x64xf32, #tpu.memory_space<vmem_shared>>, %arg15: memref<!tpu.dma_semaphore, #tpu.memory_space<semaphore_mem>>, %arg16: memref<!tpu.dma_semaphore, #tpu.memory_space<semaphore_mem>>, %arg17: memref<!tpu.dma_semaphore, #tpu.memory_space<semaphore_mem>>, %arg18: memref<!tpu.dma_semaphore, #tpu.memory_space<semaphore_mem>>, %arg19: memref<!tpu.dma_semaphore, #tpu.memory_space<semaphore_mem>>, %arg20: memref<!tpu.dma_semaphore, #tpu.memory_space<semaphore_mem>>, %arg21: memref<!tpu.dma_semaphore, #tpu.memory_space<semaphore_mem>>, %arg22: memref<!tpu.dma_semaphore, #tpu.memory_space<semaphore_mem>>, %arg23: memref<!tpu.dma_semaphore, #tpu.memory_space<semaphore_mem>>, %arg24: memref<!tpu.dma_semaphore, #tpu.memory_space<semaphore_mem>>, %arg25: memref<!tpu.dma_semaphore, #tpu.memory_space<semaphore_mem>>, %arg26: memref<!tpu.dma_semaphore, #tpu.memory_space<semaphore_mem>>) attributes {dimension_semantics = [#tpu.dimension_semantics<core_parallel>, #tpu.dimension_semantics<subcore_parallel>], iteration_bounds = array<i64: 2, 16>, scalar_prefetch = 0 : i64, scratch_operands = 22 : i64, tpu.core_type = #tpu.core_type<sc_vector_subcore>, window_params = [{transform_indices = #map}, {transform_indices = #map}, {transform_indices = #map1}]} {
    %mul3A = arith.constant 16 : i32
    %mul3A_0 = arith.muli %arg0, %mul3A : i32
    %add3A = arith.addi %mul3A_0, %arg1 : i32
    %scan3A = arith.constant 0 : i32
    %scan3A_1 = arith.constant 128 : i32
    %scan3A_2 = arith.addi %scan3A, %scan3A_1 : i32
    %scan3A_3 = arith.constant 1 : i32
    scf.for %scan3A_83 = %scan3A to %scan3A_2 step %scan3A_3  : i32 {
      %mul3A_84 = arith.constant 1 : i32
      %mul3A_85 = arith.muli %scan3A_83, %mul3A_84 : i32
      %add3A_86 = arith.constant 0 : i32
      %add3A_87 = arith.addi %add3A_86, %mul3A_85 : i32
      %scan3A_88 = arith.constant 0 : i32
      %scan3A_89 = arith.constant 4 : i32
      %scan3A_90 = arith.addi %scan3A_88, %scan3A_89 : i32
      %scan3A_91 = arith.constant 1 : i32
      scf.for %scan3A_93 = %scan3A_88 to %scan3A_90 step %scan3A_91  : i32 {
        %mul3A_94 = arith.constant 1 : i32
        %mul3A_95 = arith.muli %scan3A_93, %mul3A_94 : i32
        %add3A_96 = arith.constant 0 : i32
        %add3A_97 = arith.addi %add3A_96, %mul3A_95 : i32
        %broadcast_in_dim3A = arith.constant 0.000000e+00 : f32
        %broadcast_in_dim3A_98 = vector.broadcast %broadcast_in_dim3A : f32 to vector<16xf32>
        %mul3A_99 = arith.constant 16 : i32
        %mul3A_100 = arith.muli %add3A_97, %mul3A_99 : i32
        %swap3A = arith.index_cast %add3A_87 : i32 to index
        %swap3A_101 = arith.index_cast %mul3A_100 : i32 to index
        %swap3A_102 = tpu.vector_load %arg13[%swap3A, %swap3A_101] {strides = array<i32>} : memref<128x64xf32, #tpu.memory_space<vmem>>, vector<1x16xf32>,
        %swap3A_103 = vector.shape_cast %swap3A_102 : vector<1x16xf32> to vector<16xf32>
        %swap3A_104 = vector.shape_cast %broadcast_in_dim3A_98 : vector<16xf32> to vector<1x16xf32>
        tpu.vector_store %arg13[%swap3A, %swap3A_101], %swap3A_104 {strides = array<i32>} : memref<128x64xf32, #tpu.memory_space<vmem>>, vector<1x16xf32>,
      }
      %scan3A_92 = arith.constant 4 : i32
    }
    %scan3A_4 = arith.constant 128 : i32
    %scan3A_5 = arith.constant 0 : i32
    %scan3A_6 = arith.constant 5 : i32
    %scan3A_7 = arith.addi %scan3A_5, %scan3A_6 : i32
    %scan3A_8 = arith.constant 1 : i32
    scf.for %scan3A_83 = %scan3A_5 to %scan3A_7 step %scan3A_8  : i32 {
      %mul3A_84 = arith.constant 1 : i32
      %mul3A_85 = arith.muli %scan3A_83, %mul3A_84 : i32
      %add3A_86 = arith.constant 0 : i32
      %add3A_87 = arith.addi %add3A_86, %mul3A_85 : i32
      %mul3A_88 = arith.constant 640 : i32
      %mul3A_89 = arith.muli %arg1, %mul3A_88 : i32
      %mul3A_90 = arith.constant 128 : i32
      %mul3A_91 = arith.muli %add3A_87, %mul3A_90 : i32
      %add3A_92 = arith.addi %mul3A_89, %mul3A_91 : i32
      "tpu.region"() ({
        %run_scoped3A_93 = tpu.sem_alloc : memref<!tpu.dma_semaphore, #tpu.memory_space<semaphore_mem>>
        %dma_start3A_94 = arith.constant 0 : i32
        %dma_start3A_95 = tpu.memref_slice %arg14[%add3A_92, %dma_start3A_94] : memref<10240x64xf32, #tpu.memory_space<vmem_shared>> -> memref<128x64xf32, #tpu.memory_space<vmem_shared>>
        %dma_start3A_96 = arith.constant 0 : i32
        %dma_start3A_97 = tpu.memref_slice %arg14[%add3A_92, %dma_start3A_96] : memref<10240x64xf32, #tpu.memory_space<vmem_shared>> -> memref<128x64xf32, #tpu.memory_space<vmem_shared>>
        tpu.enqueue_dma source(%arg13 : memref<128x64xf32, #tpu.memory_space<vmem>>) target(%dma_start3A_97 : memref<128x64xf32, #tpu.memory_space<vmem_shared>>) target_semaphore(%run_scoped3A_93 : memref<!tpu.dma_semaphore, #tpu.memory_space<semaphore_mem>>)
        %dma_wait3A_98 = arith.constant 0 : i32
        %dma_wait3A_99 = tpu.memref_slice %arg14[%add3A_92, %dma_wait3A_98] : memref<10240x64xf32, #tpu.memory_space<vmem_shared>> -> memref<128x64xf32, #tpu.memory_space<vmem_shared>>
        %dma_wait3A_100 = arith.constant 0 : i32
        %dma_wait3A_101 = tpu.memref_slice %arg14[%add3A_92, %dma_wait3A_100] : memref<10240x64xf32, #tpu.memory_space<vmem_shared>> -> memref<128x64xf32, #tpu.memory_space<vmem_shared>>
        tpu.wait_dma2 semaphore(%run_scoped3A_93 : memref<!tpu.dma_semaphore, #tpu.memory_space<semaphore_mem>>) src(%arg13 : memref<128x64xf32, #tpu.memory_space<vmem>>) dst(%dma_wait3A_101 : memref<128x64xf32, #tpu.memory_space<vmem_shared>>)
        tpu.yield
      }) : () -> ()
    }
    %scan3A_9 = arith.constant 5 : i32
    %mul3A_10 = arith.constant 10000 : i32
    %mul3A_11 = arith.muli %add3A, %mul3A_10 : i32
    %run_scoped3A = arith.constant 0 : i32
    "tpu.region"() ({
      %run_scoped3A_83 = tpu.sem_alloc : memref<!tpu.dma_semaphore, #tpu.memory_space<semaphore_mem>>
      %dma_start3A_84 = tpu.memref_slice %arg2[%run_scoped3A, %mul3A_11] : memref<2x320000xi32, #tpu.memory_space<hbm>> -> memref<1x10000xi32, #tpu.memory_space<hbm>>
      %dma_start3A_85 = tpu.memref_squeeze %dma_start3A_84 : memref<1x10000xi32, #tpu.memory_space<hbm>> -> memref<10000xi32, #tpu.memory_space<hbm>>
      %dma_start3A_86 = tpu.memref_slice %arg2[%run_scoped3A, %mul3A_11] : memref<2x320000xi32, #tpu.memory_space<hbm>> -> memref<1x10000xi32, #tpu.memory_space<hbm>>
      %dma_start3A_87 = tpu.memref_squeeze %dma_start3A_86 : memref<1x10000xi32, #tpu.memory_space<hbm>> -> memref<10000xi32, #tpu.memory_space<hbm>>
      tpu.enqueue_dma source(%dma_start3A_87 : memref<10000xi32, #tpu.memory_space<hbm>>) target(%arg5 : memref<10000xi32, #tpu.memory_space<vmem>>) target_semaphore(%run_scoped3A_83 : memref<!tpu.dma_semaphore, #tpu.memory_space<semaphore_mem>>)
      %dma_wait3A_88 = tpu.memref_slice %arg2[%run_scoped3A, %mul3A_11] : memref<2x320000xi32, #tpu.memory_space<hbm>> -> memref<1x10000xi32, #tpu.memory_space<hbm>>
      %dma_wait3A_89 = tpu.memref_squeeze %dma_wait3A_88 : memref<1x10000xi32, #tpu.memory_space<hbm>> -> memref<10000xi32, #tpu.memory_space<hbm>>
      %dma_wait3A_90 = tpu.memref_slice %arg2[%run_scoped3A, %mul3A_11] : memref<2x320000xi32, #tpu.memory_space<hbm>> -> memref<1x10000xi32, #tpu.memory_space<hbm>>
      %dma_wait3A_91 = tpu.memref_squeeze %dma_wait3A_90 : memref<1x10000xi32, #tpu.memory_space<hbm>> -> memref<10000xi32, #tpu.memory_space<hbm>>
      tpu.wait_dma2 semaphore(%run_scoped3A_83 : memref<!tpu.dma_semaphore, #tpu.memory_space<semaphore_mem>>) src(%dma_wait3A_91 : memref<10000xi32, #tpu.memory_space<hbm>>) dst(%arg5 : memref<10000xi32, #tpu.memory_space<vmem>>)
      tpu.yield
    }) : () -> ()
    %mul3A_12 = arith.constant 10000 : i32
    %mul3A_13 = arith.muli %add3A, %mul3A_12 : i32
    %run_scoped3A_14 = arith.constant 1 : i32
    "tpu.region"() ({
      %run_scoped3A_83 = tpu.sem_alloc : memref<!tpu.dma_semaphore, #tpu.memory_space<semaphore_mem>>
      %dma_start3A_84 = tpu.memref_slice %arg2[%run_scoped3A_14, %mul3A_13] : memref<2x320000xi32, #tpu.memory_space<hbm>> -> memref<1x10000xi32, #tpu.memory_space<hbm>>
      %dma_start3A_85 = tpu.memref_squeeze %dma_start3A_84 : memref<1x10000xi32, #tpu.memory_space<hbm>> -> memref<10000xi32, #tpu.memory_space<hbm>>
      %dma_start3A_86 = tpu.memref_slice %arg2[%run_scoped3A_14, %mul3A_13] : memref<2x320000xi32, #tpu.memory_space<hbm>> -> memref<1x10000xi32, #tpu.memory_space<hbm>>
      %dma_start3A_87 = tpu.memref_squeeze %dma_start3A_86 : memref<1x10000xi32, #tpu.memory_space<hbm>> -> memref<10000xi32, #tpu.memory_space<hbm>>
      tpu.enqueue_dma source(%dma_start3A_87 : memref<10000xi32, #tpu.memory_space<hbm>>) target(%arg6 : memref<10000xi32, #tpu.memory_space<vmem>>) target_semaphore(%run_scoped3A_83 : memref<!tpu.dma_semaphore, #tpu.memory_space<semaphore_mem>>)
      %dma_wait3A_88 = tpu.memref_slice %arg2[%run_scoped3A_14, %mul3A_13] : memref<2x320000xi32, #tpu.memory_space<hbm>> -> memref<1x10000xi32, #tpu.memory_space<hbm>>
      %dma_wait3A_89 = tpu.memref_squeeze %dma_wait3A_88 : memref<1x10000xi32, #tpu.memory_space<hbm>> -> memref<10000xi32, #tpu.memory_space<hbm>>
      %dma_wait3A_90 = tpu.memref_slice %arg2[%run_scoped3A_14, %mul3A_13] : memref<2x320000xi32, #tpu.memory_space<hbm>> -> memref<1x10000xi32, #tpu.memory_space<hbm>>
      %dma_wait3A_91 = tpu.memref_squeeze %dma_wait3A_90 : memref<1x10000xi32, #tpu.memory_space<hbm>> -> memref<10000xi32, #tpu.memory_space<hbm>>
      tpu.wait_dma2 semaphore(%run_scoped3A_83 : memref<!tpu.dma_semaphore, #tpu.memory_space<semaphore_mem>>) src(%dma_wait3A_91 : memref<10000xi32, #tpu.memory_space<hbm>>) dst(%arg6 : memref<10000xi32, #tpu.memory_space<vmem>>)
      tpu.yield
    }) : () -> ()
    %barrier3A = arith.constant 0 : index
    tpu.barrier barrier_id(%barrier3A)
    %dma_start3A = arith.constant 0 : i32
    %dma_start3A_15 = tpu.memref_slice %arg5[%dma_start3A] : memref<10000xi32, #tpu.memory_space<vmem>> -> memref<128xi32, #tpu.memory_space<vmem>>
    %dma_start3A_16 = arith.constant 0 : i32
    %dma_start3A_17 = arith.constant 0 : i32
    %dma_start3A_18 = tpu.memref_slice %arg3[%dma_start3A_16, %dma_start3A_17] : memref<10000x64xf32, #tpu.memory_space<hbm>> -> memref<10000x64xf32, #tpu.memory_space<hbm>>
    tpu.enqueue_indirect_dma source(%dma_start3A_18 : memref<10000x64xf32, #tpu.memory_space<hbm>>) target(%arg7 : memref<128x64xf32, #tpu.memory_space<vmem>>) offsets(%dma_start3A_15 : memref<128xi32, #tpu.memory_space<vmem>>) semaphore(%arg15 : memref<!tpu.dma_semaphore, #tpu.memory_space<semaphore_mem>>)
    %dma_start3A_19 = arith.constant 128 : i32
    %dma_start3A_20 = tpu.memref_slice %arg5[%dma_start3A_19] : memref<10000xi32, #tpu.memory_space<vmem>> -> memref<128xi32, #tpu.memory_space<vmem>>
    %dma_start3A_21 = arith.constant 0 : i32
    %dma_start3A_22 = arith.constant 0 : i32
    %dma_start3A_23 = tpu.memref_slice %arg3[%dma_start3A_21, %dma_start3A_22] : memref<10000x64xf32, #tpu.memory_space<hbm>> -> memref<10000x64xf32, #tpu.memory_space<hbm>>
    tpu.enqueue_indirect_dma source(%dma_start3A_23 : memref<10000x64xf32, #tpu.memory_space<hbm>>) target(%arg8 : memref<128x64xf32, #tpu.memory_space<vmem>>) offsets(%dma_start3A_20 : memref<128xi32, #tpu.memory_space<vmem>>) semaphore(%arg16 : memref<!tpu.dma_semaphore, #tpu.memory_space<semaphore_mem>>)
    %dma_start3A_24 = arith.constant 256 : i32
    %dma_start3A_25 = tpu.memref_slice %arg5[%dma_start3A_24] : memref<10000xi32, #tpu.memory_space<vmem>> -> memref<128xi32, #tpu.memory_space<vmem>>
    %dma_start3A_26 = arith.constant 0 : i32
    %dma_start3A_27 = arith.constant 0 : i32
    %dma_start3A_28 = tpu.memref_slice %arg3[%dma_start3A_26, %dma_start3A_27] : memref<10000x64xf32, #tpu.memory_space<hbm>> -> memref<10000x64xf32, #tpu.memory_space<hbm>>
    tpu.enqueue_indirect_dma source(%dma_start3A_28 : memref<10000x64xf32, #tpu.memory_space<hbm>>) target(%arg9 : memref<128x64xf32, #tpu.memory_space<vmem>>) offsets(%dma_start3A_25 : memref<128xi32, #tpu.memory_space<vmem>>) semaphore(%arg17 : memref<!tpu.dma_semaphore, #tpu.memory_space<semaphore_mem>>)
    %dma_start3A_29 = arith.constant 384 : i32
    %dma_start3A_30 = tpu.memref_slice %arg5[%dma_start3A_29] : memref<10000xi32, #tpu.memory_space<vmem>> -> memref<128xi32, #tpu.memory_space<vmem>>
    %dma_start3A_31 = arith.constant 0 : i32
    %dma_start3A_32 = arith.constant 0 : i32
    %dma_start3A_33 = tpu.memref_slice %arg3[%dma_start3A_31, %dma_start3A_32] : memref<10000x64xf32, #tpu.memory_space<hbm>> -> memref<10000x64xf32, #tpu.memory_space<hbm>>
    tpu.enqueue_indirect_dma source(%dma_start3A_33 : memref<10000x64xf32, #tpu.memory_space<hbm>>) target(%arg10 : memref<128x64xf32, #tpu.memory_space<vmem>>) offsets(%dma_start3A_30 : memref<128xi32, #tpu.memory_space<vmem>>) semaphore(%arg18 : memref<!tpu.dma_semaphore, #tpu.memory_space<semaphore_mem>>)
    %dma_start3A_34 = arith.constant 512 : i32
    %dma_start3A_35 = tpu.memref_slice %arg5[%dma_start3A_34] : memref<10000xi32, #tpu.memory_space<vmem>> -> memref<128xi32, #tpu.memory_space<vmem>>
    %dma_start3A_36 = arith.constant 0 : i32
    %dma_start3A_37 = arith.constant 0 : i32
    %dma_start3A_38 = tpu.memref_slice %arg3[%dma_start3A_36, %dma_start3A_37] : memref<10000x64xf32, #tpu.memory_space<hbm>> -> memref<10000x64xf32, #tpu.memory_space<hbm>>
    tpu.enqueue_indirect_dma source(%dma_start3A_38 : memref<10000x64xf32, #tpu.memory_space<hbm>>) target(%arg11 : memref<128x64xf32, #tpu.memory_space<vmem>>) offsets(%dma_start3A_35 : memref<128xi32, #tpu.memory_space<vmem>>) semaphore(%arg19 : memref<!tpu.dma_semaphore, #tpu.memory_space<semaphore_mem>>)
    %dma_start3A_39 = arith.constant 640 : i32
    %dma_start3A_40 = tpu.memref_slice %arg5[%dma_start3A_39] : memref<10000xi32, #tpu.memory_space<vmem>> -> memref<128xi32, #tpu.memory_space<vmem>>
    %dma_start3A_41 = arith.constant 0 : i32
    %dma_start3A_42 = arith.constant 0 : i32
    %dma_start3A_43 = tpu.memref_slice %arg3[%dma_start3A_41, %dma_start3A_42] : memref<10000x64xf32, #tpu.memory_space<hbm>> -> memref<10000x64xf32, #tpu.memory_space<hbm>>
    tpu.enqueue_indirect_dma source(%dma_start3A_43 : memref<10000x64xf32, #tpu.memory_space<hbm>>) target(%arg12 : memref<128x64xf32, #tpu.memory_space<vmem>>) offsets(%dma_start3A_40 : memref<128xi32, #tpu.memory_space<vmem>>) semaphore(%arg20 : memref<!tpu.dma_semaphore, #tpu.memory_space<semaphore_mem>>)
    %scan3A_44 = arith.constant 0 : i32
    %scan3A_45 = arith.constant 13 : i32
    %scan3A_46 = arith.addi %scan3A_44, %scan3A_45 : i32
    %scan3A_47 = arith.constant 1 : i32
    scf.for %scan3A_83 = %scan3A_44 to %scan3A_46 step %scan3A_47  : i32 {
      %mul3A_84 = arith.constant 6 : i32
      %mul3A_85 = arith.muli %scan3A_83, %mul3A_84 : i32
      %add3A_86 = arith.constant 0 : i32
      %add3A_87 = arith.addi %add3A_86, %mul3A_85 : i32
      %dma_wait3A_88 = arith.constant 0 : i32
      %dma_wait3A_89 = tpu.memref_slice %arg5[%dma_wait3A_88] : memref<10000xi32, #tpu.memory_space<vmem>> -> memref<128xi32, #tpu.memory_space<vmem>>
      %dma_wait3A_90 = arith.constant 0 : i32
      %dma_wait3A_91 = arith.constant 0 : i32
      %dma_wait3A_92 = tpu.memref_slice %arg3[%dma_wait3A_90, %dma_wait3A_91] : memref<10000x64xf32, #tpu.memory_space<hbm>> -> memref<10000x64xf32, #tpu.memory_space<hbm>>
      tpu.wait_indirect_dma semaphore(%arg15 : memref<!tpu.dma_semaphore, #tpu.memory_space<semaphore_mem>>) src(%dma_wait3A_92 : memref<10000x64xf32, #tpu.memory_space<hbm>>) dst(%arg7 : memref<128x64xf32, #tpu.memory_space<vmem>>)
      %add3A_93 = arith.constant 0 : i32
      %add3A_94 = arith.addi %add3A_87, %add3A_93 : i32
      %mul3A_95 = arith.constant 128 : i32
      %mul3A_96 = arith.muli %add3A_94, %mul3A_95 : i32
      %dma_start3A_97 = tpu.memref_slice %arg6[%mul3A_96] : memref<10000xi32, #tpu.memory_space<vmem>> -> memref<128xi32, #tpu.memory_space<vmem>>
      %dma_start3A_98 = arith.constant 0 : i32
      %dma_start3A_99 = arith.constant 0 : i32
      %dma_start3A_100 = tpu.memref_slice %arg14[%dma_start3A_98, %dma_start3A_99] : memref<10240x64xf32, #tpu.memory_space<vmem_shared>> -> memref<10240x64xf32, #tpu.memory_space<vmem_shared>>
      tpu.enqueue_indirect_dma source(%arg7 : memref<128x64xf32, #tpu.memory_space<vmem>>) target(%dma_start3A_100 : memref<10240x64xf32, #tpu.memory_space<vmem_shared>>) offsets(%dma_start3A_97 : memref<128xi32, #tpu.memory_space<vmem>>) semaphore(%arg21 : memref<!tpu.dma_semaphore, #tpu.memory_space<semaphore_mem>>) {add = true}
      %dma_wait3A_101 = arith.constant 0 : i32
      %dma_wait3A_102 = tpu.memref_slice %arg5[%dma_wait3A_101] : memref<10000xi32, #tpu.memory_space<vmem>> -> memref<128xi32, #tpu.memory_space<vmem>>
      %dma_wait3A_103 = arith.constant 0 : i32
      %dma_wait3A_104 = arith.constant 0 : i32
      %dma_wait3A_105 = tpu.memref_slice %arg3[%dma_wait3A_103, %dma_wait3A_104] : memref<10000x64xf32, #tpu.memory_space<hbm>> -> memref<10000x64xf32, #tpu.memory_space<hbm>>
      tpu.wait_indirect_dma semaphore(%arg16 : memref<!tpu.dma_semaphore, #tpu.memory_space<semaphore_mem>>) src(%dma_wait3A_105 : memref<10000x64xf32, #tpu.memory_space<hbm>>) dst(%arg8 : memref<128x64xf32, #tpu.memory_space<vmem>>)
      %add3A_106 = arith.constant 1 : i32
      %add3A_107 = arith.addi %add3A_87, %add3A_106 : i32
      %mul3A_108 = arith.constant 128 : i32
      %mul3A_109 = arith.muli %add3A_107, %mul3A_108 : i32
      %dma_start3A_110 = tpu.memref_slice %arg6[%mul3A_109] : memref<10000xi32, #tpu.memory_space<vmem>> -> memref<128xi32, #tpu.memory_space<vmem>>
      %dma_start3A_111 = arith.constant 0 : i32
      %dma_start3A_112 = arith.constant 0 : i32
      %dma_start3A_113 = tpu.memref_slice %arg14[%dma_start3A_111, %dma_start3A_112] : memref<10240x64xf32, #tpu.memory_space<vmem_shared>> -> memref<10240x64xf32, #tpu.memory_space<vmem_shared>>
      tpu.enqueue_indirect_dma source(%arg8 : memref<128x64xf32, #tpu.memory_space<vmem>>) target(%dma_start3A_113 : memref<10240x64xf32, #tpu.memory_space<vmem_shared>>) offsets(%dma_start3A_110 : memref<128xi32, #tpu.memory_space<vmem>>) semaphore(%arg22 : memref<!tpu.dma_semaphore, #tpu.memory_space<semaphore_mem>>) {add = true}
      %dma_wait3A_114 = arith.constant 0 : i32
      %dma_wait3A_115 = tpu.memref_slice %arg5[%dma_wait3A_114] : memref<10000xi32, #tpu.memory_space<vmem>> -> memref<128xi32, #tpu.memory_space<vmem>>
      %dma_wait3A_116 = arith.constant 0 : i32
      %dma_wait3A_117 = arith.constant 0 : i32
      %dma_wait3A_118 = tpu.memref_slice %arg3[%dma_wait3A_116, %dma_wait3A_117] : memref<10000x64xf32, #tpu.memory_space<hbm>> -> memref<10000x64xf32, #tpu.memory_space<hbm>>
      tpu.wait_indirect_dma semaphore(%arg17 : memref<!tpu.dma_semaphore, #tpu.memory_space<semaphore_mem>>) src(%dma_wait3A_118 : memref<10000x64xf32, #tpu.memory_space<hbm>>) dst(%arg9 : memref<128x64xf32, #tpu.memory_space<vmem>>)
      %add3A_119 = arith.constant 2 : i32
      %add3A_120 = arith.addi %add3A_87, %add3A_119 : i32
      %mul3A_121 = arith.constant 128 : i32
      %mul3A_122 = arith.muli %add3A_120, %mul3A_121 : i32
      %dma_start3A_123 = tpu.memref_slice %arg6[%mul3A_122] : memref<10000xi32, #tpu.memory_space<vmem>> -> memref<128xi32, #tpu.memory_space<vmem>>
      %dma_start3A_124 = arith.constant 0 : i32
      %dma_start3A_125 = arith.constant 0 : i32
      %dma_start3A_126 = tpu.memref_slice %arg14[%dma_start3A_124, %dma_start3A_125] : memref<10240x64xf32, #tpu.memory_space<vmem_shared>> -> memref<10240x64xf32, #tpu.memory_space<vmem_shared>>
      tpu.enqueue_indirect_dma source(%arg9 : memref<128x64xf32, #tpu.memory_space<vmem>>) target(%dma_start3A_126 : memref<10240x64xf32, #tpu.memory_space<vmem_shared>>) offsets(%dma_start3A_123 : memref<128xi32, #tpu.memory_space<vmem>>) semaphore(%arg23 : memref<!tpu.dma_semaphore, #tpu.memory_space<semaphore_mem>>) {add = true}
      %dma_wait3A_127 = arith.constant 0 : i32
      %dma_wait3A_128 = tpu.memref_slice %arg5[%dma_wait3A_127] : memref<10000xi32, #tpu.memory_space<vmem>> -> memref<128xi32, #tpu.memory_space<vmem>>
      %dma_wait3A_129 = arith.constant 0 : i32
      %dma_wait3A_130 = arith.constant 0 : i32
      %dma_wait3A_131 = tpu.memref_slice %arg3[%dma_wait3A_129, %dma_wait3A_130] : memref<10000x64xf32, #tpu.memory_space<hbm>> -> memref<10000x64xf32, #tpu.memory_space<hbm>>
      tpu.wait_indirect_dma semaphore(%arg18 : memref<!tpu.dma_semaphore, #tpu.memory_space<semaphore_mem>>) src(%dma_wait3A_131 : memref<10000x64xf32, #tpu.memory_space<hbm>>) dst(%arg10 : memref<128x64xf32, #tpu.memory_space<vmem>>)
      %add3A_132 = arith.constant 3 : i32
      %add3A_133 = arith.addi %add3A_87, %add3A_132 : i32
      %mul3A_134 = arith.constant 128 : i32
      %mul3A_135 = arith.muli %add3A_133, %mul3A_134 : i32
      %dma_start3A_136 = tpu.memref_slice %arg6[%mul3A_135] : memref<10000xi32, #tpu.memory_space<vmem>> -> memref<128xi32, #tpu.memory_space<vmem>>
      %dma_start3A_137 = arith.constant 0 : i32
      %dma_start3A_138 = arith.constant 0 : i32
      %dma_start3A_139 = tpu.memref_slice %arg14[%dma_start3A_137, %dma_start3A_138] : memref<10240x64xf32, #tpu.memory_space<vmem_shared>> -> memref<10240x64xf32, #tpu.memory_space<vmem_shared>>
      tpu.enqueue_indirect_dma source(%arg10 : memref<128x64xf32, #tpu.memory_space<vmem>>) target(%dma_start3A_139 : memref<10240x64xf32, #tpu.memory_space<vmem_shared>>) offsets(%dma_start3A_136 : memref<128xi32, #tpu.memory_space<vmem>>) semaphore(%arg24 : memref<!tpu.dma_semaphore, #tpu.memory_space<semaphore_mem>>) {add = true}
      %dma_wait3A_140 = arith.constant 0 : i32
      %dma_wait3A_141 = tpu.memref_slice %arg5[%dma_wait3A_140] : memref<10000xi32, #tpu.memory_space<vmem>> -> memref<128xi32, #tpu.memory_space<vmem>>
      %dma_wait3A_142 = arith.constant 0 : i32
      %dma_wait3A_143 = arith.constant 0 : i32
      %dma_wait3A_144 = tpu.memref_slice %arg3[%dma_wait3A_142, %dma_wait3A_143] : memref<10000x64xf32, #tpu.memory_space<hbm>> -> memref<10000x64xf32, #tpu.memory_space<hbm>>
      tpu.wait_indirect_dma semaphore(%arg19 : memref<!tpu.dma_semaphore, #tpu.memory_space<semaphore_mem>>) src(%dma_wait3A_144 : memref<10000x64xf32, #tpu.memory_space<hbm>>) dst(%arg11 : memref<128x64xf32, #tpu.memory_space<vmem>>)
      %add3A_145 = arith.constant 4 : i32
      %add3A_146 = arith.addi %add3A_87, %add3A_145 : i32
      %mul3A_147 = arith.constant 128 : i32
      %mul3A_148 = arith.muli %add3A_146, %mul3A_147 : i32
      %dma_start3A_149 = tpu.memref_slice %arg6[%mul3A_148] : memref<10000xi32, #tpu.memory_space<vmem>> -> memref<128xi32, #tpu.memory_space<vmem>>
      %dma_start3A_150 = arith.constant 0 : i32
      %dma_start3A_151 = arith.constant 0 : i32
      %dma_start3A_152 = tpu.memref_slice %arg14[%dma_start3A_150, %dma_start3A_151] : memref<10240x64xf32, #tpu.memory_space<vmem_shared>> -> memref<10240x64xf32, #tpu.memory_space<vmem_shared>>
      tpu.enqueue_indirect_dma source(%arg11 : memref<128x64xf32, #tpu.memory_space<vmem>>) target(%dma_start3A_152 : memref<10240x64xf32, #tpu.memory_space<vmem_shared>>) offsets(%dma_start3A_149 : memref<128xi32, #tpu.memory_space<vmem>>) semaphore(%arg25 : memref<!tpu.dma_semaphore, #tpu.memory_space<semaphore_mem>>) {add = true}
      %dma_wait3A_153 = arith.constant 0 : i32
      %dma_wait3A_154 = tpu.memref_slice %arg5[%dma_wait3A_153] : memref<10000xi32, #tpu.memory_space<vmem>> -> memref<128xi32, #tpu.memory_space<vmem>>
      %dma_wait3A_155 = arith.constant 0 : i32
      %dma_wait3A_156 = arith.constant 0 : i32
      %dma_wait3A_157 = tpu.memref_slice %arg3[%dma_wait3A_155, %dma_wait3A_156] : memref<10000x64xf32, #tpu.memory_space<hbm>> -> memref<10000x64xf32, #tpu.memory_space<hbm>>
      tpu.wait_indirect_dma semaphore(%arg20 : memref<!tpu.dma_semaphore, #tpu.memory_space<semaphore_mem>>) src(%dma_wait3A_157 : memref<10000x64xf32, #tpu.memory_space<hbm>>) dst(%arg12 : memref<128x64xf32, #tpu.memory_space<vmem>>)
      %add3A_158 = arith.constant 5 : i32
      %add3A_159 = arith.addi %add3A_87, %add3A_158 : i32
      %mul3A_160 = arith.constant 128 : i32
      %mul3A_161 = arith.muli %add3A_159, %mul3A_160 : i32
      %dma_start3A_162 = tpu.memref_slice %arg6[%mul3A_161] : memref<10000xi32, #tpu.memory_space<vmem>> -> memref<128xi32, #tpu.memory_space<vmem>>
      %dma_start3A_163 = arith.constant 0 : i32
      %dma_start3A_164 = arith.constant 0 : i32
      %dma_start3A_165 = tpu.memref_slice %arg14[%dma_start3A_163, %dma_start3A_164] : memref<10240x64xf32, #tpu.memory_space<vmem_shared>> -> memref<10240x64xf32, #tpu.memory_space<vmem_shared>>
      tpu.enqueue_indirect_dma source(%arg12 : memref<128x64xf32, #tpu.memory_space<vmem>>) target(%dma_start3A_165 : memref<10240x64xf32, #tpu.memory_space<vmem_shared>>) offsets(%dma_start3A_162 : memref<128xi32, #tpu.memory_space<vmem>>) semaphore(%arg26 : memref<!tpu.dma_semaphore, #tpu.memory_space<semaphore_mem>>) {add = true}
      %add3A_166 = arith.constant 0 : i32
      %add3A_167 = arith.addi %add3A_87, %add3A_166 : i32
      %add3A_168 = arith.constant 6 : i32
      %add3A_169 = arith.addi %add3A_167, %add3A_168 : i32
      %lt3A = arith.constant 78 : i32
      %lt3A_170 = arith.cmpi slt, %add3A_169, %lt3A : i32
      %convert_element_type3A = arith.extui %lt3A_170 : i1 to i32
      %cond3A = arith.constant 0 : i32
      %cond3A_171 = arith.cmpi ne, %convert_element_type3A, %cond3A : i32
      scf.if %cond3A_171 {
        %dma_wait3A_217 = arith.constant 0 : i32
        %dma_wait3A_218 = tpu.memref_slice %arg6[%dma_wait3A_217] : memref<10000xi32, #tpu.memory_space<vmem>> -> memref<128xi32, #tpu.memory_space<vmem>>
        %dma_wait3A_219 = arith.constant 0 : i32
        %dma_wait3A_220 = arith.constant 0 : i32
        %dma_wait3A_221 = tpu.memref_slice %arg14[%dma_wait3A_219, %dma_wait3A_220] : memref<10240x64xf32, #tpu.memory_space<vmem_shared>> -> memref<10240x64xf32, #tpu.memory_space<vmem_shared>>
        tpu.wait_indirect_dma semaphore(%arg21 : memref<!tpu.dma_semaphore, #tpu.memory_space<semaphore_mem>>) src(%arg7 : memref<128x64xf32, #tpu.memory_space<vmem>>) dst(%dma_wait3A_221 : memref<10240x64xf32, #tpu.memory_space<vmem_shared>>)
        %add3A_222 = arith.constant 0 : i32
        %add3A_223 = arith.addi %add3A_87, %add3A_222 : i32
        %add3A_224 = arith.constant 6 : i32
        %add3A_225 = arith.addi %add3A_223, %add3A_224 : i32
        %mul3A_226 = arith.constant 128 : i32
        %mul3A_227 = arith.muli %add3A_225, %mul3A_226 : i32
        %dma_start3A_228 = tpu.memref_slice %arg5[%mul3A_227] : memref<10000xi32, #tpu.memory_space<vmem>> -> memref<128xi32, #tpu.memory_space<vmem>>
        %dma_start3A_229 = arith.constant 0 : i32
        %dma_start3A_230 = arith.constant 0 : i32
        %dma_start3A_231 = tpu.memref_slice %arg3[%dma_start3A_229, %dma_start3A_230] : memref<10000x64xf32, #tpu.memory_space<hbm>> -> memref<10000x64xf32, #tpu.memory_space<hbm>>
        tpu.enqueue_indirect_dma source(%dma_start3A_231 : memref<10000x64xf32, #tpu.memory_space<hbm>>) target(%arg7 : memref<128x64xf32, #tpu.memory_space<vmem>>) offsets(%dma_start3A_228 : memref<128xi32, #tpu.memory_space<vmem>>) semaphore(%arg15 : memref<!tpu.dma_semaphore, #tpu.memory_space<semaphore_mem>>)
      } else {
      }
      %add3A_172 = arith.constant 1 : i32
      %add3A_173 = arith.addi %add3A_87, %add3A_172 : i32
      %add3A_174 = arith.constant 6 : i32
      %add3A_175 = arith.addi %add3A_173, %add3A_174 : i32
      %lt3A_176 = arith.constant 78 : i32
      %lt3A_177 = arith.cmpi slt, %add3A_175, %lt3A_176 : i32
      %convert_element_type3A_178 = arith.extui %lt3A_177 : i1 to i32
      %cond3A_179 = arith.constant 0 : i32
      %cond3A_180 = arith.cmpi ne, %convert_element_type3A_178, %cond3A_179 : i32
      scf.if %cond3A_180 {
        %dma_wait3A_217 = arith.constant 0 : i32
        %dma_wait3A_218 = tpu.memref_slice %arg6[%dma_wait3A_217] : memref<10000xi32, #tpu.memory_space<vmem>> -> memref<128xi32, #tpu.memory_space<vmem>>
        %dma_wait3A_219 = arith.constant 0 : i32
        %dma_wait3A_220 = arith.constant 0 : i32
        %dma_wait3A_221 = tpu.memref_slice %arg14[%dma_wait3A_219, %dma_wait3A_220] : memref<10240x64xf32, #tpu.memory_space<vmem_shared>> -> memref<10240x64xf32, #tpu.memory_space<vmem_shared>>
        tpu.wait_indirect_dma semaphore(%arg22 : memref<!tpu.dma_semaphore, #tpu.memory_space<semaphore_mem>>) src(%arg8 : memref<128x64xf32, #tpu.memory_space<vmem>>) dst(%dma_wait3A_221 : memref<10240x64xf32, #tpu.memory_space<vmem_shared>>)
        %add3A_222 = arith.constant 1 : i32
        %add3A_223 = arith.addi %add3A_87, %add3A_222 : i32
        %add3A_224 = arith.constant 6 : i32
        %add3A_225 = arith.addi %add3A_223, %add3A_224 : i32
        %mul3A_226 = arith.constant 128 : i32
        %mul3A_227 = arith.muli %add3A_225, %mul3A_226 : i32
        %dma_start3A_228 = tpu.memref_slice %arg5[%mul3A_227] : memref<10000xi32, #tpu.memory_space<vmem>> -> memref<128xi32, #tpu.memory_space<vmem>>
        %dma_start3A_229 = arith.constant 0 : i32
        %dma_start3A_230 = arith.constant 0 : i32
        %dma_start3A_231 = tpu.memref_slice %arg3[%dma_start3A_229, %dma_start3A_230] : memref<10000x64xf32, #tpu.memory_space<hbm>> -> memref<10000x64xf32, #tpu.memory_space<hbm>>
        tpu.enqueue_indirect_dma source(%dma_start3A_231 : memref<10000x64xf32, #tpu.memory_space<hbm>>) target(%arg8 : memref<128x64xf32, #tpu.memory_space<vmem>>) offsets(%dma_start3A_228 : memref<128xi32, #tpu.memory_space<vmem>>) semaphore(%arg16 : memref<!tpu.dma_semaphore, #tpu.memory_space<semaphore_mem>>)
      } else {
      }
      %add3A_181 = arith.constant 2 : i32
      %add3A_182 = arith.addi %add3A_87, %add3A_181 : i32
      %add3A_183 = arith.constant 6 : i32
      %add3A_184 = arith.addi %add3A_182, %add3A_183 : i32
      %lt3A_185 = arith.constant 78 : i32
      %lt3A_186 = arith.cmpi slt, %add3A_184, %lt3A_185 : i32
      %convert_element_type3A_187 = arith.extui %lt3A_186 : i1 to i32
      %cond3A_188 = arith.constant 0 : i32
      %cond3A_189 = arith.cmpi ne, %convert_element_type3A_187, %cond3A_188 : i32
      scf.if %cond3A_189 {
        %dma_wait3A_217 = arith.constant 0 : i32
        %dma_wait3A_218 = tpu.memref_slice %arg6[%dma_wait3A_217] : memref<10000xi32, #tpu.memory_space<vmem>> -> memref<128xi32, #tpu.memory_space<vmem>>
        %dma_wait3A_219 = arith.constant 0 : i32
        %dma_wait3A_220 = arith.constant 0 : i32
        %dma_wait3A_221 = tpu.memref_slice %arg14[%dma_wait3A_219, %dma_wait3A_220] : memref<10240x64xf32, #tpu.memory_space<vmem_shared>> -> memref<10240x64xf32, #tpu.memory_space<vmem_shared>>
        tpu.wait_indirect_dma semaphore(%arg23 : memref<!tpu.dma_semaphore, #tpu.memory_space<semaphore_mem>>) src(%arg9 : memref<128x64xf32, #tpu.memory_space<vmem>>) dst(%dma_wait3A_221 : memref<10240x64xf32, #tpu.memory_space<vmem_shared>>)
        %add3A_222 = arith.constant 2 : i32
        %add3A_223 = arith.addi %add3A_87, %add3A_222 : i32
        %add3A_224 = arith.constant 6 : i32
        %add3A_225 = arith.addi %add3A_223, %add3A_224 : i32
        %mul3A_226 = arith.constant 128 : i32
        %mul3A_227 = arith.muli %add3A_225, %mul3A_226 : i32
        %dma_start3A_228 = tpu.memref_slice %arg5[%mul3A_227] : memref<10000xi32, #tpu.memory_space<vmem>> -> memref<128xi32, #tpu.memory_space<vmem>>
        %dma_start3A_229 = arith.constant 0 : i32
        %dma_start3A_230 = arith.constant 0 : i32
        %dma_start3A_231 = tpu.memref_slice %arg3[%dma_start3A_229, %dma_start3A_230] : memref<10000x64xf32, #tpu.memory_space<hbm>> -> memref<10000x64xf32, #tpu.memory_space<hbm>>
        tpu.enqueue_indirect_dma source(%dma_start3A_231 : memref<10000x64xf32, #tpu.memory_space<hbm>>) target(%arg9 : memref<128x64xf32, #tpu.memory_space<vmem>>) offsets(%dma_start3A_228 : memref<128xi32, #tpu.memory_space<vmem>>) semaphore(%arg17 : memref<!tpu.dma_semaphore, #tpu.memory_space<semaphore_mem>>)
      } else {
      }
      %add3A_190 = arith.constant 3 : i32
      %add3A_191 = arith.addi %add3A_87, %add3A_190 : i32
      %add3A_192 = arith.constant 6 : i32
      %add3A_193 = arith.addi %add3A_191, %add3A_192 : i32
      %lt3A_194 = arith.constant 78 : i32
      %lt3A_195 = arith.cmpi slt, %add3A_193, %lt3A_194 : i32
      %convert_element_type3A_196 = arith.extui %lt3A_195 : i1 to i32
      %cond3A_197 = arith.constant 0 : i32
      %cond3A_198 = arith.cmpi ne, %convert_element_type3A_196, %cond3A_197 : i32
      scf.if %cond3A_198 {
        %dma_wait3A_217 = arith.constant 0 : i32
        %dma_wait3A_218 = tpu.memref_slice %arg6[%dma_wait3A_217] : memref<10000xi32, #tpu.memory_space<vmem>> -> memref<128xi32, #tpu.memory_space<vmem>>
        %dma_wait3A_219 = arith.constant 0 : i32
        %dma_wait3A_220 = arith.constant 0 : i32
        %dma_wait3A_221 = tpu.memref_slice %arg14[%dma_wait3A_219, %dma_wait3A_220] : memref<10240x64xf32, #tpu.memory_space<vmem_shared>> -> memref<10240x64xf32, #tpu.memory_space<vmem_shared>>
        tpu.wait_indirect_dma semaphore(%arg24 : memref<!tpu.dma_semaphore, #tpu.memory_space<semaphore_mem>>) src(%arg10 : memref<128x64xf32, #tpu.memory_space<vmem>>) dst(%dma_wait3A_221 : memref<10240x64xf32, #tpu.memory_space<vmem_shared>>)
        %add3A_222 = arith.constant 3 : i32
        %add3A_223 = arith.addi %add3A_87, %add3A_222 : i32
        %add3A_224 = arith.constant 6 : i32
        %add3A_225 = arith.addi %add3A_223, %add3A_224 : i32
        %mul3A_226 = arith.constant 128 : i32
        %mul3A_227 = arith.muli %add3A_225, %mul3A_226 : i32
        %dma_start3A_228 = tpu.memref_slice %arg5[%mul3A_227] : memref<10000xi32, #tpu.memory_space<vmem>> -> memref<128xi32, #tpu.memory_space<vmem>>
        %dma_start3A_229 = arith.constant 0 : i32
        %dma_start3A_230 = arith.constant 0 : i32
        %dma_start3A_231 = tpu.memref_slice %arg3[%dma_start3A_229, %dma_start3A_230] : memref<10000x64xf32, #tpu.memory_space<hbm>> -> memref<10000x64xf32, #tpu.memory_space<hbm>>
        tpu.enqueue_indirect_dma source(%dma_start3A_231 : memref<10000x64xf32, #tpu.memory_space<hbm>>) target(%arg10 : memref<128x64xf32, #tpu.memory_space<vmem>>) offsets(%dma_start3A_228 : memref<128xi32, #tpu.memory_space<vmem>>) semaphore(%arg18 : memref<!tpu.dma_semaphore, #tpu.memory_space<semaphore_mem>>)
      } else {
      }
      %add3A_199 = arith.constant 4 : i32
      %add3A_200 = arith.addi %add3A_87, %add3A_199 : i32
      %add3A_201 = arith.constant 6 : i32
      %add3A_202 = arith.addi %add3A_200, %add3A_201 : i32
      %lt3A_203 = arith.constant 78 : i32
      %lt3A_204 = arith.cmpi slt, %add3A_202, %lt3A_203 : i32
      %convert_element_type3A_205 = arith.extui %lt3A_204 : i1 to i32
      %cond3A_206 = arith.constant 0 : i32
      %cond3A_207 = arith.cmpi ne, %convert_element_type3A_205, %cond3A_206 : i32
      scf.if %cond3A_207 {
        %dma_wait3A_217 = arith.constant 0 : i32
        %dma_wait3A_218 = tpu.memref_slice %arg6[%dma_wait3A_217] : memref<10000xi32, #tpu.memory_space<vmem>> -> memref<128xi32, #tpu.memory_space<vmem>>
        %dma_wait3A_219 = arith.constant 0 : i32
        %dma_wait3A_220 = arith.constant 0 : i32
        %dma_wait3A_221 = tpu.memref_slice %arg14[%dma_wait3A_219, %dma_wait3A_220] : memref<10240x64xf32, #tpu.memory_space<vmem_shared>> -> memref<10240x64xf32, #tpu.memory_space<vmem_shared>>
        tpu.wait_indirect_dma semaphore(%arg25 : memref<!tpu.dma_semaphore, #tpu.memory_space<semaphore_mem>>) src(%arg11 : memref<128x64xf32, #tpu.memory_space<vmem>>) dst(%dma_wait3A_221 : memref<10240x64xf32, #tpu.memory_space<vmem_shared>>)
        %add3A_222 = arith.constant 4 : i32
        %add3A_223 = arith.addi %add3A_87, %add3A_222 : i32
        %add3A_224 = arith.constant 6 : i32
        %add3A_225 = arith.addi %add3A_223, %add3A_224 : i32
        %mul3A_226 = arith.constant 128 : i32
        %mul3A_227 = arith.muli %add3A_225, %mul3A_226 : i32
        %dma_start3A_228 = tpu.memref_slice %arg5[%mul3A_227] : memref<10000xi32, #tpu.memory_space<vmem>> -> memref<128xi32, #tpu.memory_space<vmem>>
        %dma_start3A_229 = arith.constant 0 : i32
        %dma_start3A_230 = arith.constant 0 : i32
        %dma_start3A_231 = tpu.memref_slice %arg3[%dma_start3A_229, %dma_start3A_230] : memref<10000x64xf32, #tpu.memory_space<hbm>> -> memref<10000x64xf32, #tpu.memory_space<hbm>>
        tpu.enqueue_indirect_dma source(%dma_start3A_231 : memref<10000x64xf32, #tpu.memory_space<hbm>>) target(%arg11 : memref<128x64xf32, #tpu.memory_space<vmem>>) offsets(%dma_start3A_228 : memref<128xi32, #tpu.memory_space<vmem>>) semaphore(%arg19 : memref<!tpu.dma_semaphore, #tpu.memory_space<semaphore_mem>>)
      } else {
      }
      %add3A_208 = arith.constant 5 : i32
      %add3A_209 = arith.addi %add3A_87, %add3A_208 : i32
      %add3A_210 = arith.constant 6 : i32
      %add3A_211 = arith.addi %add3A_209, %add3A_210 : i32
      %lt3A_212 = arith.constant 78 : i32
      %lt3A_213 = arith.cmpi slt, %add3A_211, %lt3A_212 : i32
      %convert_element_type3A_214 = arith.extui %lt3A_213 : i1 to i32
      %cond3A_215 = arith.constant 0 : i32
      %cond3A_216 = arith.cmpi ne, %convert_element_type3A_214, %cond3A_215 : i32
      scf.if %cond3A_216 {
        %dma_wait3A_217 = arith.constant 0 : i32
        %dma_wait3A_218 = tpu.memref_slice %arg6[%dma_wait3A_217] : memref<10000xi32, #tpu.memory_space<vmem>> -> memref<128xi32, #tpu.memory_space<vmem>>
        %dma_wait3A_219 = arith.constant 0 : i32
        %dma_wait3A_220 = arith.constant 0 : i32
        %dma_wait3A_221 = tpu.memref_slice %arg14[%dma_wait3A_219, %dma_wait3A_220] : memref<10240x64xf32, #tpu.memory_space<vmem_shared>> -> memref<10240x64xf32, #tpu.memory_space<vmem_shared>>
        tpu.wait_indirect_dma semaphore(%arg26 : memref<!tpu.dma_semaphore, #tpu.memory_space<semaphore_mem>>) src(%arg12 : memref<128x64xf32, #tpu.memory_space<vmem>>) dst(%dma_wait3A_221 : memref<10240x64xf32, #tpu.memory_space<vmem_shared>>)
        %add3A_222 = arith.constant 5 : i32
        %add3A_223 = arith.addi %add3A_87, %add3A_222 : i32
        %add3A_224 = arith.constant 6 : i32
        %add3A_225 = arith.addi %add3A_223, %add3A_224 : i32
        %mul3A_226 = arith.constant 128 : i32
        %mul3A_227 = arith.muli %add3A_225, %mul3A_226 : i32
        %dma_start3A_228 = tpu.memref_slice %arg5[%mul3A_227] : memref<10000xi32, #tpu.memory_space<vmem>> -> memref<128xi32, #tpu.memory_space<vmem>>
        %dma_start3A_229 = arith.constant 0 : i32
        %dma_start3A_230 = arith.constant 0 : i32
        %dma_start3A_231 = tpu.memref_slice %arg3[%dma_start3A_229, %dma_start3A_230] : memref<10000x64xf32, #tpu.memory_space<hbm>> -> memref<10000x64xf32, #tpu.memory_space<hbm>>
        tpu.enqueue_indirect_dma source(%dma_start3A_231 : memref<10000x64xf32, #tpu.memory_space<hbm>>) target(%arg12 : memref<128x64xf32, #tpu.memory_space<vmem>>) offsets(%dma_start3A_228 : memref<128xi32, #tpu.memory_space<vmem>>) semaphore(%arg20 : memref<!tpu.dma_semaphore, #tpu.memory_space<semaphore_mem>>)
      } else {
      }
    }
    %scan3A_48 = arith.constant 13 : i32
    %dma_wait3A = arith.constant 0 : i32
    %dma_wait3A_49 = tpu.memref_slice %arg6[%dma_wait3A] : memref<10000xi32, #tpu.memory_space<vmem>> -> memref<128xi32, #tpu.memory_space<vmem>>
    %dma_wait3A_50 = arith.constant 0 : i32
    %dma_wait3A_51 = arith.constant 0 : i32
    %dma_wait3A_52 = tpu.memref_slice %arg14[%dma_wait3A_50, %dma_wait3A_51] : memref<10240x64xf32, #tpu.memory_space<vmem_shared>> -> memref<10240x64xf32, #tpu.memory_space<vmem_shared>>
    tpu.wait_indirect_dma semaphore(%arg21 : memref<!tpu.dma_semaphore, #tpu.memory_space<semaphore_mem>>) src(%arg7 : memref<128x64xf32, #tpu.memory_space<vmem>>) dst(%dma_wait3A_52 : memref<10240x64xf32, #tpu.memory_space<vmem_shared>>)
    %dma_wait3A_53 = arith.constant 0 : i32
    %dma_wait3A_54 = tpu.memref_slice %arg6[%dma_wait3A_53] : memref<10000xi32, #tpu.memory_space<vmem>> -> memref<128xi32, #tpu.memory_space<vmem>>
    %dma_wait3A_55 = arith.constant 0 : i32
    %dma_wait3A_56 = arith.constant 0 : i32
    %dma_wait3A_57 = tpu.memref_slice %arg14[%dma_wait3A_55, %dma_wait3A_56] : memref<10240x64xf32, #tpu.memory_space<vmem_shared>> -> memref<10240x64xf32, #tpu.memory_space<vmem_shared>>
    tpu.wait_indirect_dma semaphore(%arg22 : memref<!tpu.dma_semaphore, #tpu.memory_space<semaphore_mem>>) src(%arg8 : memref<128x64xf32, #tpu.memory_space<vmem>>) dst(%dma_wait3A_57 : memref<10240x64xf32, #tpu.memory_space<vmem_shared>>)
    %dma_wait3A_58 = arith.constant 0 : i32
    %dma_wait3A_59 = tpu.memref_slice %arg6[%dma_wait3A_58] : memref<10000xi32, #tpu.memory_space<vmem>> -> memref<128xi32, #tpu.memory_space<vmem>>
    %dma_wait3A_60 = arith.constant 0 : i32
    %dma_wait3A_61 = arith.constant 0 : i32
    %dma_wait3A_62 = tpu.memref_slice %arg14[%dma_wait3A_60, %dma_wait3A_61] : memref<10240x64xf32, #tpu.memory_space<vmem_shared>> -> memref<10240x64xf32, #tpu.memory_space<vmem_shared>>
    tpu.wait_indirect_dma semaphore(%arg23 : memref<!tpu.dma_semaphore, #tpu.memory_space<semaphore_mem>>) src(%arg9 : memref<128x64xf32, #tpu.memory_space<vmem>>) dst(%dma_wait3A_62 : memref<10240x64xf32, #tpu.memory_space<vmem_shared>>)
    %dma_wait3A_63 = arith.constant 0 : i32
    %dma_wait3A_64 = tpu.memref_slice %arg6[%dma_wait3A_63] : memref<10000xi32, #tpu.memory_space<vmem>> -> memref<128xi32, #tpu.memory_space<vmem>>
    %dma_wait3A_65 = arith.constant 0 : i32
    %dma_wait3A_66 = arith.constant 0 : i32
    %dma_wait3A_67 = tpu.memref_slice %arg14[%dma_wait3A_65, %dma_wait3A_66] : memref<10240x64xf32, #tpu.memory_space<vmem_shared>> -> memref<10240x64xf32, #tpu.memory_space<vmem_shared>>
    tpu.wait_indirect_dma semaphore(%arg24 : memref<!tpu.dma_semaphore, #tpu.memory_space<semaphore_mem>>) src(%arg10 : memref<128x64xf32, #tpu.memory_space<vmem>>) dst(%dma_wait3A_67 : memref<10240x64xf32, #tpu.memory_space<vmem_shared>>)
    %dma_wait3A_68 = arith.constant 0 : i32
    %dma_wait3A_69 = tpu.memref_slice %arg6[%dma_wait3A_68] : memref<10000xi32, #tpu.memory_space<vmem>> -> memref<128xi32, #tpu.memory_space<vmem>>
    %dma_wait3A_70 = arith.constant 0 : i32
    %dma_wait3A_71 = arith.constant 0 : i32
    %dma_wait3A_72 = tpu.memref_slice %arg14[%dma_wait3A_70, %dma_wait3A_71] : memref<10240x64xf32, #tpu.memory_space<vmem_shared>> -> memref<10240x64xf32, #tpu.memory_space<vmem_shared>>
    tpu.wait_indirect_dma semaphore(%arg25 : memref<!tpu.dma_semaphore, #tpu.memory_space<semaphore_mem>>) src(%arg11 : memref<128x64xf32, #tpu.memory_space<vmem>>) dst(%dma_wait3A_72 : memref<10240x64xf32, #tpu.memory_space<vmem_shared>>)
    %dma_wait3A_73 = arith.constant 0 : i32
    %dma_wait3A_74 = tpu.memref_slice %arg6[%dma_wait3A_73] : memref<10000xi32, #tpu.memory_space<vmem>> -> memref<128xi32, #tpu.memory_space<vmem>>
    %dma_wait3A_75 = arith.constant 0 : i32
    %dma_wait3A_76 = arith.constant 0 : i32
    %dma_wait3A_77 = tpu.memref_slice %arg14[%dma_wait3A_75, %dma_wait3A_76] : memref<10240x64xf32, #tpu.memory_space<vmem_shared>> -> memref<10240x64xf32, #tpu.memory_space<vmem_shared>>
    tpu.wait_indirect_dma semaphore(%arg26 : memref<!tpu.dma_semaphore, #tpu.memory_space<semaphore_mem>>) src(%arg12 : memref<128x64xf32, #tpu.memory_space<vmem>>) dst(%dma_wait3A_77 : memref<10240x64xf32, #tpu.memory_space<vmem_shared>>)
    "tpu.region"() ({
      %run_scoped3A_83 = tpu.sem_alloc : memref<!tpu.dma_semaphore, #tpu.memory_space<semaphore_mem>>
      %dma_start3A_84 = arith.constant 0 : i32
      %dma_start3A_85 = arith.constant 0 : i32
      %dma_start3A_86 = tpu.memref_slice %arg7[%dma_start3A_84, %dma_start3A_85] : memref<128x64xf32, #tpu.memory_space<vmem>> -> memref<16x64xf32, #tpu.memory_space<vmem>>
      %dma_start3A_87 = arith.constant 9984 : i32
      %dma_start3A_88 = tpu.memref_slice %arg5[%dma_start3A_87] : memref<10000xi32, #tpu.memory_space<vmem>> -> memref<16xi32, #tpu.memory_space<vmem>>
      %dma_start3A_89 = arith.constant 0 : i32
      %dma_start3A_90 = arith.constant 0 : i32
      %dma_start3A_91 = tpu.memref_slice %arg3[%dma_start3A_89, %dma_start3A_90] : memref<10000x64xf32, #tpu.memory_space<hbm>> -> memref<10000x64xf32, #tpu.memory_space<hbm>>
      tpu.enqueue_indirect_dma source(%dma_start3A_91 : memref<10000x64xf32, #tpu.memory_space<hbm>>) target(%dma_start3A_86 : memref<16x64xf32, #tpu.memory_space<vmem>>) offsets(%dma_start3A_88 : memref<16xi32, #tpu.memory_space<vmem>>) semaphore(%run_scoped3A_83 : memref<!tpu.dma_semaphore, #tpu.memory_space<semaphore_mem>>)
      %dma_wait3A_92 = arith.constant 0 : i32
      %dma_wait3A_93 = arith.constant 0 : i32
      %dma_wait3A_94 = tpu.memref_slice %arg7[%dma_wait3A_92, %dma_wait3A_93] : memref<128x64xf32, #tpu.memory_space<vmem>> -> memref<16x64xf32, #tpu.memory_space<vmem>>
      %dma_wait3A_95 = arith.constant 9984 : i32
      %dma_wait3A_96 = tpu.memref_slice %arg5[%dma_wait3A_95] : memref<10000xi32, #tpu.memory_space<vmem>> -> memref<16xi32, #tpu.memory_space<vmem>>
      %dma_wait3A_97 = arith.constant 0 : i32
      %dma_wait3A_98 = arith.constant 0 : i32
      %dma_wait3A_99 = tpu.memref_slice %arg3[%dma_wait3A_97, %dma_wait3A_98] : memref<10000x64xf32, #tpu.memory_space<hbm>> -> memref<10000x64xf32, #tpu.memory_space<hbm>>
      tpu.wait_indirect_dma semaphore(%run_scoped3A_83 : memref<!tpu.dma_semaphore, #tpu.memory_space<semaphore_mem>>) src(%dma_wait3A_99 : memref<10000x64xf32, #tpu.memory_space<hbm>>) dst(%dma_wait3A_94 : memref<16x64xf32, #tpu.memory_space<vmem>>)
      tpu.yield
    }) : () -> ()
    "tpu.region"() ({
      %run_scoped3A_83 = tpu.sem_alloc : memref<!tpu.dma_semaphore, #tpu.memory_space<semaphore_mem>>
      %dma_start3A_84 = arith.constant 0 : i32
      %dma_start3A_85 = arith.constant 0 : i32
      %dma_start3A_86 = tpu.memref_slice %arg7[%dma_start3A_84, %dma_start3A_85] : memref<128x64xf32, #tpu.memory_space<vmem>> -> memref<16x64xf32, #tpu.memory_space<vmem>>
      %dma_start3A_87 = arith.constant 9984 : i32
      %dma_start3A_88 = tpu.memref_slice %arg6[%dma_start3A_87] : memref<10000xi32, #tpu.memory_space<vmem>> -> memref<16xi32, #tpu.memory_space<vmem>>
      %dma_start3A_89 = arith.constant 0 : i32
      %dma_start3A_90 = arith.constant 0 : i32
      %dma_start3A_91 = tpu.memref_slice %arg14[%dma_start3A_89, %dma_start3A_90] : memref<10240x64xf32, #tpu.memory_space<vmem_shared>> -> memref<10240x64xf32, #tpu.memory_space<vmem_shared>>
      tpu.enqueue_indirect_dma source(%dma_start3A_86 : memref<16x64xf32, #tpu.memory_space<vmem>>) target(%dma_start3A_91 : memref<10240x64xf32, #tpu.memory_space<vmem_shared>>) offsets(%dma_start3A_88 : memref<16xi32, #tpu.memory_space<vmem>>) semaphore(%run_scoped3A_83 : memref<!tpu.dma_semaphore, #tpu.memory_space<semaphore_mem>>) {add = true}
      %dma_wait3A_92 = arith.constant 0 : i32
      %dma_wait3A_93 = arith.constant 0 : i32
      %dma_wait3A_94 = tpu.memref_slice %arg7[%dma_wait3A_92, %dma_wait3A_93] : memref<128x64xf32, #tpu.memory_space<vmem>> -> memref<16x64xf32, #tpu.memory_space<vmem>>
      %dma_wait3A_95 = arith.constant 9984 : i32
      %dma_wait3A_96 = tpu.memref_slice %arg6[%dma_wait3A_95] : memref<10000xi32, #tpu.memory_space<vmem>> -> memref<16xi32, #tpu.memory_space<vmem>>
      %dma_wait3A_97 = arith.constant 0 : i32
      %dma_wait3A_98 = arith.constant 0 : i32
      %dma_wait3A_99 = tpu.memref_slice %arg14[%dma_wait3A_97, %dma_wait3A_98] : memref<10240x64xf32, #tpu.memory_space<vmem_shared>> -> memref<10240x64xf32, #tpu.memory_space<vmem_shared>>
      tpu.wait_indirect_dma semaphore(%run_scoped3A_83 : memref<!tpu.dma_semaphore, #tpu.memory_space<semaphore_mem>>) src(%dma_wait3A_94 : memref<16x64xf32, #tpu.memory_space<vmem>>) dst(%dma_wait3A_99 : memref<10240x64xf32, #tpu.memory_space<vmem_shared>>)
      tpu.yield
    }) : () -> ()
    %barrier3A_78 = arith.constant 0 : index
    tpu.barrier barrier_id(%barrier3A_78)
    %mul3A_79 = arith.constant 640 : i32
    %mul3A_80 = arith.muli %arg1, %mul3A_79 : i32
    %mul3A_81 = arith.constant 640 : i32
    %mul3A_82 = arith.muli %arg1, %mul3A_81 : i32
    "tpu.region"() ({
      %run_scoped3A_83 = tpu.sem_alloc : memref<!tpu.dma_semaphore, #tpu.memory_space<semaphore_mem>>
      %dma_start3A_84 = arith.constant 0 : i32
      %dma_start3A_85 = tpu.memref_slice %arg4[%arg0, %mul3A_82, %dma_start3A_84] : memref<2x10240x64xf32, #tpu.memory_space<hbm>> -> memref<1x640x64xf32, #tpu.memory_space<hbm>>
      %dma_start3A_86 = tpu.memref_squeeze %dma_start3A_85 : memref<1x640x64xf32, #tpu.memory_space<hbm>> -> memref<640x64xf32, #tpu.memory_space<hbm>>
      %dma_start3A_87 = arith.constant 0 : i32
      %dma_start3A_88 = tpu.memref_slice %arg14[%mul3A_80, %dma_start3A_87] : memref<10240x64xf32, #tpu.memory_space<vmem_shared>> -> memref<640x64xf32, #tpu.memory_space<vmem_shared>>
      tpu.enqueue_dma source(%dma_start3A_88 : memref<640x64xf32, #tpu.memory_space<vmem_shared>>) target(%dma_start3A_86 : memref<640x64xf32, #tpu.memory_space<hbm>>) target_semaphore(%run_scoped3A_83 : memref<!tpu.dma_semaphore, #tpu.memory_space<semaphore_mem>>)
      %dma_wait3A_89 = arith.constant 0 : i32
      %dma_wait3A_90 = tpu.memref_slice %arg4[%arg0, %mul3A_82, %dma_wait3A_89] : memref<2x10240x64xf32, #tpu.memory_space<hbm>> -> memref<1x640x64xf32, #tpu.memory_space<hbm>>
      %dma_wait3A_91 = tpu.memref_squeeze %dma_wait3A_90 : memref<1x640x64xf32, #tpu.memory_space<hbm>> -> memref<640x64xf32, #tpu.memory_space<hbm>>
      %dma_wait3A_92 = arith.constant 0 : i32
      %dma_wait3A_93 = tpu.memref_slice %arg14[%mul3A_80, %dma_wait3A_92] : memref<10240x64xf32, #tpu.memory_space<vmem_shared>> -> memref<640x64xf32, #tpu.memory_space<vmem_shared>>
      tpu.wait_dma2 semaphore(%run_scoped3A_83 : memref<!tpu.dma_semaphore, #tpu.memory_space<semaphore_mem>>) src(%dma_wait3A_93 : memref<640x64xf32, #tpu.memory_space<vmem_shared>>) dst(%dma_wait3A_91 : memref<640x64xf32, #tpu.memory_space<hbm>>)
      tpu.yield
    }) : () -> ()
    return
  }
}

#map = affine_map<(d0, d1) -> (0, 0)>
#map1 = affine_map<(d0, d1) -> (0, 0, 0)>
module attributes {stable_mosaic.version = 14 : i64} {
  func.func @k(%arg0: i32, %arg1: i32, %arg2: memref<2x320000xi32, #tpu.memory_space<hbm>>, %arg3: memref<10000x32xf32, #tpu.memory_space<hbm>>, %arg4: memref<2x10240x32xf32, #tpu.memory_space<hbm>>, %arg5: memref<10000xi32, #tpu.memory_space<vmem>>, %arg6: memref<10000xi32, #tpu.memory_space<vmem>>, %arg7: memref<128x32xf32, #tpu.memory_space<vmem>>, %arg8: memref<128x32xf32, #tpu.memory_space<vmem>>, %arg9: memref<128x32xf32, #tpu.memory_space<vmem>>, %arg10: memref<128x32xf32, #tpu.memory_space<vmem>>, %arg11: memref<128x32xf32, #tpu.memory_space<vmem>>, %arg12: memref<128x32xf32, #tpu.memory_space<vmem>>, %arg13: memref<128x32xf32, #tpu.memory_space<vmem>>, %arg14: memref<10240x32xf32, #tpu.memory_space<vmem_shared>>, %arg15: memref<!tpu.dma_semaphore, #tpu.memory_space<semaphore_mem>>, %arg16: memref<!tpu.dma_semaphore, #tpu.memory_space<semaphore_mem>>, %arg17: memref<!tpu.dma_semaphore, #tpu.memory_space<semaphore_mem>>, %arg18: memref<!tpu.dma_semaphore, #tpu.memory_space<semaphore_mem>>, %arg19: memref<!tpu.dma_semaphore, #tpu.memory_space<semaphore_mem>>, %arg20: memref<!tpu.dma_semaphore, #tpu.memory_space<semaphore_mem>>, %arg21: memref<!tpu.dma_semaphore, #tpu.memory_space<semaphore_mem>>, %arg22: memref<!tpu.dma_semaphore, #tpu.memory_space<semaphore_mem>>, %arg23: memref<!tpu.dma_semaphore, #tpu.memory_space<semaphore_mem>>, %arg24: memref<!tpu.dma_semaphore, #tpu.memory_space<semaphore_mem>>, %arg25: memref<!tpu.dma_semaphore, #tpu.memory_space<semaphore_mem>>, %arg26: memref<!tpu.dma_semaphore, #tpu.memory_space<semaphore_mem>>) attributes {dimension_semantics = [#tpu.dimension_semantics<core_parallel>, #tpu.dimension_semantics<subcore_parallel>], iteration_bounds = array<i64: 2, 16>, scalar_prefetch = 0 : i64, scratch_operands = 22 : i64, tpu.core_type = #tpu.core_type<sc_vector_subcore>, window_params = [{transform_indices = #map}, {transform_indices = #map}, {transform_indices = #map1}]} {
    %mul3A = arith.constant 16 : i32
    %mul3A_0 = arith.muli %arg0, %mul3A : i32
    %add3A = arith.addi %mul3A_0, %arg1 : i32
    %scan3A = arith.constant 0 : i32
    %scan3A_1 = arith.constant 128 : i32
    %scan3A_2 = arith.addi %scan3A, %scan3A_1 : i32
    %scan3A_3 = arith.constant 1 : i32
    scf.for %scan3A_83 = %scan3A to %scan3A_2 step %scan3A_3  : i32 {
      %mul3A_84 = arith.constant 1 : i32
      %mul3A_85 = arith.muli %scan3A_83, %mul3A_84 : i32
      %add3A_86 = arith.constant 0 : i32
      %add3A_87 = arith.addi %add3A_86, %mul3A_85 : i32
      %scan3A_88 = arith.constant 0 : i32
      %scan3A_89 = arith.constant 2 : i32
      %scan3A_90 = arith.addi %scan3A_88, %scan3A_89 : i32
      %scan3A_91 = arith.constant 1 : i32
      scf.for %scan3A_93 = %scan3A_88 to %scan3A_90 step %scan3A_91  : i32 {
        %mul3A_94 = arith.constant 1 : i32
        %mul3A_95 = arith.muli %scan3A_93, %mul3A_94 : i32
        %add3A_96 = arith.constant 0 : i32
        %add3A_97 = arith.addi %add3A_96, %mul3A_95 : i32
        %broadcast_in_dim3A = arith.constant 0.000000e+00 : f32
        %broadcast_in_dim3A_98 = vector.broadcast %broadcast_in_dim3A : f32 to vector<16xf32>
        %mul3A_99 = arith.constant 16 : i32
        %mul3A_100 = arith.muli %add3A_97, %mul3A_99 : i32
        %swap3A = arith.index_cast %add3A_87 : i32 to index
        %swap3A_101 = arith.index_cast %mul3A_100 : i32 to index
        %swap3A_102 = tpu.vector_load %arg13[%swap3A, %swap3A_101] {strides = array<i32>} : memref<128x32xf32, #tpu.memory_space<vmem>>, vector<1x16xf32>,
        %swap3A_103 = vector.shape_cast %swap3A_102 : vector<1x16xf32> to vector<16xf32>
        %swap3A_104 = vector.shape_cast %broadcast_in_dim3A_98 : vector<16xf32> to vector<1x16xf32>
        tpu.vector_store %arg13[%swap3A, %swap3A_101], %swap3A_104 {strides = array<i32>} : memref<128x32xf32, #tpu.memory_space<vmem>>, vector<1x16xf32>,
      }
      %scan3A_92 = arith.constant 2 : i32
    }
    %scan3A_4 = arith.constant 128 : i32
    %scan3A_5 = arith.constant 0 : i32
    %scan3A_6 = arith.constant 5 : i32
    %scan3A_7 = arith.addi %scan3A_5, %scan3A_6 : i32
    %scan3A_8 = arith.constant 1 : i32
    scf.for %scan3A_83 = %scan3A_5 to %scan3A_7 step %scan3A_8  : i32 {
      %mul3A_84 = arith.constant 1 : i32
      %mul3A_85 = arith.muli %scan3A_83, %mul3A_84 : i32
      %add3A_86 = arith.constant 0 : i32
      %add3A_87 = arith.addi %add3A_86, %mul3A_85 : i32
      %mul3A_88 = arith.constant 640 : i32
      %mul3A_89 = arith.muli %arg1, %mul3A_88 : i32
      %mul3A_90 = arith.constant 128 : i32
      %mul3A_91 = arith.muli %add3A_87, %mul3A_90 : i32
      %add3A_92 = arith.addi %mul3A_89, %mul3A_91 : i32
      "tpu.region"() ({
        %run_scoped3A_93 = tpu.sem_alloc : memref<!tpu.dma_semaphore, #tpu.memory_space<semaphore_mem>>
        %dma_start3A_94 = arith.constant 0 : i32
        %dma_start3A_95 = tpu.memref_slice %arg14[%add3A_92, %dma_start3A_94] : memref<10240x32xf32, #tpu.memory_space<vmem_shared>> -> memref<128x32xf32, #tpu.memory_space<vmem_shared>>
        %dma_start3A_96 = arith.constant 0 : i32
        %dma_start3A_97 = tpu.memref_slice %arg14[%add3A_92, %dma_start3A_96] : memref<10240x32xf32, #tpu.memory_space<vmem_shared>> -> memref<128x32xf32, #tpu.memory_space<vmem_shared>>
        tpu.enqueue_dma source(%arg13 : memref<128x32xf32, #tpu.memory_space<vmem>>) target(%dma_start3A_97 : memref<128x32xf32, #tpu.memory_space<vmem_shared>>) target_semaphore(%run_scoped3A_93 : memref<!tpu.dma_semaphore, #tpu.memory_space<semaphore_mem>>)
        %dma_wait3A_98 = arith.constant 0 : i32
        %dma_wait3A_99 = tpu.memref_slice %arg14[%add3A_92, %dma_wait3A_98] : memref<10240x32xf32, #tpu.memory_space<vmem_shared>> -> memref<128x32xf32, #tpu.memory_space<vmem_shared>>
        %dma_wait3A_100 = arith.constant 0 : i32
        %dma_wait3A_101 = tpu.memref_slice %arg14[%add3A_92, %dma_wait3A_100] : memref<10240x32xf32, #tpu.memory_space<vmem_shared>> -> memref<128x32xf32, #tpu.memory_space<vmem_shared>>
        tpu.wait_dma2 semaphore(%run_scoped3A_93 : memref<!tpu.dma_semaphore, #tpu.memory_space<semaphore_mem>>) src(%arg13 : memref<128x32xf32, #tpu.memory_space<vmem>>) dst(%dma_wait3A_101 : memref<128x32xf32, #tpu.memory_space<vmem_shared>>)
        tpu.yield
      }) : () -> ()
    }
    %scan3A_9 = arith.constant 5 : i32
    %mul3A_10 = arith.constant 10000 : i32
    %mul3A_11 = arith.muli %add3A, %mul3A_10 : i32
    %run_scoped3A = arith.constant 0 : i32
    "tpu.region"() ({
      %run_scoped3A_83 = tpu.sem_alloc : memref<!tpu.dma_semaphore, #tpu.memory_space<semaphore_mem>>
      %dma_start3A_84 = tpu.memref_slice %arg2[%run_scoped3A, %mul3A_11] : memref<2x320000xi32, #tpu.memory_space<hbm>> -> memref<1x10000xi32, #tpu.memory_space<hbm>>
      %dma_start3A_85 = tpu.memref_squeeze %dma_start3A_84 : memref<1x10000xi32, #tpu.memory_space<hbm>> -> memref<10000xi32, #tpu.memory_space<hbm>>
      %dma_start3A_86 = tpu.memref_slice %arg2[%run_scoped3A, %mul3A_11] : memref<2x320000xi32, #tpu.memory_space<hbm>> -> memref<1x10000xi32, #tpu.memory_space<hbm>>
      %dma_start3A_87 = tpu.memref_squeeze %dma_start3A_86 : memref<1x10000xi32, #tpu.memory_space<hbm>> -> memref<10000xi32, #tpu.memory_space<hbm>>
      tpu.enqueue_dma source(%dma_start3A_87 : memref<10000xi32, #tpu.memory_space<hbm>>) target(%arg5 : memref<10000xi32, #tpu.memory_space<vmem>>) target_semaphore(%run_scoped3A_83 : memref<!tpu.dma_semaphore, #tpu.memory_space<semaphore_mem>>)
      %dma_wait3A_88 = tpu.memref_slice %arg2[%run_scoped3A, %mul3A_11] : memref<2x320000xi32, #tpu.memory_space<hbm>> -> memref<1x10000xi32, #tpu.memory_space<hbm>>
      %dma_wait3A_89 = tpu.memref_squeeze %dma_wait3A_88 : memref<1x10000xi32, #tpu.memory_space<hbm>> -> memref<10000xi32, #tpu.memory_space<hbm>>
      %dma_wait3A_90 = tpu.memref_slice %arg2[%run_scoped3A, %mul3A_11] : memref<2x320000xi32, #tpu.memory_space<hbm>> -> memref<1x10000xi32, #tpu.memory_space<hbm>>
      %dma_wait3A_91 = tpu.memref_squeeze %dma_wait3A_90 : memref<1x10000xi32, #tpu.memory_space<hbm>> -> memref<10000xi32, #tpu.memory_space<hbm>>
      tpu.wait_dma2 semaphore(%run_scoped3A_83 : memref<!tpu.dma_semaphore, #tpu.memory_space<semaphore_mem>>) src(%dma_wait3A_91 : memref<10000xi32, #tpu.memory_space<hbm>>) dst(%arg5 : memref<10000xi32, #tpu.memory_space<vmem>>)
      tpu.yield
    }) : () -> ()
    %mul3A_12 = arith.constant 10000 : i32
    %mul3A_13 = arith.muli %add3A, %mul3A_12 : i32
    %run_scoped3A_14 = arith.constant 1 : i32
    "tpu.region"() ({
      %run_scoped3A_83 = tpu.sem_alloc : memref<!tpu.dma_semaphore, #tpu.memory_space<semaphore_mem>>
      %dma_start3A_84 = tpu.memref_slice %arg2[%run_scoped3A_14, %mul3A_13] : memref<2x320000xi32, #tpu.memory_space<hbm>> -> memref<1x10000xi32, #tpu.memory_space<hbm>>
      %dma_start3A_85 = tpu.memref_squeeze %dma_start3A_84 : memref<1x10000xi32, #tpu.memory_space<hbm>> -> memref<10000xi32, #tpu.memory_space<hbm>>
      %dma_start3A_86 = tpu.memref_slice %arg2[%run_scoped3A_14, %mul3A_13] : memref<2x320000xi32, #tpu.memory_space<hbm>> -> memref<1x10000xi32, #tpu.memory_space<hbm>>
      %dma_start3A_87 = tpu.memref_squeeze %dma_start3A_86 : memref<1x10000xi32, #tpu.memory_space<hbm>> -> memref<10000xi32, #tpu.memory_space<hbm>>
      tpu.enqueue_dma source(%dma_start3A_87 : memref<10000xi32, #tpu.memory_space<hbm>>) target(%arg6 : memref<10000xi32, #tpu.memory_space<vmem>>) target_semaphore(%run_scoped3A_83 : memref<!tpu.dma_semaphore, #tpu.memory_space<semaphore_mem>>)
      %dma_wait3A_88 = tpu.memref_slice %arg2[%run_scoped3A_14, %mul3A_13] : memref<2x320000xi32, #tpu.memory_space<hbm>> -> memref<1x10000xi32, #tpu.memory_space<hbm>>
      %dma_wait3A_89 = tpu.memref_squeeze %dma_wait3A_88 : memref<1x10000xi32, #tpu.memory_space<hbm>> -> memref<10000xi32, #tpu.memory_space<hbm>>
      %dma_wait3A_90 = tpu.memref_slice %arg2[%run_scoped3A_14, %mul3A_13] : memref<2x320000xi32, #tpu.memory_space<hbm>> -> memref<1x10000xi32, #tpu.memory_space<hbm>>
      %dma_wait3A_91 = tpu.memref_squeeze %dma_wait3A_90 : memref<1x10000xi32, #tpu.memory_space<hbm>> -> memref<10000xi32, #tpu.memory_space<hbm>>
      tpu.wait_dma2 semaphore(%run_scoped3A_83 : memref<!tpu.dma_semaphore, #tpu.memory_space<semaphore_mem>>) src(%dma_wait3A_91 : memref<10000xi32, #tpu.memory_space<hbm>>) dst(%arg6 : memref<10000xi32, #tpu.memory_space<vmem>>)
      tpu.yield
    }) : () -> ()
    %barrier3A = arith.constant 0 : index
    tpu.barrier barrier_id(%barrier3A)
    %dma_start3A = arith.constant 0 : i32
    %dma_start3A_15 = tpu.memref_slice %arg5[%dma_start3A] : memref<10000xi32, #tpu.memory_space<vmem>> -> memref<128xi32, #tpu.memory_space<vmem>>
    %dma_start3A_16 = arith.constant 0 : i32
    %dma_start3A_17 = arith.constant 0 : i32
    %dma_start3A_18 = tpu.memref_slice %arg3[%dma_start3A_16, %dma_start3A_17] : memref<10000x32xf32, #tpu.memory_space<hbm>> -> memref<10000x32xf32, #tpu.memory_space<hbm>>
    tpu.enqueue_indirect_dma source(%dma_start3A_18 : memref<10000x32xf32, #tpu.memory_space<hbm>>) target(%arg7 : memref<128x32xf32, #tpu.memory_space<vmem>>) offsets(%dma_start3A_15 : memref<128xi32, #tpu.memory_space<vmem>>) semaphore(%arg15 : memref<!tpu.dma_semaphore, #tpu.memory_space<semaphore_mem>>)
    %dma_start3A_19 = arith.constant 128 : i32
    %dma_start3A_20 = tpu.memref_slice %arg5[%dma_start3A_19] : memref<10000xi32, #tpu.memory_space<vmem>> -> memref<128xi32, #tpu.memory_space<vmem>>
    %dma_start3A_21 = arith.constant 0 : i32
    %dma_start3A_22 = arith.constant 0 : i32
    %dma_start3A_23 = tpu.memref_slice %arg3[%dma_start3A_21, %dma_start3A_22] : memref<10000x32xf32, #tpu.memory_space<hbm>> -> memref<10000x32xf32, #tpu.memory_space<hbm>>
    tpu.enqueue_indirect_dma source(%dma_start3A_23 : memref<10000x32xf32, #tpu.memory_space<hbm>>) target(%arg8 : memref<128x32xf32, #tpu.memory_space<vmem>>) offsets(%dma_start3A_20 : memref<128xi32, #tpu.memory_space<vmem>>) semaphore(%arg16 : memref<!tpu.dma_semaphore, #tpu.memory_space<semaphore_mem>>)
    %dma_start3A_24 = arith.constant 256 : i32
    %dma_start3A_25 = tpu.memref_slice %arg5[%dma_start3A_24] : memref<10000xi32, #tpu.memory_space<vmem>> -> memref<128xi32, #tpu.memory_space<vmem>>
    %dma_start3A_26 = arith.constant 0 : i32
    %dma_start3A_27 = arith.constant 0 : i32
    %dma_start3A_28 = tpu.memref_slice %arg3[%dma_start3A_26, %dma_start3A_27] : memref<10000x32xf32, #tpu.memory_space<hbm>> -> memref<10000x32xf32, #tpu.memory_space<hbm>>
    tpu.enqueue_indirect_dma source(%dma_start3A_28 : memref<10000x32xf32, #tpu.memory_space<hbm>>) target(%arg9 : memref<128x32xf32, #tpu.memory_space<vmem>>) offsets(%dma_start3A_25 : memref<128xi32, #tpu.memory_space<vmem>>) semaphore(%arg17 : memref<!tpu.dma_semaphore, #tpu.memory_space<semaphore_mem>>)
    %dma_start3A_29 = arith.constant 384 : i32
    %dma_start3A_30 = tpu.memref_slice %arg5[%dma_start3A_29] : memref<10000xi32, #tpu.memory_space<vmem>> -> memref<128xi32, #tpu.memory_space<vmem>>
    %dma_start3A_31 = arith.constant 0 : i32
    %dma_start3A_32 = arith.constant 0 : i32
    %dma_start3A_33 = tpu.memref_slice %arg3[%dma_start3A_31, %dma_start3A_32] : memref<10000x32xf32, #tpu.memory_space<hbm>> -> memref<10000x32xf32, #tpu.memory_space<hbm>>
    tpu.enqueue_indirect_dma source(%dma_start3A_33 : memref<10000x32xf32, #tpu.memory_space<hbm>>) target(%arg10 : memref<128x32xf32, #tpu.memory_space<vmem>>) offsets(%dma_start3A_30 : memref<128xi32, #tpu.memory_space<vmem>>) semaphore(%arg18 : memref<!tpu.dma_semaphore, #tpu.memory_space<semaphore_mem>>)
    %dma_start3A_34 = arith.constant 512 : i32
    %dma_start3A_35 = tpu.memref_slice %arg5[%dma_start3A_34] : memref<10000xi32, #tpu.memory_space<vmem>> -> memref<128xi32, #tpu.memory_space<vmem>>
    %dma_start3A_36 = arith.constant 0 : i32
    %dma_start3A_37 = arith.constant 0 : i32
    %dma_start3A_38 = tpu.memref_slice %arg3[%dma_start3A_36, %dma_start3A_37] : memref<10000x32xf32, #tpu.memory_space<hbm>> -> memref<10000x32xf32, #tpu.memory_space<hbm>>
    tpu.enqueue_indirect_dma source(%dma_start3A_38 : memref<10000x32xf32, #tpu.memory_space<hbm>>) target(%arg11 : memref<128x32xf32, #tpu.memory_space<vmem>>) offsets(%dma_start3A_35 : memref<128xi32, #tpu.memory_space<vmem>>) semaphore(%arg19 : memref<!tpu.dma_semaphore, #tpu.memory_space<semaphore_mem>>)
    %dma_start3A_39 = arith.constant 640 : i32
    %dma_start3A_40 = tpu.memref_slice %arg5[%dma_start3A_39] : memref<10000xi32, #tpu.memory_space<vmem>> -> memref<128xi32, #tpu.memory_space<vmem>>
    %dma_start3A_41 = arith.constant 0 : i32
    %dma_start3A_42 = arith.constant 0 : i32
    %dma_start3A_43 = tpu.memref_slice %arg3[%dma_start3A_41, %dma_start3A_42] : memref<10000x32xf32, #tpu.memory_space<hbm>> -> memref<10000x32xf32, #tpu.memory_space<hbm>>
    tpu.enqueue_indirect_dma source(%dma_start3A_43 : memref<10000x32xf32, #tpu.memory_space<hbm>>) target(%arg12 : memref<128x32xf32, #tpu.memory_space<vmem>>) offsets(%dma_start3A_40 : memref<128xi32, #tpu.memory_space<vmem>>) semaphore(%arg20 : memref<!tpu.dma_semaphore, #tpu.memory_space<semaphore_mem>>)
    %scan3A_44 = arith.constant 0 : i32
    %scan3A_45 = arith.constant 13 : i32
    %scan3A_46 = arith.addi %scan3A_44, %scan3A_45 : i32
    %scan3A_47 = arith.constant 1 : i32
    scf.for %scan3A_83 = %scan3A_44 to %scan3A_46 step %scan3A_47  : i32 {
      %mul3A_84 = arith.constant 6 : i32
      %mul3A_85 = arith.muli %scan3A_83, %mul3A_84 : i32
      %add3A_86 = arith.constant 0 : i32
      %add3A_87 = arith.addi %add3A_86, %mul3A_85 : i32
      %dma_wait3A_88 = arith.constant 0 : i32
      %dma_wait3A_89 = tpu.memref_slice %arg5[%dma_wait3A_88] : memref<10000xi32, #tpu.memory_space<vmem>> -> memref<128xi32, #tpu.memory_space<vmem>>
      %dma_wait3A_90 = arith.constant 0 : i32
      %dma_wait3A_91 = arith.constant 0 : i32
      %dma_wait3A_92 = tpu.memref_slice %arg3[%dma_wait3A_90, %dma_wait3A_91] : memref<10000x32xf32, #tpu.memory_space<hbm>> -> memref<10000x32xf32, #tpu.memory_space<hbm>>
      tpu.wait_indirect_dma semaphore(%arg15 : memref<!tpu.dma_semaphore, #tpu.memory_space<semaphore_mem>>) src(%dma_wait3A_92 : memref<10000x32xf32, #tpu.memory_space<hbm>>) dst(%arg7 : memref<128x32xf32, #tpu.memory_space<vmem>>)
      %add3A_93 = arith.constant 0 : i32
      %add3A_94 = arith.addi %add3A_87, %add3A_93 : i32
      %mul3A_95 = arith.constant 128 : i32
      %mul3A_96 = arith.muli %add3A_94, %mul3A_95 : i32
      %dma_start3A_97 = tpu.memref_slice %arg6[%mul3A_96] : memref<10000xi32, #tpu.memory_space<vmem>> -> memref<128xi32, #tpu.memory_space<vmem>>
      %dma_start3A_98 = arith.constant 0 : i32
      %dma_start3A_99 = arith.constant 0 : i32
      %dma_start3A_100 = tpu.memref_slice %arg14[%dma_start3A_98, %dma_start3A_99] : memref<10240x32xf32, #tpu.memory_space<vmem_shared>> -> memref<10240x32xf32, #tpu.memory_space<vmem_shared>>
      tpu.enqueue_indirect_dma source(%arg7 : memref<128x32xf32, #tpu.memory_space<vmem>>) target(%dma_start3A_100 : memref<10240x32xf32, #tpu.memory_space<vmem_shared>>) offsets(%dma_start3A_97 : memref<128xi32, #tpu.memory_space<vmem>>) semaphore(%arg21 : memref<!tpu.dma_semaphore, #tpu.memory_space<semaphore_mem>>) {add = true}
      %dma_wait3A_101 = arith.constant 0 : i32
      %dma_wait3A_102 = tpu.memref_slice %arg5[%dma_wait3A_101] : memref<10000xi32, #tpu.memory_space<vmem>> -> memref<128xi32, #tpu.memory_space<vmem>>
      %dma_wait3A_103 = arith.constant 0 : i32
      %dma_wait3A_104 = arith.constant 0 : i32
      %dma_wait3A_105 = tpu.memref_slice %arg3[%dma_wait3A_103, %dma_wait3A_104] : memref<10000x32xf32, #tpu.memory_space<hbm>> -> memref<10000x32xf32, #tpu.memory_space<hbm>>
      tpu.wait_indirect_dma semaphore(%arg16 : memref<!tpu.dma_semaphore, #tpu.memory_space<semaphore_mem>>) src(%dma_wait3A_105 : memref<10000x32xf32, #tpu.memory_space<hbm>>) dst(%arg8 : memref<128x32xf32, #tpu.memory_space<vmem>>)
      %add3A_106 = arith.constant 1 : i32
      %add3A_107 = arith.addi %add3A_87, %add3A_106 : i32
      %mul3A_108 = arith.constant 128 : i32
      %mul3A_109 = arith.muli %add3A_107, %mul3A_108 : i32
      %dma_start3A_110 = tpu.memref_slice %arg6[%mul3A_109] : memref<10000xi32, #tpu.memory_space<vmem>> -> memref<128xi32, #tpu.memory_space<vmem>>
      %dma_start3A_111 = arith.constant 0 : i32
      %dma_start3A_112 = arith.constant 0 : i32
      %dma_start3A_113 = tpu.memref_slice %arg14[%dma_start3A_111, %dma_start3A_112] : memref<10240x32xf32, #tpu.memory_space<vmem_shared>> -> memref<10240x32xf32, #tpu.memory_space<vmem_shared>>
      tpu.enqueue_indirect_dma source(%arg8 : memref<128x32xf32, #tpu.memory_space<vmem>>) target(%dma_start3A_113 : memref<10240x32xf32, #tpu.memory_space<vmem_shared>>) offsets(%dma_start3A_110 : memref<128xi32, #tpu.memory_space<vmem>>) semaphore(%arg22 : memref<!tpu.dma_semaphore, #tpu.memory_space<semaphore_mem>>) {add = true}
      %dma_wait3A_114 = arith.constant 0 : i32
      %dma_wait3A_115 = tpu.memref_slice %arg5[%dma_wait3A_114] : memref<10000xi32, #tpu.memory_space<vmem>> -> memref<128xi32, #tpu.memory_space<vmem>>
      %dma_wait3A_116 = arith.constant 0 : i32
      %dma_wait3A_117 = arith.constant 0 : i32
      %dma_wait3A_118 = tpu.memref_slice %arg3[%dma_wait3A_116, %dma_wait3A_117] : memref<10000x32xf32, #tpu.memory_space<hbm>> -> memref<10000x32xf32, #tpu.memory_space<hbm>>
      tpu.wait_indirect_dma semaphore(%arg17 : memref<!tpu.dma_semaphore, #tpu.memory_space<semaphore_mem>>) src(%dma_wait3A_118 : memref<10000x32xf32, #tpu.memory_space<hbm>>) dst(%arg9 : memref<128x32xf32, #tpu.memory_space<vmem>>)
      %add3A_119 = arith.constant 2 : i32
      %add3A_120 = arith.addi %add3A_87, %add3A_119 : i32
      %mul3A_121 = arith.constant 128 : i32
      %mul3A_122 = arith.muli %add3A_120, %mul3A_121 : i32
      %dma_start3A_123 = tpu.memref_slice %arg6[%mul3A_122] : memref<10000xi32, #tpu.memory_space<vmem>> -> memref<128xi32, #tpu.memory_space<vmem>>
      %dma_start3A_124 = arith.constant 0 : i32
      %dma_start3A_125 = arith.constant 0 : i32
      %dma_start3A_126 = tpu.memref_slice %arg14[%dma_start3A_124, %dma_start3A_125] : memref<10240x32xf32, #tpu.memory_space<vmem_shared>> -> memref<10240x32xf32, #tpu.memory_space<vmem_shared>>
      tpu.enqueue_indirect_dma source(%arg9 : memref<128x32xf32, #tpu.memory_space<vmem>>) target(%dma_start3A_126 : memref<10240x32xf32, #tpu.memory_space<vmem_shared>>) offsets(%dma_start3A_123 : memref<128xi32, #tpu.memory_space<vmem>>) semaphore(%arg23 : memref<!tpu.dma_semaphore, #tpu.memory_space<semaphore_mem>>) {add = true}
      %dma_wait3A_127 = arith.constant 0 : i32
      %dma_wait3A_128 = tpu.memref_slice %arg5[%dma_wait3A_127] : memref<10000xi32, #tpu.memory_space<vmem>> -> memref<128xi32, #tpu.memory_space<vmem>>
      %dma_wait3A_129 = arith.constant 0 : i32
      %dma_wait3A_130 = arith.constant 0 : i32
      %dma_wait3A_131 = tpu.memref_slice %arg3[%dma_wait3A_129, %dma_wait3A_130] : memref<10000x32xf32, #tpu.memory_space<hbm>> -> memref<10000x32xf32, #tpu.memory_space<hbm>>
      tpu.wait_indirect_dma semaphore(%arg18 : memref<!tpu.dma_semaphore, #tpu.memory_space<semaphore_mem>>) src(%dma_wait3A_131 : memref<10000x32xf32, #tpu.memory_space<hbm>>) dst(%arg10 : memref<128x32xf32, #tpu.memory_space<vmem>>)
      %add3A_132 = arith.constant 3 : i32
      %add3A_133 = arith.addi %add3A_87, %add3A_132 : i32
      %mul3A_134 = arith.constant 128 : i32
      %mul3A_135 = arith.muli %add3A_133, %mul3A_134 : i32
      %dma_start3A_136 = tpu.memref_slice %arg6[%mul3A_135] : memref<10000xi32, #tpu.memory_space<vmem>> -> memref<128xi32, #tpu.memory_space<vmem>>
      %dma_start3A_137 = arith.constant 0 : i32
      %dma_start3A_138 = arith.constant 0 : i32
      %dma_start3A_139 = tpu.memref_slice %arg14[%dma_start3A_137, %dma_start3A_138] : memref<10240x32xf32, #tpu.memory_space<vmem_shared>> -> memref<10240x32xf32, #tpu.memory_space<vmem_shared>>
      tpu.enqueue_indirect_dma source(%arg10 : memref<128x32xf32, #tpu.memory_space<vmem>>) target(%dma_start3A_139 : memref<10240x32xf32, #tpu.memory_space<vmem_shared>>) offsets(%dma_start3A_136 : memref<128xi32, #tpu.memory_space<vmem>>) semaphore(%arg24 : memref<!tpu.dma_semaphore, #tpu.memory_space<semaphore_mem>>) {add = true}
      %dma_wait3A_140 = arith.constant 0 : i32
      %dma_wait3A_141 = tpu.memref_slice %arg5[%dma_wait3A_140] : memref<10000xi32, #tpu.memory_space<vmem>> -> memref<128xi32, #tpu.memory_space<vmem>>
      %dma_wait3A_142 = arith.constant 0 : i32
      %dma_wait3A_143 = arith.constant 0 : i32
      %dma_wait3A_144 = tpu.memref_slice %arg3[%dma_wait3A_142, %dma_wait3A_143] : memref<10000x32xf32, #tpu.memory_space<hbm>> -> memref<10000x32xf32, #tpu.memory_space<hbm>>
      tpu.wait_indirect_dma semaphore(%arg19 : memref<!tpu.dma_semaphore, #tpu.memory_space<semaphore_mem>>) src(%dma_wait3A_144 : memref<10000x32xf32, #tpu.memory_space<hbm>>) dst(%arg11 : memref<128x32xf32, #tpu.memory_space<vmem>>)
      %add3A_145 = arith.constant 4 : i32
      %add3A_146 = arith.addi %add3A_87, %add3A_145 : i32
      %mul3A_147 = arith.constant 128 : i32
      %mul3A_148 = arith.muli %add3A_146, %mul3A_147 : i32
      %dma_start3A_149 = tpu.memref_slice %arg6[%mul3A_148] : memref<10000xi32, #tpu.memory_space<vmem>> -> memref<128xi32, #tpu.memory_space<vmem>>
      %dma_start3A_150 = arith.constant 0 : i32
      %dma_start3A_151 = arith.constant 0 : i32
      %dma_start3A_152 = tpu.memref_slice %arg14[%dma_start3A_150, %dma_start3A_151] : memref<10240x32xf32, #tpu.memory_space<vmem_shared>> -> memref<10240x32xf32, #tpu.memory_space<vmem_shared>>
      tpu.enqueue_indirect_dma source(%arg11 : memref<128x32xf32, #tpu.memory_space<vmem>>) target(%dma_start3A_152 : memref<10240x32xf32, #tpu.memory_space<vmem_shared>>) offsets(%dma_start3A_149 : memref<128xi32, #tpu.memory_space<vmem>>) semaphore(%arg25 : memref<!tpu.dma_semaphore, #tpu.memory_space<semaphore_mem>>) {add = true}
      %dma_wait3A_153 = arith.constant 0 : i32
      %dma_wait3A_154 = tpu.memref_slice %arg5[%dma_wait3A_153] : memref<10000xi32, #tpu.memory_space<vmem>> -> memref<128xi32, #tpu.memory_space<vmem>>
      %dma_wait3A_155 = arith.constant 0 : i32
      %dma_wait3A_156 = arith.constant 0 : i32
      %dma_wait3A_157 = tpu.memref_slice %arg3[%dma_wait3A_155, %dma_wait3A_156] : memref<10000x32xf32, #tpu.memory_space<hbm>> -> memref<10000x32xf32, #tpu.memory_space<hbm>>
      tpu.wait_indirect_dma semaphore(%arg20 : memref<!tpu.dma_semaphore, #tpu.memory_space<semaphore_mem>>) src(%dma_wait3A_157 : memref<10000x32xf32, #tpu.memory_space<hbm>>) dst(%arg12 : memref<128x32xf32, #tpu.memory_space<vmem>>)
      %add3A_158 = arith.constant 5 : i32
      %add3A_159 = arith.addi %add3A_87, %add3A_158 : i32
      %mul3A_160 = arith.constant 128 : i32
      %mul3A_161 = arith.muli %add3A_159, %mul3A_160 : i32
      %dma_start3A_162 = tpu.memref_slice %arg6[%mul3A_161] : memref<10000xi32, #tpu.memory_space<vmem>> -> memref<128xi32, #tpu.memory_space<vmem>>
      %dma_start3A_163 = arith.constant 0 : i32
      %dma_start3A_164 = arith.constant 0 : i32
      %dma_start3A_165 = tpu.memref_slice %arg14[%dma_start3A_163, %dma_start3A_164] : memref<10240x32xf32, #tpu.memory_space<vmem_shared>> -> memref<10240x32xf32, #tpu.memory_space<vmem_shared>>
      tpu.enqueue_indirect_dma source(%arg12 : memref<128x32xf32, #tpu.memory_space<vmem>>) target(%dma_start3A_165 : memref<10240x32xf32, #tpu.memory_space<vmem_shared>>) offsets(%dma_start3A_162 : memref<128xi32, #tpu.memory_space<vmem>>) semaphore(%arg26 : memref<!tpu.dma_semaphore, #tpu.memory_space<semaphore_mem>>) {add = true}
      %add3A_166 = arith.constant 0 : i32
      %add3A_167 = arith.addi %add3A_87, %add3A_166 : i32
      %add3A_168 = arith.constant 6 : i32
      %add3A_169 = arith.addi %add3A_167, %add3A_168 : i32
      %lt3A = arith.constant 78 : i32
      %lt3A_170 = arith.cmpi slt, %add3A_169, %lt3A : i32
      %convert_element_type3A = arith.extui %lt3A_170 : i1 to i32
      %cond3A = arith.constant 0 : i32
      %cond3A_171 = arith.cmpi ne, %convert_element_type3A, %cond3A : i32
      scf.if %cond3A_171 {
        %dma_wait3A_217 = arith.constant 0 : i32
        %dma_wait3A_218 = tpu.memref_slice %arg6[%dma_wait3A_217] : memref<10000xi32, #tpu.memory_space<vmem>> -> memref<128xi32, #tpu.memory_space<vmem>>
        %dma_wait3A_219 = arith.constant 0 : i32
        %dma_wait3A_220 = arith.constant 0 : i32
        %dma_wait3A_221 = tpu.memref_slice %arg14[%dma_wait3A_219, %dma_wait3A_220] : memref<10240x32xf32, #tpu.memory_space<vmem_shared>> -> memref<10240x32xf32, #tpu.memory_space<vmem_shared>>
        tpu.wait_indirect_dma semaphore(%arg21 : memref<!tpu.dma_semaphore, #tpu.memory_space<semaphore_mem>>) src(%arg7 : memref<128x32xf32, #tpu.memory_space<vmem>>) dst(%dma_wait3A_221 : memref<10240x32xf32, #tpu.memory_space<vmem_shared>>)
        %add3A_222 = arith.constant 0 : i32
        %add3A_223 = arith.addi %add3A_87, %add3A_222 : i32
        %add3A_224 = arith.constant 6 : i32
        %add3A_225 = arith.addi %add3A_223, %add3A_224 : i32
        %mul3A_226 = arith.constant 128 : i32
        %mul3A_227 = arith.muli %add3A_225, %mul3A_226 : i32
        %dma_start3A_228 = tpu.memref_slice %arg5[%mul3A_227] : memref<10000xi32, #tpu.memory_space<vmem>> -> memref<128xi32, #tpu.memory_space<vmem>>
        %dma_start3A_229 = arith.constant 0 : i32
        %dma_start3A_230 = arith.constant 0 : i32
        %dma_start3A_231 = tpu.memref_slice %arg3[%dma_start3A_229, %dma_start3A_230] : memref<10000x32xf32, #tpu.memory_space<hbm>> -> memref<10000x32xf32, #tpu.memory_space<hbm>>
        tpu.enqueue_indirect_dma source(%dma_start3A_231 : memref<10000x32xf32, #tpu.memory_space<hbm>>) target(%arg7 : memref<128x32xf32, #tpu.memory_space<vmem>>) offsets(%dma_start3A_228 : memref<128xi32, #tpu.memory_space<vmem>>) semaphore(%arg15 : memref<!tpu.dma_semaphore, #tpu.memory_space<semaphore_mem>>)
      } else {
      }
      %add3A_172 = arith.constant 1 : i32
      %add3A_173 = arith.addi %add3A_87, %add3A_172 : i32
      %add3A_174 = arith.constant 6 : i32
      %add3A_175 = arith.addi %add3A_173, %add3A_174 : i32
      %lt3A_176 = arith.constant 78 : i32
      %lt3A_177 = arith.cmpi slt, %add3A_175, %lt3A_176 : i32
      %convert_element_type3A_178 = arith.extui %lt3A_177 : i1 to i32
      %cond3A_179 = arith.constant 0 : i32
      %cond3A_180 = arith.cmpi ne, %convert_element_type3A_178, %cond3A_179 : i32
      scf.if %cond3A_180 {
        %dma_wait3A_217 = arith.constant 0 : i32
        %dma_wait3A_218 = tpu.memref_slice %arg6[%dma_wait3A_217] : memref<10000xi32, #tpu.memory_space<vmem>> -> memref<128xi32, #tpu.memory_space<vmem>>
        %dma_wait3A_219 = arith.constant 0 : i32
        %dma_wait3A_220 = arith.constant 0 : i32
        %dma_wait3A_221 = tpu.memref_slice %arg14[%dma_wait3A_219, %dma_wait3A_220] : memref<10240x32xf32, #tpu.memory_space<vmem_shared>> -> memref<10240x32xf32, #tpu.memory_space<vmem_shared>>
        tpu.wait_indirect_dma semaphore(%arg22 : memref<!tpu.dma_semaphore, #tpu.memory_space<semaphore_mem>>) src(%arg8 : memref<128x32xf32, #tpu.memory_space<vmem>>) dst(%dma_wait3A_221 : memref<10240x32xf32, #tpu.memory_space<vmem_shared>>)
        %add3A_222 = arith.constant 1 : i32
        %add3A_223 = arith.addi %add3A_87, %add3A_222 : i32
        %add3A_224 = arith.constant 6 : i32
        %add3A_225 = arith.addi %add3A_223, %add3A_224 : i32
        %mul3A_226 = arith.constant 128 : i32
        %mul3A_227 = arith.muli %add3A_225, %mul3A_226 : i32
        %dma_start3A_228 = tpu.memref_slice %arg5[%mul3A_227] : memref<10000xi32, #tpu.memory_space<vmem>> -> memref<128xi32, #tpu.memory_space<vmem>>
        %dma_start3A_229 = arith.constant 0 : i32
        %dma_start3A_230 = arith.constant 0 : i32
        %dma_start3A_231 = tpu.memref_slice %arg3[%dma_start3A_229, %dma_start3A_230] : memref<10000x32xf32, #tpu.memory_space<hbm>> -> memref<10000x32xf32, #tpu.memory_space<hbm>>
        tpu.enqueue_indirect_dma source(%dma_start3A_231 : memref<10000x32xf32, #tpu.memory_space<hbm>>) target(%arg8 : memref<128x32xf32, #tpu.memory_space<vmem>>) offsets(%dma_start3A_228 : memref<128xi32, #tpu.memory_space<vmem>>) semaphore(%arg16 : memref<!tpu.dma_semaphore, #tpu.memory_space<semaphore_mem>>)
      } else {
      }
      %add3A_181 = arith.constant 2 : i32
      %add3A_182 = arith.addi %add3A_87, %add3A_181 : i32
      %add3A_183 = arith.constant 6 : i32
      %add3A_184 = arith.addi %add3A_182, %add3A_183 : i32
      %lt3A_185 = arith.constant 78 : i32
      %lt3A_186 = arith.cmpi slt, %add3A_184, %lt3A_185 : i32
      %convert_element_type3A_187 = arith.extui %lt3A_186 : i1 to i32
      %cond3A_188 = arith.constant 0 : i32
      %cond3A_189 = arith.cmpi ne, %convert_element_type3A_187, %cond3A_188 : i32
      scf.if %cond3A_189 {
        %dma_wait3A_217 = arith.constant 0 : i32
        %dma_wait3A_218 = tpu.memref_slice %arg6[%dma_wait3A_217] : memref<10000xi32, #tpu.memory_space<vmem>> -> memref<128xi32, #tpu.memory_space<vmem>>
        %dma_wait3A_219 = arith.constant 0 : i32
        %dma_wait3A_220 = arith.constant 0 : i32
        %dma_wait3A_221 = tpu.memref_slice %arg14[%dma_wait3A_219, %dma_wait3A_220] : memref<10240x32xf32, #tpu.memory_space<vmem_shared>> -> memref<10240x32xf32, #tpu.memory_space<vmem_shared>>
        tpu.wait_indirect_dma semaphore(%arg23 : memref<!tpu.dma_semaphore, #tpu.memory_space<semaphore_mem>>) src(%arg9 : memref<128x32xf32, #tpu.memory_space<vmem>>) dst(%dma_wait3A_221 : memref<10240x32xf32, #tpu.memory_space<vmem_shared>>)
        %add3A_222 = arith.constant 2 : i32
        %add3A_223 = arith.addi %add3A_87, %add3A_222 : i32
        %add3A_224 = arith.constant 6 : i32
        %add3A_225 = arith.addi %add3A_223, %add3A_224 : i32
        %mul3A_226 = arith.constant 128 : i32
        %mul3A_227 = arith.muli %add3A_225, %mul3A_226 : i32
        %dma_start3A_228 = tpu.memref_slice %arg5[%mul3A_227] : memref<10000xi32, #tpu.memory_space<vmem>> -> memref<128xi32, #tpu.memory_space<vmem>>
        %dma_start3A_229 = arith.constant 0 : i32
        %dma_start3A_230 = arith.constant 0 : i32
        %dma_start3A_231 = tpu.memref_slice %arg3[%dma_start3A_229, %dma_start3A_230] : memref<10000x32xf32, #tpu.memory_space<hbm>> -> memref<10000x32xf32, #tpu.memory_space<hbm>>
        tpu.enqueue_indirect_dma source(%dma_start3A_231 : memref<10000x32xf32, #tpu.memory_space<hbm>>) target(%arg9 : memref<128x32xf32, #tpu.memory_space<vmem>>) offsets(%dma_start3A_228 : memref<128xi32, #tpu.memory_space<vmem>>) semaphore(%arg17 : memref<!tpu.dma_semaphore, #tpu.memory_space<semaphore_mem>>)
      } else {
      }
      %add3A_190 = arith.constant 3 : i32
      %add3A_191 = arith.addi %add3A_87, %add3A_190 : i32
      %add3A_192 = arith.constant 6 : i32
      %add3A_193 = arith.addi %add3A_191, %add3A_192 : i32
      %lt3A_194 = arith.constant 78 : i32
      %lt3A_195 = arith.cmpi slt, %add3A_193, %lt3A_194 : i32
      %convert_element_type3A_196 = arith.extui %lt3A_195 : i1 to i32
      %cond3A_197 = arith.constant 0 : i32
      %cond3A_198 = arith.cmpi ne, %convert_element_type3A_196, %cond3A_197 : i32
      scf.if %cond3A_198 {
        %dma_wait3A_217 = arith.constant 0 : i32
        %dma_wait3A_218 = tpu.memref_slice %arg6[%dma_wait3A_217] : memref<10000xi32, #tpu.memory_space<vmem>> -> memref<128xi32, #tpu.memory_space<vmem>>
        %dma_wait3A_219 = arith.constant 0 : i32
        %dma_wait3A_220 = arith.constant 0 : i32
        %dma_wait3A_221 = tpu.memref_slice %arg14[%dma_wait3A_219, %dma_wait3A_220] : memref<10240x32xf32, #tpu.memory_space<vmem_shared>> -> memref<10240x32xf32, #tpu.memory_space<vmem_shared>>
        tpu.wait_indirect_dma semaphore(%arg24 : memref<!tpu.dma_semaphore, #tpu.memory_space<semaphore_mem>>) src(%arg10 : memref<128x32xf32, #tpu.memory_space<vmem>>) dst(%dma_wait3A_221 : memref<10240x32xf32, #tpu.memory_space<vmem_shared>>)
        %add3A_222 = arith.constant 3 : i32
        %add3A_223 = arith.addi %add3A_87, %add3A_222 : i32
        %add3A_224 = arith.constant 6 : i32
        %add3A_225 = arith.addi %add3A_223, %add3A_224 : i32
        %mul3A_226 = arith.constant 128 : i32
        %mul3A_227 = arith.muli %add3A_225, %mul3A_226 : i32
        %dma_start3A_228 = tpu.memref_slice %arg5[%mul3A_227] : memref<10000xi32, #tpu.memory_space<vmem>> -> memref<128xi32, #tpu.memory_space<vmem>>
        %dma_start3A_229 = arith.constant 0 : i32
        %dma_start3A_230 = arith.constant 0 : i32
        %dma_start3A_231 = tpu.memref_slice %arg3[%dma_start3A_229, %dma_start3A_230] : memref<10000x32xf32, #tpu.memory_space<hbm>> -> memref<10000x32xf32, #tpu.memory_space<hbm>>
        tpu.enqueue_indirect_dma source(%dma_start3A_231 : memref<10000x32xf32, #tpu.memory_space<hbm>>) target(%arg10 : memref<128x32xf32, #tpu.memory_space<vmem>>) offsets(%dma_start3A_228 : memref<128xi32, #tpu.memory_space<vmem>>) semaphore(%arg18 : memref<!tpu.dma_semaphore, #tpu.memory_space<semaphore_mem>>)
      } else {
      }
      %add3A_199 = arith.constant 4 : i32
      %add3A_200 = arith.addi %add3A_87, %add3A_199 : i32
      %add3A_201 = arith.constant 6 : i32
      %add3A_202 = arith.addi %add3A_200, %add3A_201 : i32
      %lt3A_203 = arith.constant 78 : i32
      %lt3A_204 = arith.cmpi slt, %add3A_202, %lt3A_203 : i32
      %convert_element_type3A_205 = arith.extui %lt3A_204 : i1 to i32
      %cond3A_206 = arith.constant 0 : i32
      %cond3A_207 = arith.cmpi ne, %convert_element_type3A_205, %cond3A_206 : i32
      scf.if %cond3A_207 {
        %dma_wait3A_217 = arith.constant 0 : i32
        %dma_wait3A_218 = tpu.memref_slice %arg6[%dma_wait3A_217] : memref<10000xi32, #tpu.memory_space<vmem>> -> memref<128xi32, #tpu.memory_space<vmem>>
        %dma_wait3A_219 = arith.constant 0 : i32
        %dma_wait3A_220 = arith.constant 0 : i32
        %dma_wait3A_221 = tpu.memref_slice %arg14[%dma_wait3A_219, %dma_wait3A_220] : memref<10240x32xf32, #tpu.memory_space<vmem_shared>> -> memref<10240x32xf32, #tpu.memory_space<vmem_shared>>
        tpu.wait_indirect_dma semaphore(%arg25 : memref<!tpu.dma_semaphore, #tpu.memory_space<semaphore_mem>>) src(%arg11 : memref<128x32xf32, #tpu.memory_space<vmem>>) dst(%dma_wait3A_221 : memref<10240x32xf32, #tpu.memory_space<vmem_shared>>)
        %add3A_222 = arith.constant 4 : i32
        %add3A_223 = arith.addi %add3A_87, %add3A_222 : i32
        %add3A_224 = arith.constant 6 : i32
        %add3A_225 = arith.addi %add3A_223, %add3A_224 : i32
        %mul3A_226 = arith.constant 128 : i32
        %mul3A_227 = arith.muli %add3A_225, %mul3A_226 : i32
        %dma_start3A_228 = tpu.memref_slice %arg5[%mul3A_227] : memref<10000xi32, #tpu.memory_space<vmem>> -> memref<128xi32, #tpu.memory_space<vmem>>
        %dma_start3A_229 = arith.constant 0 : i32
        %dma_start3A_230 = arith.constant 0 : i32
        %dma_start3A_231 = tpu.memref_slice %arg3[%dma_start3A_229, %dma_start3A_230] : memref<10000x32xf32, #tpu.memory_space<hbm>> -> memref<10000x32xf32, #tpu.memory_space<hbm>>
        tpu.enqueue_indirect_dma source(%dma_start3A_231 : memref<10000x32xf32, #tpu.memory_space<hbm>>) target(%arg11 : memref<128x32xf32, #tpu.memory_space<vmem>>) offsets(%dma_start3A_228 : memref<128xi32, #tpu.memory_space<vmem>>) semaphore(%arg19 : memref<!tpu.dma_semaphore, #tpu.memory_space<semaphore_mem>>)
      } else {
      }
      %add3A_208 = arith.constant 5 : i32
      %add3A_209 = arith.addi %add3A_87, %add3A_208 : i32
      %add3A_210 = arith.constant 6 : i32
      %add3A_211 = arith.addi %add3A_209, %add3A_210 : i32
      %lt3A_212 = arith.constant 78 : i32
      %lt3A_213 = arith.cmpi slt, %add3A_211, %lt3A_212 : i32
      %convert_element_type3A_214 = arith.extui %lt3A_213 : i1 to i32
      %cond3A_215 = arith.constant 0 : i32
      %cond3A_216 = arith.cmpi ne, %convert_element_type3A_214, %cond3A_215 : i32
      scf.if %cond3A_216 {
        %dma_wait3A_217 = arith.constant 0 : i32
        %dma_wait3A_218 = tpu.memref_slice %arg6[%dma_wait3A_217] : memref<10000xi32, #tpu.memory_space<vmem>> -> memref<128xi32, #tpu.memory_space<vmem>>
        %dma_wait3A_219 = arith.constant 0 : i32
        %dma_wait3A_220 = arith.constant 0 : i32
        %dma_wait3A_221 = tpu.memref_slice %arg14[%dma_wait3A_219, %dma_wait3A_220] : memref<10240x32xf32, #tpu.memory_space<vmem_shared>> -> memref<10240x32xf32, #tpu.memory_space<vmem_shared>>
        tpu.wait_indirect_dma semaphore(%arg26 : memref<!tpu.dma_semaphore, #tpu.memory_space<semaphore_mem>>) src(%arg12 : memref<128x32xf32, #tpu.memory_space<vmem>>) dst(%dma_wait3A_221 : memref<10240x32xf32, #tpu.memory_space<vmem_shared>>)
        %add3A_222 = arith.constant 5 : i32
        %add3A_223 = arith.addi %add3A_87, %add3A_222 : i32
        %add3A_224 = arith.constant 6 : i32
        %add3A_225 = arith.addi %add3A_223, %add3A_224 : i32
        %mul3A_226 = arith.constant 128 : i32
        %mul3A_227 = arith.muli %add3A_225, %mul3A_226 : i32
        %dma_start3A_228 = tpu.memref_slice %arg5[%mul3A_227] : memref<10000xi32, #tpu.memory_space<vmem>> -> memref<128xi32, #tpu.memory_space<vmem>>
        %dma_start3A_229 = arith.constant 0 : i32
        %dma_start3A_230 = arith.constant 0 : i32
        %dma_start3A_231 = tpu.memref_slice %arg3[%dma_start3A_229, %dma_start3A_230] : memref<10000x32xf32, #tpu.memory_space<hbm>> -> memref<10000x32xf32, #tpu.memory_space<hbm>>
        tpu.enqueue_indirect_dma source(%dma_start3A_231 : memref<10000x32xf32, #tpu.memory_space<hbm>>) target(%arg12 : memref<128x32xf32, #tpu.memory_space<vmem>>) offsets(%dma_start3A_228 : memref<128xi32, #tpu.memory_space<vmem>>) semaphore(%arg20 : memref<!tpu.dma_semaphore, #tpu.memory_space<semaphore_mem>>)
      } else {
      }
    }
    %scan3A_48 = arith.constant 13 : i32
    %dma_wait3A = arith.constant 0 : i32
    %dma_wait3A_49 = tpu.memref_slice %arg6[%dma_wait3A] : memref<10000xi32, #tpu.memory_space<vmem>> -> memref<128xi32, #tpu.memory_space<vmem>>
    %dma_wait3A_50 = arith.constant 0 : i32
    %dma_wait3A_51 = arith.constant 0 : i32
    %dma_wait3A_52 = tpu.memref_slice %arg14[%dma_wait3A_50, %dma_wait3A_51] : memref<10240x32xf32, #tpu.memory_space<vmem_shared>> -> memref<10240x32xf32, #tpu.memory_space<vmem_shared>>
    tpu.wait_indirect_dma semaphore(%arg21 : memref<!tpu.dma_semaphore, #tpu.memory_space<semaphore_mem>>) src(%arg7 : memref<128x32xf32, #tpu.memory_space<vmem>>) dst(%dma_wait3A_52 : memref<10240x32xf32, #tpu.memory_space<vmem_shared>>)
    %dma_wait3A_53 = arith.constant 0 : i32
    %dma_wait3A_54 = tpu.memref_slice %arg6[%dma_wait3A_53] : memref<10000xi32, #tpu.memory_space<vmem>> -> memref<128xi32, #tpu.memory_space<vmem>>
    %dma_wait3A_55 = arith.constant 0 : i32
    %dma_wait3A_56 = arith.constant 0 : i32
    %dma_wait3A_57 = tpu.memref_slice %arg14[%dma_wait3A_55, %dma_wait3A_56] : memref<10240x32xf32, #tpu.memory_space<vmem_shared>> -> memref<10240x32xf32, #tpu.memory_space<vmem_shared>>
    tpu.wait_indirect_dma semaphore(%arg22 : memref<!tpu.dma_semaphore, #tpu.memory_space<semaphore_mem>>) src(%arg8 : memref<128x32xf32, #tpu.memory_space<vmem>>) dst(%dma_wait3A_57 : memref<10240x32xf32, #tpu.memory_space<vmem_shared>>)
    %dma_wait3A_58 = arith.constant 0 : i32
    %dma_wait3A_59 = tpu.memref_slice %arg6[%dma_wait3A_58] : memref<10000xi32, #tpu.memory_space<vmem>> -> memref<128xi32, #tpu.memory_space<vmem>>
    %dma_wait3A_60 = arith.constant 0 : i32
    %dma_wait3A_61 = arith.constant 0 : i32
    %dma_wait3A_62 = tpu.memref_slice %arg14[%dma_wait3A_60, %dma_wait3A_61] : memref<10240x32xf32, #tpu.memory_space<vmem_shared>> -> memref<10240x32xf32, #tpu.memory_space<vmem_shared>>
    tpu.wait_indirect_dma semaphore(%arg23 : memref<!tpu.dma_semaphore, #tpu.memory_space<semaphore_mem>>) src(%arg9 : memref<128x32xf32, #tpu.memory_space<vmem>>) dst(%dma_wait3A_62 : memref<10240x32xf32, #tpu.memory_space<vmem_shared>>)
    %dma_wait3A_63 = arith.constant 0 : i32
    %dma_wait3A_64 = tpu.memref_slice %arg6[%dma_wait3A_63] : memref<10000xi32, #tpu.memory_space<vmem>> -> memref<128xi32, #tpu.memory_space<vmem>>
    %dma_wait3A_65 = arith.constant 0 : i32
    %dma_wait3A_66 = arith.constant 0 : i32
    %dma_wait3A_67 = tpu.memref_slice %arg14[%dma_wait3A_65, %dma_wait3A_66] : memref<10240x32xf32, #tpu.memory_space<vmem_shared>> -> memref<10240x32xf32, #tpu.memory_space<vmem_shared>>
    tpu.wait_indirect_dma semaphore(%arg24 : memref<!tpu.dma_semaphore, #tpu.memory_space<semaphore_mem>>) src(%arg10 : memref<128x32xf32, #tpu.memory_space<vmem>>) dst(%dma_wait3A_67 : memref<10240x32xf32, #tpu.memory_space<vmem_shared>>)
    %dma_wait3A_68 = arith.constant 0 : i32
    %dma_wait3A_69 = tpu.memref_slice %arg6[%dma_wait3A_68] : memref<10000xi32, #tpu.memory_space<vmem>> -> memref<128xi32, #tpu.memory_space<vmem>>
    %dma_wait3A_70 = arith.constant 0 : i32
    %dma_wait3A_71 = arith.constant 0 : i32
    %dma_wait3A_72 = tpu.memref_slice %arg14[%dma_wait3A_70, %dma_wait3A_71] : memref<10240x32xf32, #tpu.memory_space<vmem_shared>> -> memref<10240x32xf32, #tpu.memory_space<vmem_shared>>
    tpu.wait_indirect_dma semaphore(%arg25 : memref<!tpu.dma_semaphore, #tpu.memory_space<semaphore_mem>>) src(%arg11 : memref<128x32xf32, #tpu.memory_space<vmem>>) dst(%dma_wait3A_72 : memref<10240x32xf32, #tpu.memory_space<vmem_shared>>)
    %dma_wait3A_73 = arith.constant 0 : i32
    %dma_wait3A_74 = tpu.memref_slice %arg6[%dma_wait3A_73] : memref<10000xi32, #tpu.memory_space<vmem>> -> memref<128xi32, #tpu.memory_space<vmem>>
    %dma_wait3A_75 = arith.constant 0 : i32
    %dma_wait3A_76 = arith.constant 0 : i32
    %dma_wait3A_77 = tpu.memref_slice %arg14[%dma_wait3A_75, %dma_wait3A_76] : memref<10240x32xf32, #tpu.memory_space<vmem_shared>> -> memref<10240x32xf32, #tpu.memory_space<vmem_shared>>
    tpu.wait_indirect_dma semaphore(%arg26 : memref<!tpu.dma_semaphore, #tpu.memory_space<semaphore_mem>>) src(%arg12 : memref<128x32xf32, #tpu.memory_space<vmem>>) dst(%dma_wait3A_77 : memref<10240x32xf32, #tpu.memory_space<vmem_shared>>)
    "tpu.region"() ({
      %run_scoped3A_83 = tpu.sem_alloc : memref<!tpu.dma_semaphore, #tpu.memory_space<semaphore_mem>>
      %dma_start3A_84 = arith.constant 0 : i32
      %dma_start3A_85 = arith.constant 0 : i32
      %dma_start3A_86 = tpu.memref_slice %arg7[%dma_start3A_84, %dma_start3A_85] : memref<128x32xf32, #tpu.memory_space<vmem>> -> memref<16x32xf32, #tpu.memory_space<vmem>>
      %dma_start3A_87 = arith.constant 9984 : i32
      %dma_start3A_88 = tpu.memref_slice %arg5[%dma_start3A_87] : memref<10000xi32, #tpu.memory_space<vmem>> -> memref<16xi32, #tpu.memory_space<vmem>>
      %dma_start3A_89 = arith.constant 0 : i32
      %dma_start3A_90 = arith.constant 0 : i32
      %dma_start3A_91 = tpu.memref_slice %arg3[%dma_start3A_89, %dma_start3A_90] : memref<10000x32xf32, #tpu.memory_space<hbm>> -> memref<10000x32xf32, #tpu.memory_space<hbm>>
      tpu.enqueue_indirect_dma source(%dma_start3A_91 : memref<10000x32xf32, #tpu.memory_space<hbm>>) target(%dma_start3A_86 : memref<16x32xf32, #tpu.memory_space<vmem>>) offsets(%dma_start3A_88 : memref<16xi32, #tpu.memory_space<vmem>>) semaphore(%run_scoped3A_83 : memref<!tpu.dma_semaphore, #tpu.memory_space<semaphore_mem>>)
      %dma_wait3A_92 = arith.constant 0 : i32
      %dma_wait3A_93 = arith.constant 0 : i32
      %dma_wait3A_94 = tpu.memref_slice %arg7[%dma_wait3A_92, %dma_wait3A_93] : memref<128x32xf32, #tpu.memory_space<vmem>> -> memref<16x32xf32, #tpu.memory_space<vmem>>
      %dma_wait3A_95 = arith.constant 9984 : i32
      %dma_wait3A_96 = tpu.memref_slice %arg5[%dma_wait3A_95] : memref<10000xi32, #tpu.memory_space<vmem>> -> memref<16xi32, #tpu.memory_space<vmem>>
      %dma_wait3A_97 = arith.constant 0 : i32
      %dma_wait3A_98 = arith.constant 0 : i32
      %dma_wait3A_99 = tpu.memref_slice %arg3[%dma_wait3A_97, %dma_wait3A_98] : memref<10000x32xf32, #tpu.memory_space<hbm>> -> memref<10000x32xf32, #tpu.memory_space<hbm>>
      tpu.wait_indirect_dma semaphore(%run_scoped3A_83 : memref<!tpu.dma_semaphore, #tpu.memory_space<semaphore_mem>>) src(%dma_wait3A_99 : memref<10000x32xf32, #tpu.memory_space<hbm>>) dst(%dma_wait3A_94 : memref<16x32xf32, #tpu.memory_space<vmem>>)
      tpu.yield
    }) : () -> ()
    "tpu.region"() ({
      %run_scoped3A_83 = tpu.sem_alloc : memref<!tpu.dma_semaphore, #tpu.memory_space<semaphore_mem>>
      %dma_start3A_84 = arith.constant 0 : i32
      %dma_start3A_85 = arith.constant 0 : i32
      %dma_start3A_86 = tpu.memref_slice %arg7[%dma_start3A_84, %dma_start3A_85] : memref<128x32xf32, #tpu.memory_space<vmem>> -> memref<16x32xf32, #tpu.memory_space<vmem>>
      %dma_start3A_87 = arith.constant 9984 : i32
      %dma_start3A_88 = tpu.memref_slice %arg6[%dma_start3A_87] : memref<10000xi32, #tpu.memory_space<vmem>> -> memref<16xi32, #tpu.memory_space<vmem>>
      %dma_start3A_89 = arith.constant 0 : i32
      %dma_start3A_90 = arith.constant 0 : i32
      %dma_start3A_91 = tpu.memref_slice %arg14[%dma_start3A_89, %dma_start3A_90] : memref<10240x32xf32, #tpu.memory_space<vmem_shared>> -> memref<10240x32xf32, #tpu.memory_space<vmem_shared>>
      tpu.enqueue_indirect_dma source(%dma_start3A_86 : memref<16x32xf32, #tpu.memory_space<vmem>>) target(%dma_start3A_91 : memref<10240x32xf32, #tpu.memory_space<vmem_shared>>) offsets(%dma_start3A_88 : memref<16xi32, #tpu.memory_space<vmem>>) semaphore(%run_scoped3A_83 : memref<!tpu.dma_semaphore, #tpu.memory_space<semaphore_mem>>) {add = true}
      %dma_wait3A_92 = arith.constant 0 : i32
      %dma_wait3A_93 = arith.constant 0 : i32
      %dma_wait3A_94 = tpu.memref_slice %arg7[%dma_wait3A_92, %dma_wait3A_93] : memref<128x32xf32, #tpu.memory_space<vmem>> -> memref<16x32xf32, #tpu.memory_space<vmem>>
      %dma_wait3A_95 = arith.constant 9984 : i32
      %dma_wait3A_96 = tpu.memref_slice %arg6[%dma_wait3A_95] : memref<10000xi32, #tpu.memory_space<vmem>> -> memref<16xi32, #tpu.memory_space<vmem>>
      %dma_wait3A_97 = arith.constant 0 : i32
      %dma_wait3A_98 = arith.constant 0 : i32
      %dma_wait3A_99 = tpu.memref_slice %arg14[%dma_wait3A_97, %dma_wait3A_98] : memref<10240x32xf32, #tpu.memory_space<vmem_shared>> -> memref<10240x32xf32, #tpu.memory_space<vmem_shared>>
      tpu.wait_indirect_dma semaphore(%run_scoped3A_83 : memref<!tpu.dma_semaphore, #tpu.memory_space<semaphore_mem>>) src(%dma_wait3A_94 : memref<16x32xf32, #tpu.memory_space<vmem>>) dst(%dma_wait3A_99 : memref<10240x32xf32, #tpu.memory_space<vmem_shared>>)
      tpu.yield
    }) : () -> ()
    %barrier3A_78 = arith.constant 0 : index
    tpu.barrier barrier_id(%barrier3A_78)
    %mul3A_79 = arith.constant 640 : i32
    %mul3A_80 = arith.muli %arg1, %mul3A_79 : i32
    %mul3A_81 = arith.constant 640 : i32
    %mul3A_82 = arith.muli %arg1, %mul3A_81 : i32
    "tpu.region"() ({
      %run_scoped3A_83 = tpu.sem_alloc : memref<!tpu.dma_semaphore, #tpu.memory_space<semaphore_mem>>
      %dma_start3A_84 = arith.constant 0 : i32
      %dma_start3A_85 = tpu.memref_slice %arg4[%arg0, %mul3A_82, %dma_start3A_84] : memref<2x10240x32xf32, #tpu.memory_space<hbm>> -> memref<1x640x32xf32, #tpu.memory_space<hbm>>
      %dma_start3A_86 = tpu.memref_squeeze %dma_start3A_85 : memref<1x640x32xf32, #tpu.memory_space<hbm>> -> memref<640x32xf32, #tpu.memory_space<hbm>>
      %dma_start3A_87 = arith.constant 0 : i32
      %dma_start3A_88 = tpu.memref_slice %arg14[%mul3A_80, %dma_start3A_87] : memref<10240x32xf32, #tpu.memory_space<vmem_shared>> -> memref<640x32xf32, #tpu.memory_space<vmem_shared>>
      tpu.enqueue_dma source(%dma_start3A_88 : memref<640x32xf32, #tpu.memory_space<vmem_shared>>) target(%dma_start3A_86 : memref<640x32xf32, #tpu.memory_space<hbm>>) target_semaphore(%run_scoped3A_83 : memref<!tpu.dma_semaphore, #tpu.memory_space<semaphore_mem>>)
      %dma_wait3A_89 = arith.constant 0 : i32
      %dma_wait3A_90 = tpu.memref_slice %arg4[%arg0, %mul3A_82, %dma_wait3A_89] : memref<2x10240x32xf32, #tpu.memory_space<hbm>> -> memref<1x640x32xf32, #tpu.memory_space<hbm>>
      %dma_wait3A_91 = tpu.memref_squeeze %dma_wait3A_90 : memref<1x640x32xf32, #tpu.memory_space<hbm>> -> memref<640x32xf32, #tpu.memory_space<hbm>>
      %dma_wait3A_92 = arith.constant 0 : i32
      %dma_wait3A_93 = tpu.memref_slice %arg14[%mul3A_80, %dma_wait3A_92] : memref<10240x32xf32, #tpu.memory_space<vmem_shared>> -> memref<640x32xf32, #tpu.memory_space<vmem_shared>>
      tpu.wait_dma2 semaphore(%run_scoped3A_83 : memref<!tpu.dma_semaphore, #tpu.memory_space<semaphore_mem>>) src(%dma_wait3A_93 : memref<640x32xf32, #tpu.memory_space<vmem_shared>>) dst(%dma_wait3A_91 : memref<640x32xf32, #tpu.memory_space<hbm>>)
      tpu.yield
    }) : () -> ()
    return
  }
}

#map = affine_map<(d0, d1) -> (0, 0)>
#map1 = affine_map<(d0, d1) -> (0, 0, 0)>
module attributes {stable_mosaic.version = 14 : i64} {
  func.func @k(%arg0: i32, %arg1: i32, %arg2: memref<2x320000xi32, #tpu.memory_space<hbm>>, %arg3: memref<10000x64xf32, #tpu.memory_space<hbm>>, %arg4: memref<2x10240x64xf32, #tpu.memory_space<hbm>>, %arg5: memref<10000xi32, #tpu.memory_space<vmem>>, %arg6: memref<10000xi32, #tpu.memory_space<vmem>>, %arg7: memref<128x64xf32, #tpu.memory_space<vmem>>, %arg8: memref<128x64xf32, #tpu.memory_space<vmem>>, %arg9: memref<128x64xf32, #tpu.memory_space<vmem>>, %arg10: memref<128x64xf32, #tpu.memory_space<vmem>>, %arg11: memref<128x64xf32, #tpu.memory_space<vmem>>, %arg12: memref<128x64xf32, #tpu.memory_space<vmem>>, %arg13: memref<128x64xf32, #tpu.memory_space<vmem>>, %arg14: memref<10240x64xf32, #tpu.memory_space<vmem_shared>>, %arg15: memref<!tpu.dma_semaphore, #tpu.memory_space<semaphore_mem>>, %arg16: memref<!tpu.dma_semaphore, #tpu.memory_space<semaphore_mem>>, %arg17: memref<!tpu.dma_semaphore, #tpu.memory_space<semaphore_mem>>, %arg18: memref<!tpu.dma_semaphore, #tpu.memory_space<semaphore_mem>>, %arg19: memref<!tpu.dma_semaphore, #tpu.memory_space<semaphore_mem>>, %arg20: memref<!tpu.dma_semaphore, #tpu.memory_space<semaphore_mem>>, %arg21: memref<!tpu.dma_semaphore, #tpu.memory_space<semaphore_mem>>, %arg22: memref<!tpu.dma_semaphore, #tpu.memory_space<semaphore_mem>>, %arg23: memref<!tpu.dma_semaphore, #tpu.memory_space<semaphore_mem>>, %arg24: memref<!tpu.dma_semaphore, #tpu.memory_space<semaphore_mem>>, %arg25: memref<!tpu.dma_semaphore, #tpu.memory_space<semaphore_mem>>, %arg26: memref<!tpu.dma_semaphore, #tpu.memory_space<semaphore_mem>>) attributes {dimension_semantics = [#tpu.dimension_semantics<core_parallel>, #tpu.dimension_semantics<subcore_parallel>], iteration_bounds = array<i64: 2, 16>, scalar_prefetch = 0 : i64, scratch_operands = 22 : i64, tpu.core_type = #tpu.core_type<sc_vector_subcore>, window_params = [{transform_indices = #map}, {transform_indices = #map}, {transform_indices = #map1}]} {
    %mul3A = arith.constant 16 : i32
    %mul3A_0 = arith.muli %arg0, %mul3A : i32
    %add3A = arith.addi %mul3A_0, %arg1 : i32
    %scan3A = arith.constant 0 : i32
    %scan3A_1 = arith.constant 128 : i32
    %scan3A_2 = arith.addi %scan3A, %scan3A_1 : i32
    %scan3A_3 = arith.constant 1 : i32
    scf.for %scan3A_83 = %scan3A to %scan3A_2 step %scan3A_3  : i32 {
      %mul3A_84 = arith.constant 1 : i32
      %mul3A_85 = arith.muli %scan3A_83, %mul3A_84 : i32
      %add3A_86 = arith.constant 0 : i32
      %add3A_87 = arith.addi %add3A_86, %mul3A_85 : i32
      %scan3A_88 = arith.constant 0 : i32
      %scan3A_89 = arith.constant 4 : i32
      %scan3A_90 = arith.addi %scan3A_88, %scan3A_89 : i32
      %scan3A_91 = arith.constant 1 : i32
      scf.for %scan3A_93 = %scan3A_88 to %scan3A_90 step %scan3A_91  : i32 {
        %mul3A_94 = arith.constant 1 : i32
        %mul3A_95 = arith.muli %scan3A_93, %mul3A_94 : i32
        %add3A_96 = arith.constant 0 : i32
        %add3A_97 = arith.addi %add3A_96, %mul3A_95 : i32
        %broadcast_in_dim3A = arith.constant 0.000000e+00 : f32
        %broadcast_in_dim3A_98 = vector.broadcast %broadcast_in_dim3A : f32 to vector<16xf32>
        %mul3A_99 = arith.constant 16 : i32
        %mul3A_100 = arith.muli %add3A_97, %mul3A_99 : i32
        %swap3A = arith.index_cast %add3A_87 : i32 to index
        %swap3A_101 = arith.index_cast %mul3A_100 : i32 to index
        %swap3A_102 = tpu.vector_load %arg13[%swap3A, %swap3A_101] {strides = array<i32>} : memref<128x64xf32, #tpu.memory_space<vmem>>, vector<1x16xf32>,
        %swap3A_103 = vector.shape_cast %swap3A_102 : vector<1x16xf32> to vector<16xf32>
        %swap3A_104 = vector.shape_cast %broadcast_in_dim3A_98 : vector<16xf32> to vector<1x16xf32>
        tpu.vector_store %arg13[%swap3A, %swap3A_101], %swap3A_104 {strides = array<i32>} : memref<128x64xf32, #tpu.memory_space<vmem>>, vector<1x16xf32>,
      }
      %scan3A_92 = arith.constant 4 : i32
    }
    %scan3A_4 = arith.constant 128 : i32
    %scan3A_5 = arith.constant 0 : i32
    %scan3A_6 = arith.constant 5 : i32
    %scan3A_7 = arith.addi %scan3A_5, %scan3A_6 : i32
    %scan3A_8 = arith.constant 1 : i32
    scf.for %scan3A_83 = %scan3A_5 to %scan3A_7 step %scan3A_8  : i32 {
      %mul3A_84 = arith.constant 1 : i32
      %mul3A_85 = arith.muli %scan3A_83, %mul3A_84 : i32
      %add3A_86 = arith.constant 0 : i32
      %add3A_87 = arith.addi %add3A_86, %mul3A_85 : i32
      %mul3A_88 = arith.constant 640 : i32
      %mul3A_89 = arith.muli %arg1, %mul3A_88 : i32
      %mul3A_90 = arith.constant 128 : i32
      %mul3A_91 = arith.muli %add3A_87, %mul3A_90 : i32
      %add3A_92 = arith.addi %mul3A_89, %mul3A_91 : i32
      "tpu.region"() ({
        %run_scoped3A_93 = tpu.sem_alloc : memref<!tpu.dma_semaphore, #tpu.memory_space<semaphore_mem>>
        %dma_start3A_94 = arith.constant 0 : i32
        %dma_start3A_95 = tpu.memref_slice %arg14[%add3A_92, %dma_start3A_94] : memref<10240x64xf32, #tpu.memory_space<vmem_shared>> -> memref<128x64xf32, #tpu.memory_space<vmem_shared>>
        %dma_start3A_96 = arith.constant 0 : i32
        %dma_start3A_97 = tpu.memref_slice %arg14[%add3A_92, %dma_start3A_96] : memref<10240x64xf32, #tpu.memory_space<vmem_shared>> -> memref<128x64xf32, #tpu.memory_space<vmem_shared>>
        tpu.enqueue_dma source(%arg13 : memref<128x64xf32, #tpu.memory_space<vmem>>) target(%dma_start3A_97 : memref<128x64xf32, #tpu.memory_space<vmem_shared>>) target_semaphore(%run_scoped3A_93 : memref<!tpu.dma_semaphore, #tpu.memory_space<semaphore_mem>>)
        %dma_wait3A_98 = arith.constant 0 : i32
        %dma_wait3A_99 = tpu.memref_slice %arg14[%add3A_92, %dma_wait3A_98] : memref<10240x64xf32, #tpu.memory_space<vmem_shared>> -> memref<128x64xf32, #tpu.memory_space<vmem_shared>>
        %dma_wait3A_100 = arith.constant 0 : i32
        %dma_wait3A_101 = tpu.memref_slice %arg14[%add3A_92, %dma_wait3A_100] : memref<10240x64xf32, #tpu.memory_space<vmem_shared>> -> memref<128x64xf32, #tpu.memory_space<vmem_shared>>
        tpu.wait_dma2 semaphore(%run_scoped3A_93 : memref<!tpu.dma_semaphore, #tpu.memory_space<semaphore_mem>>) src(%arg13 : memref<128x64xf32, #tpu.memory_space<vmem>>) dst(%dma_wait3A_101 : memref<128x64xf32, #tpu.memory_space<vmem_shared>>)
        tpu.yield
      }) : () -> ()
    }
    %scan3A_9 = arith.constant 5 : i32
    %mul3A_10 = arith.constant 10000 : i32
    %mul3A_11 = arith.muli %add3A, %mul3A_10 : i32
    %run_scoped3A = arith.constant 0 : i32
    "tpu.region"() ({
      %run_scoped3A_83 = tpu.sem_alloc : memref<!tpu.dma_semaphore, #tpu.memory_space<semaphore_mem>>
      %dma_start3A_84 = tpu.memref_slice %arg2[%run_scoped3A, %mul3A_11] : memref<2x320000xi32, #tpu.memory_space<hbm>> -> memref<1x10000xi32, #tpu.memory_space<hbm>>
      %dma_start3A_85 = tpu.memref_squeeze %dma_start3A_84 : memref<1x10000xi32, #tpu.memory_space<hbm>> -> memref<10000xi32, #tpu.memory_space<hbm>>
      %dma_start3A_86 = tpu.memref_slice %arg2[%run_scoped3A, %mul3A_11] : memref<2x320000xi32, #tpu.memory_space<hbm>> -> memref<1x10000xi32, #tpu.memory_space<hbm>>
      %dma_start3A_87 = tpu.memref_squeeze %dma_start3A_86 : memref<1x10000xi32, #tpu.memory_space<hbm>> -> memref<10000xi32, #tpu.memory_space<hbm>>
      tpu.enqueue_dma source(%dma_start3A_87 : memref<10000xi32, #tpu.memory_space<hbm>>) target(%arg5 : memref<10000xi32, #tpu.memory_space<vmem>>) target_semaphore(%run_scoped3A_83 : memref<!tpu.dma_semaphore, #tpu.memory_space<semaphore_mem>>)
      %dma_wait3A_88 = tpu.memref_slice %arg2[%run_scoped3A, %mul3A_11] : memref<2x320000xi32, #tpu.memory_space<hbm>> -> memref<1x10000xi32, #tpu.memory_space<hbm>>
      %dma_wait3A_89 = tpu.memref_squeeze %dma_wait3A_88 : memref<1x10000xi32, #tpu.memory_space<hbm>> -> memref<10000xi32, #tpu.memory_space<hbm>>
      %dma_wait3A_90 = tpu.memref_slice %arg2[%run_scoped3A, %mul3A_11] : memref<2x320000xi32, #tpu.memory_space<hbm>> -> memref<1x10000xi32, #tpu.memory_space<hbm>>
      %dma_wait3A_91 = tpu.memref_squeeze %dma_wait3A_90 : memref<1x10000xi32, #tpu.memory_space<hbm>> -> memref<10000xi32, #tpu.memory_space<hbm>>
      tpu.wait_dma2 semaphore(%run_scoped3A_83 : memref<!tpu.dma_semaphore, #tpu.memory_space<semaphore_mem>>) src(%dma_wait3A_91 : memref<10000xi32, #tpu.memory_space<hbm>>) dst(%arg5 : memref<10000xi32, #tpu.memory_space<vmem>>)
      tpu.yield
    }) : () -> ()
    %mul3A_12 = arith.constant 10000 : i32
    %mul3A_13 = arith.muli %add3A, %mul3A_12 : i32
    %run_scoped3A_14 = arith.constant 1 : i32
    "tpu.region"() ({
      %run_scoped3A_83 = tpu.sem_alloc : memref<!tpu.dma_semaphore, #tpu.memory_space<semaphore_mem>>
      %dma_start3A_84 = tpu.memref_slice %arg2[%run_scoped3A_14, %mul3A_13] : memref<2x320000xi32, #tpu.memory_space<hbm>> -> memref<1x10000xi32, #tpu.memory_space<hbm>>
      %dma_start3A_85 = tpu.memref_squeeze %dma_start3A_84 : memref<1x10000xi32, #tpu.memory_space<hbm>> -> memref<10000xi32, #tpu.memory_space<hbm>>
      %dma_start3A_86 = tpu.memref_slice %arg2[%run_scoped3A_14, %mul3A_13] : memref<2x320000xi32, #tpu.memory_space<hbm>> -> memref<1x10000xi32, #tpu.memory_space<hbm>>
      %dma_start3A_87 = tpu.memref_squeeze %dma_start3A_86 : memref<1x10000xi32, #tpu.memory_space<hbm>> -> memref<10000xi32, #tpu.memory_space<hbm>>
      tpu.enqueue_dma source(%dma_start3A_87 : memref<10000xi32, #tpu.memory_space<hbm>>) target(%arg6 : memref<10000xi32, #tpu.memory_space<vmem>>) target_semaphore(%run_scoped3A_83 : memref<!tpu.dma_semaphore, #tpu.memory_space<semaphore_mem>>)
      %dma_wait3A_88 = tpu.memref_slice %arg2[%run_scoped3A_14, %mul3A_13] : memref<2x320000xi32, #tpu.memory_space<hbm>> -> memref<1x10000xi32, #tpu.memory_space<hbm>>
      %dma_wait3A_89 = tpu.memref_squeeze %dma_wait3A_88 : memref<1x10000xi32, #tpu.memory_space<hbm>> -> memref<10000xi32, #tpu.memory_space<hbm>>
      %dma_wait3A_90 = tpu.memref_slice %arg2[%run_scoped3A_14, %mul3A_13] : memref<2x320000xi32, #tpu.memory_space<hbm>> -> memref<1x10000xi32, #tpu.memory_space<hbm>>
      %dma_wait3A_91 = tpu.memref_squeeze %dma_wait3A_90 : memref<1x10000xi32, #tpu.memory_space<hbm>> -> memref<10000xi32, #tpu.memory_space<hbm>>
      tpu.wait_dma2 semaphore(%run_scoped3A_83 : memref<!tpu.dma_semaphore, #tpu.memory_space<semaphore_mem>>) src(%dma_wait3A_91 : memref<10000xi32, #tpu.memory_space<hbm>>) dst(%arg6 : memref<10000xi32, #tpu.memory_space<vmem>>)
      tpu.yield
    }) : () -> ()
    %barrier3A = arith.constant 0 : index
    tpu.barrier barrier_id(%barrier3A)
    %dma_start3A = arith.constant 0 : i32
    %dma_start3A_15 = tpu.memref_slice %arg5[%dma_start3A] : memref<10000xi32, #tpu.memory_space<vmem>> -> memref<128xi32, #tpu.memory_space<vmem>>
    %dma_start3A_16 = arith.constant 0 : i32
    %dma_start3A_17 = arith.constant 0 : i32
    %dma_start3A_18 = tpu.memref_slice %arg3[%dma_start3A_16, %dma_start3A_17] : memref<10000x64xf32, #tpu.memory_space<hbm>> -> memref<10000x64xf32, #tpu.memory_space<hbm>>
    tpu.enqueue_indirect_dma source(%dma_start3A_18 : memref<10000x64xf32, #tpu.memory_space<hbm>>) target(%arg7 : memref<128x64xf32, #tpu.memory_space<vmem>>) offsets(%dma_start3A_15 : memref<128xi32, #tpu.memory_space<vmem>>) semaphore(%arg15 : memref<!tpu.dma_semaphore, #tpu.memory_space<semaphore_mem>>)
    %dma_start3A_19 = arith.constant 128 : i32
    %dma_start3A_20 = tpu.memref_slice %arg5[%dma_start3A_19] : memref<10000xi32, #tpu.memory_space<vmem>> -> memref<128xi32, #tpu.memory_space<vmem>>
    %dma_start3A_21 = arith.constant 0 : i32
    %dma_start3A_22 = arith.constant 0 : i32
    %dma_start3A_23 = tpu.memref_slice %arg3[%dma_start3A_21, %dma_start3A_22] : memref<10000x64xf32, #tpu.memory_space<hbm>> -> memref<10000x64xf32, #tpu.memory_space<hbm>>
    tpu.enqueue_indirect_dma source(%dma_start3A_23 : memref<10000x64xf32, #tpu.memory_space<hbm>>) target(%arg8 : memref<128x64xf32, #tpu.memory_space<vmem>>) offsets(%dma_start3A_20 : memref<128xi32, #tpu.memory_space<vmem>>) semaphore(%arg16 : memref<!tpu.dma_semaphore, #tpu.memory_space<semaphore_mem>>)
    %dma_start3A_24 = arith.constant 256 : i32
    %dma_start3A_25 = tpu.memref_slice %arg5[%dma_start3A_24] : memref<10000xi32, #tpu.memory_space<vmem>> -> memref<128xi32, #tpu.memory_space<vmem>>
    %dma_start3A_26 = arith.constant 0 : i32
    %dma_start3A_27 = arith.constant 0 : i32
    %dma_start3A_28 = tpu.memref_slice %arg3[%dma_start3A_26, %dma_start3A_27] : memref<10000x64xf32, #tpu.memory_space<hbm>> -> memref<10000x64xf32, #tpu.memory_space<hbm>>
    tpu.enqueue_indirect_dma source(%dma_start3A_28 : memref<10000x64xf32, #tpu.memory_space<hbm>>) target(%arg9 : memref<128x64xf32, #tpu.memory_space<vmem>>) offsets(%dma_start3A_25 : memref<128xi32, #tpu.memory_space<vmem>>) semaphore(%arg17 : memref<!tpu.dma_semaphore, #tpu.memory_space<semaphore_mem>>)
    %dma_start3A_29 = arith.constant 384 : i32
    %dma_start3A_30 = tpu.memref_slice %arg5[%dma_start3A_29] : memref<10000xi32, #tpu.memory_space<vmem>> -> memref<128xi32, #tpu.memory_space<vmem>>
    %dma_start3A_31 = arith.constant 0 : i32
    %dma_start3A_32 = arith.constant 0 : i32
    %dma_start3A_33 = tpu.memref_slice %arg3[%dma_start3A_31, %dma_start3A_32] : memref<10000x64xf32, #tpu.memory_space<hbm>> -> memref<10000x64xf32, #tpu.memory_space<hbm>>
    tpu.enqueue_indirect_dma source(%dma_start3A_33 : memref<10000x64xf32, #tpu.memory_space<hbm>>) target(%arg10 : memref<128x64xf32, #tpu.memory_space<vmem>>) offsets(%dma_start3A_30 : memref<128xi32, #tpu.memory_space<vmem>>) semaphore(%arg18 : memref<!tpu.dma_semaphore, #tpu.memory_space<semaphore_mem>>)
    %dma_start3A_34 = arith.constant 512 : i32
    %dma_start3A_35 = tpu.memref_slice %arg5[%dma_start3A_34] : memref<10000xi32, #tpu.memory_space<vmem>> -> memref<128xi32, #tpu.memory_space<vmem>>
    %dma_start3A_36 = arith.constant 0 : i32
    %dma_start3A_37 = arith.constant 0 : i32
    %dma_start3A_38 = tpu.memref_slice %arg3[%dma_start3A_36, %dma_start3A_37] : memref<10000x64xf32, #tpu.memory_space<hbm>> -> memref<10000x64xf32, #tpu.memory_space<hbm>>
    tpu.enqueue_indirect_dma source(%dma_start3A_38 : memref<10000x64xf32, #tpu.memory_space<hbm>>) target(%arg11 : memref<128x64xf32, #tpu.memory_space<vmem>>) offsets(%dma_start3A_35 : memref<128xi32, #tpu.memory_space<vmem>>) semaphore(%arg19 : memref<!tpu.dma_semaphore, #tpu.memory_space<semaphore_mem>>)
    %dma_start3A_39 = arith.constant 640 : i32
    %dma_start3A_40 = tpu.memref_slice %arg5[%dma_start3A_39] : memref<10000xi32, #tpu.memory_space<vmem>> -> memref<128xi32, #tpu.memory_space<vmem>>
    %dma_start3A_41 = arith.constant 0 : i32
    %dma_start3A_42 = arith.constant 0 : i32
    %dma_start3A_43 = tpu.memref_slice %arg3[%dma_start3A_41, %dma_start3A_42] : memref<10000x64xf32, #tpu.memory_space<hbm>> -> memref<10000x64xf32, #tpu.memory_space<hbm>>
    tpu.enqueue_indirect_dma source(%dma_start3A_43 : memref<10000x64xf32, #tpu.memory_space<hbm>>) target(%arg12 : memref<128x64xf32, #tpu.memory_space<vmem>>) offsets(%dma_start3A_40 : memref<128xi32, #tpu.memory_space<vmem>>) semaphore(%arg20 : memref<!tpu.dma_semaphore, #tpu.memory_space<semaphore_mem>>)
    %scan3A_44 = arith.constant 0 : i32
    %scan3A_45 = arith.constant 13 : i32
    %scan3A_46 = arith.addi %scan3A_44, %scan3A_45 : i32
    %scan3A_47 = arith.constant 1 : i32
    scf.for %scan3A_83 = %scan3A_44 to %scan3A_46 step %scan3A_47  : i32 {
      %mul3A_84 = arith.constant 6 : i32
      %mul3A_85 = arith.muli %scan3A_83, %mul3A_84 : i32
      %add3A_86 = arith.constant 0 : i32
      %add3A_87 = arith.addi %add3A_86, %mul3A_85 : i32
      %dma_wait3A_88 = arith.constant 0 : i32
      %dma_wait3A_89 = tpu.memref_slice %arg5[%dma_wait3A_88] : memref<10000xi32, #tpu.memory_space<vmem>> -> memref<128xi32, #tpu.memory_space<vmem>>
      %dma_wait3A_90 = arith.constant 0 : i32
      %dma_wait3A_91 = arith.constant 0 : i32
      %dma_wait3A_92 = tpu.memref_slice %arg3[%dma_wait3A_90, %dma_wait3A_91] : memref<10000x64xf32, #tpu.memory_space<hbm>> -> memref<10000x64xf32, #tpu.memory_space<hbm>>
      tpu.wait_indirect_dma semaphore(%arg15 : memref<!tpu.dma_semaphore, #tpu.memory_space<semaphore_mem>>) src(%dma_wait3A_92 : memref<10000x64xf32, #tpu.memory_space<hbm>>) dst(%arg7 : memref<128x64xf32, #tpu.memory_space<vmem>>)
      %add3A_93 = arith.constant 0 : i32
      %add3A_94 = arith.addi %add3A_87, %add3A_93 : i32
      %mul3A_95 = arith.constant 128 : i32
      %mul3A_96 = arith.muli %add3A_94, %mul3A_95 : i32
      %dma_start3A_97 = tpu.memref_slice %arg6[%mul3A_96] : memref<10000xi32, #tpu.memory_space<vmem>> -> memref<128xi32, #tpu.memory_space<vmem>>
      %dma_start3A_98 = arith.constant 0 : i32
      %dma_start3A_99 = arith.constant 0 : i32
      %dma_start3A_100 = tpu.memref_slice %arg14[%dma_start3A_98, %dma_start3A_99] : memref<10240x64xf32, #tpu.memory_space<vmem_shared>> -> memref<10240x64xf32, #tpu.memory_space<vmem_shared>>
      tpu.enqueue_indirect_dma source(%arg7 : memref<128x64xf32, #tpu.memory_space<vmem>>) target(%dma_start3A_100 : memref<10240x64xf32, #tpu.memory_space<vmem_shared>>) offsets(%dma_start3A_97 : memref<128xi32, #tpu.memory_space<vmem>>) semaphore(%arg21 : memref<!tpu.dma_semaphore, #tpu.memory_space<semaphore_mem>>) {add = true}
      %dma_wait3A_101 = arith.constant 0 : i32
      %dma_wait3A_102 = tpu.memref_slice %arg5[%dma_wait3A_101] : memref<10000xi32, #tpu.memory_space<vmem>> -> memref<128xi32, #tpu.memory_space<vmem>>
      %dma_wait3A_103 = arith.constant 0 : i32
      %dma_wait3A_104 = arith.constant 0 : i32
      %dma_wait3A_105 = tpu.memref_slice %arg3[%dma_wait3A_103, %dma_wait3A_104] : memref<10000x64xf32, #tpu.memory_space<hbm>> -> memref<10000x64xf32, #tpu.memory_space<hbm>>
      tpu.wait_indirect_dma semaphore(%arg16 : memref<!tpu.dma_semaphore, #tpu.memory_space<semaphore_mem>>) src(%dma_wait3A_105 : memref<10000x64xf32, #tpu.memory_space<hbm>>) dst(%arg8 : memref<128x64xf32, #tpu.memory_space<vmem>>)
      %add3A_106 = arith.constant 1 : i32
      %add3A_107 = arith.addi %add3A_87, %add3A_106 : i32
      %mul3A_108 = arith.constant 128 : i32
      %mul3A_109 = arith.muli %add3A_107, %mul3A_108 : i32
      %dma_start3A_110 = tpu.memref_slice %arg6[%mul3A_109] : memref<10000xi32, #tpu.memory_space<vmem>> -> memref<128xi32, #tpu.memory_space<vmem>>
      %dma_start3A_111 = arith.constant 0 : i32
      %dma_start3A_112 = arith.constant 0 : i32
      %dma_start3A_113 = tpu.memref_slice %arg14[%dma_start3A_111, %dma_start3A_112] : memref<10240x64xf32, #tpu.memory_space<vmem_shared>> -> memref<10240x64xf32, #tpu.memory_space<vmem_shared>>
      tpu.enqueue_indirect_dma source(%arg8 : memref<128x64xf32, #tpu.memory_space<vmem>>) target(%dma_start3A_113 : memref<10240x64xf32, #tpu.memory_space<vmem_shared>>) offsets(%dma_start3A_110 : memref<128xi32, #tpu.memory_space<vmem>>) semaphore(%arg22 : memref<!tpu.dma_semaphore, #tpu.memory_space<semaphore_mem>>) {add = true}
      %dma_wait3A_114 = arith.constant 0 : i32
      %dma_wait3A_115 = tpu.memref_slice %arg5[%dma_wait3A_114] : memref<10000xi32, #tpu.memory_space<vmem>> -> memref<128xi32, #tpu.memory_space<vmem>>
      %dma_wait3A_116 = arith.constant 0 : i32
      %dma_wait3A_117 = arith.constant 0 : i32
      %dma_wait3A_118 = tpu.memref_slice %arg3[%dma_wait3A_116, %dma_wait3A_117] : memref<10000x64xf32, #tpu.memory_space<hbm>> -> memref<10000x64xf32, #tpu.memory_space<hbm>>
      tpu.wait_indirect_dma semaphore(%arg17 : memref<!tpu.dma_semaphore, #tpu.memory_space<semaphore_mem>>) src(%dma_wait3A_118 : memref<10000x64xf32, #tpu.memory_space<hbm>>) dst(%arg9 : memref<128x64xf32, #tpu.memory_space<vmem>>)
      %add3A_119 = arith.constant 2 : i32
      %add3A_120 = arith.addi %add3A_87, %add3A_119 : i32
      %mul3A_121 = arith.constant 128 : i32
      %mul3A_122 = arith.muli %add3A_120, %mul3A_121 : i32
      %dma_start3A_123 = tpu.memref_slice %arg6[%mul3A_122] : memref<10000xi32, #tpu.memory_space<vmem>> -> memref<128xi32, #tpu.memory_space<vmem>>
      %dma_start3A_124 = arith.constant 0 : i32
      %dma_start3A_125 = arith.constant 0 : i32
      %dma_start3A_126 = tpu.memref_slice %arg14[%dma_start3A_124, %dma_start3A_125] : memref<10240x64xf32, #tpu.memory_space<vmem_shared>> -> memref<10240x64xf32, #tpu.memory_space<vmem_shared>>
      tpu.enqueue_indirect_dma source(%arg9 : memref<128x64xf32, #tpu.memory_space<vmem>>) target(%dma_start3A_126 : memref<10240x64xf32, #tpu.memory_space<vmem_shared>>) offsets(%dma_start3A_123 : memref<128xi32, #tpu.memory_space<vmem>>) semaphore(%arg23 : memref<!tpu.dma_semaphore, #tpu.memory_space<semaphore_mem>>) {add = true}
      %dma_wait3A_127 = arith.constant 0 : i32
      %dma_wait3A_128 = tpu.memref_slice %arg5[%dma_wait3A_127] : memref<10000xi32, #tpu.memory_space<vmem>> -> memref<128xi32, #tpu.memory_space<vmem>>
      %dma_wait3A_129 = arith.constant 0 : i32
      %dma_wait3A_130 = arith.constant 0 : i32
      %dma_wait3A_131 = tpu.memref_slice %arg3[%dma_wait3A_129, %dma_wait3A_130] : memref<10000x64xf32, #tpu.memory_space<hbm>> -> memref<10000x64xf32, #tpu.memory_space<hbm>>
      tpu.wait_indirect_dma semaphore(%arg18 : memref<!tpu.dma_semaphore, #tpu.memory_space<semaphore_mem>>) src(%dma_wait3A_131 : memref<10000x64xf32, #tpu.memory_space<hbm>>) dst(%arg10 : memref<128x64xf32, #tpu.memory_space<vmem>>)
      %add3A_132 = arith.constant 3 : i32
      %add3A_133 = arith.addi %add3A_87, %add3A_132 : i32
      %mul3A_134 = arith.constant 128 : i32
      %mul3A_135 = arith.muli %add3A_133, %mul3A_134 : i32
      %dma_start3A_136 = tpu.memref_slice %arg6[%mul3A_135] : memref<10000xi32, #tpu.memory_space<vmem>> -> memref<128xi32, #tpu.memory_space<vmem>>
      %dma_start3A_137 = arith.constant 0 : i32
      %dma_start3A_138 = arith.constant 0 : i32
      %dma_start3A_139 = tpu.memref_slice %arg14[%dma_start3A_137, %dma_start3A_138] : memref<10240x64xf32, #tpu.memory_space<vmem_shared>> -> memref<10240x64xf32, #tpu.memory_space<vmem_shared>>
      tpu.enqueue_indirect_dma source(%arg10 : memref<128x64xf32, #tpu.memory_space<vmem>>) target(%dma_start3A_139 : memref<10240x64xf32, #tpu.memory_space<vmem_shared>>) offsets(%dma_start3A_136 : memref<128xi32, #tpu.memory_space<vmem>>) semaphore(%arg24 : memref<!tpu.dma_semaphore, #tpu.memory_space<semaphore_mem>>) {add = true}
      %dma_wait3A_140 = arith.constant 0 : i32
      %dma_wait3A_141 = tpu.memref_slice %arg5[%dma_wait3A_140] : memref<10000xi32, #tpu.memory_space<vmem>> -> memref<128xi32, #tpu.memory_space<vmem>>
      %dma_wait3A_142 = arith.constant 0 : i32
      %dma_wait3A_143 = arith.constant 0 : i32
      %dma_wait3A_144 = tpu.memref_slice %arg3[%dma_wait3A_142, %dma_wait3A_143] : memref<10000x64xf32, #tpu.memory_space<hbm>> -> memref<10000x64xf32, #tpu.memory_space<hbm>>
      tpu.wait_indirect_dma semaphore(%arg19 : memref<!tpu.dma_semaphore, #tpu.memory_space<semaphore_mem>>) src(%dma_wait3A_144 : memref<10000x64xf32, #tpu.memory_space<hbm>>) dst(%arg11 : memref<128x64xf32, #tpu.memory_space<vmem>>)
      %add3A_145 = arith.constant 4 : i32
      %add3A_146 = arith.addi %add3A_87, %add3A_145 : i32
      %mul3A_147 = arith.constant 128 : i32
      %mul3A_148 = arith.muli %add3A_146, %mul3A_147 : i32
      %dma_start3A_149 = tpu.memref_slice %arg6[%mul3A_148] : memref<10000xi32, #tpu.memory_space<vmem>> -> memref<128xi32, #tpu.memory_space<vmem>>
      %dma_start3A_150 = arith.constant 0 : i32
      %dma_start3A_151 = arith.constant 0 : i32
      %dma_start3A_152 = tpu.memref_slice %arg14[%dma_start3A_150, %dma_start3A_151] : memref<10240x64xf32, #tpu.memory_space<vmem_shared>> -> memref<10240x64xf32, #tpu.memory_space<vmem_shared>>
      tpu.enqueue_indirect_dma source(%arg11 : memref<128x64xf32, #tpu.memory_space<vmem>>) target(%dma_start3A_152 : memref<10240x64xf32, #tpu.memory_space<vmem_shared>>) offsets(%dma_start3A_149 : memref<128xi32, #tpu.memory_space<vmem>>) semaphore(%arg25 : memref<!tpu.dma_semaphore, #tpu.memory_space<semaphore_mem>>) {add = true}
      %dma_wait3A_153 = arith.constant 0 : i32
      %dma_wait3A_154 = tpu.memref_slice %arg5[%dma_wait3A_153] : memref<10000xi32, #tpu.memory_space<vmem>> -> memref<128xi32, #tpu.memory_space<vmem>>
      %dma_wait3A_155 = arith.constant 0 : i32
      %dma_wait3A_156 = arith.constant 0 : i32
      %dma_wait3A_157 = tpu.memref_slice %arg3[%dma_wait3A_155, %dma_wait3A_156] : memref<10000x64xf32, #tpu.memory_space<hbm>> -> memref<10000x64xf32, #tpu.memory_space<hbm>>
      tpu.wait_indirect_dma semaphore(%arg20 : memref<!tpu.dma_semaphore, #tpu.memory_space<semaphore_mem>>) src(%dma_wait3A_157 : memref<10000x64xf32, #tpu.memory_space<hbm>>) dst(%arg12 : memref<128x64xf32, #tpu.memory_space<vmem>>)
      %add3A_158 = arith.constant 5 : i32
      %add3A_159 = arith.addi %add3A_87, %add3A_158 : i32
      %mul3A_160 = arith.constant 128 : i32
      %mul3A_161 = arith.muli %add3A_159, %mul3A_160 : i32
      %dma_start3A_162 = tpu.memref_slice %arg6[%mul3A_161] : memref<10000xi32, #tpu.memory_space<vmem>> -> memref<128xi32, #tpu.memory_space<vmem>>
      %dma_start3A_163 = arith.constant 0 : i32
      %dma_start3A_164 = arith.constant 0 : i32
      %dma_start3A_165 = tpu.memref_slice %arg14[%dma_start3A_163, %dma_start3A_164] : memref<10240x64xf32, #tpu.memory_space<vmem_shared>> -> memref<10240x64xf32, #tpu.memory_space<vmem_shared>>
      tpu.enqueue_indirect_dma source(%arg12 : memref<128x64xf32, #tpu.memory_space<vmem>>) target(%dma_start3A_165 : memref<10240x64xf32, #tpu.memory_space<vmem_shared>>) offsets(%dma_start3A_162 : memref<128xi32, #tpu.memory_space<vmem>>) semaphore(%arg26 : memref<!tpu.dma_semaphore, #tpu.memory_space<semaphore_mem>>) {add = true}
      %add3A_166 = arith.constant 0 : i32
      %add3A_167 = arith.addi %add3A_87, %add3A_166 : i32
      %add3A_168 = arith.constant 6 : i32
      %add3A_169 = arith.addi %add3A_167, %add3A_168 : i32
      %lt3A = arith.constant 78 : i32
      %lt3A_170 = arith.cmpi slt, %add3A_169, %lt3A : i32
      %convert_element_type3A = arith.extui %lt3A_170 : i1 to i32
      %cond3A = arith.constant 0 : i32
      %cond3A_171 = arith.cmpi ne, %convert_element_type3A, %cond3A : i32
      scf.if %cond3A_171 {
        %dma_wait3A_217 = arith.constant 0 : i32
        %dma_wait3A_218 = tpu.memref_slice %arg6[%dma_wait3A_217] : memref<10000xi32, #tpu.memory_space<vmem>> -> memref<128xi32, #tpu.memory_space<vmem>>
        %dma_wait3A_219 = arith.constant 0 : i32
        %dma_wait3A_220 = arith.constant 0 : i32
        %dma_wait3A_221 = tpu.memref_slice %arg14[%dma_wait3A_219, %dma_wait3A_220] : memref<10240x64xf32, #tpu.memory_space<vmem_shared>> -> memref<10240x64xf32, #tpu.memory_space<vmem_shared>>
        tpu.wait_indirect_dma semaphore(%arg21 : memref<!tpu.dma_semaphore, #tpu.memory_space<semaphore_mem>>) src(%arg7 : memref<128x64xf32, #tpu.memory_space<vmem>>) dst(%dma_wait3A_221 : memref<10240x64xf32, #tpu.memory_space<vmem_shared>>)
        %add3A_222 = arith.constant 0 : i32
        %add3A_223 = arith.addi %add3A_87, %add3A_222 : i32
        %add3A_224 = arith.constant 6 : i32
        %add3A_225 = arith.addi %add3A_223, %add3A_224 : i32
        %mul3A_226 = arith.constant 128 : i32
        %mul3A_227 = arith.muli %add3A_225, %mul3A_226 : i32
        %dma_start3A_228 = tpu.memref_slice %arg5[%mul3A_227] : memref<10000xi32, #tpu.memory_space<vmem>> -> memref<128xi32, #tpu.memory_space<vmem>>
        %dma_start3A_229 = arith.constant 0 : i32
        %dma_start3A_230 = arith.constant 0 : i32
        %dma_start3A_231 = tpu.memref_slice %arg3[%dma_start3A_229, %dma_start3A_230] : memref<10000x64xf32, #tpu.memory_space<hbm>> -> memref<10000x64xf32, #tpu.memory_space<hbm>>
        tpu.enqueue_indirect_dma source(%dma_start3A_231 : memref<10000x64xf32, #tpu.memory_space<hbm>>) target(%arg7 : memref<128x64xf32, #tpu.memory_space<vmem>>) offsets(%dma_start3A_228 : memref<128xi32, #tpu.memory_space<vmem>>) semaphore(%arg15 : memref<!tpu.dma_semaphore, #tpu.memory_space<semaphore_mem>>)
      } else {
      }
      %add3A_172 = arith.constant 1 : i32
      %add3A_173 = arith.addi %add3A_87, %add3A_172 : i32
      %add3A_174 = arith.constant 6 : i32
      %add3A_175 = arith.addi %add3A_173, %add3A_174 : i32
      %lt3A_176 = arith.constant 78 : i32
      %lt3A_177 = arith.cmpi slt, %add3A_175, %lt3A_176 : i32
      %convert_element_type3A_178 = arith.extui %lt3A_177 : i1 to i32
      %cond3A_179 = arith.constant 0 : i32
      %cond3A_180 = arith.cmpi ne, %convert_element_type3A_178, %cond3A_179 : i32
      scf.if %cond3A_180 {
        %dma_wait3A_217 = arith.constant 0 : i32
        %dma_wait3A_218 = tpu.memref_slice %arg6[%dma_wait3A_217] : memref<10000xi32, #tpu.memory_space<vmem>> -> memref<128xi32, #tpu.memory_space<vmem>>
        %dma_wait3A_219 = arith.constant 0 : i32
        %dma_wait3A_220 = arith.constant 0 : i32
        %dma_wait3A_221 = tpu.memref_slice %arg14[%dma_wait3A_219, %dma_wait3A_220] : memref<10240x64xf32, #tpu.memory_space<vmem_shared>> -> memref<10240x64xf32, #tpu.memory_space<vmem_shared>>
        tpu.wait_indirect_dma semaphore(%arg22 : memref<!tpu.dma_semaphore, #tpu.memory_space<semaphore_mem>>) src(%arg8 : memref<128x64xf32, #tpu.memory_space<vmem>>) dst(%dma_wait3A_221 : memref<10240x64xf32, #tpu.memory_space<vmem_shared>>)
        %add3A_222 = arith.constant 1 : i32
        %add3A_223 = arith.addi %add3A_87, %add3A_222 : i32
        %add3A_224 = arith.constant 6 : i32
        %add3A_225 = arith.addi %add3A_223, %add3A_224 : i32
        %mul3A_226 = arith.constant 128 : i32
        %mul3A_227 = arith.muli %add3A_225, %mul3A_226 : i32
        %dma_start3A_228 = tpu.memref_slice %arg5[%mul3A_227] : memref<10000xi32, #tpu.memory_space<vmem>> -> memref<128xi32, #tpu.memory_space<vmem>>
        %dma_start3A_229 = arith.constant 0 : i32
        %dma_start3A_230 = arith.constant 0 : i32
        %dma_start3A_231 = tpu.memref_slice %arg3[%dma_start3A_229, %dma_start3A_230] : memref<10000x64xf32, #tpu.memory_space<hbm>> -> memref<10000x64xf32, #tpu.memory_space<hbm>>
        tpu.enqueue_indirect_dma source(%dma_start3A_231 : memref<10000x64xf32, #tpu.memory_space<hbm>>) target(%arg8 : memref<128x64xf32, #tpu.memory_space<vmem>>) offsets(%dma_start3A_228 : memref<128xi32, #tpu.memory_space<vmem>>) semaphore(%arg16 : memref<!tpu.dma_semaphore, #tpu.memory_space<semaphore_mem>>)
      } else {
      }
      %add3A_181 = arith.constant 2 : i32
      %add3A_182 = arith.addi %add3A_87, %add3A_181 : i32
      %add3A_183 = arith.constant 6 : i32
      %add3A_184 = arith.addi %add3A_182, %add3A_183 : i32
      %lt3A_185 = arith.constant 78 : i32
      %lt3A_186 = arith.cmpi slt, %add3A_184, %lt3A_185 : i32
      %convert_element_type3A_187 = arith.extui %lt3A_186 : i1 to i32
      %cond3A_188 = arith.constant 0 : i32
      %cond3A_189 = arith.cmpi ne, %convert_element_type3A_187, %cond3A_188 : i32
      scf.if %cond3A_189 {
        %dma_wait3A_217 = arith.constant 0 : i32
        %dma_wait3A_218 = tpu.memref_slice %arg6[%dma_wait3A_217] : memref<10000xi32, #tpu.memory_space<vmem>> -> memref<128xi32, #tpu.memory_space<vmem>>
        %dma_wait3A_219 = arith.constant 0 : i32
        %dma_wait3A_220 = arith.constant 0 : i32
        %dma_wait3A_221 = tpu.memref_slice %arg14[%dma_wait3A_219, %dma_wait3A_220] : memref<10240x64xf32, #tpu.memory_space<vmem_shared>> -> memref<10240x64xf32, #tpu.memory_space<vmem_shared>>
        tpu.wait_indirect_dma semaphore(%arg23 : memref<!tpu.dma_semaphore, #tpu.memory_space<semaphore_mem>>) src(%arg9 : memref<128x64xf32, #tpu.memory_space<vmem>>) dst(%dma_wait3A_221 : memref<10240x64xf32, #tpu.memory_space<vmem_shared>>)
        %add3A_222 = arith.constant 2 : i32
        %add3A_223 = arith.addi %add3A_87, %add3A_222 : i32
        %add3A_224 = arith.constant 6 : i32
        %add3A_225 = arith.addi %add3A_223, %add3A_224 : i32
        %mul3A_226 = arith.constant 128 : i32
        %mul3A_227 = arith.muli %add3A_225, %mul3A_226 : i32
        %dma_start3A_228 = tpu.memref_slice %arg5[%mul3A_227] : memref<10000xi32, #tpu.memory_space<vmem>> -> memref<128xi32, #tpu.memory_space<vmem>>
        %dma_start3A_229 = arith.constant 0 : i32
        %dma_start3A_230 = arith.constant 0 : i32
        %dma_start3A_231 = tpu.memref_slice %arg3[%dma_start3A_229, %dma_start3A_230] : memref<10000x64xf32, #tpu.memory_space<hbm>> -> memref<10000x64xf32, #tpu.memory_space<hbm>>
        tpu.enqueue_indirect_dma source(%dma_start3A_231 : memref<10000x64xf32, #tpu.memory_space<hbm>>) target(%arg9 : memref<128x64xf32, #tpu.memory_space<vmem>>) offsets(%dma_start3A_228 : memref<128xi32, #tpu.memory_space<vmem>>) semaphore(%arg17 : memref<!tpu.dma_semaphore, #tpu.memory_space<semaphore_mem>>)
      } else {
      }
      %add3A_190 = arith.constant 3 : i32
      %add3A_191 = arith.addi %add3A_87, %add3A_190 : i32
      %add3A_192 = arith.constant 6 : i32
      %add3A_193 = arith.addi %add3A_191, %add3A_192 : i32
      %lt3A_194 = arith.constant 78 : i32
      %lt3A_195 = arith.cmpi slt, %add3A_193, %lt3A_194 : i32
      %convert_element_type3A_196 = arith.extui %lt3A_195 : i1 to i32
      %cond3A_197 = arith.constant 0 : i32
      %cond3A_198 = arith.cmpi ne, %convert_element_type3A_196, %cond3A_197 : i32
      scf.if %cond3A_198 {
        %dma_wait3A_217 = arith.constant 0 : i32
        %dma_wait3A_218 = tpu.memref_slice %arg6[%dma_wait3A_217] : memref<10000xi32, #tpu.memory_space<vmem>> -> memref<128xi32, #tpu.memory_space<vmem>>
        %dma_wait3A_219 = arith.constant 0 : i32
        %dma_wait3A_220 = arith.constant 0 : i32
        %dma_wait3A_221 = tpu.memref_slice %arg14[%dma_wait3A_219, %dma_wait3A_220] : memref<10240x64xf32, #tpu.memory_space<vmem_shared>> -> memref<10240x64xf32, #tpu.memory_space<vmem_shared>>
        tpu.wait_indirect_dma semaphore(%arg24 : memref<!tpu.dma_semaphore, #tpu.memory_space<semaphore_mem>>) src(%arg10 : memref<128x64xf32, #tpu.memory_space<vmem>>) dst(%dma_wait3A_221 : memref<10240x64xf32, #tpu.memory_space<vmem_shared>>)
        %add3A_222 = arith.constant 3 : i32
        %add3A_223 = arith.addi %add3A_87, %add3A_222 : i32
        %add3A_224 = arith.constant 6 : i32
        %add3A_225 = arith.addi %add3A_223, %add3A_224 : i32
        %mul3A_226 = arith.constant 128 : i32
        %mul3A_227 = arith.muli %add3A_225, %mul3A_226 : i32
        %dma_start3A_228 = tpu.memref_slice %arg5[%mul3A_227] : memref<10000xi32, #tpu.memory_space<vmem>> -> memref<128xi32, #tpu.memory_space<vmem>>
        %dma_start3A_229 = arith.constant 0 : i32
        %dma_start3A_230 = arith.constant 0 : i32
        %dma_start3A_231 = tpu.memref_slice %arg3[%dma_start3A_229, %dma_start3A_230] : memref<10000x64xf32, #tpu.memory_space<hbm>> -> memref<10000x64xf32, #tpu.memory_space<hbm>>
        tpu.enqueue_indirect_dma source(%dma_start3A_231 : memref<10000x64xf32, #tpu.memory_space<hbm>>) target(%arg10 : memref<128x64xf32, #tpu.memory_space<vmem>>) offsets(%dma_start3A_228 : memref<128xi32, #tpu.memory_space<vmem>>) semaphore(%arg18 : memref<!tpu.dma_semaphore, #tpu.memory_space<semaphore_mem>>)
      } else {
      }
      %add3A_199 = arith.constant 4 : i32
      %add3A_200 = arith.addi %add3A_87, %add3A_199 : i32
      %add3A_201 = arith.constant 6 : i32
      %add3A_202 = arith.addi %add3A_200, %add3A_201 : i32
      %lt3A_203 = arith.constant 78 : i32
      %lt3A_204 = arith.cmpi slt, %add3A_202, %lt3A_203 : i32
      %convert_element_type3A_205 = arith.extui %lt3A_204 : i1 to i32
      %cond3A_206 = arith.constant 0 : i32
      %cond3A_207 = arith.cmpi ne, %convert_element_type3A_205, %cond3A_206 : i32
      scf.if %cond3A_207 {
        %dma_wait3A_217 = arith.constant 0 : i32
        %dma_wait3A_218 = tpu.memref_slice %arg6[%dma_wait3A_217] : memref<10000xi32, #tpu.memory_space<vmem>> -> memref<128xi32, #tpu.memory_space<vmem>>
        %dma_wait3A_219 = arith.constant 0 : i32
        %dma_wait3A_220 = arith.constant 0 : i32
        %dma_wait3A_221 = tpu.memref_slice %arg14[%dma_wait3A_219, %dma_wait3A_220] : memref<10240x64xf32, #tpu.memory_space<vmem_shared>> -> memref<10240x64xf32, #tpu.memory_space<vmem_shared>>
        tpu.wait_indirect_dma semaphore(%arg25 : memref<!tpu.dma_semaphore, #tpu.memory_space<semaphore_mem>>) src(%arg11 : memref<128x64xf32, #tpu.memory_space<vmem>>) dst(%dma_wait3A_221 : memref<10240x64xf32, #tpu.memory_space<vmem_shared>>)
        %add3A_222 = arith.constant 4 : i32
        %add3A_223 = arith.addi %add3A_87, %add3A_222 : i32
        %add3A_224 = arith.constant 6 : i32
        %add3A_225 = arith.addi %add3A_223, %add3A_224 : i32
        %mul3A_226 = arith.constant 128 : i32
        %mul3A_227 = arith.muli %add3A_225, %mul3A_226 : i32
        %dma_start3A_228 = tpu.memref_slice %arg5[%mul3A_227] : memref<10000xi32, #tpu.memory_space<vmem>> -> memref<128xi32, #tpu.memory_space<vmem>>
        %dma_start3A_229 = arith.constant 0 : i32
        %dma_start3A_230 = arith.constant 0 : i32
        %dma_start3A_231 = tpu.memref_slice %arg3[%dma_start3A_229, %dma_start3A_230] : memref<10000x64xf32, #tpu.memory_space<hbm>> -> memref<10000x64xf32, #tpu.memory_space<hbm>>
        tpu.enqueue_indirect_dma source(%dma_start3A_231 : memref<10000x64xf32, #tpu.memory_space<hbm>>) target(%arg11 : memref<128x64xf32, #tpu.memory_space<vmem>>) offsets(%dma_start3A_228 : memref<128xi32, #tpu.memory_space<vmem>>) semaphore(%arg19 : memref<!tpu.dma_semaphore, #tpu.memory_space<semaphore_mem>>)
      } else {
      }
      %add3A_208 = arith.constant 5 : i32
      %add3A_209 = arith.addi %add3A_87, %add3A_208 : i32
      %add3A_210 = arith.constant 6 : i32
      %add3A_211 = arith.addi %add3A_209, %add3A_210 : i32
      %lt3A_212 = arith.constant 78 : i32
      %lt3A_213 = arith.cmpi slt, %add3A_211, %lt3A_212 : i32
      %convert_element_type3A_214 = arith.extui %lt3A_213 : i1 to i32
      %cond3A_215 = arith.constant 0 : i32
      %cond3A_216 = arith.cmpi ne, %convert_element_type3A_214, %cond3A_215 : i32
      scf.if %cond3A_216 {
        %dma_wait3A_217 = arith.constant 0 : i32
        %dma_wait3A_218 = tpu.memref_slice %arg6[%dma_wait3A_217] : memref<10000xi32, #tpu.memory_space<vmem>> -> memref<128xi32, #tpu.memory_space<vmem>>
        %dma_wait3A_219 = arith.constant 0 : i32
        %dma_wait3A_220 = arith.constant 0 : i32
        %dma_wait3A_221 = tpu.memref_slice %arg14[%dma_wait3A_219, %dma_wait3A_220] : memref<10240x64xf32, #tpu.memory_space<vmem_shared>> -> memref<10240x64xf32, #tpu.memory_space<vmem_shared>>
        tpu.wait_indirect_dma semaphore(%arg26 : memref<!tpu.dma_semaphore, #tpu.memory_space<semaphore_mem>>) src(%arg12 : memref<128x64xf32, #tpu.memory_space<vmem>>) dst(%dma_wait3A_221 : memref<10240x64xf32, #tpu.memory_space<vmem_shared>>)
        %add3A_222 = arith.constant 5 : i32
        %add3A_223 = arith.addi %add3A_87, %add3A_222 : i32
        %add3A_224 = arith.constant 6 : i32
        %add3A_225 = arith.addi %add3A_223, %add3A_224 : i32
        %mul3A_226 = arith.constant 128 : i32
        %mul3A_227 = arith.muli %add3A_225, %mul3A_226 : i32
        %dma_start3A_228 = tpu.memref_slice %arg5[%mul3A_227] : memref<10000xi32, #tpu.memory_space<vmem>> -> memref<128xi32, #tpu.memory_space<vmem>>
        %dma_start3A_229 = arith.constant 0 : i32
        %dma_start3A_230 = arith.constant 0 : i32
        %dma_start3A_231 = tpu.memref_slice %arg3[%dma_start3A_229, %dma_start3A_230] : memref<10000x64xf32, #tpu.memory_space<hbm>> -> memref<10000x64xf32, #tpu.memory_space<hbm>>
        tpu.enqueue_indirect_dma source(%dma_start3A_231 : memref<10000x64xf32, #tpu.memory_space<hbm>>) target(%arg12 : memref<128x64xf32, #tpu.memory_space<vmem>>) offsets(%dma_start3A_228 : memref<128xi32, #tpu.memory_space<vmem>>) semaphore(%arg20 : memref<!tpu.dma_semaphore, #tpu.memory_space<semaphore_mem>>)
      } else {
      }
    }
    %scan3A_48 = arith.constant 13 : i32
    %dma_wait3A = arith.constant 0 : i32
    %dma_wait3A_49 = tpu.memref_slice %arg6[%dma_wait3A] : memref<10000xi32, #tpu.memory_space<vmem>> -> memref<128xi32, #tpu.memory_space<vmem>>
    %dma_wait3A_50 = arith.constant 0 : i32
    %dma_wait3A_51 = arith.constant 0 : i32
    %dma_wait3A_52 = tpu.memref_slice %arg14[%dma_wait3A_50, %dma_wait3A_51] : memref<10240x64xf32, #tpu.memory_space<vmem_shared>> -> memref<10240x64xf32, #tpu.memory_space<vmem_shared>>
    tpu.wait_indirect_dma semaphore(%arg21 : memref<!tpu.dma_semaphore, #tpu.memory_space<semaphore_mem>>) src(%arg7 : memref<128x64xf32, #tpu.memory_space<vmem>>) dst(%dma_wait3A_52 : memref<10240x64xf32, #tpu.memory_space<vmem_shared>>)
    %dma_wait3A_53 = arith.constant 0 : i32
    %dma_wait3A_54 = tpu.memref_slice %arg6[%dma_wait3A_53] : memref<10000xi32, #tpu.memory_space<vmem>> -> memref<128xi32, #tpu.memory_space<vmem>>
    %dma_wait3A_55 = arith.constant 0 : i32
    %dma_wait3A_56 = arith.constant 0 : i32
    %dma_wait3A_57 = tpu.memref_slice %arg14[%dma_wait3A_55, %dma_wait3A_56] : memref<10240x64xf32, #tpu.memory_space<vmem_shared>> -> memref<10240x64xf32, #tpu.memory_space<vmem_shared>>
    tpu.wait_indirect_dma semaphore(%arg22 : memref<!tpu.dma_semaphore, #tpu.memory_space<semaphore_mem>>) src(%arg8 : memref<128x64xf32, #tpu.memory_space<vmem>>) dst(%dma_wait3A_57 : memref<10240x64xf32, #tpu.memory_space<vmem_shared>>)
    %dma_wait3A_58 = arith.constant 0 : i32
    %dma_wait3A_59 = tpu.memref_slice %arg6[%dma_wait3A_58] : memref<10000xi32, #tpu.memory_space<vmem>> -> memref<128xi32, #tpu.memory_space<vmem>>
    %dma_wait3A_60 = arith.constant 0 : i32
    %dma_wait3A_61 = arith.constant 0 : i32
    %dma_wait3A_62 = tpu.memref_slice %arg14[%dma_wait3A_60, %dma_wait3A_61] : memref<10240x64xf32, #tpu.memory_space<vmem_shared>> -> memref<10240x64xf32, #tpu.memory_space<vmem_shared>>
    tpu.wait_indirect_dma semaphore(%arg23 : memref<!tpu.dma_semaphore, #tpu.memory_space<semaphore_mem>>) src(%arg9 : memref<128x64xf32, #tpu.memory_space<vmem>>) dst(%dma_wait3A_62 : memref<10240x64xf32, #tpu.memory_space<vmem_shared>>)
    %dma_wait3A_63 = arith.constant 0 : i32
    %dma_wait3A_64 = tpu.memref_slice %arg6[%dma_wait3A_63] : memref<10000xi32, #tpu.memory_space<vmem>> -> memref<128xi32, #tpu.memory_space<vmem>>
    %dma_wait3A_65 = arith.constant 0 : i32
    %dma_wait3A_66 = arith.constant 0 : i32
    %dma_wait3A_67 = tpu.memref_slice %arg14[%dma_wait3A_65, %dma_wait3A_66] : memref<10240x64xf32, #tpu.memory_space<vmem_shared>> -> memref<10240x64xf32, #tpu.memory_space<vmem_shared>>
    tpu.wait_indirect_dma semaphore(%arg24 : memref<!tpu.dma_semaphore, #tpu.memory_space<semaphore_mem>>) src(%arg10 : memref<128x64xf32, #tpu.memory_space<vmem>>) dst(%dma_wait3A_67 : memref<10240x64xf32, #tpu.memory_space<vmem_shared>>)
    %dma_wait3A_68 = arith.constant 0 : i32
    %dma_wait3A_69 = tpu.memref_slice %arg6[%dma_wait3A_68] : memref<10000xi32, #tpu.memory_space<vmem>> -> memref<128xi32, #tpu.memory_space<vmem>>
    %dma_wait3A_70 = arith.constant 0 : i32
    %dma_wait3A_71 = arith.constant 0 : i32
    %dma_wait3A_72 = tpu.memref_slice %arg14[%dma_wait3A_70, %dma_wait3A_71] : memref<10240x64xf32, #tpu.memory_space<vmem_shared>> -> memref<10240x64xf32, #tpu.memory_space<vmem_shared>>
    tpu.wait_indirect_dma semaphore(%arg25 : memref<!tpu.dma_semaphore, #tpu.memory_space<semaphore_mem>>) src(%arg11 : memref<128x64xf32, #tpu.memory_space<vmem>>) dst(%dma_wait3A_72 : memref<10240x64xf32, #tpu.memory_space<vmem_shared>>)
    %dma_wait3A_73 = arith.constant 0 : i32
    %dma_wait3A_74 = tpu.memref_slice %arg6[%dma_wait3A_73] : memref<10000xi32, #tpu.memory_space<vmem>> -> memref<128xi32, #tpu.memory_space<vmem>>
    %dma_wait3A_75 = arith.constant 0 : i32
    %dma_wait3A_76 = arith.constant 0 : i32
    %dma_wait3A_77 = tpu.memref_slice %arg14[%dma_wait3A_75, %dma_wait3A_76] : memref<10240x64xf32, #tpu.memory_space<vmem_shared>> -> memref<10240x64xf32, #tpu.memory_space<vmem_shared>>
    tpu.wait_indirect_dma semaphore(%arg26 : memref<!tpu.dma_semaphore, #tpu.memory_space<semaphore_mem>>) src(%arg12 : memref<128x64xf32, #tpu.memory_space<vmem>>) dst(%dma_wait3A_77 : memref<10240x64xf32, #tpu.memory_space<vmem_shared>>)
    "tpu.region"() ({
      %run_scoped3A_83 = tpu.sem_alloc : memref<!tpu.dma_semaphore, #tpu.memory_space<semaphore_mem>>
      %dma_start3A_84 = arith.constant 0 : i32
      %dma_start3A_85 = arith.constant 0 : i32
      %dma_start3A_86 = tpu.memref_slice %arg7[%dma_start3A_84, %dma_start3A_85] : memref<128x64xf32, #tpu.memory_space<vmem>> -> memref<16x64xf32, #tpu.memory_space<vmem>>
      %dma_start3A_87 = arith.constant 9984 : i32
      %dma_start3A_88 = tpu.memref_slice %arg5[%dma_start3A_87] : memref<10000xi32, #tpu.memory_space<vmem>> -> memref<16xi32, #tpu.memory_space<vmem>>
      %dma_start3A_89 = arith.constant 0 : i32
      %dma_start3A_90 = arith.constant 0 : i32
      %dma_start3A_91 = tpu.memref_slice %arg3[%dma_start3A_89, %dma_start3A_90] : memref<10000x64xf32, #tpu.memory_space<hbm>> -> memref<10000x64xf32, #tpu.memory_space<hbm>>
      tpu.enqueue_indirect_dma source(%dma_start3A_91 : memref<10000x64xf32, #tpu.memory_space<hbm>>) target(%dma_start3A_86 : memref<16x64xf32, #tpu.memory_space<vmem>>) offsets(%dma_start3A_88 : memref<16xi32, #tpu.memory_space<vmem>>) semaphore(%run_scoped3A_83 : memref<!tpu.dma_semaphore, #tpu.memory_space<semaphore_mem>>)
      %dma_wait3A_92 = arith.constant 0 : i32
      %dma_wait3A_93 = arith.constant 0 : i32
      %dma_wait3A_94 = tpu.memref_slice %arg7[%dma_wait3A_92, %dma_wait3A_93] : memref<128x64xf32, #tpu.memory_space<vmem>> -> memref<16x64xf32, #tpu.memory_space<vmem>>
      %dma_wait3A_95 = arith.constant 9984 : i32
      %dma_wait3A_96 = tpu.memref_slice %arg5[%dma_wait3A_95] : memref<10000xi32, #tpu.memory_space<vmem>> -> memref<16xi32, #tpu.memory_space<vmem>>
      %dma_wait3A_97 = arith.constant 0 : i32
      %dma_wait3A_98 = arith.constant 0 : i32
      %dma_wait3A_99 = tpu.memref_slice %arg3[%dma_wait3A_97, %dma_wait3A_98] : memref<10000x64xf32, #tpu.memory_space<hbm>> -> memref<10000x64xf32, #tpu.memory_space<hbm>>
      tpu.wait_indirect_dma semaphore(%run_scoped3A_83 : memref<!tpu.dma_semaphore, #tpu.memory_space<semaphore_mem>>) src(%dma_wait3A_99 : memref<10000x64xf32, #tpu.memory_space<hbm>>) dst(%dma_wait3A_94 : memref<16x64xf32, #tpu.memory_space<vmem>>)
      tpu.yield
    }) : () -> ()
    "tpu.region"() ({
      %run_scoped3A_83 = tpu.sem_alloc : memref<!tpu.dma_semaphore, #tpu.memory_space<semaphore_mem>>
      %dma_start3A_84 = arith.constant 0 : i32
      %dma_start3A_85 = arith.constant 0 : i32
      %dma_start3A_86 = tpu.memref_slice %arg7[%dma_start3A_84, %dma_start3A_85] : memref<128x64xf32, #tpu.memory_space<vmem>> -> memref<16x64xf32, #tpu.memory_space<vmem>>
      %dma_start3A_87 = arith.constant 9984 : i32
      %dma_start3A_88 = tpu.memref_slice %arg6[%dma_start3A_87] : memref<10000xi32, #tpu.memory_space<vmem>> -> memref<16xi32, #tpu.memory_space<vmem>>
      %dma_start3A_89 = arith.constant 0 : i32
      %dma_start3A_90 = arith.constant 0 : i32
      %dma_start3A_91 = tpu.memref_slice %arg14[%dma_start3A_89, %dma_start3A_90] : memref<10240x64xf32, #tpu.memory_space<vmem_shared>> -> memref<10240x64xf32, #tpu.memory_space<vmem_shared>>
      tpu.enqueue_indirect_dma source(%dma_start3A_86 : memref<16x64xf32, #tpu.memory_space<vmem>>) target(%dma_start3A_91 : memref<10240x64xf32, #tpu.memory_space<vmem_shared>>) offsets(%dma_start3A_88 : memref<16xi32, #tpu.memory_space<vmem>>) semaphore(%run_scoped3A_83 : memref<!tpu.dma_semaphore, #tpu.memory_space<semaphore_mem>>) {add = true}
      %dma_wait3A_92 = arith.constant 0 : i32
      %dma_wait3A_93 = arith.constant 0 : i32
      %dma_wait3A_94 = tpu.memref_slice %arg7[%dma_wait3A_92, %dma_wait3A_93] : memref<128x64xf32, #tpu.memory_space<vmem>> -> memref<16x64xf32, #tpu.memory_space<vmem>>
      %dma_wait3A_95 = arith.constant 9984 : i32
      %dma_wait3A_96 = tpu.memref_slice %arg6[%dma_wait3A_95] : memref<10000xi32, #tpu.memory_space<vmem>> -> memref<16xi32, #tpu.memory_space<vmem>>
      %dma_wait3A_97 = arith.constant 0 : i32
      %dma_wait3A_98 = arith.constant 0 : i32
      %dma_wait3A_99 = tpu.memref_slice %arg14[%dma_wait3A_97, %dma_wait3A_98] : memref<10240x64xf32, #tpu.memory_space<vmem_shared>> -> memref<10240x64xf32, #tpu.memory_space<vmem_shared>>
      tpu.wait_indirect_dma semaphore(%run_scoped3A_83 : memref<!tpu.dma_semaphore, #tpu.memory_space<semaphore_mem>>) src(%dma_wait3A_94 : memref<16x64xf32, #tpu.memory_space<vmem>>) dst(%dma_wait3A_99 : memref<10240x64xf32, #tpu.memory_space<vmem_shared>>)
      tpu.yield
    }) : () -> ()
    %barrier3A_78 = arith.constant 0 : index
    tpu.barrier barrier_id(%barrier3A_78)
    %mul3A_79 = arith.constant 640 : i32
    %mul3A_80 = arith.muli %arg1, %mul3A_79 : i32
    %mul3A_81 = arith.constant 640 : i32
    %mul3A_82 = arith.muli %arg1, %mul3A_81 : i32
    "tpu.region"() ({
      %run_scoped3A_83 = tpu.sem_alloc : memref<!tpu.dma_semaphore, #tpu.memory_space<semaphore_mem>>
      %dma_start3A_84 = arith.constant 0 : i32
      %dma_start3A_85 = tpu.memref_slice %arg4[%arg0, %mul3A_82, %dma_start3A_84] : memref<2x10240x64xf32, #tpu.memory_space<hbm>> -> memref<1x640x64xf32, #tpu.memory_space<hbm>>
      %dma_start3A_86 = tpu.memref_squeeze %dma_start3A_85 : memref<1x640x64xf32, #tpu.memory_space<hbm>> -> memref<640x64xf32, #tpu.memory_space<hbm>>
      %dma_start3A_87 = arith.constant 0 : i32
      %dma_start3A_88 = tpu.memref_slice %arg14[%mul3A_80, %dma_start3A_87] : memref<10240x64xf32, #tpu.memory_space<vmem_shared>> -> memref<640x64xf32, #tpu.memory_space<vmem_shared>>
      tpu.enqueue_dma source(%dma_start3A_88 : memref<640x64xf32, #tpu.memory_space<vmem_shared>>) target(%dma_start3A_86 : memref<640x64xf32, #tpu.memory_space<hbm>>) target_semaphore(%run_scoped3A_83 : memref<!tpu.dma_semaphore, #tpu.memory_space<semaphore_mem>>)
      %dma_wait3A_89 = arith.constant 0 : i32
      %dma_wait3A_90 = tpu.memref_slice %arg4[%arg0, %mul3A_82, %dma_wait3A_89] : memref<2x10240x64xf32, #tpu.memory_space<hbm>> -> memref<1x640x64xf32, #tpu.memory_space<hbm>>
      %dma_wait3A_91 = tpu.memref_squeeze %dma_wait3A_90 : memref<1x640x64xf32, #tpu.memory_space<hbm>> -> memref<640x64xf32, #tpu.memory_space<hbm>>
      %dma_wait3A_92 = arith.constant 0 : i32
      %dma_wait3A_93 = tpu.memref_slice %arg14[%mul3A_80, %dma_wait3A_92] : memref<10240x64xf32, #tpu.memory_space<vmem_shared>> -> memref<640x64xf32, #tpu.memory_space<vmem_shared>>
      tpu.wait_dma2 semaphore(%run_scoped3A_83 : memref<!tpu.dma_semaphore, #tpu.memory_space<semaphore_mem>>) src(%dma_wait3A_93 : memref<640x64xf32, #tpu.memory_space<vmem_shared>>) dst(%dma_wait3A_91 : memref<640x64xf32, #tpu.memory_space<hbm>>)
      tpu.yield
    }) : () -> ()
    return
  }
}

module attributes {stable_mosaic.version = 14 : i64} {
  func.func @_mm_body(%arg0: memref<10000x128xf32, #tpu.memory_space<vmem>>, %arg1: memref<128x32xf32, #tpu.memory_space<vmem>>, %arg2: memref<10000x32xf32, #tpu.memory_space<vmem>>) attributes {dimension_semantics = [], scalar_prefetch = 0 : i64, scratch_operands = 0 : i64, tpu.core_type = #tpu.core_type<tc>} {
    %get3A = arith.constant 0 : index
    %get3A_0 = arith.constant 0 : index
    %get3A_1 = vector.load %arg0[%get3A, %get3A_0] : memref<10000x128xf32, #tpu.memory_space<vmem>>, vector<10000x128xf32>
    %get3A_2 = arith.constant 0 : index
    %get3A_3 = arith.constant 0 : index
    %get3A_4 = vector.load %arg1[%get3A_2, %get3A_3] : memref<128x32xf32, #tpu.memory_space<vmem>>, vector<128x32xf32>
    %dot_general3A = arith.constant dense<0.000000e+00> : vector<10000x32xf32>
    %dot_general3A_5 = tpu.matmul %get3A_1, %get3A_4, %dot_general3A {dimension_numbers = #tpu.dot_dimension_numbers<[1], [0], [0], [1], [0, 0, 1, 1], [], []>, transpose_lhs_hint = false} : vector<10000x128xf32>, vector<128x32xf32>, vector<10000x32xf32> -> vector<10000x32xf32>
    %swap3A = arith.constant 0 : index
    %swap3A_6 = arith.constant 0 : index
    %swap3A_7 = vector.load %arg2[%swap3A, %swap3A_6] : memref<10000x32xf32, #tpu.memory_space<vmem>>, vector<10000x32xf32>
    tpu.vector_store %arg2[%swap3A, %swap3A_6], %dot_general3A_5 {strides = array<i32>} : memref<10000x32xf32, #tpu.memory_space<vmem>>, vector<10000x32xf32>,
    return
  }
}

module attributes {stable_mosaic.version = 14 : i64} {
  func.func @_scale0_body(%arg0: memref<2x10240x16xf32, #tpu.memory_space<vmem>>, %arg1: memref<10000x32xf32, #tpu.memory_space<vmem>>, %arg2: memref<10000x1xf32, #tpu.memory_space<vmem>>, %arg3: memref<10000x32xf32, #tpu.memory_space<vmem>>) attributes {dimension_semantics = [], scalar_prefetch = 0 : i64, scratch_operands = 0 : i64, tpu.core_type = #tpu.core_type<tc>} {
    %get3A = arith.constant 0 : index
    %get3A_0 = arith.constant 0 : index
    %get3A_1 = arith.constant 0 : index
    %get3A_2 = vector.load %arg0[%get3A, %get3A_0, %get3A_1] : memref<2x10240x16xf32, #tpu.memory_space<vmem>>, vector<1x10000x1xf32>
    %get3A_3 = vector.shape_cast %get3A_2 : vector<1x10000x1xf32> to vector<10000x1xf32>
    %get3A_4 = arith.constant 1 : index
    %get3A_5 = arith.constant 0 : index
    %get3A_6 = arith.constant 0 : index
    %get3A_7 = vector.load %arg0[%get3A_4, %get3A_5, %get3A_6] : memref<2x10240x16xf32, #tpu.memory_space<vmem>>, vector<1x10000x1xf32>
    %get3A_8 = vector.shape_cast %get3A_7 : vector<1x10000x1xf32> to vector<10000x1xf32>
    %add3A = arith.addf %get3A_3, %get3A_8 : vector<10000x1xf32>
    %add3A_9 = arith.constant 1.000000e+00 : f32
    %add3A_10 = vector.broadcast %add3A_9 : f32 to vector<10000x1xf32>
    %add3A_11 = arith.addf %add3A, %add3A_10 : vector<10000x1xf32>
    %rsqrt3A = math.rsqrt %add3A_11 : vector<10000x1xf32>
    %swap3A = arith.constant 0 : index
    %swap3A_12 = arith.constant 0 : index
    %swap3A_13 = vector.load %arg2[%swap3A, %swap3A_12] : memref<10000x1xf32, #tpu.memory_space<vmem>>, vector<10000x1xf32>
    tpu.vector_store %arg2[%swap3A, %swap3A_12], %rsqrt3A {strides = array<i32>} : memref<10000x1xf32, #tpu.memory_space<vmem>>, vector<10000x1xf32>,
    %get3A_14 = arith.constant 0 : index
    %get3A_15 = arith.constant 0 : index
    %get3A_16 = vector.load %arg1[%get3A_14, %get3A_15] : memref<10000x32xf32, #tpu.memory_space<vmem>>, vector<10000x32xf32>
    %mul3A = vector.broadcast %rsqrt3A : vector<10000x1xf32> to vector<10000x32xf32>
    %mul3A_17 = arith.mulf %mul3A, %get3A_16 : vector<10000x32xf32>
    %swap3A_18 = arith.constant 0 : index
    %swap3A_19 = arith.constant 0 : index
    %swap3A_20 = vector.load %arg3[%swap3A_18, %swap3A_19] : memref<10000x32xf32, #tpu.memory_space<vmem>>, vector<10000x32xf32>
    tpu.vector_store %arg3[%swap3A_18, %swap3A_19], %mul3A_17 {strides = array<i32>} : memref<10000x32xf32, #tpu.memory_space<vmem>>, vector<10000x32xf32>,
    return
  }
}

module attributes {stable_mosaic.version = 14 : i64} {
  func.func @_stage_mid_body(%arg0: memref<2x10240x32xf32, #tpu.memory_space<vmem>>, %arg1: memref<10000x32xf32, #tpu.memory_space<vmem>>, %arg2: memref<10000x1xf32, #tpu.memory_space<vmem>>, %arg3: memref<1x32xf32, #tpu.memory_space<vmem>>, %arg4: memref<32x64xf32, #tpu.memory_space<vmem>>, %arg5: memref<10000x64xf32, #tpu.memory_space<vmem>>) attributes {dimension_semantics = [], scalar_prefetch = 0 : i64, scratch_operands = 0 : i64, tpu.core_type = #tpu.core_type<tc>} {
    %get3A = arith.constant 0 : index
    %get3A_0 = arith.constant 0 : index
    %get3A_1 = vector.load %arg2[%get3A, %get3A_0] : memref<10000x1xf32, #tpu.memory_space<vmem>>, vector<10000x1xf32>
    %get3A_2 = arith.constant 0 : index
    %get3A_3 = arith.constant 0 : index
    %get3A_4 = arith.constant 0 : index
    %get3A_5 = vector.load %arg0[%get3A_2, %get3A_3, %get3A_4] : memref<2x10240x32xf32, #tpu.memory_space<vmem>>, vector<1x10000x32xf32>
    %get3A_6 = vector.shape_cast %get3A_5 : vector<1x10000x32xf32> to vector<10000x32xf32>
    %get3A_7 = arith.constant 1 : index
    %get3A_8 = arith.constant 0 : index
    %get3A_9 = arith.constant 0 : index
    %get3A_10 = vector.load %arg0[%get3A_7, %get3A_8, %get3A_9] : memref<2x10240x32xf32, #tpu.memory_space<vmem>>, vector<1x10000x32xf32>
    %get3A_11 = vector.shape_cast %get3A_10 : vector<1x10000x32xf32> to vector<10000x32xf32>
    %add3A = arith.addf %get3A_6, %get3A_11 : vector<10000x32xf32>
    %get3A_12 = arith.constant 0 : index
    %get3A_13 = arith.constant 0 : index
    %get3A_14 = vector.load %arg1[%get3A_12, %get3A_13] : memref<10000x32xf32, #tpu.memory_space<vmem>>, vector<10000x32xf32>
    %add3A_15 = arith.addf %add3A, %get3A_14 : vector<10000x32xf32>
    %mul3A = vector.broadcast %get3A_1 : vector<10000x1xf32> to vector<10000x32xf32>
    %mul3A_16 = arith.mulf %mul3A, %add3A_15 : vector<10000x32xf32>
    %get3A_17 = arith.constant 0 : index
    %get3A_18 = arith.constant 0 : index
    %get3A_19 = vector.load %arg3[%get3A_17, %get3A_18] : memref<1x32xf32, #tpu.memory_space<vmem>>, vector<1x32xf32>
    %add3A_20 = vector.broadcast %get3A_19 : vector<1x32xf32> to vector<10000x32xf32>
    %add3A_21 = arith.addf %mul3A_16, %add3A_20 : vector<10000x32xf32>
    %max3A = arith.constant 0.000000e+00 : f32
    %max3A_22 = vector.broadcast %max3A : f32 to vector<10000x32xf32>
    %max3A_23 = arith.maximumf %add3A_21, %max3A_22 : vector<10000x32xf32>
    %get3A_24 = arith.constant 0 : index
    %get3A_25 = arith.constant 0 : index
    %get3A_26 = vector.load %arg4[%get3A_24, %get3A_25] : memref<32x64xf32, #tpu.memory_space<vmem>>, vector<32x64xf32>
    %dot_general3A = arith.constant dense<0.000000e+00> : vector<10000x64xf32>
    %dot_general3A_27 = tpu.matmul %max3A_23, %get3A_26, %dot_general3A {dimension_numbers = #tpu.dot_dimension_numbers<[1], [0], [0], [1], [0, 0, 1, 1], [], []>, transpose_lhs_hint = false} : vector<10000x32xf32>, vector<32x64xf32>, vector<10000x64xf32> -> vector<10000x64xf32>
    %mul3A_28 = vector.broadcast %get3A_1 : vector<10000x1xf32> to vector<10000x64xf32>
    %mul3A_29 = arith.mulf %mul3A_28, %dot_general3A_27 : vector<10000x64xf32>
    %swap3A = arith.constant 0 : index
    %swap3A_30 = arith.constant 0 : index
    %swap3A_31 = vector.load %arg5[%swap3A, %swap3A_30] : memref<10000x64xf32, #tpu.memory_space<vmem>>, vector<10000x64xf32>
    tpu.vector_store %arg5[%swap3A, %swap3A_30], %mul3A_29 {strides = array<i32>} : memref<10000x64xf32, #tpu.memory_space<vmem>>, vector<10000x64xf32>,
    return
  }
}

module attributes {stable_mosaic.version = 14 : i64} {
  func.func @_stage_mid_body(%arg0: memref<2x10240x64xf32, #tpu.memory_space<vmem>>, %arg1: memref<10000x64xf32, #tpu.memory_space<vmem>>, %arg2: memref<10000x1xf32, #tpu.memory_space<vmem>>, %arg3: memref<1x64xf32, #tpu.memory_space<vmem>>, %arg4: memref<64x64xf32, #tpu.memory_space<vmem>>, %arg5: memref<10000x64xf32, #tpu.memory_space<vmem>>) attributes {dimension_semantics = [], scalar_prefetch = 0 : i64, scratch_operands = 0 : i64, tpu.core_type = #tpu.core_type<tc>} {
    %get3A = arith.constant 0 : index
    %get3A_0 = arith.constant 0 : index
    %get3A_1 = vector.load %arg2[%get3A, %get3A_0] : memref<10000x1xf32, #tpu.memory_space<vmem>>, vector<10000x1xf32>
    %get3A_2 = arith.constant 0 : index
    %get3A_3 = arith.constant 0 : index
    %get3A_4 = arith.constant 0 : index
    %get3A_5 = vector.load %arg0[%get3A_2, %get3A_3, %get3A_4] : memref<2x10240x64xf32, #tpu.memory_space<vmem>>, vector<1x10000x64xf32>
    %get3A_6 = vector.shape_cast %get3A_5 : vector<1x10000x64xf32> to vector<10000x64xf32>
    %get3A_7 = arith.constant 1 : index
    %get3A_8 = arith.constant 0 : index
    %get3A_9 = arith.constant 0 : index
    %get3A_10 = vector.load %arg0[%get3A_7, %get3A_8, %get3A_9] : memref<2x10240x64xf32, #tpu.memory_space<vmem>>, vector<1x10000x64xf32>
    %get3A_11 = vector.shape_cast %get3A_10 : vector<1x10000x64xf32> to vector<10000x64xf32>
    %add3A = arith.addf %get3A_6, %get3A_11 : vector<10000x64xf32>
    %get3A_12 = arith.constant 0 : index
    %get3A_13 = arith.constant 0 : index
    %get3A_14 = vector.load %arg1[%get3A_12, %get3A_13] : memref<10000x64xf32, #tpu.memory_space<vmem>>, vector<10000x64xf32>
    %add3A_15 = arith.addf %add3A, %get3A_14 : vector<10000x64xf32>
    %mul3A = vector.broadcast %get3A_1 : vector<10000x1xf32> to vector<10000x64xf32>
    %mul3A_16 = arith.mulf %mul3A, %add3A_15 : vector<10000x64xf32>
    %get3A_17 = arith.constant 0 : index
    %get3A_18 = arith.constant 0 : index
    %get3A_19 = vector.load %arg3[%get3A_17, %get3A_18] : memref<1x64xf32, #tpu.memory_space<vmem>>, vector<1x64xf32>
    %add3A_20 = vector.broadcast %get3A_19 : vector<1x64xf32> to vector<10000x64xf32>
    %add3A_21 = arith.addf %mul3A_16, %add3A_20 : vector<10000x64xf32>
    %max3A = arith.constant 0.000000e+00 : f32
    %max3A_22 = vector.broadcast %max3A : f32 to vector<10000x64xf32>
    %max3A_23 = arith.maximumf %add3A_21, %max3A_22 : vector<10000x64xf32>
    %get3A_24 = arith.constant 0 : index
    %get3A_25 = arith.constant 0 : index
    %get3A_26 = vector.load %arg4[%get3A_24, %get3A_25] : memref<64x64xf32, #tpu.memory_space<vmem>>, vector<64x64xf32>
    %dot_general3A = arith.constant dense<0.000000e+00> : vector<10000x64xf32>
    %dot_general3A_27 = tpu.matmul %max3A_23, %get3A_26, %dot_general3A {dimension_numbers = #tpu.dot_dimension_numbers<[1], [0], [0], [1], [0, 0, 1, 1], [], []>, transpose_lhs_hint = false} : vector<10000x64xf32>, vector<64x64xf32>, vector<10000x64xf32> -> vector<10000x64xf32>
    %mul3A_28 = vector.broadcast %get3A_1 : vector<10000x1xf32> to vector<10000x64xf32>
    %mul3A_29 = arith.mulf %mul3A_28, %dot_general3A_27 : vector<10000x64xf32>
    %swap3A = arith.constant 0 : index
    %swap3A_30 = arith.constant 0 : index
    %swap3A_31 = vector.load %arg5[%swap3A, %swap3A_30] : memref<10000x64xf32, #tpu.memory_space<vmem>>, vector<10000x64xf32>
    tpu.vector_store %arg5[%swap3A, %swap3A_30], %mul3A_29 {strides = array<i32>} : memref<10000x64xf32, #tpu.memory_space<vmem>>, vector<10000x64xf32>,
    return
  }
}

module attributes {stable_mosaic.version = 14 : i64} {
  func.func @_stage3_body(%arg0: memref<2x10240x64xf32, #tpu.memory_space<vmem>>, %arg1: memref<10000x64xf32, #tpu.memory_space<vmem>>, %arg2: memref<10000x1xf32, #tpu.memory_space<vmem>>, %arg3: memref<1x64xf32, #tpu.memory_space<vmem>>, %arg4: memref<10000x64xf32, #tpu.memory_space<vmem>>) attributes {dimension_semantics = [], scalar_prefetch = 0 : i64, scratch_operands = 0 : i64, tpu.core_type = #tpu.core_type<tc>} {
    %get3A = arith.constant 0 : index
    %get3A_0 = arith.constant 0 : index
    %get3A_1 = arith.constant 0 : index
    %get3A_2 = vector.load %arg0[%get3A, %get3A_0, %get3A_1] : memref<2x10240x64xf32, #tpu.memory_space<vmem>>, vector<1x10000x64xf32>
    %get3A_3 = vector.shape_cast %get3A_2 : vector<1x10000x64xf32> to vector<10000x64xf32>
    %get3A_4 = arith.constant 1 : index
    %get3A_5 = arith.constant 0 : index
    %get3A_6 = arith.constant 0 : index
    %get3A_7 = vector.load %arg0[%get3A_4, %get3A_5, %get3A_6] : memref<2x10240x64xf32, #tpu.memory_space<vmem>>, vector<1x10000x64xf32>
    %get3A_8 = vector.shape_cast %get3A_7 : vector<1x10000x64xf32> to vector<10000x64xf32>
    %add3A = arith.addf %get3A_3, %get3A_8 : vector<10000x64xf32>
    %get3A_9 = arith.constant 0 : index
    %get3A_10 = arith.constant 0 : index
    %get3A_11 = vector.load %arg2[%get3A_9, %get3A_10] : memref<10000x1xf32, #tpu.memory_space<vmem>>, vector<10000x1xf32>
    %get3A_12 = arith.constant 0 : index
    %get3A_13 = arith.constant 0 : index
    %get3A_14 = vector.load %arg1[%get3A_12, %get3A_13] : memref<10000x64xf32, #tpu.memory_space<vmem>>, vector<10000x64xf32>
    %add3A_15 = arith.addf %add3A, %get3A_14 : vector<10000x64xf32>
    %mul3A = vector.broadcast %get3A_11 : vector<10000x1xf32> to vector<10000x64xf32>
    %mul3A_16 = arith.mulf %mul3A, %add3A_15 : vector<10000x64xf32>
    %get3A_17 = arith.constant 0 : index
    %get3A_18 = arith.constant 0 : index
    %get3A_19 = vector.load %arg3[%get3A_17, %get3A_18] : memref<1x64xf32, #tpu.memory_space<vmem>>, vector<1x64xf32>
    %add3A_20 = vector.broadcast %get3A_19 : vector<1x64xf32> to vector<10000x64xf32>
    %add3A_21 = arith.addf %mul3A_16, %add3A_20 : vector<10000x64xf32>
    %reduce_max3A = arith.constant dense<0xFF800000> : vector<10000xf32>
    %reduce_max3A_22 = vector.multi_reduction <maximumf>, %add3A_21, %reduce_max3A [1] : vector<10000x64xf32> to vector<10000xf32>
    %broadcast_in_dim3A = vector.shape_cast %reduce_max3A_22 : vector<10000xf32> to vector<10000x1xf32>
    %sub3A = vector.broadcast %broadcast_in_dim3A : vector<10000x1xf32> to vector<10000x64xf32>
    %sub3A_23 = arith.subf %add3A_21, %sub3A : vector<10000x64xf32>
    %exp3A = math.exp %sub3A_23 : vector<10000x64xf32>
    %sub3A_24 = vector.broadcast %broadcast_in_dim3A : vector<10000x1xf32> to vector<10000x64xf32>
    %sub3A_25 = arith.subf %add3A_21, %sub3A_24 : vector<10000x64xf32>
    %reduce_sum3A = arith.constant dense<0.000000e+00> : vector<10000xf32>
    %reduce_sum3A_26 = vector.multi_reduction <add>, %exp3A, %reduce_sum3A [1] : vector<10000x64xf32> to vector<10000xf32>
    %broadcast_in_dim3A_27 = vector.shape_cast %reduce_sum3A_26 : vector<10000xf32> to vector<10000x1xf32>
    %log3A = math.log %broadcast_in_dim3A_27 : vector<10000x1xf32>
    %sub3A_28 = vector.broadcast %log3A : vector<10000x1xf32> to vector<10000x64xf32>
    %sub3A_29 = arith.subf %sub3A_25, %sub3A_28 : vector<10000x64xf32>
    %swap3A = arith.constant 0 : index
    %swap3A_30 = arith.constant 0 : index
    %swap3A_31 = vector.load %arg4[%swap3A, %swap3A_30] : memref<10000x64xf32, #tpu.memory_space<vmem>>, vector<10000x64xf32>
    tpu.vector_store %arg4[%swap3A, %swap3A_30], %sub3A_29 {strides = array<i32>} : memref<10000x64xf32, #tpu.memory_space<vmem>>, vector<10000x64xf32>,
    return
  }
}

</mosaic_0001>

<sc_bundles>
// kernel: kernel.11.cloned.1.call-start
scs
__scs_entry_jumppad:
0x0: {  	(pc) =	sbr.rel $0x88, $3  }
0x1: {  	(tag) =	ssettag $0x0;
	lr =	simm.s32 $0x1  }
0x2: {  	[smem:$0x3F99] =	sst lr;
	_ =	strace $0xD0000000  }
0x3: {  	_ = 	snop  }
0x4: {  	_ = 	snop  }
0x5: {  	_ = 	snop  }
0x6: {  	_ = 	snop  }
0x7: {  	_ = 	snop  }
__scs_overlays_trampoline_lowered:
0x8: {  	[smem:$0x3FA8] =	sst s0  }
0x9: {  	[smem:$0x3FA9] =	sst s1  }
0xa: {  	[smem:$0x3FAA] =	sst s2  }
0xb: {  	[smem:$0x3FAB] =	sst s3  }
0xc: {  	[smem:$0x3FAC] =	sst s4  }
0xd: {  	[smem:$0x3FAD] =	sst s5  }
0xe: {  	[smem:$0x3FAE] =	sst s6  }
0xf: {  	[smem:$0x3FAF] =	sst s7  }
0x10: {  	[smem:$0x3FB0] =	sst s8  }
0x11: {  	[smem:$0x3FB1] =	sst s9;
	s0 =	simm.s32 @!p0 $0x0  }
0x12: {  	s1 =	sld [smem:$0x3F97];
	s0 =	simm.s32 @p0 $0x1  }
0x13: {  	[smem:$0x3FB2] =	sst s0;
	s0 =	simm.s32 @!p1 $0x0  }
0x14: {  	s2 =	sld [smem:$0x3F96];
	s0 =	simm.s32 @p1 $0x1  }
0x15: {  	[smem:$0x3FB3] =	sst s0;
	s0 =	simm.s32 @!p2 $0x0  }
0x16: {  	s3 =	sld [smem:$0x3FDB];
	s0 =	simm.s32 @p2 $0x1  }
0x17: {  	s4 =	simm.s32 $0x1BF5;
	[smem:$0x3FB5] =	sst s0  }
0x18: {  	s0 =	sld [smem:$0x3F98];
	_ =	swait.ge [sflag:s4], $0x0  }
0x19: {  	s7 =	sld [smem:$0x3F99]  }
0x1a: {  	s8 =	sadd.s32 $0xFFFFE003, lr  }
0x1b: {  	s9 =	sadd.s32 $0xFFFFFEF7, lr;
	s5 =	simm.s32 $0xFFFFFFFF;
	p2 =	slt.u32 s8, $0xFFFFF086  }
0x1c: {  	p1 =	slt.u32 s9, $0xF7A;
	s5 =	simm.s32 @!p2 $0x0  }
0x1d: {  	s5 =	simm.s32 @p1 $0x1;
	p0 =	seq.s32 s7, s2  }
0x1e: {  	s7 =	smul.u32 @!p0 $0xF7A, s2;
	p2 =	seq.s32 @!p0 s5, $0x0  }
0x1f: {  	s9 =	smul.u32 $0xF7A, s1;
	s8 =	simm.s32 @!p0 $0x1BF5;
	p2 =	por !p2, p0  }
0x20: {  	[sflag:s8] =	ssyncset.s32 @!p0 $0xFFFFF086;
	s6 =	sadd.s32 @!p0 s3, s7;
	s7 =	simm.s32 @!p0 $0x108  }
0x21: {  	s3 =	sadd.s32 s3, s9;
	s6 =	sadd.s32 @!p0 $0x88, s6;
	s7 =	simm.s32 @p2 $0x1082  }
0x22: {  	[simem:s7], [sflag:s8] =	dma.local @!p0 [hbm:s6], $0xF7A  }
0x23: {  	s9 =	sor.u32 $0xD0000000, s2;
	s6 =	simm.s32 $0x108;
	_ =	swait.ge @!p0 [sflag:s8], $0x0  }
0x24: {  	s3 =	sadd.s32 $0x88, s3;
	s6 =	simm.s32 @!p1 $0x1082;
	[sflag:s4] =	ssyncset.s32 $0xFFFFF086  }
0x25: {  	[simem:s6], [sflag:s4] =	dma.local [hbm:s3], $0xF7A  }
0x26: {  	[smem:$0x3F99] =	sst s1;
	(tag) =	ssettag s2;
	_ =	strace s9  }
0x27: {  	s1 =	sld [smem:$0x3FA9]  }
0x28: {  	s2 =	sld [smem:$0x3FAA]  }
0x29: {  	s4 =	sld [smem:$0x3FAC]  }
0x2a: {  	p0 =	seq.s32 s5, $0x0;
	s5 =	sld [smem:$0x3FAD]  }
0x2b: {  	s6 =	sld [smem:$0x3FAE]  }
0x2c: {  	s7 =	sld [smem:$0x3FAF]  }
0x2d: {  	s3 =	simm.s32 $0x108;
	s8 =	sld [smem:$0x3FB0]  }
0x2e: {  	s3 =	simm.s32 @!p0 $0x1082;
	s9 =	sld [smem:$0x3FB1]  }
0x2f: {  	lr =	sadd.s32 s0, s3;
	s0 =	sld [smem:$0x3FA8]  }
0x30: {  	s3 =	sld [smem:$0x3FAB]  }
0x31: {  	[smem:$0x3FB4] =	sst s10  }
0x32: {  	s10 =	sld [smem:$0x3FB2];
	_ =	sdelay $0x3  }
0x33: {  	p0 =	seq.s32 s10, $0x1;
	s10 =	sld [smem:$0x3FB4];
	_ =	sdelay $0x3  }
0x34: {  	[smem:$0x3FB4] =	sst s10  }
0x35: {  	s10 =	sld [smem:$0x3FB3];
	_ =	sdelay $0x3  }
0x36: {  	p1 =	seq.s32 s10, $0x1;
	s10 =	sld [smem:$0x3FB4];
	_ =	sdelay $0x3  }
0x37: {  	[smem:$0x3FB4] =	sst s10  }
0x38: {  	s10 =	sld [smem:$0x3FB5]  }
0x39: {  	_ = 	snop;
	(pc) =	sbr.ind lr, $3  }
0x3a: {  	_ = 	snop  }
0x3b: {  	_ = 	snop  }
0x3c: {  	p2 =	seq.s32 s10, $0x1;
	s10 =	sld [smem:$0x3FB4]  }
0x3d: {  	_ =	shalt  }
0x3e: {  	_ =	shalt  }
0x3f: {  	_ =	shalt  }
0x40: {  	_ =	shalt  }
0x41: {  	_ =	shalt  }
0x42: {  	_ =	shalt  }
0x43: {  	_ =	shalt  }
0x44: {  	_ =	shalt  }
0x45: {  	_ =	shalt  }
0x46: {  	_ =	shalt  }
0x47: {  	_ =	shalt  }
0x48: {  	_ =	shalt  }
0x49: {  	_ =	shalt  }
0x4a: {  	_ =	shalt  }
0x4b: {  	_ =	shalt  }
0x4c: {  	_ =	shalt  }
0x4d: {  	_ =	shalt  }
0x4e: {  	_ =	shalt  }
0x4f: {  	_ =	shalt  }
0x50: {  	_ =	shalt  }
0x51: {  	_ =	shalt  }
0x52: {  	_ =	shalt  }
0x53: {  	_ =	shalt  }
0x54: {  	_ =	shalt  }
0x55: {  	_ =	shalt  }
0x56: {  	_ =	shalt  }
0x57: {  	_ =	shalt  }
0x58: {  	_ =	shalt  }
0x59: {  	_ =	shalt  }
0x5a: {  	_ =	shalt  }
0x5b: {  	_ =	shalt  }
0x5c: {  	_ =	shalt  }
0x5d: {  	_ =	shalt  }
0x5e: {  	_ =	shalt  }
0x5f: {  	_ =	shalt  }
0x60: {  	_ =	shalt  }
0x61: {  	_ =	shalt  }
0x62: {  	_ =	shalt  }
0x63: {  	_ =	shalt  }
0x64: {  	_ =	shalt  }
0x65: {  	_ =	shalt  }
0x66: {  	_ =	shalt  }
0x67: {  	_ =	shalt  }
0x68: {  	_ =	shalt  }
0x69: {  	_ =	shalt  }
0x6a: {  	_ =	shalt  }
0x6b: {  	_ =	shalt  }
0x6c: {  	_ =	shalt  }
0x6d: {  	_ =	shalt  }
0x6e: {  	_ =	shalt  }
0x6f: {  	_ =	shalt  }
0x70: {  	_ =	shalt  }
0x71: {  	_ =	shalt  }
0x72: {  	_ =	shalt  }
0x73: {  	_ =	shalt  }
0x74: {  	_ =	shalt  }
0x75: {  	_ =	shalt  }
0x76: {  	_ =	shalt  }
0x77: {  	_ =	shalt  }
0x78: {  	_ =	shalt  }
0x79: {  	_ =	shalt  }
0x7a: {  	_ =	shalt  }
0x7b: {  	_ =	shalt  }
0x7c: {  	_ =	shalt  }
0x7d: {  	_ =	shalt  }
0x7e: {  	_ =	shalt  }
0x7f: {  	_ =	shalt  }
0x80: {  	_ =	shalt  }
0x81: {  	_ =	shalt  }
0x82: {  	_ =	shalt  }
0x83: {  	_ =	shalt  }
0x84: {  	_ =	shalt  }
0x85: {  	_ =	shalt  }
0x86: {  	_ =	shalt  }
0x87: {  	_ =	shalt  }
.Lfunc_end0:
.L_simem_size_0:
called_computation_lowered:
.L_overlay_start_0:
0x88: {  	s2 =	sld [smem:$0x3FD9]  }
0x89: {  	s3 =	sld [smem:$0x3FFE];
	_ =	sdelay $0x1  }
0x8a: {  	s1 =	srdreg.scid  }
0x8b: {  	s0 =	sand.u32 $0x1, s1  }
0x8c: {  	s17 =	sshll.u32 s0, $0xA;
	s2 =	sadd.s32 s3, s2  }
0x8d: {  	s2 =	sadd.s32 s2, s17  }
0x8e: {  	[smem:$0x3FC0] =	sst s2  }
0x8f: {  	_ = 	snop  }
0x90: {  	s2 =	sld [smem:$0x3FD0];
	(tm) =	ssettm $0x1  }
0x91: {  	s18 =	sld [smem:$0x3FFB];
	_ =	sdelay $0x3  }
0x92: {  	_ =	strace s18  }
0x93: {  	s3 =	sld [smem:$0x3FFC];
	_ =	sdelay $0x3  }
0x94: {  	_ =	strace s3  }
0x95: {  	s3 =	sld [smem:$0x3FFD];
	_ =	sdelay $0x3  }
0x96: {  	_ =	strace s3  }
0x97: {  	_ =	strace $0x8FFFFFFF  }
0x98: {  	s19 =	sld [smem:$0x3FDB];
	_ =	sdelay $0x1  }
0x99: {  	s4 =	simm.s32 $_scs_section_size  }
0x9a: {  	s5 =	simm.s32 $_size__tile_overlayer_lowered;
	s6 =	simm.s32 $_tile_overlayer_lowered  }
0x9b: {  	s22 =	simm.s32 $0x1BFF;
	s21 =	sshll.u32 s6, $0x1;
	s3 =	sadd.s32 s4, s19  }
0x9c: {  	s7 =	simm.s32 $0x0;
	s20 =	sshll.u32 s5, $0x1;
	s5 =	sadd.s32 s21, s3  }
0x9d: {  	[timem:s7], [sflag:s22] =	dma.local [hbm:s5], s20  }
0x9e: {  	_ =	swait.ge [sflag:s22], s20  }
0x9f: {  	s4 =	ssub.s32 $0x0, s20;
	[sflag:s22] =	ssyncset.done $0x0  }
0xa0: {  	[sflag:s22] =	ssyncadd.s32 s4;
	_ =	sdelay $0x1  }
0xa1: {  	s23 =	simm.s32 $0x1B8B  }
0xa2: {  	_ =	swait.ge [sflag:s23], $0x1  }
0xa3: {  	[sflag:s23] =	ssyncset.done $0x0  }
0xa4: {  	s25 =	simm.s32 $0x1B8E;
	s24 =	sld [smem:$0x3FFE];
	[sflag:s23] =	ssyncadd.s32 $0xFFFFFFFF  }
0xa5: {  	s26 =	simm.s32 $execute0_lowered;
	[smem:$0x3FD2] =	sst s25  }
0xa6: {  	s5 =	sshll.u32 s26, $0x1;
	_ =	strace $0x80000046;
	[dreg:$0x1] =	wrdreg $0xFFFFFFFF  }
0xa7: {  	s28 =	simm.s32 $_size_execute0_lowered;
	s3 =	sadd.s32 s3, s5;
	[dreg:$0x0] =	wrdreg $0x0  }
0xa8: {  	s5 =	sshll.u32 s28, $0x1;
	[dreg:$0x2] =	wrdreg s3  }
0xa9: {  	[dreg:$0x3] =	wrdreg s5  }
0xaa: {  	[dreg:$0x4] =	wrdreg $0xC0  }
0xab: {  	_ =	task [dreg:s7], $0x5FFFF  }
0xac: {  	[dreg:$0x1] =	wrdreg $0xFFFFFFFF  }
0xad: {  	[dreg:$0x0] =	wrdreg $0x60  }
0xae: {  	[dreg:$0x2] =	wrdreg s2  }
0xaf: {  	[dreg:$0x3] =	wrdreg s24  }
0xb0: {  	[dreg:$0x4] =	wrdreg $0x37100  }
0xb1: {  	[dreg:$0x5] =	wrdreg $0x9  }
0xb2: {  	_ =	task.clear_ibuf [dreg:s7], $0x6FFFF;
	_ =	strace $0x90000046  }
0xb3: {  	s29 =	simm.s32 $0x9;
	_ =	strace $0x80000048  }
0xb4: {  	_ =	swait.ge [sflag:s29], $0x1  }
0xb5: {  	[sflag:s29] =	ssyncadd.s32 $0xFFFFFFFF  }
0xb6: {  	_ =	strace $0x90000048  }
0xb7: {  	_ =	sfence  }
0xb8: {  	s30 =	sld [smem:$0x0];
	_ =	sdelay $0x2  }
0xb9: {  	s31 =	sshll.u32 s1, $0xD;
	s1 =	sshrl.u32 s1, $0x2  }
0xba: {  	s3 =	sand.u32 $0x4000, s31;
	s1 =	sadd.s32 s1, s30  }
0xbb: {  	s0 =	sor.u32 s3, s0;
	s1 =	sshll.u32 s1, $0x11  }
0xbc: {  	s0 =	sor.u32 s1, s0  }
0xbd: {  	s0 =	sadd.s32 $0x8F2B, s0  }
0xbe: {  	[sflag:s0] =	ssyncadd.remote.s32 $0x1  }
0xbf: {  	_ =	sfence.sel $0xFFFF  }
0xc0: {  	[dreg:$0x0] =	wrdreg $0xFFFFFFFF;
	(pc) =	sbr.abs _section_cstart, $3  }
0xc1: {  	[dreg:$0x1] =	wrdreg $0xFFFFFFFF  }
0xc2: {  	_ =	task.clear_ibuf [dreg:s7], $0x2FFFF;
	_ =	strace $0x9FFFFFFF  }
0xc3: {  	(tm) =	ssettm $0x7FFFFFFF  }
tec
execute0_lowered:
.L_overlay_start_1:
0x0: {  	(tag) =	ssettag $0x1  }
0x1: {  	s5 =	rddreg [dreg:$0x0]  }
0x2: {  	s4 =	rddreg [dreg:$0x1]  }
0x3: {  	s2 =	rddreg [dreg:$0x2]  }
0x4: {  	s0 =	srdreg.scid;
	s1 =	rddreg [dreg:$0x3]  }
0x5: {  	s3 =	simm.s32 $0x0;
	s12 =	simm.s32 $0x2F10;
	s13 =	simm.s32 $0x2  }
0x6: {  	s14 =	simm.s32 $0x80;
	s15 =	simm.s32 $0x2710;
	s6 =	sand.u32 $0x1, s0  }
0x7: {  	s16 =	simm.s32 $0x1;
	s0 =	stileid.u32;
	s7 =	smul.u32 $0x28000, s6  }
0x8: {  	s17 =	simm.s32 $0x10;
	s18 =	simm.s32 $0x2700;
	s8 =	smul.u32 $0x2800, s0  }
0x9: {  	[smem:$0x7FF] =	sst s3;
	s9 =	sshll.u32 s6, $0x4;
	s10 =	smul.u32 $0xA000, s0  }
0xa: {  	_ =	strace $0x80000047;
	s31 =	ssub.s32 $0x2, s6;
	s19 =	sshll.u32 s0, $0x6  }
0xb: {  	s9 =	sor.u32 s0, s9;
	s6 =	sshrl.u32 s31, $0x1;
	s19 =	sor.u32 $0x1C02, s19  }
0xc: {  	s7 =	sadd.s32 s8, s7;
	s9 =	smul.u32 $0x2710, s9;
	s10 =	sshrl.u32 s10, $0x2  }
0xd: {  	s11 =	ssub.s32 s31, s6;
	s20 =	sadd.s32 s8, s2;
	s7 =	sshrl.u32 s7, $0x3  }
0xe: {  	s20 =	sshrl.u32 s20, $0x3;
	s7 =	sadd.s32 s7, s4;
	s9 =	sshrl.u32 s9, $0x3  }
0xf: {  	s4 =	sadd.s32 s10, s2;
	s5 =	sadd.s32 s5, s9;
	s6 =	sadd.s32 $0x2600, s7  }
0x10: {  	s7 =	smax.u32 s11, $0x1;
	s8 =	sadd.s32 $0x800, s4;
	s9 =	sadd.s32 $0x1000, s4  }
0x11: {  	v0 =	vimm.f32 $0.0e+00;
	v1 =	vimm.f32 $1.000000000e+00;
	s10 =	sadd.s32 $0x1800, s4;
	s11 =	sadd.s32 $0x2000, s4;
	s5 =	sadd.s32 $0x9C40, s5  }
.LBB2_1:
0x12: {  	s21 =	simm.s32 $0x0  }
.LBB2_2:
0x13: {  	p0 =	sne.s32 s21, $0x1FC0  }
.Ltmp0:
0x14: {  	_ = 	snop;
	(pc) =	sbr.rel @p0 .LBB2_2-.Ltmp0, $3  }
0x15: {  	_ =	sdelay $0x1  }
0x16: {  	s22 =	sshra.s32 s21, $0x2  }
0x17: {  	s21 =	sadd.s32 $0x40, s21;
	[tilespmem:s22+$0x2F10] =	vst v0  }
0x18: {  	s21 =	simm.s32 $0x40;
	s22 =	simm.s32 $0x0  }
.LBB2_4:
0x19: {  	p0 =	sne.s32 s21, $0x1FC0;
	[tilespmem:s22+$0x2710] =	vst v1;
	s22 =	smov.u32 s21;
	s21 =	sadd.s32 $0x40, s21  }
.Ltmp1:
0x1a: {  	(pc) =	sbr.rel @p0 .LBB2_4-.Ltmp1, $2  }
0x1b: {  	_ =	sdelay $0x2  }
0x1c: {  	s22 =	sshra.s32 s22, $0x2  }
0x1d: {  	[tilespmem:s22+$0x2710] =	vst v1  }
0x1e: {  	[spmem:s4] =	stream.linear.scatter [tilespmem:s12], [sflag:$0x2], $0x800, $0x38;
	[tilespmem:$0x5F10] =	vst v63  }
0x1f: {  	_ =	swait.ge [sflag:s13], $0x800  }
0x20: {  	[sflag:s13] =	ssyncset.done $0x0  }
0x21: {  	[sflag:s13] =	ssyncadd.s32 $0xFFFFF800  }
0x22: {  	[spmem:s8] =	stream.linear.scatter [tilespmem:s12], [sflag:$0x2], $0x800, $0x38;
	[tilespmem:$0x5F10] =	vst v63  }
0x23: {  	_ =	swait.ge [sflag:s13], $0x800  }
0x24: {  	[sflag:s13] =	ssyncset.done $0x0  }
0x25: {  	[sflag:s13] =	ssyncadd.s32 $0xFFFFF800  }
0x26: {  	[spmem:s9] =	stream.linear.scatter [tilespmem:s12], [sflag:$0x2], $0x800, $0x38;
	[tilespmem:$0x5F10] =	vst v63  }
0x27: {  	_ =	swait.ge [sflag:s13], $0x800  }
0x28: {  	[sflag:s13] =	ssyncset.done $0x0  }
0x29: {  	[sflag:s13] =	ssyncadd.s32 $0xFFFFF800  }
0x2a: {  	[spmem:s10] =	stream.linear.scatter [tilespmem:s12], [sflag:$0x2], $0x800, $0x38;
	[tilespmem:$0x5F10] =	vst v63  }
0x2b: {  	_ =	swait.ge [sflag:s13], $0x800  }
0x2c: {  	[sflag:s13] =	ssyncset.done $0x0  }
0x2d: {  	[sflag:s13] =	ssyncadd.s32 $0xFFFFF800  }
0x2e: {  	[spmem:s11] =	stream.linear.scatter [tilespmem:s12], [sflag:$0x2], $0x800, $0x38;
	[tilespmem:$0x5F10] =	vst v63  }
0x2f: {  	_ =	swait.ge [sflag:s13], $0x800  }
0x30: {  	[sflag:s13] =	ssyncset.done $0x0  }
0x31: {  	s21 =	simm.s32 $0x0;
	[sflag:s13] =	ssyncadd.s32 $0xFFFFF800  }
0x32: {  	[tilespmem:s21], [sflag:$0x2] =	stream.linear.gather [hbm4b:s5+s21], $0x2710, $0x38;
	[tilespmem:$0x5F10] =	vst v63  }
0x33: {  	_ =	swait.ge [sflag:s13], $0x2710  }
0x34: {  	[sflag:s13] =	ssyncset.done $0x0  }
0x35: {  	[sflag:s13] =	ssyncadd.s32 $0xFFFFD8F0  }
0x36: {  	s25 =	simm.s32 $0x0;
	[bflag:$0x0] =	sbarrier.arrive $0xFFFF  }
0x37: {  	[spmem:s2] =	stream.indirect.scatter.add.f32 [tilespmem:s15], [sflag:$0x1], $0x10, s25, s14, $0xb8;
	[tilespmem:$0x5F10] =	vst v63  }
0x38: {  	s26 =	simm.s32 $0x80  }
0x39: {  	[spmem:s2] =	stream.indirect.scatter.add.f32 [tilespmem:s15], [sflag:$0x1], $0x10, s26, s14, $0xb8;
	[tilespmem:$0x5F10] =	vst v63  }
0x3a: {  	s28 =	simm.s32 $0x100  }
0x3b: {  	[spmem:s2] =	stream.indirect.scatter.add.f32 [tilespmem:s15], [sflag:$0x1], $0x10, s28, s14, $0xb8;
	[tilespmem:$0x5F10] =	vst v63  }
0x3c: {  	s29 =	simm.s32 $0x180  }
0x3d: {  	[spmem:s2] =	stream.indirect.scatter.add.f32 [tilespmem:s15], [sflag:$0x1], $0x10, s29, s14, $0xb8;
	[tilespmem:$0x5F10] =	vst v63  }
0x3e: {  	s30 =	simm.s32 $0x200  }
0x3f: {  	[spmem:s2] =	stream.indirect.scatter.add.f32 [tilespmem:s15], [sflag:$0x1], $0x10, s30, s14, $0xb8;
	[tilespmem:$0x5F10] =	vst v63  }
0x40: {  	s31 =	simm.s32 $0x280  }
0x41: {  	[spmem:s2] =	stream.indirect.scatter.add.f32 [tilespmem:s15], [sflag:$0x1], $0x10, s31, s14, $0xb8;
	[tilespmem:$0x5F10] =	vst v63  }
0x42: {  	_ =	swait.ge [sflag:s16], $0x800  }
0x43: {  	[sflag:s16] =	ssyncset.done $0x0  }
0x44: {  	[sflag:s16] =	ssyncadd.s32 $0xFFFFF800  }
0x45: {  	_ =	swait.ge [sflag:s16], $0x800  }
0x46: {  	[sflag:s16] =	ssyncset.done $0x0  }
0x47: {  	[sflag:s16] =	ssyncadd.s32 $0xFFFFF800  }
0x48: {  	_ =	swait.ge [sflag:s16], $0x800  }
0x49: {  	[sflag:s16] =	ssyncset.done $0x0  }
0x4a: {  	[sflag:s16] =	ssyncadd.s32 $0xFFFFF800  }
0x4b: {  	_ =	swait.ge [sflag:s16], $0x800  }
0x4c: {  	[sflag:s16] =	ssyncset.done $0x0  }
0x4d: {  	[sflag:s16] =	ssyncadd.s32 $0xFFFFF800  }
0x4e: {  	_ =	swait.ge [sflag:s16], $0x800  }
0x4f: {  	[sflag:s16] =	ssyncset.done $0x0  }
0x50: {  	[sflag:s16] =	ssyncadd.s32 $0xFFFFF800  }
0x51: {  	_ =	swait.ge [sflag:s16], $0x800  }
0x52: {  	s22 =	simm.s32 $0x1800;
	s21 =	simm.s32 $0xC00;
	[sflag:s16] =	ssyncset.done $0x0  }
.LBB2_6:
0x53: {  	s23 =	sshra.s32 s21, $0x2  }
0x54: {  	[sflag:s16] =	ssyncadd.s32 $0xFFFFF800;
	s21 =	smov.u32 s22;
	s24 =	sadd.s32 $0xC00, s22  }
0x55: {  	[spmem:s2] =	stream.indirect.scatter.add.f32 [tilespmem:s15], [sflag:$0x1], $0x10, s23, s14, $0xb8;
	[tilespmem:$0x5F10] =	vst v63  }
0x56: {  	p0 =	sne.s32 s22, $0x9000;
	s22 =	sadd.s32 $0x80, s23  }
0x57: {  	[spmem:s2] =	stream.indirect.scatter.add.f32 [tilespmem:s15], [sflag:$0x1], $0x10, s22, s14, $0xb8;
	[tilespmem:$0x5F10] =	vst v63  }
0x58: {  	s22 =	sadd.s32 $0x100, s23  }
0x59: {  	[spmem:s2] =	stream.indirect.scatter.add.f32 [tilespmem:s15], [sflag:$0x1], $0x10, s22, s14, $0xb8;
	[tilespmem:$0x5F10] =	vst v63  }
0x5a: {  	s22 =	sadd.s32 $0x180, s23  }
0x5b: {  	[spmem:s2] =	stream.indirect.scatter.add.f32 [tilespmem:s15], [sflag:$0x1], $0x10, s22, s14, $0xb8;
	[tilespmem:$0x5F10] =	vst v63  }
0x5c: {  	s22 =	sadd.s32 $0x200, s23  }
0x5d: {  	[spmem:s2] =	stream.indirect.scatter.add.f32 [tilespmem:s15], [sflag:$0x1], $0x10, s22, s14, $0xb8;
	[tilespmem:$0x5F10] =	vst v63  }
0x5e: {  	s22 =	sadd.s32 $0x280, s23  }
0x5f: {  	[spmem:s2] =	stream.indirect.scatter.add.f32 [tilespmem:s15], [sflag:$0x1], $0x10, s22, s14, $0xb8;
	[tilespmem:$0x5F10] =	vst v63  }
0x60: {  	_ =	swait.ge [sflag:s16], $0x800  }
0x61: {  	[sflag:s16] =	ssyncset.done $0x0  }
0x62: {  	[sflag:s16] =	ssyncadd.s32 $0xFFFFF800  }
0x63: {  	_ =	swait.ge [sflag:s16], $0x800  }
0x64: {  	[sflag:s16] =	ssyncset.done $0x0  }
0x65: {  	[sflag:s16] =	ssyncadd.s32 $0xFFFFF800  }
0x66: {  	_ =	swait.ge [sflag:s16], $0x800  }
0x67: {  	[sflag:s16] =	ssyncset.done $0x0  }
0x68: {  	[sflag:s16] =	ssyncadd.s32 $0xFFFFF800  }
0x69: {  	_ =	swait.ge [sflag:s16], $0x800  }
0x6a: {  	[sflag:s16] =	ssyncset.done $0x0  }
0x6b: {  	[sflag:s16] =	ssyncadd.s32 $0xFFFFF800  }
.Ltmp2:
0x6c: {  	_ =	swait.ge [sflag:s16], $0x800;
	(pc) =	sbr.rel @p0 .LBB2_6-.Ltmp2, $4  }
0x6d: {  	[sflag:s16] =	ssyncset.done $0x0  }
0x6e: {  	[sflag:s16] =	ssyncadd.s32 $0xFFFFF800  }
0x6f: {  	_ =	swait.ge [sflag:s16], $0x800  }
0x70: {  	s22 =	smov.u32 s24;
	[sflag:s16] =	ssyncset.done $0x0  }
0x71: {  	s21 =	sshra.s32 s21, $0x2;
	[sflag:s16] =	ssyncadd.s32 $0xFFFFF800  }
0x72: {  	[spmem:s2] =	stream.indirect.scatter.add.f32 [tilespmem:s15], [sflag:$0x1], $0x10, s21, s14, $0xb8;
	[tilespmem:$0x5F10] =	vst v63  }
0x73: {  	s22 =	sadd.s32 $0x80, s21  }
0x74: {  	[spmem:s2] =	stream.indirect.scatter.add.f32 [tilespmem:s15], [sflag:$0x1], $0x10, s22, s14, $0xb8;
	[tilespmem:$0x5F10] =	vst v63  }
0x75: {  	s29 =	sadd.s32 $0x100, s21  }
0x76: {  	[spmem:s2] =	stream.indirect.scatter.add.f32 [tilespmem:s15], [sflag:$0x1], $0x10, s29, s14, $0xb8;
	[tilespmem:$0x5F10] =	vst v63  }
0x77: {  	s30 =	sadd.s32 $0x180, s21  }
0x78: {  	[spmem:s2] =	stream.indirect.scatter.add.f32 [tilespmem:s15], [sflag:$0x1], $0x10, s30, s14, $0xb8;
	[tilespmem:$0x5F10] =	vst v63  }
0x79: {  	s31 =	sadd.s32 $0x200, s21  }
0x7a: {  	[spmem:s2] =	stream.indirect.scatter.add.f32 [tilespmem:s15], [sflag:$0x1], $0x10, s31, s14, $0xb8;
	[tilespmem:$0x5F10] =	vst v63  }
0x7b: {  	s21 =	sadd.s32 $0x280, s21  }
0x7c: {  	[spmem:s2] =	stream.indirect.scatter.add.f32 [tilespmem:s15], [sflag:$0x1], $0x10, s21, s14, $0xb8;
	[tilespmem:$0x5F10] =	vst v63  }
0x7d: {  	_ =	swait.ge [sflag:s16], $0x800  }
0x7e: {  	[sflag:s16] =	ssyncset.done $0x0  }
0x7f: {  	[sflag:s16] =	ssyncadd.s32 $0xFFFFF800  }
0x80: {  	_ =	swait.ge [sflag:s16], $0x800  }
0x81: {  	[sflag:s16] =	ssyncset.done $0x0  }
0x82: {  	[sflag:s16] =	ssyncadd.s32 $0xFFFFF800  }
0x83: {  	_ =	swait.ge [sflag:s16], $0x800  }
0x84: {  	[sflag:s16] =	ssyncset.done $0x0  }
0x85: {  	[sflag:s16] =	ssyncadd.s32 $0xFFFFF800  }
0x86: {  	_ =	swait.ge [sflag:s16], $0x800  }
0x87: {  	[sflag:s16] =	ssyncset.done $0x0  }
0x88: {  	[sflag:s16] =	ssyncadd.s32 $0xFFFFF800  }
0x89: {  	_ =	swait.ge [sflag:s16], $0x800  }
0x8a: {  	[sflag:s16] =	ssyncset.done $0x0  }
0x8b: {  	[sflag:s16] =	ssyncadd.s32 $0xFFFFF800  }
0x8c: {  	_ =	swait.ge [sflag:s16], $0x800  }
0x8d: {  	[sflag:s16] =	ssyncset.done $0x0  }
0x8e: {  	[sflag:s16] =	ssyncadd.s32 $0xFFFFF800  }
0x8f: {  	[spmem:s2] =	stream.indirect.scatter.add.f32 [tilespmem:s15], [sflag:$0x2], $0x10, s18, s17, $0xb8;
	[tilespmem:$0x5F10] =	vst v63  }
0x90: {  	_ =	swait.ge [sflag:s13], $0x100  }
0x91: {  	s3 =	sadd.s32 $0x1, s3;
	[sflag:s13] =	ssyncset.done $0x0  }
0x92: {  	p0 =	sne.s32 s3, s7;
	[sflag:s13] =	ssyncadd.s32 $0xFFFFFF00  }
.Ltmp3:
0x93: {  	[bflag:$0x0] =	sbarrier.arrive $0xFFFF;
	(pc) =	sbr.rel @p0 .LBB2_1-.Ltmp3, $4  }
0x94: {  	[hbm:s6], [sflag:s19] =	dma.local [spmem:s20], $0x500  }
0x95: {  	_ =	swait.ge [sflag:s13], $0x500  }
0x96: {  	[sflag:s13] =	ssyncset.done $0x0  }
0x97: {  	[sflag:s13] =	ssyncadd.s32 $0xFFFFFB00  }
0x98: {  	_ =	sfence.sel $0x180000  }
0x99: {  	[bflag:$0x0] =	sbarrier.arrive $0xFFFF  }
0x9a: {  	p0 =	sne.s32 s0, $0x0;
	_ =	strace $0x90000047  }
0x9b: {  	s0 =	sadd.s32 @!p0 $0x100000, s1;
	[bflag:$0x2] =	sbarrier.arrive $0xFFFF  }
0x9c: {  	[sflag:s0] =	ssyncadd.tile.s32 @!p0 $0x1;
	_ =	shalt  }
.Lfunc_end2:
_tile_overlayer_lowered:
.L_overlay_start_2:
0x9d: {  	(tag) =	ssettag $0x2  }
0x9e: {  	s0 =	rddreg [dreg:$0x0];
	s2 =	stileid.u32  }
0x9f: {  	s1 =	rddreg [dreg:$0x1];
	p0 =	sne.s32 s2, $0x0  }
0xa0: {  	s3 =	rddreg [dreg:$0x2];
	[bflag:$0x3] =	sbarrier.arrive $0xFFFF;
	s2 =	simm.s32 @!p0 $0x1C02  }
0xa1: {  	[timem:s3], [sflag:s2] =	dma.local @!p0 [hbm:s0], s1  }
0xa2: {  	s0 =	simm.s32 @!p0 $0x2  }
0xa3: {  	_ =	swait.ge @!p0 [sflag:s0], s1  }
0xa4: {  	s1 =	ssub.s32 @!p0 $0x0, s1;
	[sflag:s0] =	ssyncset.done @!p0 $0x0  }
0xa5: {  	[sflag:s0] =	ssyncadd.s32 @!p0 s1  }
0xa6: {  	[bflag:$0x3] =	sbarrier.arrive $0xFFFF  }
0xa7: {  	_ =	shalt  }

// kernel: kernel.14.cloned.1.call-start
scs
__scs_entry_jumppad:
0x0: {  	(pc) =	sbr.rel $0x88, $3  }
0x1: {  	(tag) =	ssettag $0x0;
	lr =	simm.s32 $0x1  }
0x2: {  	[smem:$0x3F99] =	sst lr;
	_ =	strace $0xD0000000  }
0x3: {  	_ = 	snop  }
0x4: {  	_ = 	snop  }
0x5: {  	_ = 	snop  }
0x6: {  	_ = 	snop  }
0x7: {  	_ = 	snop  }
__scs_overlays_trampoline_lowered:
0x8: {  	[smem:$0x3FA8] =	sst s0  }
0x9: {  	[smem:$0x3FA9] =	sst s1  }
0xa: {  	[smem:$0x3FAA] =	sst s2  }
0xb: {  	[smem:$0x3FAB] =	sst s3  }
0xc: {  	[smem:$0x3FAC] =	sst s4  }
0xd: {  	[smem:$0x3FAD] =	sst s5  }
0xe: {  	[smem:$0x3FAE] =	sst s6  }
0xf: {  	[smem:$0x3FAF] =	sst s7  }
0x10: {  	[smem:$0x3FB0] =	sst s8  }
0x11: {  	[smem:$0x3FB1] =	sst s9;
	s0 =	simm.s32 @!p0 $0x0  }
0x12: {  	s1 =	sld [smem:$0x3F97];
	s0 =	simm.s32 @p0 $0x1  }
0x13: {  	[smem:$0x3FB2] =	sst s0;
	s0 =	simm.s32 @!p1 $0x0  }
0x14: {  	s2 =	sld [smem:$0x3F96];
	s0 =	simm.s32 @p1 $0x1  }
0x15: {  	[smem:$0x3FB3] =	sst s0;
	s0 =	simm.s32 @!p2 $0x0  }
0x16: {  	s3 =	sld [smem:$0x3FDB];
	s0 =	simm.s32 @p2 $0x1  }
0x17: {  	s4 =	simm.s32 $0x1BF5;
	[smem:$0x3FB5] =	sst s0  }
0x18: {  	s0 =	sld [smem:$0x3F98];
	_ =	swait.ge [sflag:s4], $0x0  }
0x19: {  	s7 =	sld [smem:$0x3F99]  }
0x1a: {  	s8 =	sadd.s32 $0xFFFFE003, lr  }
0x1b: {  	s9 =	sadd.s32 $0xFFFFFEF7, lr;
	s5 =	simm.s32 $0xFFFFFFFF;
	p2 =	slt.u32 s8, $0xFFFFF086  }
0x1c: {  	p1 =	slt.u32 s9, $0xF7A;
	s5 =	simm.s32 @!p2 $0x0  }
0x1d: {  	s5 =	simm.s32 @p1 $0x1;
	p0 =	seq.s32 s7, s2  }
0x1e: {  	s7 =	smul.u32 @!p0 $0xF7A, s2;
	p2 =	seq.s32 @!p0 s5, $0x0  }
0x1f: {  	s9 =	smul.u32 $0xF7A, s1;
	s8 =	simm.s32 @!p0 $0x1BF5;
	p2 =	por !p2, p0  }
0x20: {  	[sflag:s8] =	ssyncset.s32 @!p0 $0xFFFFF086;
	s6 =	sadd.s32 @!p0 s3, s7;
	s7 =	simm.s32 @!p0 $0x108  }
0x21: {  	s3 =	sadd.s32 s3, s9;
	s6 =	sadd.s32 @!p0 $0x88, s6;
	s7 =	simm.s32 @p2 $0x1082  }
0x22: {  	[simem:s7], [sflag:s8] =	dma.local @!p0 [hbm:s6], $0xF7A  }
0x23: {  	s9 =	sor.u32 $0xD0000000, s2;
	s6 =	simm.s32 $0x108;
	_ =	swait.ge @!p0 [sflag:s8], $0x0  }
0x24: {  	s3 =	sadd.s32 $0x88, s3;
	s6 =	simm.s32 @!p1 $0x1082;
	[sflag:s4] =	ssyncset.s32 $0xFFFFF086  }
0x25: {  	[simem:s6], [sflag:s4] =	dma.local [hbm:s3], $0xF7A  }
0x26: {  	[smem:$0x3F99] =	sst s1;
	(tag) =	ssettag s2;
	_ =	strace s9  }
0x27: {  	s1 =	sld [smem:$0x3FA9]  }
0x28: {  	s2 =	sld [smem:$0x3FAA]  }
0x29: {  	s4 =	sld [smem:$0x3FAC]  }
0x2a: {  	p0 =	seq.s32 s5, $0x0;
	s5 =	sld [smem:$0x3FAD]  }
0x2b: {  	s6 =	sld [smem:$0x3FAE]  }
0x2c: {  	s7 =	sld [smem:$0x3FAF]  }
0x2d: {  	s3 =	simm.s32 $0x108;
	s8 =	sld [smem:$0x3FB0]  }
0x2e: {  	s3 =	simm.s32 @!p0 $0x1082;
	s9 =	sld [smem:$0x3FB1]  }
0x2f: {  	lr =	sadd.s32 s0, s3;
	s0 =	sld [smem:$0x3FA8]  }
0x30: {  	s3 =	sld [smem:$0x3FAB]  }
0x31: {  	[smem:$0x3FB4] =	sst s10  }
0x32: {  	s10 =	sld [smem:$0x3FB2];
	_ =	sdelay $0x3  }
0x33: {  	p0 =	seq.s32 s10, $0x1;
	s10 =	sld [smem:$0x3FB4];
	_ =	sdelay $0x3  }
0x34: {  	[smem:$0x3FB4] =	sst s10  }
0x35: {  	s10 =	sld [smem:$0x3FB3];
	_ =	sdelay $0x3  }
0x36: {  	p1 =	seq.s32 s10, $0x1;
	s10 =	sld [smem:$0x3FB4];
	_ =	sdelay $0x3  }
0x37: {  	[smem:$0x3FB4] =	sst s10  }
0x38: {  	s10 =	sld [smem:$0x3FB5]  }
0x39: {  	_ = 	snop;
	(pc) =	sbr.ind lr, $3  }
0x3a: {  	_ = 	snop  }
0x3b: {  	_ = 	snop  }
0x3c: {  	p2 =	seq.s32 s10, $0x1;
	s10 =	sld [smem:$0x3FB4]  }
0x3d: {  	_ =	shalt  }
0x3e: {  	_ =	shalt  }
0x3f: {  	_ =	shalt  }
0x40: {  	_ =	shalt  }
0x41: {  	_ =	shalt  }
0x42: {  	_ =	shalt  }
0x43: {  	_ =	shalt  }
0x44: {  	_ =	shalt  }
0x45: {  	_ =	shalt  }
0x46: {  	_ =	shalt  }
0x47: {  	_ =	shalt  }
0x48: {  	_ =	shalt  }
0x49: {  	_ =	shalt  }
0x4a: {  	_ =	shalt  }
0x4b: {  	_ =	shalt  }
0x4c: {  	_ =	shalt  }
0x4d: {  	_ =	shalt  }
0x4e: {  	_ =	shalt  }
0x4f: {  	_ =	shalt  }
0x50: {  	_ =	shalt  }
0x51: {  	_ =	shalt  }
0x52: {  	_ =	shalt  }
0x53: {  	_ =	shalt  }
0x54: {  	_ =	shalt  }
0x55: {  	_ =	shalt  }
0x56: {  	_ =	shalt  }
0x57: {  	_ =	shalt  }
0x58: {  	_ =	shalt  }
0x59: {  	_ =	shalt  }
0x5a: {  	_ =	shalt  }
0x5b: {  	_ =	shalt  }
0x5c: {  	_ =	shalt  }
0x5d: {  	_ =	shalt  }
0x5e: {  	_ =	shalt  }
0x5f: {  	_ =	shalt  }
0x60: {  	_ =	shalt  }
0x61: {  	_ =	shalt  }
0x62: {  	_ =	shalt  }
0x63: {  	_ =	shalt  }
0x64: {  	_ =	shalt  }
0x65: {  	_ =	shalt  }
0x66: {  	_ =	shalt  }
0x67: {  	_ =	shalt  }
0x68: {  	_ =	shalt  }
0x69: {  	_ =	shalt  }
0x6a: {  	_ =	shalt  }
0x6b: {  	_ =	shalt  }
0x6c: {  	_ =	shalt  }
0x6d: {  	_ =	shalt  }
0x6e: {  	_ =	shalt  }
0x6f: {  	_ =	shalt  }
0x70: {  	_ =	shalt  }
0x71: {  	_ =	shalt  }
0x72: {  	_ =	shalt  }
0x73: {  	_ =	shalt  }
0x74: {  	_ =	shalt  }
0x75: {  	_ =	shalt  }
0x76: {  	_ =	shalt  }
0x77: {  	_ =	shalt  }
0x78: {  	_ =	shalt  }
0x79: {  	_ =	shalt  }
0x7a: {  	_ =	shalt  }
0x7b: {  	_ =	shalt  }
0x7c: {  	_ =	shalt  }
0x7d: {  	_ =	shalt  }
0x7e: {  	_ =	shalt  }
0x7f: {  	_ =	shalt  }
0x80: {  	_ =	shalt  }
0x81: {  	_ =	shalt  }
0x82: {  	_ =	shalt  }
0x83: {  	_ =	shalt  }
0x84: {  	_ =	shalt  }
0x85: {  	_ =	shalt  }
0x86: {  	_ =	shalt  }
0x87: {  	_ =	shalt  }
.Lfunc_end0:
.L_simem_size_0:
called_computation.1_lowered:
.L_overlay_start_0:
0x88: {  	s2 =	sld [smem:$0x3FD9]  }
0x89: {  	s3 =	sld [smem:$0x3FFE];
	_ =	sdelay $0x1  }
0x8a: {  	s1 =	srdreg.scid  }
0x8b: {  	s0 =	sand.u32 $0x1, s1  }
0x8c: {  	s17 =	sshll.u32 s0, $0xA;
	s2 =	sadd.s32 s3, s2  }
0x8d: {  	s2 =	sadd.s32 s2, s17  }
0x8e: {  	[smem:$0x3FC0] =	sst s2  }
0x8f: {  	_ = 	snop  }
0x90: {  	s2 =	sld [smem:$0x3FD0];
	(tm) =	ssettm $0x1  }
0x91: {  	s18 =	sld [smem:$0x3FFB];
	_ =	sdelay $0x3  }
0x92: {  	_ =	strace s18  }
0x93: {  	s3 =	sld [smem:$0x3FFC];
	_ =	sdelay $0x3  }
0x94: {  	_ =	strace s3  }
0x95: {  	s3 =	sld [smem:$0x3FFD];
	_ =	sdelay $0x3  }
0x96: {  	_ =	strace s3  }
0x97: {  	_ =	strace $0x8FFFFFFF  }
0x98: {  	s19 =	sld [smem:$0x3FDB];
	_ =	sdelay $0x1  }
0x99: {  	s4 =	simm.s32 $_scs_section_size  }
0x9a: {  	s5 =	simm.s32 $_size__tile_overlayer_lowered;
	s6 =	simm.s32 $_tile_overlayer_lowered  }
0x9b: {  	s22 =	simm.s32 $0x1BFF;
	s21 =	sshll.u32 s6, $0x1;
	s3 =	sadd.s32 s4, s19  }
0x9c: {  	s7 =	simm.s32 $0x0;
	s20 =	sshll.u32 s5, $0x1;
	s5 =	sadd.s32 s21, s3  }
0x9d: {  	[timem:s7], [sflag:s22] =	dma.local [hbm:s5], s20  }
0x9e: {  	_ =	swait.ge [sflag:s22], s20  }
0x9f: {  	s4 =	ssub.s32 $0x0, s20;
	[sflag:s22] =	ssyncset.done $0x0  }
0xa0: {  	[sflag:s22] =	ssyncadd.s32 s4;
	_ =	sdelay $0x1  }
0xa1: {  	s23 =	simm.s32 $0x1B8B  }
0xa2: {  	_ =	swait.ge [sflag:s23], $0x1  }
0xa3: {  	[sflag:s23] =	ssyncset.done $0x0  }
0xa4: {  	s25 =	simm.s32 $0x1B8E;
	s24 =	sld [smem:$0x3FFE];
	[sflag:s23] =	ssyncadd.s32 $0xFFFFFFFF  }
0xa5: {  	s26 =	simm.s32 $execute0_lowered;
	[smem:$0x3FD2] =	sst s25  }
0xa6: {  	s5 =	sshll.u32 s26, $0x1;
	_ =	strace $0x80000049;
	[dreg:$0x1] =	wrdreg $0xFFFFFFFF  }
0xa7: {  	s28 =	simm.s32 $_size_execute0_lowered;
	s3 =	sadd.s32 s3, s5;
	[dreg:$0x0] =	wrdreg $0x0  }
0xa8: {  	s5 =	sshll.u32 s28, $0x1;
	[dreg:$0x2] =	wrdreg s3  }
0xa9: {  	[dreg:$0x3] =	wrdreg s5  }
0xaa: {  	[dreg:$0x4] =	wrdreg $0xC0  }
0xab: {  	_ =	task [dreg:s7], $0x5FFFF  }
0xac: {  	[dreg:$0x1] =	wrdreg $0xFFFFFFFF  }
0xad: {  	[dreg:$0x0] =	wrdreg $0x60  }
0xae: {  	[dreg:$0x2] =	wrdreg s2  }
0xaf: {  	[dreg:$0x3] =	wrdreg s24  }
0xb0: {  	[dreg:$0x4] =	wrdreg $0xBE200  }
0xb1: {  	[dreg:$0x5] =	wrdreg $0x9  }
0xb2: {  	_ =	task.clear_ibuf [dreg:s7], $0x6FFFF;
	_ =	strace $0x90000049  }
0xb3: {  	s29 =	simm.s32 $0x9;
	_ =	strace $0x8000004B  }
0xb4: {  	_ =	swait.ge [sflag:s29], $0x1  }
0xb5: {  	[sflag:s29] =	ssyncadd.s32 $0xFFFFFFFF  }
0xb6: {  	_ =	strace $0x9000004B  }
0xb7: {  	_ =	sfence  }
0xb8: {  	s30 =	sld [smem:$0x0];
	_ =	sdelay $0x2  }
0xb9: {  	s31 =	sshll.u32 s1, $0xD;
	s1 =	sshrl.u32 s1, $0x2  }
0xba: {  	s3 =	sand.u32 $0x4000, s31;
	s1 =	sadd.s32 s1, s30  }
0xbb: {  	s0 =	sor.u32 s3, s0;
	s1 =	sshll.u32 s1, $0x11  }
0xbc: {  	s0 =	sor.u32 s1, s0  }
0xbd: {  	s0 =	sadd.s32 $0x8F2B, s0  }
0xbe: {  	[sflag:s0] =	ssyncadd.remote.s32 $0x1  }
0xbf: {  	_ =	sfence.sel $0xFFFF  }
0xc0: {  	[dreg:$0x0] =	wrdreg $0xFFFFFFFF;
	(pc) =	sbr.abs _section_cstart, $3  }
0xc1: {  	[dreg:$0x1] =	wrdreg $0xFFFFFFFF  }
0xc2: {  	_ =	task.clear_ibuf [dreg:s7], $0x2FFFF;
	_ =	strace $0x9FFFFFFF  }
0xc3: {  	(tm) =	ssettm $0x7FFFFFFF  }
tec
execute0_lowered:
.L_overlay_start_1:
0x0: {  	(tag) =	ssettag $0x1  }
0x1: {  	s0 =	rddreg [dreg:$0x0]  }
0x2: {  	s2 =	rddreg [dreg:$0x1]  }
0x3: {  	s1 =	rddreg [dreg:$0x2];
	s3 =	srdreg.scid  }
0x4: {  	s9 =	stileid.u32;
	s14 =	simm.s32 $0xAE20;
	s15 =	simm.s32 $0xD  }
0x5: {  	s21 =	simm.s32 $0x6E20;
	s29 =	simm.s32 $0x9E20;
	s30 =	simm.s32 $0x1  }
0x6: {  	s31 =	simm.s32 $0x2;
	s16 =	simm.s32 $0x4;
	s28 =	simm.s32 $0x9  }
0x7: {  	s5 =	sand.u32 $0x1, s3;
	s3 =	simm.s32 $0x0;
	s7 =	smul.u32 $0x5000, s9  }
0x8: {  	s6 =	smul.u32 $0x50000, s5;
	[smem:$0x7FF] =	sst s3;
	s4 =	sshll.u32 s5, $0x4  }
0x9: {  	s5 =	ssub.s32 $0x2, s5;
	_ =	strace $0x8000004A;
	s8 =	sor.u32 s9, s4  }
0xa: {  	s4 =	sadd.s32 $0x2600, s2;
	s9 =	smul.u32 $0x14000, s9;
	s17 =	sshrl.u32 s5, $0x1  }
0xb: {  	s20 =	sadd.s32 s7, s1;
	s6 =	sadd.s32 s7, s6;
	s8 =	smul.u32 $0x2710, s8  }
0xc: {  	s10 =	ssub.s32 s5, s17;
	s17 =	simm.s32 $0x80;
	s7 =	simm.s32 $0xA  }
0xd: {  	s6 =	sshrl.u32 s6, $0x3;
	s18 =	sshrl.u32 s9, $0x2;
	s22 =	smax.u32 s10, $0x1  }
0xe: {  	s9 =	simm.s32 $0xC;
	s10 =	simm.s32 $0x10;
	s2 =	sadd.s32 s6, s2  }
0xf: {  	s8 =	sshrl.u32 s8, $0x3;
	s6 =	sadd.s32 s18, s1;
	[dreg:$0x6] =	wrdreg s22  }
0x10: {  	s18 =	simm.s32 $0x4E20;
	s22 =	simm.s32 $0x6;
	s19 =	sadd.s32 $0xC400, s2  }
0x11: {  	s5 =	sadd.s32 s0, s8;
	s23 =	sadd.s32 $0x1000, s6;
	[dreg:$0x5] =	wrdreg s19  }
0x12: {  	s24 =	sadd.s32 $0x2000, s6;
	s25 =	sadd.s32 $0x3000, s6;
	[dreg:$0x7] =	wrdreg s23  }
0x13: {  	s26 =	sadd.s32 $0x4000, s6;
	s2 =	simm.s32 $0x7;
	[dreg:$0x8] =	wrdreg s24  }
0x14: {  	s8 =	simm.s32 $0xB;
	s0 =	sadd.s32 $0x9C40, s5;
	[dreg:$0x9] =	wrdreg s25  }
0x15: {  	[dreg:$0xa] =	wrdreg s26;
	s19 =	simm.s32 $0x5E20;
	s23 =	simm.s32 $0x7E20  }
0x16: {  	s25 =	sshrl.u32 s20, $0x3;
	s26 =	simm.s32 $0x8E20;
	s20 =	simm.s32 $0x5  }
0x17: {  	v0 =	vimm.f32 $0.0e+00;
	s24 =	simm.s32 $0x8;
	[dreg:$0x4] =	wrdreg s0;
	s0 =	simm.s32 $0x3  }
.LBB2_1:
0x18: {  	s11 =	simm.s32 $0x80;
	s12 =	simm.s32 $0x0  }
.LBB2_2:
0x19: {  	p0 =	sne.s32 s11, $0x3F80;
	[tilespmem:s12+$0xAE20] =	vst v0;
	s13 =	smov.u32 s11;
	s11 =	sadd.s32 $0x80, s11  }
.Ltmp0:
0x1a: {  	[tilespmem:s12+$0xAE30] =	vst v0;
	(pc) =	sbr.rel @p0 .LBB2_2-.Ltmp0, $2  }
0x1b: {  	_ =	sdelay $0x2  }
0x1c: {  	s12 =	sshra.s32 s13, $0x2  }
0x1d: {  	[tilespmem:s12+$0xAE20] =	vst v0  }
0x1e: {  	[tilespmem:s12+$0xAE30] =	vst v0  }
0x1f: {  	[spmem:s6] =	stream.linear.scatter [tilespmem:s14], [sflag:$0xD], $0x1000, $0x38;
	[tilespmem:$0x10E20] =	vst v63  }
0x20: {  	_ =	swait.ge [sflag:s15], $0x1000  }
0x21: {  	[sflag:s15] =	ssyncset.done $0x0  }
0x22: {  	s11 =	rddreg [dreg:$0x7];
	[sflag:s15] =	ssyncadd.s32 $0xFFFFF000  }
0x23: {  	[spmem:s11] =	stream.linear.scatter [tilespmem:s14], [sflag:$0xD], $0x1000, $0x38;
	[tilespmem:$0x10E20] =	vst v63  }
0x24: {  	_ =	swait.ge [sflag:s15], $0x1000  }
0x25: {  	[sflag:s15] =	ssyncset.done $0x0  }
0x26: {  	s12 =	rddreg [dreg:$0x8];
	[sflag:s15] =	ssyncadd.s32 $0xFFFFF000  }
0x27: {  	[spmem:s12] =	stream.linear.scatter [tilespmem:s14], [sflag:$0xD], $0x1000, $0x38;
	[tilespmem:$0x10E20] =	vst v63  }
0x28: {  	_ =	swait.ge [sflag:s15], $0x1000  }
0x29: {  	[sflag:s15] =	ssyncset.done $0x0  }
0x2a: {  	s13 =	rddreg [dreg:$0x9];
	[sflag:s15] =	ssyncadd.s32 $0xFFFFF000  }
0x2b: {  	[spmem:s13] =	stream.linear.scatter [tilespmem:s14], [sflag:$0xD], $0x1000, $0x38;
	[tilespmem:$0x10E20] =	vst v63  }
0x2c: {  	_ =	swait.ge [sflag:s15], $0x1000  }
0x2d: {  	[sflag:s15] =	ssyncset.done $0x0  }
0x2e: {  	s12 =	rddreg [dreg:$0xa];
	[sflag:s15] =	ssyncadd.s32 $0xFFFFF000  }
0x2f: {  	[spmem:s12] =	stream.linear.scatter [tilespmem:s14], [sflag:$0xD], $0x1000, $0x38;
	[tilespmem:$0x10E20] =	vst v63  }
0x30: {  	_ =	swait.ge [sflag:s15], $0x1000  }
0x31: {  	[sflag:s15] =	ssyncset.done $0x0  }
0x32: {  	s11 =	simm.s32 $0x0;
	[sflag:s15] =	ssyncadd.s32 $0xFFFFF000  }
0x33: {  	[tilespmem:s11], [sflag:$0xD] =	stream.linear.gather [hbm4b:s5+s11], $0x2710, $0x38;
	[tilespmem:$0x10E20] =	vst v63  }
0x34: {  	_ =	swait.ge [sflag:s15], $0x2710  }
0x35: {  	[sflag:s15] =	ssyncset.done $0x0  }
0x36: {  	s13 =	simm.s32 $0x2710;
	s12 =	rddreg [dreg:$0x4];
	[sflag:s15] =	ssyncadd.s32 $0xFFFFD8F0  }
0x37: {  	[tilespmem:s13], [sflag:$0xD] =	stream.linear.gather [hbm4b:s12+s11], $0x2710, $0x38;
	[tilespmem:$0x10E20] =	vst v63  }
0x38: {  	_ =	swait.ge [sflag:s15], $0x2710  }
0x39: {  	[sflag:s15] =	ssyncset.done $0x0  }
0x3a: {  	[sflag:s15] =	ssyncadd.s32 $0xFFFFD8F0  }
0x3b: {  	[bflag:$0x0] =	sbarrier.arrive $0xFFFF  }
0x3c: {  	[tilespmem:s18], [sflag:$0x1] =	stream.indirect.gather [hbm4b:s4+s17], $0x20, s11, s17, $0xb8;
	[tilespmem:$0x10E20] =	vst v63  }
0x3d: {  	_ = 	snop  }
0x3e: {  	[tilespmem:s19], [sflag:$0x2] =	stream.indirect.gather [hbm4b:s4+s17], $0x20, s17, s17, $0xb8;
	[tilespmem:$0x10E20] =	vst v63  }
0x3f: {  	s13 =	simm.s32 $0x100  }
0x40: {  	[tilespmem:s21], [sflag:$0x3] =	stream.indirect.gather [hbm4b:s4+s17], $0x20, s13, s17, $0xb8;
	[tilespmem:$0x10E20] =	vst v63  }
0x41: {  	s12 =	simm.s32 $0x180  }
0x42: {  	[tilespmem:s23], [sflag:$0x4] =	stream.indirect.gather [hbm4b:s4+s17], $0x20, s12, s17, $0xb8;
	[tilespmem:$0x10E20] =	vst v63  }
0x43: {  	s13 =	simm.s32 $0x200  }
0x44: {  	[tilespmem:s26], [sflag:$0x5] =	stream.indirect.gather [hbm4b:s4+s17], $0x20, s13, s17, $0xb8;
	[tilespmem:$0x10E20] =	vst v63  }
0x45: {  	s12 =	simm.s32 $0x280  }
0x46: {  	[tilespmem:s29], [sflag:$0x6] =	stream.indirect.gather [hbm4b:s4+s17], $0x20, s12, s17, $0xb8;
	[tilespmem:$0x10E20] =	vst v63  }
0x47: {  	_ =	swait.ge [sflag:s30], $0x1000  }
0x48: {  	[sflag:s30] =	ssyncset.done $0x0  }
0x49: {  	s13 =	simm.s32 $0x2710;
	[sflag:s30] =	ssyncadd.s32 $0xFFFFF000  }
0x4a: {  	[spmem:s1] =	stream.indirect.scatter.add.f32 [tilespmem:s18], [sflag:$0x7], $0x20, s13, s17, $0xb8;
	[tilespmem:$0x10E20] =	vst v63  }
0x4b: {  	_ =	swait.ge [sflag:s31], $0x1000  }
0x4c: {  	[sflag:s31] =	ssyncset.done $0x0  }
0x4d: {  	s12 =	simm.s32 $0x2790;
	[sflag:s31] =	ssyncadd.s32 $0xFFFFF000  }
0x4e: {  	[spmem:s1] =	stream.indirect.scatter.add.f32 [tilespmem:s19], [sflag:$0x8], $0x20, s12, s17, $0xb8;
	[tilespmem:$0x10E20] =	vst v63  }
0x4f: {  	_ =	swait.ge [sflag:s0], $0x1000  }
0x50: {  	[sflag:s0] =	ssyncset.done $0x0  }
0x51: {  	s13 =	simm.s32 $0x2810;
	[sflag:s0] =	ssyncadd.s32 $0xFFFFF000  }
0x52: {  	[spmem:s1] =	stream.indirect.scatter.add.f32 [tilespmem:s21], [sflag:$0x9], $0x20, s13, s17, $0xb8;
	[tilespmem:$0x10E20] =	vst v63  }
0x53: {  	_ =	swait.ge [sflag:s16], $0x1000  }
0x54: {  	[sflag:s16] =	ssyncset.done $0x0  }
0x55: {  	s12 =	simm.s32 $0x2890;
	[sflag:s16] =	ssyncadd.s32 $0xFFFFF000  }
0x56: {  	[spmem:s1] =	stream.indirect.scatter.add.f32 [tilespmem:s23], [sflag:$0xA], $0x20, s12, s17, $0xb8;
	[tilespmem:$0x10E20] =	vst v63  }
0x57: {  	_ =	swait.ge [sflag:s20], $0x1000  }
0x58: {  	[sflag:s20] =	ssyncset.done $0x0  }
0x59: {  	s13 =	simm.s32 $0x2910;
	[sflag:s20] =	ssyncadd.s32 $0xFFFFF000  }
0x5a: {  	[spmem:s1] =	stream.indirect.scatter.add.f32 [tilespmem:s26], [sflag:$0xB], $0x20, s13, s17, $0xb8;
	[tilespmem:$0x10E20] =	vst v63  }
0x5b: {  	_ =	swait.ge [sflag:s22], $0x1000  }
0x5c: {  	[sflag:s22] =	ssyncset.done $0x0  }
0x5d: {  	s12 =	simm.s32 $0x2990;
	[sflag:s22] =	ssyncadd.s32 $0xFFFFF000  }
0x5e: {  	[spmem:s1] =	stream.indirect.scatter.add.f32 [tilespmem:s29], [sflag:$0xC], $0x20, s12, s17, $0xb8;
	[tilespmem:$0x10E20] =	vst v63  }
0x5f: {  	_ =	swait.ge [sflag:s2], $0x1000  }
0x60: {  	[sflag:s2] =	ssyncset.done $0x0  }
0x61: {  	s13 =	simm.s32 $0x300;
	[sflag:s2] =	ssyncadd.s32 $0xFFFFF000  }
0x62: {  	[tilespmem:s18], [sflag:$0x1] =	stream.indirect.gather [hbm4b:s4+s17], $0x20, s13, s17, $0xb8;
	[tilespmem:$0x10E20] =	vst v63  }
0x63: {  	_ =	swait.ge [sflag:s24], $0x1000  }
0x64: {  	[sflag:s24] =	ssyncset.done $0x0  }
0x65: {  	s12 =	simm.s32 $0x380;
	[sflag:s24] =	ssyncadd.s32 $0xFFFFF000  }
0x66: {  	[tilespmem:s19], [sflag:$0x2] =	stream.indirect.gather [hbm4b:s4+s17], $0x20, s12, s17, $0xb8;
	[tilespmem:$0x10E20] =	vst v63  }
0x67: {  	_ =	swait.ge [sflag:s28], $0x1000  }
0x68: {  	[sflag:s28] =	ssyncset.done $0x0  }
0x69: {  	s13 =	simm.s32 $0x400;
	[sflag:s28] =	ssyncadd.s32 $0xFFFFF000  }
0x6a: {  	[tilespmem:s21], [sflag:$0x3] =	stream.indirect.gather [hbm4b:s4+s17], $0x20, s13, s17, $0xb8;
	[tilespmem:$0x10E20] =	vst v63  }
0x6b: {  	_ =	swait.ge [sflag:s7], $0x1000  }
0x6c: {  	[sflag:s7] =	ssyncset.done $0x0  }
0x6d: {  	s12 =	simm.s32 $0x480;
	[sflag:s7] =	ssyncadd.s32 $0xFFFFF000  }
0x6e: {  	[tilespmem:s23], [sflag:$0x4] =	stream.indirect.gather [hbm4b:s4+s17], $0x20, s12, s17, $0xb8;
	[tilespmem:$0x10E20] =	vst v63  }
0x6f: {  	_ =	swait.ge [sflag:s8], $0x1000  }
0x70: {  	[sflag:s8] =	ssyncset.done $0x0  }
0x71: {  	s13 =	simm.s32 $0x500;
	[sflag:s8] =	ssyncadd.s32 $0xFFFFF000  }
0x72: {  	[tilespmem:s26], [sflag:$0x5] =	stream.indirect.gather [hbm4b:s4+s17], $0x20, s13, s17, $0xb8;
	[tilespmem:$0x10E20] =	vst v63  }
0x73: {  	_ =	swait.ge [sflag:s9], $0x1000  }
0x74: {  	[sflag:s9] =	ssyncset.done $0x0  }
0x75: {  	s11 =	simm.s32 $0xC00;
	s12 =	simm.s32 $0x580;
	[sflag:s9] =	ssyncadd.s32 $0xFFFFF000  }
.LBB2_4:
0x76: {  	[tilespmem:s29], [sflag:$0x6] =	stream.indirect.gather [hbm4b:s4+s17], $0x20, s12, s17, $0xb8;
	[tilespmem:$0x10E20] =	vst v63  }
0x77: {  	s12 =	smov.u32 s11  }
0x78: {  	p0 =	sne.s32 s11, $0x8400;
	s11 =	sadd.s32 $0xC00, s11;
	_ =	swait.ge [sflag:s30], $0x1000  }
0x79: {  	s12 =	sshra.s32 s12, $0x2;
	[sflag:s30] =	ssyncset.done $0x0  }
0x7a: {  	s13 =	sadd.s32 $0x2710, s12;
	[sflag:s30] =	ssyncadd.s32 $0xFFFFF000  }
0x7b: {  	[spmem:s1] =	stream.indirect.scatter.add.f32 [tilespmem:s18], [sflag:$0x7], $0x20, s13, s17, $0xb8;
	[tilespmem:$0x10E20] =	vst v63  }
0x7c: {  	_ =	swait.ge [sflag:s31], $0x1000  }
0x7d: {  	[sflag:s31] =	ssyncset.done $0x0  }
0x7e: {  	s13 =	sadd.s32 $0x2790, s12;
	[sflag:s31] =	ssyncadd.s32 $0xFFFFF000  }
0x7f: {  	[spmem:s1] =	stream.indirect.scatter.add.f32 [tilespmem:s19], [sflag:$0x8], $0x20, s13, s17, $0xb8;
	[tilespmem:$0x10E20] =	vst v63  }
0x80: {  	_ =	swait.ge [sflag:s0], $0x1000  }
0x81: {  	[sflag:s0] =	ssyncset.done $0x0  }
0x82: {  	s13 =	sadd.s32 $0x2810, s12;
	[sflag:s0] =	ssyncadd.s32 $0xFFFFF000  }
0x83: {  	[spmem:s1] =	stream.indirect.scatter.add.f32 [tilespmem:s21], [sflag:$0x9], $0x20, s13, s17, $0xb8;
	[tilespmem:$0x10E20] =	vst v63  }
0x84: {  	_ =	swait.ge [sflag:s16], $0x1000  }
0x85: {  	[sflag:s16] =	ssyncset.done $0x0  }
0x86: {  	s13 =	sadd.s32 $0x2890, s12;
	[sflag:s16] =	ssyncadd.s32 $0xFFFFF000  }
0x87: {  	[spmem:s1] =	stream.indirect.scatter.add.f32 [tilespmem:s23], [sflag:$0xA], $0x20, s13, s17, $0xb8;
	[tilespmem:$0x10E20] =	vst v63  }
0x88: {  	_ =	swait.ge [sflag:s20], $0x1000  }
0x89: {  	[sflag:s20] =	ssyncset.done $0x0  }
0x8a: {  	s13 =	sadd.s32 $0x2910, s12;
	[sflag:s20] =	ssyncadd.s32 $0xFFFFF000  }
0x8b: {  	[spmem:s1] =	stream.indirect.scatter.add.f32 [tilespmem:s26], [sflag:$0xB], $0x20, s13, s17, $0xb8;
	[tilespmem:$0x10E20] =	vst v63  }
0x8c: {  	_ =	swait.ge [sflag:s22], $0x1000  }
0x8d: {  	[sflag:s22] =	ssyncset.done $0x0  }
0x8e: {  	s13 =	sadd.s32 $0x2990, s12;
	[sflag:s22] =	ssyncadd.s32 $0xFFFFF000  }
0x8f: {  	[spmem:s1] =	stream.indirect.scatter.add.f32 [tilespmem:s29], [sflag:$0xC], $0x20, s13, s17, $0xb8;
	[tilespmem:$0x10E20] =	vst v63  }
0x90: {  	_ =	swait.ge [sflag:s2], $0x1000  }
0x91: {  	[sflag:s2] =	ssyncset.done $0x0  }
0x92: {  	s13 =	sadd.s32 $0x300, s12;
	[sflag:s2] =	ssyncadd.s32 $0xFFFFF000  }
0x93: {  	[tilespmem:s18], [sflag:$0x1] =	stream.indirect.gather [hbm4b:s4+s17], $0x20, s13, s17, $0xb8;
	[tilespmem:$0x10E20] =	vst v63  }
0x94: {  	_ =	swait.ge [sflag:s24], $0x1000  }
0x95: {  	[sflag:s24] =	ssyncset.done $0x0  }
0x96: {  	s13 =	sadd.s32 $0x380, s12;
	[sflag:s24] =	ssyncadd.s32 $0xFFFFF000  }
0x97: {  	[tilespmem:s19], [sflag:$0x2] =	stream.indirect.gather [hbm4b:s4+s17], $0x20, s13, s17, $0xb8;
	[tilespmem:$0x10E20] =	vst v63  }
0x98: {  	_ =	swait.ge [sflag:s28], $0x1000  }
0x99: {  	[sflag:s28] =	ssyncset.done $0x0  }
0x9a: {  	s13 =	sadd.s32 $0x400, s12;
	[sflag:s28] =	ssyncadd.s32 $0xFFFFF000  }
0x9b: {  	[tilespmem:s21], [sflag:$0x3] =	stream.indirect.gather [hbm4b:s4+s17], $0x20, s13, s17, $0xb8;
	[tilespmem:$0x10E20] =	vst v63  }
0x9c: {  	_ =	swait.ge [sflag:s7], $0x1000  }
0x9d: {  	[sflag:s7] =	ssyncset.done $0x0  }
0x9e: {  	s13 =	sadd.s32 $0x480, s12;
	[sflag:s7] =	ssyncadd.s32 $0xFFFFF000  }
0x9f: {  	[tilespmem:s23], [sflag:$0x4] =	stream.indirect.gather [hbm4b:s4+s17], $0x20, s13, s17, $0xb8;
	[tilespmem:$0x10E20] =	vst v63  }
0xa0: {  	_ =	swait.ge [sflag:s8], $0x1000  }
0xa1: {  	[sflag:s8] =	ssyncset.done $0x0  }
.Ltmp1:
0xa2: {  	s13 =	sadd.s32 $0x500, s12;
	[sflag:s8] =	ssyncadd.s32 $0xFFFFF000;
	(pc) =	sbr.rel @p0 .LBB2_4-.Ltmp1, $4  }
0xa3: {  	[tilespmem:s26], [sflag:$0x5] =	stream.indirect.gather [hbm4b:s4+s17], $0x20, s13, s17, $0xb8;
	[tilespmem:$0x10E20] =	vst v63  }
0xa4: {  	_ =	swait.ge [sflag:s9], $0x1000  }
0xa5: {  	[sflag:s9] =	ssyncset.done $0x0  }
0xa6: {  	s12 =	sadd.s32 $0x580, s12;
	[sflag:s9] =	ssyncadd.s32 $0xFFFFF000  }
0xa7: {  	[tilespmem:s29], [sflag:$0x6] =	stream.indirect.gather [hbm4b:s4+s17], $0x20, s12, s17, $0xb8;
	[tilespmem:$0x10E20] =	vst v63  }
0xa8: {  	_ =	swait.ge [sflag:s30], $0x1000  }
0xa9: {  	[sflag:s30] =	ssyncset.done $0x0  }
0xaa: {  	s11 =	simm.s32 $0x4B10;
	[sflag:s30] =	ssyncadd.s32 $0xFFFFF000  }
0xab: {  	[spmem:s1] =	stream.indirect.scatter.add.f32 [tilespmem:s18], [sflag:$0x7], $0x20, s11, s17, $0xb8;
	[tilespmem:$0x10E20] =	vst v63  }
0xac: {  	_ =	swait.ge [sflag:s31], $0x1000  }
0xad: {  	[sflag:s31] =	ssyncset.done $0x0  }
0xae: {  	s13 =	simm.s32 $0x4B90;
	[sflag:s31] =	ssyncadd.s32 $0xFFFFF000  }
0xaf: {  	[spmem:s1] =	stream.indirect.scatter.add.f32 [tilespmem:s19], [sflag:$0x8], $0x20, s13, s17, $0xb8;
	[tilespmem:$0x10E20] =	vst v63  }
0xb0: {  	_ =	swait.ge [sflag:s0], $0x1000  }
0xb1: {  	[sflag:s0] =	ssyncset.done $0x0  }
0xb2: {  	s12 =	simm.s32 $0x4C10;
	[sflag:s0] =	ssyncadd.s32 $0xFFFFF000  }
0xb3: {  	[spmem:s1] =	stream.indirect.scatter.add.f32 [tilespmem:s21], [sflag:$0x9], $0x20, s12, s17, $0xb8;
	[tilespmem:$0x10E20] =	vst v63  }
0xb4: {  	_ =	swait.ge [sflag:s16], $0x1000  }
0xb5: {  	[sflag:s16] =	ssyncset.done $0x0  }
0xb6: {  	s13 =	simm.s32 $0x4C90;
	[sflag:s16] =	ssyncadd.s32 $0xFFFFF000  }
0xb7: {  	[spmem:s1] =	stream.indirect.scatter.add.f32 [tilespmem:s23], [sflag:$0xA], $0x20, s13, s17, $0xb8;
	[tilespmem:$0x10E20] =	vst v63  }
0xb8: {  	_ =	swait.ge [sflag:s20], $0x1000  }
0xb9: {  	[sflag:s20] =	ssyncset.done $0x0  }
0xba: {  	s12 =	simm.s32 $0x4D10;
	[sflag:s20] =	ssyncadd.s32 $0xFFFFF000  }
0xbb: {  	[spmem:s1] =	stream.indirect.scatter.add.f32 [tilespmem:s26], [sflag:$0xB], $0x20, s12, s17, $0xb8;
	[tilespmem:$0x10E20] =	vst v63  }
0xbc: {  	_ =	swait.ge [sflag:s22], $0x1000  }
0xbd: {  	[sflag:s22] =	ssyncset.done $0x0  }
0xbe: {  	s13 =	simm.s32 $0x4D90;
	[sflag:s22] =	ssyncadd.s32 $0xFFFFF000  }
0xbf: {  	[spmem:s1] =	stream.indirect.scatter.add.f32 [tilespmem:s29], [sflag:$0xC], $0x20, s13, s17, $0xb8;
	[tilespmem:$0x10E20] =	vst v63  }
0xc0: {  	_ =	swait.ge [sflag:s2], $0x1000  }
0xc1: {  	[sflag:s2] =	ssyncset.done $0x0  }
0xc2: {  	[sflag:s2] =	ssyncadd.s32 $0xFFFFF000  }
0xc3: {  	_ =	swait.ge [sflag:s24], $0x1000  }
0xc4: {  	[sflag:s24] =	ssyncset.done $0x0  }
0xc5: {  	[sflag:s24] =	ssyncadd.s32 $0xFFFFF000  }
0xc6: {  	_ =	swait.ge [sflag:s28], $0x1000  }
0xc7: {  	[sflag:s28] =	ssyncset.done $0x0  }
0xc8: {  	[sflag:s28] =	ssyncadd.s32 $0xFFFFF000  }
0xc9: {  	_ =	swait.ge [sflag:s7], $0x1000  }
0xca: {  	[sflag:s7] =	ssyncset.done $0x0  }
0xcb: {  	[sflag:s7] =	ssyncadd.s32 $0xFFFFF000  }
0xcc: {  	_ =	swait.ge [sflag:s8], $0x1000  }
0xcd: {  	[sflag:s8] =	ssyncset.done $0x0  }
0xce: {  	[sflag:s8] =	ssyncadd.s32 $0xFFFFF000  }
0xcf: {  	_ =	swait.ge [sflag:s9], $0x1000  }
0xd0: {  	[sflag:s9] =	ssyncset.done $0x0  }
0xd1: {  	s12 =	simm.s32 $0x2700;
	[sflag:s9] =	ssyncadd.s32 $0xFFFFF000  }
0xd2: {  	[tilespmem:s18], [sflag:$0xD] =	stream.indirect.gather [hbm4b:s4+s10], $0x20, s12, s10, $0xb8;
	[tilespmem:$0x10E20] =	vst v63  }
0xd3: {  	_ =	swait.ge [sflag:s15], $0x200  }
0xd4: {  	[sflag:s15] =	ssyncset.done $0x0  }
0xd5: {  	s13 =	simm.s32 $0x4E10;
	[sflag:s15] =	ssyncadd.s32 $0xFFFFFE00  }
0xd6: {  	[spmem:s1] =	stream.indirect.scatter.add.f32 [tilespmem:s18], [sflag:$0xD], $0x20, s13, s10, $0xb8;
	[tilespmem:$0x10E20] =	vst v63  }
0xd7: {  	_ =	swait.ge [sflag:s15], $0x200  }
0xd8: {  	[sflag:s15] =	ssyncset.done $0x0  }
0xd9: {  	s12 =	stileid.u32;
	[sflag:s15] =	ssyncadd.s32 $0xFFFFFE00  }
0xda: {  	s11 =	sshll.u32 s12, $0x6;
	[bflag:$0x0] =	sbarrier.arrive $0xFFFF  }
0xdb: {  	s11 =	sor.u32 $0x1C0D, s11;
	s13 =	rddreg [dreg:$0x5]  }
0xdc: {  	[hbm:s13], [sflag:s11] =	dma.local [spmem:s25], $0xA00  }
0xdd: {  	_ =	swait.ge [sflag:s15], $0xA00  }
0xde: {  	s3 =	sadd.s32 $0x1, s3;
	s13 =	rddreg [dreg:$0x6]  }
0xdf: {  	p0 =	sne.s32 s3, s13  }
.Ltmp2:
0xe0: {  	_ = 	snop;
	(pc) =	sbr.rel @p0 .LBB2_1-.Ltmp2, $3  }
0xe1: {  	_ =	sdelay $0x1  }
0xe2: {  	[sflag:s15] =	ssyncset.done $0x0  }
0xe3: {  	[sflag:s15] =	ssyncadd.s32 $0xFFFFF600  }
0xe4: {  	_ =	sfence.sel $0x180000  }
0xe5: {  	[bflag:$0x0] =	sbarrier.arrive $0xFFFF  }
0xe6: {  	_ =	strace $0x9000004A  }
0xe7: {  	s0 =	stileid.u32;
	[bflag:$0x2] =	sbarrier.arrive $0xFFFF  }
0xe8: {  	p0 =	sne.s32 s0, $0x0;
	s0 =	rddreg [dreg:$0x3]  }
0xe9: {  	s0 =	sadd.s32 @!p0 $0x100000, s0  }
0xea: {  	[sflag:s0] =	ssyncadd.tile.s32 @!p0 $0x1;
	_ =	shalt  }
.Lfunc_end2:
_tile_overlayer_lowered:
.L_overlay_start_2:
0xeb: {  	(tag) =	ssettag $0x2  }
0xec: {  	s0 =	rddreg [dreg:$0x0];
	s2 =	stileid.u32  }
0xed: {  	s1 =	rddreg [dreg:$0x1];
	p0 =	sne.s32 s2, $0x0  }
0xee: {  	s3 =	rddreg [dreg:$0x2];
	[bflag:$0x3] =	sbarrier.arrive $0xFFFF;
	s2 =	simm.s32 @!p0 $0x1C0D  }
0xef: {  	[timem:s3], [sflag:s2] =	dma.local @!p0 [hbm:s0], s1  }
0xf0: {  	s0 =	simm.s32 @!p0 $0xD  }
0xf1: {  	_ =	swait.ge @!p0 [sflag:s0], s1  }
0xf2: {  	s1 =	ssub.s32 @!p0 $0x0, s1;
	[sflag:s0] =	ssyncset.done @!p0 $0x0  }
0xf3: {  	[sflag:s0] =	ssyncadd.s32 @!p0 s1  }
0xf4: {  	[bflag:$0x3] =	sbarrier.arrive $0xFFFF  }
0xf5: {  	_ =	shalt  }

// kernel: kernel.17.cloned.1.call-start
scs
__scs_entry_jumppad:
0x0: {  	(pc) =	sbr.rel $0x88, $3  }
0x1: {  	(tag) =	ssettag $0x0;
	lr =	simm.s32 $0x1  }
0x2: {  	[smem:$0x3F99] =	sst lr;
	_ =	strace $0xD0000000  }
0x3: {  	_ = 	snop  }
0x4: {  	_ = 	snop  }
0x5: {  	_ = 	snop  }
0x6: {  	_ = 	snop  }
0x7: {  	_ = 	snop  }
__scs_overlays_trampoline_lowered:
0x8: {  	[smem:$0x3FA8] =	sst s0  }
0x9: {  	[smem:$0x3FA9] =	sst s1  }
0xa: {  	[smem:$0x3FAA] =	sst s2  }
0xb: {  	[smem:$0x3FAB] =	sst s3  }
0xc: {  	[smem:$0x3FAC] =	sst s4  }
0xd: {  	[smem:$0x3FAD] =	sst s5  }
0xe: {  	[smem:$0x3FAE] =	sst s6  }
0xf: {  	[smem:$0x3FAF] =	sst s7  }
0x10: {  	[smem:$0x3FB0] =	sst s8  }
0x11: {  	[smem:$0x3FB1] =	sst s9;
	s0 =	simm.s32 @!p0 $0x0  }
0x12: {  	s1 =	sld [smem:$0x3F97];
	s0 =	simm.s32 @p0 $0x1  }
0x13: {  	[smem:$0x3FB2] =	sst s0;
	s0 =	simm.s32 @!p1 $0x0  }
0x14: {  	s2 =	sld [smem:$0x3F96];
	s0 =	simm.s32 @p1 $0x1  }
0x15: {  	[smem:$0x3FB3] =	sst s0;
	s0 =	simm.s32 @!p2 $0x0  }
0x16: {  	s3 =	sld [smem:$0x3FDB];
	s0 =	simm.s32 @p2 $0x1  }
0x17: {  	s4 =	simm.s32 $0x1BF5;
	[smem:$0x3FB5] =	sst s0  }
0x18: {  	s0 =	sld [smem:$0x3F98];
	_ =	swait.ge [sflag:s4], $0x0  }
0x19: {  	s7 =	sld [smem:$0x3F99]  }
0x1a: {  	s8 =	sadd.s32 $0xFFFFE003, lr  }
0x1b: {  	s9 =	sadd.s32 $0xFFFFFEF7, lr;
	s5 =	simm.s32 $0xFFFFFFFF;
	p2 =	slt.u32 s8, $0xFFFFF086  }
0x1c: {  	p1 =	slt.u32 s9, $0xF7A;
	s5 =	simm.s32 @!p2 $0x0  }
0x1d: {  	s5 =	simm.s32 @p1 $0x1;
	p0 =	seq.s32 s7, s2  }
0x1e: {  	s7 =	smul.u32 @!p0 $0xF7A, s2;
	p2 =	seq.s32 @!p0 s5, $0x0  }
0x1f: {  	s9 =	smul.u32 $0xF7A, s1;
	s8 =	simm.s32 @!p0 $0x1BF5;
	p2 =	por !p2, p0  }
0x20: {  	[sflag:s8] =	ssyncset.s32 @!p0 $0xFFFFF086;
	s6 =	sadd.s32 @!p0 s3, s7;
	s7 =	simm.s32 @!p0 $0x108  }
0x21: {  	s3 =	sadd.s32 s3, s9;
	s6 =	sadd.s32 @!p0 $0x88, s6;
	s7 =	simm.s32 @p2 $0x1082  }
0x22: {  	[simem:s7], [sflag:s8] =	dma.local @!p0 [hbm:s6], $0xF7A  }
0x23: {  	s9 =	sor.u32 $0xD0000000, s2;
	s6 =	simm.s32 $0x108;
	_ =	swait.ge @!p0 [sflag:s8], $0x0  }
0x24: {  	s3 =	sadd.s32 $0x88, s3;
	s6 =	simm.s32 @!p1 $0x1082;
	[sflag:s4] =	ssyncset.s32 $0xFFFFF086  }
0x25: {  	[simem:s6], [sflag:s4] =	dma.local [hbm:s3], $0xF7A  }
0x26: {  	[smem:$0x3F99] =	sst s1;
	(tag) =	ssettag s2;
	_ =	strace s9  }
0x27: {  	s1 =	sld [smem:$0x3FA9]  }
0x28: {  	s2 =	sld [smem:$0x3FAA]  }
0x29: {  	s4 =	sld [smem:$0x3FAC]  }
0x2a: {  	p0 =	seq.s32 s5, $0x0;
	s5 =	sld [smem:$0x3FAD]  }
0x2b: {  	s6 =	sld [smem:$0x3FAE]  }
0x2c: {  	s7 =	sld [smem:$0x3FAF]  }
0x2d: {  	s3 =	simm.s32 $0x108;
	s8 =	sld [smem:$0x3FB0]  }
0x2e: {  	s3 =	simm.s32 @!p0 $0x1082;
	s9 =	sld [smem:$0x3FB1]  }
0x2f: {  	lr =	sadd.s32 s0, s3;
	s0 =	sld [smem:$0x3FA8]  }
0x30: {  	s3 =	sld [smem:$0x3FAB]  }
0x31: {  	[smem:$0x3FB4] =	sst s10  }
0x32: {  	s10 =	sld [smem:$0x3FB2];
	_ =	sdelay $0x3  }
0x33: {  	p0 =	seq.s32 s10, $0x1;
	s10 =	sld [smem:$0x3FB4];
	_ =	sdelay $0x3  }
0x34: {  	[smem:$0x3FB4] =	sst s10  }
0x35: {  	s10 =	sld [smem:$0x3FB3];
	_ =	sdelay $0x3  }
0x36: {  	p1 =	seq.s32 s10, $0x1;
	s10 =	sld [smem:$0x3FB4];
	_ =	sdelay $0x3  }
0x37: {  	[smem:$0x3FB4] =	sst s10  }
0x38: {  	s10 =	sld [smem:$0x3FB5]  }
0x39: {  	_ = 	snop;
	(pc) =	sbr.ind lr, $3  }
0x3a: {  	_ = 	snop  }
0x3b: {  	_ = 	snop  }
0x3c: {  	p2 =	seq.s32 s10, $0x1;
	s10 =	sld [smem:$0x3FB4]  }
0x3d: {  	_ =	shalt  }
0x3e: {  	_ =	shalt  }
0x3f: {  	_ =	shalt  }
0x40: {  	_ =	shalt  }
0x41: {  	_ =	shalt  }
0x42: {  	_ =	shalt  }
0x43: {  	_ =	shalt  }
0x44: {  	_ =	shalt  }
0x45: {  	_ =	shalt  }
0x46: {  	_ =	shalt  }
0x47: {  	_ =	shalt  }
0x48: {  	_ =	shalt  }
0x49: {  	_ =	shalt  }
0x4a: {  	_ =	shalt  }
0x4b: {  	_ =	shalt  }
0x4c: {  	_ =	shalt  }
0x4d: {  	_ =	shalt  }
0x4e: {  	_ =	shalt  }
0x4f: {  	_ =	shalt  }
0x50: {  	_ =	shalt  }
0x51: {  	_ =	shalt  }
0x52: {  	_ =	shalt  }
0x53: {  	_ =	shalt  }
0x54: {  	_ =	shalt  }
0x55: {  	_ =	shalt  }
0x56: {  	_ =	shalt  }
0x57: {  	_ =	shalt  }
0x58: {  	_ =	shalt  }
0x59: {  	_ =	shalt  }
0x5a: {  	_ =	shalt  }
0x5b: {  	_ =	shalt  }
0x5c: {  	_ =	shalt  }
0x5d: {  	_ =	shalt  }
0x5e: {  	_ =	shalt  }
0x5f: {  	_ =	shalt  }
0x60: {  	_ =	shalt  }
0x61: {  	_ =	shalt  }
0x62: {  	_ =	shalt  }
0x63: {  	_ =	shalt  }
0x64: {  	_ =	shalt  }
0x65: {  	_ =	shalt  }
0x66: {  	_ =	shalt  }
0x67: {  	_ =	shalt  }
0x68: {  	_ =	shalt  }
0x69: {  	_ =	shalt  }
0x6a: {  	_ =	shalt  }
0x6b: {  	_ =	shalt  }
0x6c: {  	_ =	shalt  }
0x6d: {  	_ =	shalt  }
0x6e: {  	_ =	shalt  }
0x6f: {  	_ =	shalt  }
0x70: {  	_ =	shalt  }
0x71: {  	_ =	shalt  }
0x72: {  	_ =	shalt  }
0x73: {  	_ =	shalt  }
0x74: {  	_ =	shalt  }
0x75: {  	_ =	shalt  }
0x76: {  	_ =	shalt  }
0x77: {  	_ =	shalt  }
0x78: {  	_ =	shalt  }
0x79: {  	_ =	shalt  }
0x7a: {  	_ =	shalt  }
0x7b: {  	_ =	shalt  }
0x7c: {  	_ =	shalt  }
0x7d: {  	_ =	shalt  }
0x7e: {  	_ =	shalt  }
0x7f: {  	_ =	shalt  }
0x80: {  	_ =	shalt  }
0x81: {  	_ =	shalt  }
0x82: {  	_ =	shalt  }
0x83: {  	_ =	shalt  }
0x84: {  	_ =	shalt  }
0x85: {  	_ =	shalt  }
0x86: {  	_ =	shalt  }
0x87: {  	_ =	shalt  }
.Lfunc_end0:
.L_simem_size_0:
called_computation.2_lowered:
.L_overlay_start_0:
0x88: {  	s2 =	sld [smem:$0x3FD9]  }
0x89: {  	s3 =	sld [smem:$0x3FFE];
	_ =	sdelay $0x1  }
0x8a: {  	s1 =	srdreg.scid  }
0x8b: {  	s0 =	sand.u32 $0x1, s1  }
0x8c: {  	s17 =	sshll.u32 s0, $0xA;
	s2 =	sadd.s32 s3, s2  }
0x8d: {  	s2 =	sadd.s32 s2, s17  }
0x8e: {  	[smem:$0x3FC0] =	sst s2  }
0x8f: {  	_ = 	snop  }
0x90: {  	s2 =	sld [smem:$0x3FD0];
	(tm) =	ssettm $0x1  }
0x91: {  	s18 =	sld [smem:$0x3FFB];
	_ =	sdelay $0x3  }
0x92: {  	_ =	strace s18  }
0x93: {  	s3 =	sld [smem:$0x3FFC];
	_ =	sdelay $0x3  }
0x94: {  	_ =	strace s3  }
0x95: {  	s3 =	sld [smem:$0x3FFD];
	_ =	sdelay $0x3  }
0x96: {  	_ =	strace s3  }
0x97: {  	_ =	strace $0x8FFFFFFF  }
0x98: {  	s19 =	sld [smem:$0x3FDB];
	_ =	sdelay $0x1  }
0x99: {  	s4 =	simm.s32 $_scs_section_size  }
0x9a: {  	s5 =	simm.s32 $_size__tile_overlayer_lowered;
	s6 =	simm.s32 $_tile_overlayer_lowered  }
0x9b: {  	s22 =	simm.s32 $0x1BFF;
	s21 =	sshll.u32 s6, $0x1;
	s3 =	sadd.s32 s4, s19  }
0x9c: {  	s7 =	simm.s32 $0x0;
	s20 =	sshll.u32 s5, $0x1;
	s5 =	sadd.s32 s21, s3  }
0x9d: {  	[timem:s7], [sflag:s22] =	dma.local [hbm:s5], s20  }
0x9e: {  	_ =	swait.ge [sflag:s22], s20  }
0x9f: {  	s4 =	ssub.s32 $0x0, s20;
	[sflag:s22] =	ssyncset.done $0x0  }
0xa0: {  	[sflag:s22] =	ssyncadd.s32 s4;
	_ =	sdelay $0x1  }
0xa1: {  	s23 =	simm.s32 $0x1B8B  }
0xa2: {  	_ =	swait.ge [sflag:s23], $0x1  }
0xa3: {  	[sflag:s23] =	ssyncset.done $0x0  }
0xa4: {  	s25 =	simm.s32 $0x1B8E;
	s24 =	sld [smem:$0x3FFE];
	[sflag:s23] =	ssyncadd.s32 $0xFFFFFFFF  }
0xa5: {  	s26 =	simm.s32 $execute0_lowered;
	[smem:$0x3FD2] =	sst s25  }
0xa6: {  	s5 =	sshll.u32 s26, $0x1;
	_ =	strace $0x8000004C;
	[dreg:$0x1] =	wrdreg $0xFFFFFFFF  }
0xa7: {  	s28 =	simm.s32 $_size_execute0_lowered;
	s3 =	sadd.s32 s3, s5;
	[dreg:$0x0] =	wrdreg $0x0  }
0xa8: {  	s5 =	sshll.u32 s28, $0x1;
	[dreg:$0x2] =	wrdreg s3  }
0xa9: {  	[dreg:$0x3] =	wrdreg s5  }
0xaa: {  	[dreg:$0x4] =	wrdreg $0xC0  }
0xab: {  	_ =	task [dreg:s7], $0x5FFFF  }
0xac: {  	[dreg:$0x1] =	wrdreg $0xFFFFFFFF  }
0xad: {  	[dreg:$0x0] =	wrdreg $0x60  }
0xae: {  	[dreg:$0x2] =	wrdreg s2  }
0xaf: {  	[dreg:$0x3] =	wrdreg s24  }
0xb0: {  	[dreg:$0x4] =	wrdreg $0x12E200  }
0xb1: {  	[dreg:$0x5] =	wrdreg $0x9  }
0xb2: {  	_ =	task.clear_ibuf [dreg:s7], $0x6FFFF;
	_ =	strace $0x9000004C  }
0xb3: {  	s29 =	simm.s32 $0x9;
	_ =	strace $0x8000004E  }
0xb4: {  	_ =	swait.ge [sflag:s29], $0x1  }
0xb5: {  	[sflag:s29] =	ssyncadd.s32 $0xFFFFFFFF  }
0xb6: {  	_ =	strace $0x9000004E  }
0xb7: {  	_ =	sfence  }
0xb8: {  	s30 =	sld [smem:$0x0];
	_ =	sdelay $0x2  }
0xb9: {  	s31 =	sshll.u32 s1, $0xD;
	s1 =	sshrl.u32 s1, $0x2  }
0xba: {  	s3 =	sand.u32 $0x4000, s31;
	s1 =	sadd.s32 s1, s30  }
0xbb: {  	s0 =	sor.u32 s3, s0;
	s1 =	sshll.u32 s1, $0x11  }
0xbc: {  	s0 =	sor.u32 s1, s0  }
0xbd: {  	s0 =	sadd.s32 $0x8F2B, s0  }
0xbe: {  	[sflag:s0] =	ssyncadd.remote.s32 $0x1  }
0xbf: {  	_ =	sfence.sel $0xFFFF  }
0xc0: {  	[dreg:$0x0] =	wrdreg $0xFFFFFFFF;
	(pc) =	sbr.abs _section_cstart, $3  }
0xc1: {  	[dreg:$0x1] =	wrdreg $0xFFFFFFFF  }
0xc2: {  	_ =	task.clear_ibuf [dreg:s7], $0x2FFFF;
	_ =	strace $0x9FFFFFFF  }
0xc3: {  	(tm) =	ssettm $0x7FFFFFFF  }
tec
execute0_lowered:
.L_overlay_start_1:
0x0: {  	(tag) =	ssettag $0x1  }
0x1: {  	s0 =	rddreg [dreg:$0x0]  }
0x2: {  	s2 =	rddreg [dreg:$0x1]  }
0x3: {  	s1 =	rddreg [dreg:$0x2];
	s3 =	srdreg.scid  }
0x4: {  	s9 =	stileid.u32;
	s14 =	simm.s32 $0x10E20;
	s15 =	simm.s32 $0xD  }
0x5: {  	s21 =	simm.s32 $0x8E20;
	s29 =	simm.s32 $0xEE20;
	s30 =	simm.s32 $0x1  }
0x6: {  	s31 =	simm.s32 $0x2;
	s16 =	simm.s32 $0x4;
	s28 =	simm.s32 $0x9  }
0x7: {  	s5 =	sand.u32 $0x1, s3;
	s3 =	simm.s32 $0x0;
	s7 =	smul.u32 $0xA000, s9  }
0x8: {  	s6 =	smul.u32 $0xA0000, s5;
	[smem:$0x7FF] =	sst s3;
	s4 =	sshll.u32 s5, $0x4  }
0x9: {  	s5 =	ssub.s32 $0x2, s5;
	_ =	strace $0x8000004D;
	s8 =	sor.u32 s9, s4  }
0xa: {  	s4 =	sadd.s32 $0x2600, s2;
	s9 =	smul.u32 $0x28000, s9;
	s17 =	sshrl.u32 s5, $0x1  }
0xb: {  	s20 =	sadd.s32 s7, s1;
	s6 =	sadd.s32 s7, s6;
	s8 =	smul.u32 $0x2710, s8  }
0xc: {  	s10 =	ssub.s32 s5, s17;
	s17 =	simm.s32 $0x80;
	s7 =	simm.s32 $0xA  }
0xd: {  	s6 =	sshrl.u32 s6, $0x3;
	s18 =	sshrl.u32 s9, $0x2;
	s22 =	smax.u32 s10, $0x1  }
0xe: {  	s9 =	simm.s32 $0xC;
	s10 =	simm.s32 $0x10;
	s2 =	sadd.s32 s6, s2  }
0xf: {  	s8 =	sshrl.u32 s8, $0x3;
	s6 =	sadd.s32 s18, s1;
	[dreg:$0x6] =	wrdreg s22  }
0x10: {  	s18 =	simm.s32 $0x4E20;
	s22 =	simm.s32 $0x6;
	s19 =	sadd.s32 $0x16000, s2  }
0x11: {  	s5 =	sadd.s32 s0, s8;
	s23 =	sadd.s32 $0x2000, s6;
	[dreg:$0x5] =	wrdreg s19  }
0x12: {  	s24 =	sadd.s32 $0x4000, s6;
	s25 =	sadd.s32 $0x6000, s6;
	[dreg:$0x7] =	wrdreg s23  }
0x13: {  	s26 =	sadd.s32 $0x8000, s6;
	s2 =	simm.s32 $0x8;
	[dreg:$0x8] =	wrdreg s24  }
0x14: {  	s8 =	simm.s32 $0xB;
	s0 =	sadd.s32 $0x9C40, s5;
	[dreg:$0x9] =	wrdreg s25  }
0x15: {  	[dreg:$0xa] =	wrdreg s26;
	s19 =	simm.s32 $0x6E20;
	s23 =	simm.s32 $0xAE20  }
0x16: {  	s25 =	sshrl.u32 s20, $0x3;
	s26 =	simm.s32 $0xCE20;
	s20 =	simm.s32 $0x5  }
0x17: {  	v0 =	vimm.f32 $0.0e+00;
	s24 =	simm.s32 $0x7;
	[dreg:$0x4] =	wrdreg s0;
	s0 =	simm.s32 $0x3  }
.LBB2_1:
0x18: {  	s12 =	simm.s32 $0x100;
	s11 =	simm.s32 $0x0  }
.LBB2_2:
0x19: {  	p0 =	sne.s32 s12, $0x7F00;
	[tilespmem:s11+$0x10E50] =	vst v0;
	s13 =	smov.u32 s12;
	s12 =	sadd.s32 $0x100, s12  }
.Ltmp0:
0x1a: {  	[tilespmem:s11+$0x10E40] =	vst v0;
	(pc) =	sbr.rel @p0 .LBB2_2-.Ltmp0, $3  }
0x1b: {  	[tilespmem:s11+$0x10E20] =	vst v0  }
0x1c: {  	[tilespmem:s11+$0x10E30] =	vst v0;
	_ =	sdelay $0x1  }
0x1d: {  	s11 =	sshra.s32 s13, $0x2  }
0x1e: {  	[tilespmem:s11+$0x10E50] =	vst v0  }
0x1f: {  	[tilespmem:s11+$0x10E40] =	vst v0  }
0x20: {  	[tilespmem:s11+$0x10E20] =	vst v0  }
0x21: {  	[tilespmem:s11+$0x10E30] =	vst v0  }
0x22: {  	[spmem:s6] =	stream.linear.scatter [tilespmem:s14], [sflag:$0xD], $0x2000, $0x38;
	[tilespmem:$0x1CE20] =	vst v63  }
0x23: {  	_ =	swait.ge [sflag:s15], $0x2000  }
0x24: {  	[sflag:s15] =	ssyncset.done $0x0  }
0x25: {  	s13 =	rddreg [dreg:$0x7];
	[sflag:s15] =	ssyncadd.s32 $0xFFFFE000  }
0x26: {  	[spmem:s13] =	stream.linear.scatter [tilespmem:s14], [sflag:$0xD], $0x2000, $0x38;
	[tilespmem:$0x1CE20] =	vst v63  }
0x27: {  	_ =	swait.ge [sflag:s15], $0x2000  }
0x28: {  	[sflag:s15] =	ssyncset.done $0x0  }
0x29: {  	s12 =	rddreg [dreg:$0x8];
	[sflag:s15] =	ssyncadd.s32 $0xFFFFE000  }
0x2a: {  	[spmem:s12] =	stream.linear.scatter [tilespmem:s14], [sflag:$0xD], $0x2000, $0x38;
	[tilespmem:$0x1CE20] =	vst v63  }
0x2b: {  	_ =	swait.ge [sflag:s15], $0x2000  }
0x2c: {  	[sflag:s15] =	ssyncset.done $0x0  }
0x2d: {  	s13 =	rddreg [dreg:$0x9];
	[sflag:s15] =	ssyncadd.s32 $0xFFFFE000  }
0x2e: {  	[spmem:s13] =	stream.linear.scatter [tilespmem:s14], [sflag:$0xD], $0x2000, $0x38;
	[tilespmem:$0x1CE20] =	vst v63  }
0x2f: {  	_ =	swait.ge [sflag:s15], $0x2000  }
0x30: {  	[sflag:s15] =	ssyncset.done $0x0  }
0x31: {  	s12 =	rddreg [dreg:$0xa];
	[sflag:s15] =	ssyncadd.s32 $0xFFFFE000  }
0x32: {  	[spmem:s12] =	stream.linear.scatter [tilespmem:s14], [sflag:$0xD], $0x2000, $0x38;
	[tilespmem:$0x1CE20] =	vst v63  }
0x33: {  	_ =	swait.ge [sflag:s15], $0x2000  }
0x34: {  	[sflag:s15] =	ssyncset.done $0x0  }
0x35: {  	s11 =	simm.s32 $0x0;
	[sflag:s15] =	ssyncadd.s32 $0xFFFFE000  }
0x36: {  	[tilespmem:s11], [sflag:$0xD] =	stream.linear.gather [hbm4b:s5+s11], $0x2710, $0x38;
	[tilespmem:$0x1CE20] =	vst v63  }
0x37: {  	_ =	swait.ge [sflag:s15], $0x2710  }
0x38: {  	[sflag:s15] =	ssyncset.done $0x0  }
0x39: {  	s13 =	simm.s32 $0x2710;
	s12 =	rddreg [dreg:$0x4];
	[sflag:s15] =	ssyncadd.s32 $0xFFFFD8F0  }
0x3a: {  	[tilespmem:s13], [sflag:$0xD] =	stream.linear.gather [hbm4b:s12+s11], $0x2710, $0x38;
	[tilespmem:$0x1CE20] =	vst v63  }
0x3b: {  	_ =	swait.ge [sflag:s15], $0x2710  }
0x3c: {  	[sflag:s15] =	ssyncset.done $0x0  }
0x3d: {  	[sflag:s15] =	ssyncadd.s32 $0xFFFFD8F0  }
0x3e: {  	[bflag:$0x0] =	sbarrier.arrive $0xFFFF  }
0x3f: {  	[tilespmem:s18], [sflag:$0x1] =	stream.indirect.gather [hbm4b:s4+s17], $0x40, s11, s17, $0xb8;
	[tilespmem:$0x1CE20] =	vst v63  }
0x40: {  	_ = 	snop  }
0x41: {  	[tilespmem:s19], [sflag:$0x2] =	stream.indirect.gather [hbm4b:s4+s17], $0x40, s17, s17, $0xb8;
	[tilespmem:$0x1CE20] =	vst v63  }
0x42: {  	s13 =	simm.s32 $0x100  }
0x43: {  	[tilespmem:s21], [sflag:$0x3] =	stream.indirect.gather [hbm4b:s4+s17], $0x40, s13, s17, $0xb8;
	[tilespmem:$0x1CE20] =	vst v63  }
0x44: {  	s12 =	simm.s32 $0x180  }
0x45: {  	[tilespmem:s23], [sflag:$0x4] =	stream.indirect.gather [hbm4b:s4+s17], $0x40, s12, s17, $0xb8;
	[tilespmem:$0x1CE20] =	vst v63  }
0x46: {  	s13 =	simm.s32 $0x200  }
0x47: {  	[tilespmem:s26], [sflag:$0x5] =	stream.indirect.gather [hbm4b:s4+s17], $0x40, s13, s17, $0xb8;
	[tilespmem:$0x1CE20] =	vst v63  }
0x48: {  	s12 =	simm.s32 $0x280  }
0x49: {  	[tilespmem:s29], [sflag:$0x6] =	stream.indirect.gather [hbm4b:s4+s17], $0x40, s12, s17, $0xb8;
	[tilespmem:$0x1CE20] =	vst v63  }
0x4a: {  	_ =	swait.ge [sflag:s30], $0x2000  }
0x4b: {  	[sflag:s30] =	ssyncset.done $0x0  }
0x4c: {  	s13 =	simm.s32 $0x2710;
	[sflag:s30] =	ssyncadd.s32 $0xFFFFE000  }
0x4d: {  	[spmem:s1] =	stream.indirect.scatter.add.f32 [tilespmem:s18], [sflag:$0x7], $0x40, s13, s17, $0xb8;
	[tilespmem:$0x1CE20] =	vst v63  }
0x4e: {  	_ =	swait.ge [sflag:s31], $0x2000  }
0x4f: {  	[sflag:s31] =	ssyncset.done $0x0  }
0x50: {  	s12 =	simm.s32 $0x2790;
	[sflag:s31] =	ssyncadd.s32 $0xFFFFE000  }
0x51: {  	[spmem:s1] =	stream.indirect.scatter.add.f32 [tilespmem:s19], [sflag:$0x8], $0x40, s12, s17, $0xb8;
	[tilespmem:$0x1CE20] =	vst v63  }
0x52: {  	_ =	swait.ge [sflag:s0], $0x2000  }
0x53: {  	[sflag:s0] =	ssyncset.done $0x0  }
0x54: {  	s13 =	simm.s32 $0x2810;
	[sflag:s0] =	ssyncadd.s32 $0xFFFFE000  }
0x55: {  	[spmem:s1] =	stream.indirect.scatter.add.f32 [tilespmem:s21], [sflag:$0x9], $0x40, s13, s17, $0xb8;
	[tilespmem:$0x1CE20] =	vst v63  }
0x56: {  	_ =	swait.ge [sflag:s16], $0x2000  }
0x57: {  	[sflag:s16] =	ssyncset.done $0x0  }
0x58: {  	s12 =	simm.s32 $0x2890;
	[sflag:s16] =	ssyncadd.s32 $0xFFFFE000  }
0x59: {  	[spmem:s1] =	stream.indirect.scatter.add.f32 [tilespmem:s23], [sflag:$0xA], $0x40, s12, s17, $0xb8;
	[tilespmem:$0x1CE20] =	vst v63  }
0x5a: {  	_ =	swait.ge [sflag:s20], $0x2000  }
0x5b: {  	[sflag:s20] =	ssyncset.done $0x0  }
0x5c: {  	s13 =	simm.s32 $0x2910;
	[sflag:s20] =	ssyncadd.s32 $0xFFFFE000  }
0x5d: {  	[spmem:s1] =	stream.indirect.scatter.add.f32 [tilespmem:s26], [sflag:$0xB], $0x40, s13, s17, $0xb8;
	[tilespmem:$0x1CE20] =	vst v63  }
0x5e: {  	_ =	swait.ge [sflag:s22], $0x2000  }
0x5f: {  	[sflag:s22] =	ssyncset.done $0x0  }
0x60: {  	s12 =	simm.s32 $0x2990;
	[sflag:s22] =	ssyncadd.s32 $0xFFFFE000  }
0x61: {  	[spmem:s1] =	stream.indirect.scatter.add.f32 [tilespmem:s29], [sflag:$0xC], $0x40, s12, s17, $0xb8;
	[tilespmem:$0x1CE20] =	vst v63  }
0x62: {  	_ =	swait.ge [sflag:s24], $0x2000  }
0x63: {  	[sflag:s24] =	ssyncset.done $0x0  }
0x64: {  	s13 =	simm.s32 $0x300;
	[sflag:s24] =	ssyncadd.s32 $0xFFFFE000  }
0x65: {  	[tilespmem:s18], [sflag:$0x1] =	stream.indirect.gather [hbm4b:s4+s17], $0x40, s13, s17, $0xb8;
	[tilespmem:$0x1CE20] =	vst v63  }
0x66: {  	_ =	swait.ge [sflag:s2], $0x2000  }
0x67: {  	[sflag:s2] =	ssyncset.done $0x0  }
0x68: {  	s12 =	simm.s32 $0x380;
	[sflag:s2] =	ssyncadd.s32 $0xFFFFE000  }
0x69: {  	[tilespmem:s19], [sflag:$0x2] =	stream.indirect.gather [hbm4b:s4+s17], $0x40, s12, s17, $0xb8;
	[tilespmem:$0x1CE20] =	vst v63  }
0x6a: {  	_ =	swait.ge [sflag:s28], $0x2000  }
0x6b: {  	[sflag:s28] =	ssyncset.done $0x0  }
0x6c: {  	s13 =	simm.s32 $0x400;
	[sflag:s28] =	ssyncadd.s32 $0xFFFFE000  }
0x6d: {  	[tilespmem:s21], [sflag:$0x3] =	stream.indirect.gather [hbm4b:s4+s17], $0x40, s13, s17, $0xb8;
	[tilespmem:$0x1CE20] =	vst v63  }
0x6e: {  	_ =	swait.ge [sflag:s7], $0x2000  }
0x6f: {  	[sflag:s7] =	ssyncset.done $0x0  }
0x70: {  	s12 =	simm.s32 $0x480;
	[sflag:s7] =	ssyncadd.s32 $0xFFFFE000  }
0x71: {  	[tilespmem:s23], [sflag:$0x4] =	stream.indirect.gather [hbm4b:s4+s17], $0x40, s12, s17, $0xb8;
	[tilespmem:$0x1CE20] =	vst v63  }
0x72: {  	_ =	swait.ge [sflag:s8], $0x2000  }
0x73: {  	[sflag:s8] =	ssyncset.done $0x0  }
0x74: {  	s13 =	simm.s32 $0x500;
	[sflag:s8] =	ssyncadd.s32 $0xFFFFE000  }
0x75: {  	[tilespmem:s26], [sflag:$0x5] =	stream.indirect.gather [hbm4b:s4+s17], $0x40, s13, s17, $0xb8;
	[tilespmem:$0x1CE20] =	vst v63  }
0x76: {  	_ =	swait.ge [sflag:s9], $0x2000  }
0x77: {  	[sflag:s9] =	ssyncset.done $0x0  }
0x78: {  	s11 =	simm.s32 $0xC00;
	s12 =	simm.s32 $0x580;
	[sflag:s9] =	ssyncadd.s32 $0xFFFFE000  }
.LBB2_4:
0x79: {  	[tilespmem:s29], [sflag:$0x6] =	stream.indirect.gather [hbm4b:s4+s17], $0x40, s12, s17, $0xb8;
	[tilespmem:$0x1CE20] =	vst v63  }
0x7a: {  	s12 =	smov.u32 s11  }
0x7b: {  	p0 =	sne.s32 s11, $0x8400;
	s11 =	sadd.s32 $0xC00, s11;
	_ =	swait.ge [sflag:s30], $0x2000  }
0x7c: {  	s12 =	sshra.s32 s12, $0x2;
	[sflag:s30] =	ssyncset.done $0x0  }
0x7d: {  	s13 =	sadd.s32 $0x2710, s12;
	[sflag:s30] =	ssyncadd.s32 $0xFFFFE000  }
0x7e: {  	[spmem:s1] =	stream.indirect.scatter.add.f32 [tilespmem:s18], [sflag:$0x7], $0x40, s13, s17, $0xb8;
	[tilespmem:$0x1CE20] =	vst v63  }
0x7f: {  	_ =	swait.ge [sflag:s31], $0x2000  }
0x80: {  	[sflag:s31] =	ssyncset.done $0x0  }
0x81: {  	s13 =	sadd.s32 $0x2790, s12;
	[sflag:s31] =	ssyncadd.s32 $0xFFFFE000  }
0x82: {  	[spmem:s1] =	stream.indirect.scatter.add.f32 [tilespmem:s19], [sflag:$0x8], $0x40, s13, s17, $0xb8;
	[tilespmem:$0x1CE20] =	vst v63  }
0x83: {  	_ =	swait.ge [sflag:s0], $0x2000  }
0x84: {  	[sflag:s0] =	ssyncset.done $0x0  }
0x85: {  	s13 =	sadd.s32 $0x2810, s12;
	[sflag:s0] =	ssyncadd.s32 $0xFFFFE000  }
0x86: {  	[spmem:s1] =	stream.indirect.scatter.add.f32 [tilespmem:s21], [sflag:$0x9], $0x40, s13, s17, $0xb8;
	[tilespmem:$0x1CE20] =	vst v63  }
0x87: {  	_ =	swait.ge [sflag:s16], $0x2000  }
0x88: {  	[sflag:s16] =	ssyncset.done $0x0  }
0x89: {  	s13 =	sadd.s32 $0x2890, s12;
	[sflag:s16] =	ssyncadd.s32 $0xFFFFE000  }
0x8a: {  	[spmem:s1] =	stream.indirect.scatter.add.f32 [tilespmem:s23], [sflag:$0xA], $0x40, s13, s17, $0xb8;
	[tilespmem:$0x1CE20] =	vst v63  }
0x8b: {  	_ =	swait.ge [sflag:s20], $0x2000  }
0x8c: {  	[sflag:s20] =	ssyncset.done $0x0  }
0x8d: {  	s13 =	sadd.s32 $0x2910, s12;
	[sflag:s20] =	ssyncadd.s32 $0xFFFFE000  }
0x8e: {  	[spmem:s1] =	stream.indirect.scatter.add.f32 [tilespmem:s26], [sflag:$0xB], $0x40, s13, s17, $0xb8;
	[tilespmem:$0x1CE20] =	vst v63  }
0x8f: {  	_ =	swait.ge [sflag:s22], $0x2000  }
0x90: {  	[sflag:s22] =	ssyncset.done $0x0  }
0x91: {  	s13 =	sadd.s32 $0x2990, s12;
	[sflag:s22] =	ssyncadd.s32 $0xFFFFE000  }
0x92: {  	[spmem:s1] =	stream.indirect.scatter.add.f32 [tilespmem:s29], [sflag:$0xC], $0x40, s13, s17, $0xb8;
	[tilespmem:$0x1CE20] =	vst v63  }
0x93: {  	_ =	swait.ge [sflag:s24], $0x2000  }
0x94: {  	[sflag:s24] =	ssyncset.done $0x0  }
0x95: {  	s13 =	sadd.s32 $0x300, s12;
	[sflag:s24] =	ssyncadd.s32 $0xFFFFE000  }
0x96: {  	[tilespmem:s18], [sflag:$0x1] =	stream.indirect.gather [hbm4b:s4+s17], $0x40, s13, s17, $0xb8;
	[tilespmem:$0x1CE20] =	vst v63  }
0x97: {  	_ =	swait.ge [sflag:s2], $0x2000  }
0x98: {  	[sflag:s2] =	ssyncset.done $0x0  }
0x99: {  	s13 =	sadd.s32 $0x380, s12;
	[sflag:s2] =	ssyncadd.s32 $0xFFFFE000  }
0x9a: {  	[tilespmem:s19], [sflag:$0x2] =	stream.indirect.gather [hbm4b:s4+s17], $0x40, s13, s17, $0xb8;
	[tilespmem:$0x1CE20] =	vst v63  }
0x9b: {  	_ =	swait.ge [sflag:s28], $0x2000  }
0x9c: {  	[sflag:s28] =	ssyncset.done $0x0  }
0x9d: {  	s13 =	sadd.s32 $0x400, s12;
	[sflag:s28] =	ssyncadd.s32 $0xFFFFE000  }
0x9e: {  	[tilespmem:s21], [sflag:$0x3] =	stream.indirect.gather [hbm4b:s4+s17], $0x40, s13, s17, $0xb8;
	[tilespmem:$0x1CE20] =	vst v63  }
0x9f: {  	_ =	swait.ge [sflag:s7], $0x2000  }
0xa0: {  	[sflag:s7] =	ssyncset.done $0x0  }
0xa1: {  	s13 =	sadd.s32 $0x480, s12;
	[sflag:s7] =	ssyncadd.s32 $0xFFFFE000  }
0xa2: {  	[tilespmem:s23], [sflag:$0x4] =	stream.indirect.gather [hbm4b:s4+s17], $0x40, s13, s17, $0xb8;
	[tilespmem:$0x1CE20] =	vst v63  }
0xa3: {  	_ =	swait.ge [sflag:s8], $0x2000  }
0xa4: {  	[sflag:s8] =	ssyncset.done $0x0  }
.Ltmp1:
0xa5: {  	s13 =	sadd.s32 $0x500, s12;
	[sflag:s8] =	ssyncadd.s32 $0xFFFFE000;
	(pc) =	sbr.rel @p0 .LBB2_4-.Ltmp1, $4  }
0xa6: {  	[tilespmem:s26], [sflag:$0x5] =	stream.indirect.gather [hbm4b:s4+s17], $0x40, s13, s17, $0xb8;
	[tilespmem:$0x1CE20] =	vst v63  }
0xa7: {  	_ =	swait.ge [sflag:s9], $0x2000  }
0xa8: {  	[sflag:s9] =	ssyncset.done $0x0  }
0xa9: {  	s12 =	sadd.s32 $0x580, s12;
	[sflag:s9] =	ssyncadd.s32 $0xFFFFE000  }
0xaa: {  	[tilespmem:s29], [sflag:$0x6] =	stream.indirect.gather [hbm4b:s4+s17], $0x40, s12, s17, $0xb8;
	[tilespmem:$0x1CE20] =	vst v63  }
0xab: {  	_ =	swait.ge [sflag:s30], $0x2000  }
0xac: {  	[sflag:s30] =	ssyncset.done $0x0  }
0xad: {  	s11 =	simm.s32 $0x4B10;
	[sflag:s30] =	ssyncadd.s32 $0xFFFFE000  }
0xae: {  	[spmem:s1] =	stream.indirect.scatter.add.f32 [tilespmem:s18], [sflag:$0x7], $0x40, s11, s17, $0xb8;
	[tilespmem:$0x1CE20] =	vst v63  }
0xaf: {  	_ =	swait.ge [sflag:s31], $0x2000  }
0xb0: {  	[sflag:s31] =	ssyncset.done $0x0  }
0xb1: {  	s13 =	simm.s32 $0x4B90;
	[sflag:s31] =	ssyncadd.s32 $0xFFFFE000  }
0xb2: {  	[spmem:s1] =	stream.indirect.scatter.add.f32 [tilespmem:s19], [sflag:$0x8], $0x40, s13, s17, $0xb8;
	[tilespmem:$0x1CE20] =	vst v63  }
0xb3: {  	_ =	swait.ge [sflag:s0], $0x2000  }
0xb4: {  	[sflag:s0] =	ssyncset.done $0x0  }
0xb5: {  	s12 =	simm.s32 $0x4C10;
	[sflag:s0] =	ssyncadd.s32 $0xFFFFE000  }
0xb6: {  	[spmem:s1] =	stream.indirect.scatter.add.f32 [tilespmem:s21], [sflag:$0x9], $0x40, s12, s17, $0xb8;
	[tilespmem:$0x1CE20] =	vst v63  }
0xb7: {  	_ =	swait.ge [sflag:s16], $0x2000  }
0xb8: {  	[sflag:s16] =	ssyncset.done $0x0  }
0xb9: {  	s13 =	simm.s32 $0x4C90;
	[sflag:s16] =	ssyncadd.s32 $0xFFFFE000  }
0xba: {  	[spmem:s1] =	stream.indirect.scatter.add.f32 [tilespmem:s23], [sflag:$0xA], $0x40, s13, s17, $0xb8;
	[tilespmem:$0x1CE20] =	vst v63  }
0xbb: {  	_ =	swait.ge [sflag:s20], $0x2000  }
0xbc: {  	[sflag:s20] =	ssyncset.done $0x0  }
0xbd: {  	s12 =	simm.s32 $0x4D10;
	[sflag:s20] =	ssyncadd.s32 $0xFFFFE000  }
0xbe: {  	[spmem:s1] =	stream.indirect.scatter.add.f32 [tilespmem:s26], [sflag:$0xB], $0x40, s12, s17, $0xb8;
	[tilespmem:$0x1CE20] =	vst v63  }
0xbf: {  	_ =	swait.ge [sflag:s22], $0x2000  }
0xc0: {  	[sflag:s22] =	ssyncset.done $0x0  }
0xc1: {  	s13 =	simm.s32 $0x4D90;
	[sflag:s22] =	ssyncadd.s32 $0xFFFFE000  }
0xc2: {  	[spmem:s1] =	stream.indirect.scatter.add.f32 [tilespmem:s29], [sflag:$0xC], $0x40, s13, s17, $0xb8;
	[tilespmem:$0x1CE20] =	vst v63  }
0xc3: {  	_ =	swait.ge [sflag:s24], $0x2000  }
0xc4: {  	[sflag:s24] =	ssyncset.done $0x0  }
0xc5: {  	[sflag:s24] =	ssyncadd.s32 $0xFFFFE000  }
0xc6: {  	_ =	swait.ge [sflag:s2], $0x2000  }
0xc7: {  	[sflag:s2] =	ssyncset.done $0x0  }
0xc8: {  	[sflag:s2] =	ssyncadd.s32 $0xFFFFE000  }
0xc9: {  	_ =	swait.ge [sflag:s28], $0x2000  }
0xca: {  	[sflag:s28] =	ssyncset.done $0x0  }
0xcb: {  	[sflag:s28] =	ssyncadd.s32 $0xFFFFE000  }
0xcc: {  	_ =	swait.ge [sflag:s7], $0x2000  }
0xcd: {  	[sflag:s7] =	ssyncset.done $0x0  }
0xce: {  	[sflag:s7] =	ssyncadd.s32 $0xFFFFE000  }
0xcf: {  	_ =	swait.ge [sflag:s8], $0x2000  }
0xd0: {  	[sflag:s8] =	ssyncset.done $0x0  }
0xd1: {  	[sflag:s8] =	ssyncadd.s32 $0xFFFFE000  }
0xd2: {  	_ =	swait.ge [sflag:s9], $0x2000  }
0xd3: {  	[sflag:s9] =	ssyncset.done $0x0  }
0xd4: {  	s12 =	simm.s32 $0x2700;
	[sflag:s9] =	ssyncadd.s32 $0xFFFFE000  }
0xd5: {  	[tilespmem:s18], [sflag:$0xD] =	stream.indirect.gather [hbm4b:s4+s10], $0x40, s12, s10, $0xb8;
	[tilespmem:$0x1CE20] =	vst v63  }
0xd6: {  	_ =	swait.ge [sflag:s15], $0x400  }
0xd7: {  	[sflag:s15] =	ssyncset.done $0x0  }
0xd8: {  	s13 =	simm.s32 $0x4E10;
	[sflag:s15] =	ssyncadd.s32 $0xFFFFFC00  }
0xd9: {  	[spmem:s1] =	stream.indirect.scatter.add.f32 [tilespmem:s18], [sflag:$0xD], $0x40, s13, s10, $0xb8;
	[tilespmem:$0x1CE20] =	vst v63  }
0xda: {  	_ =	swait.ge [sflag:s15], $0x400  }
0xdb: {  	[sflag:s15] =	ssyncset.done $0x0  }
0xdc: {  	s12 =	stileid.u32;
	[sflag:s15] =	ssyncadd.s32 $0xFFFFFC00  }
0xdd: {  	s11 =	sshll.u32 s12, $0x6;
	[bflag:$0x0] =	sbarrier.arrive $0xFFFF  }
0xde: {  	s11 =	sor.u32 $0x1C0D, s11;
	s13 =	rddreg [dreg:$0x5]  }
0xdf: {  	[hbm:s13], [sflag:s11] =	dma.local [spmem:s25], $0x1400  }
0xe0: {  	_ =	swait.ge [sflag:s15], $0x1400  }
0xe1: {  	s3 =	sadd.s32 $0x1, s3;
	s13 =	rddreg [dreg:$0x6]  }
0xe2: {  	p0 =	sne.s32 s3, s13  }
.Ltmp2:
0xe3: {  	_ = 	snop;
	(pc) =	sbr.rel @p0 .LBB2_1-.Ltmp2, $3  }
0xe4: {  	_ =	sdelay $0x1  }
0xe5: {  	[sflag:s15] =	ssyncset.done $0x0  }
0xe6: {  	[sflag:s15] =	ssyncadd.s32 $0xFFFFEC00  }
0xe7: {  	_ =	sfence.sel $0x180000  }
0xe8: {  	[bflag:$0x0] =	sbarrier.arrive $0xFFFF  }
0xe9: {  	_ =	strace $0x9000004D  }
0xea: {  	s0 =	stileid.u32;
	[bflag:$0x2] =	sbarrier.arrive $0xFFFF  }
0xeb: {  	p0 =	sne.s32 s0, $0x0;
	s0 =	rddreg [dreg:$0x3]  }
0xec: {  	s0 =	sadd.s32 @!p0 $0x100000, s0  }
0xed: {  	[sflag:s0] =	ssyncadd.tile.s32 @!p0 $0x1;
	_ =	shalt  }
.Lfunc_end2:
_tile_overlayer_lowered:
.L_overlay_start_2:
0xee: {  	(tag) =	ssettag $0x2  }
0xef: {  	s0 =	rddreg [dreg:$0x0];
	s2 =	stileid.u32  }
0xf0: {  	s1 =	rddreg [dreg:$0x1];
	p0 =	sne.s32 s2, $0x0  }
0xf1: {  	s3 =	rddreg [dreg:$0x2];
	[bflag:$0x3] =	sbarrier.arrive $0xFFFF;
	s2 =	simm.s32 @!p0 $0x1C0D  }
0xf2: {  	[timem:s3], [sflag:s2] =	dma.local @!p0 [hbm:s0], s1  }
0xf3: {  	s0 =	simm.s32 @!p0 $0xD  }
0xf4: {  	_ =	swait.ge @!p0 [sflag:s0], s1  }
0xf5: {  	s1 =	ssub.s32 @!p0 $0x0, s1;
	[sflag:s0] =	ssyncset.done @!p0 $0x0  }
0xf6: {  	[sflag:s0] =	ssyncadd.s32 @!p0 s1  }
0xf7: {  	[bflag:$0x3] =	sbarrier.arrive $0xFFFF  }
0xf8: {  	_ =	shalt  }

// kernel: kernel.20.cloned.1.call-start
scs
__scs_entry_jumppad:
0x0: {  	(pc) =	sbr.rel $0x88, $3  }
0x1: {  	(tag) =	ssettag $0x0;
	lr =	simm.s32 $0x1  }
0x2: {  	[smem:$0x3F99] =	sst lr;
	_ =	strace $0xD0000000  }
0x3: {  	_ = 	snop  }
0x4: {  	_ = 	snop  }
0x5: {  	_ = 	snop  }
0x6: {  	_ = 	snop  }
0x7: {  	_ = 	snop  }
__scs_overlays_trampoline_lowered:
0x8: {  	[smem:$0x3FA8] =	sst s0  }
0x9: {  	[smem:$0x3FA9] =	sst s1  }
0xa: {  	[smem:$0x3FAA] =	sst s2  }
0xb: {  	[smem:$0x3FAB] =	sst s3  }
0xc: {  	[smem:$0x3FAC] =	sst s4  }
0xd: {  	[smem:$0x3FAD] =	sst s5  }
0xe: {  	[smem:$0x3FAE] =	sst s6  }
0xf: {  	[smem:$0x3FAF] =	sst s7  }
0x10: {  	[smem:$0x3FB0] =	sst s8  }
0x11: {  	[smem:$0x3FB1] =	sst s9;
	s0 =	simm.s32 @!p0 $0x0  }
0x12: {  	s1 =	sld [smem:$0x3F97];
	s0 =	simm.s32 @p0 $0x1  }
0x13: {  	[smem:$0x3FB2] =	sst s0;
	s0 =	simm.s32 @!p1 $0x0  }
0x14: {  	s2 =	sld [smem:$0x3F96];
	s0 =	simm.s32 @p1 $0x1  }
0x15: {  	[smem:$0x3FB3] =	sst s0;
	s0 =	simm.s32 @!p2 $0x0  }
0x16: {  	s3 =	sld [smem:$0x3FDB];
	s0 =	simm.s32 @p2 $0x1  }
0x17: {  	s4 =	simm.s32 $0x1BF5;
	[smem:$0x3FB5] =	sst s0  }
0x18: {  	s0 =	sld [smem:$0x3F98];
	_ =	swait.ge [sflag:s4], $0x0  }
0x19: {  	s7 =	sld [smem:$0x3F99]  }
0x1a: {  	s8 =	sadd.s32 $0xFFFFE003, lr  }
0x1b: {  	s9 =	sadd.s32 $0xFFFFFEF7, lr;
	s5 =	simm.s32 $0xFFFFFFFF;
	p2 =	slt.u32 s8, $0xFFFFF086  }
0x1c: {  	p1 =	slt.u32 s9, $0xF7A;
	s5 =	simm.s32 @!p2 $0x0  }
0x1d: {  	s5 =	simm.s32 @p1 $0x1;
	p0 =	seq.s32 s7, s2  }
0x1e: {  	s7 =	smul.u32 @!p0 $0xF7A, s2;
	p2 =	seq.s32 @!p0 s5, $0x0  }
0x1f: {  	s9 =	smul.u32 $0xF7A, s1;
	s8 =	simm.s32 @!p0 $0x1BF5;
	p2 =	por !p2, p0  }
0x20: {  	[sflag:s8] =	ssyncset.s32 @!p0 $0xFFFFF086;
	s6 =	sadd.s32 @!p0 s3, s7;
	s7 =	simm.s32 @!p0 $0x108  }
0x21: {  	s3 =	sadd.s32 s3, s9;
	s6 =	sadd.s32 @!p0 $0x88, s6;
	s7 =	simm.s32 @p2 $0x1082  }
0x22: {  	[simem:s7], [sflag:s8] =	dma.local @!p0 [hbm:s6], $0xF7A  }
0x23: {  	s9 =	sor.u32 $0xD0000000, s2;
	s6 =	simm.s32 $0x108;
	_ =	swait.ge @!p0 [sflag:s8], $0x0  }
0x24: {  	s3 =	sadd.s32 $0x88, s3;
	s6 =	simm.s32 @!p1 $0x1082;
	[sflag:s4] =	ssyncset.s32 $0xFFFFF086  }
0x25: {  	[simem:s6], [sflag:s4] =	dma.local [hbm:s3], $0xF7A  }
0x26: {  	[smem:$0x3F99] =	sst s1;
	(tag) =	ssettag s2;
	_ =	strace s9  }
0x27: {  	s1 =	sld [smem:$0x3FA9]  }
0x28: {  	s2 =	sld [smem:$0x3FAA]  }
0x29: {  	s4 =	sld [smem:$0x3FAC]  }
0x2a: {  	p0 =	seq.s32 s5, $0x0;
	s5 =	sld [smem:$0x3FAD]  }
0x2b: {  	s6 =	sld [smem:$0x3FAE]  }
0x2c: {  	s7 =	sld [smem:$0x3FAF]  }
0x2d: {  	s3 =	simm.s32 $0x108;
	s8 =	sld [smem:$0x3FB0]  }
0x2e: {  	s3 =	simm.s32 @!p0 $0x1082;
	s9 =	sld [smem:$0x3FB1]  }
0x2f: {  	lr =	sadd.s32 s0, s3;
	s0 =	sld [smem:$0x3FA8]  }
0x30: {  	s3 =	sld [smem:$0x3FAB]  }
0x31: {  	[smem:$0x3FB4] =	sst s10  }
0x32: {  	s10 =	sld [smem:$0x3FB2];
	_ =	sdelay $0x3  }
0x33: {  	p0 =	seq.s32 s10, $0x1;
	s10 =	sld [smem:$0x3FB4];
	_ =	sdelay $0x3  }
0x34: {  	[smem:$0x3FB4] =	sst s10  }
0x35: {  	s10 =	sld [smem:$0x3FB3];
	_ =	sdelay $0x3  }
0x36: {  	p1 =	seq.s32 s10, $0x1;
	s10 =	sld [smem:$0x3FB4];
	_ =	sdelay $0x3  }
0x37: {  	[smem:$0x3FB4] =	sst s10  }
0x38: {  	s10 =	sld [smem:$0x3FB5]  }
0x39: {  	_ = 	snop;
	(pc) =	sbr.ind lr, $3  }
0x3a: {  	_ = 	snop  }
0x3b: {  	_ = 	snop  }
0x3c: {  	p2 =	seq.s32 s10, $0x1;
	s10 =	sld [smem:$0x3FB4]  }
0x3d: {  	_ =	shalt  }
0x3e: {  	_ =	shalt  }
0x3f: {  	_ =	shalt  }
0x40: {  	_ =	shalt  }
0x41: {  	_ =	shalt  }
0x42: {  	_ =	shalt  }
0x43: {  	_ =	shalt  }
0x44: {  	_ =	shalt  }
0x45: {  	_ =	shalt  }
0x46: {  	_ =	shalt  }
0x47: {  	_ =	shalt  }
0x48: {  	_ =	shalt  }
0x49: {  	_ =	shalt  }
0x4a: {  	_ =	shalt  }
0x4b: {  	_ =	shalt  }
0x4c: {  	_ =	shalt  }
0x4d: {  	_ =	shalt  }
0x4e: {  	_ =	shalt  }
0x4f: {  	_ =	shalt  }
0x50: {  	_ =	shalt  }
0x51: {  	_ =	shalt  }
0x52: {  	_ =	shalt  }
0x53: {  	_ =	shalt  }
0x54: {  	_ =	shalt  }
0x55: {  	_ =	shalt  }
0x56: {  	_ =	shalt  }
0x57: {  	_ =	shalt  }
0x58: {  	_ =	shalt  }
0x59: {  	_ =	shalt  }
0x5a: {  	_ =	shalt  }
0x5b: {  	_ =	shalt  }
0x5c: {  	_ =	shalt  }
0x5d: {  	_ =	shalt  }
0x5e: {  	_ =	shalt  }
0x5f: {  	_ =	shalt  }
0x60: {  	_ =	shalt  }
0x61: {  	_ =	shalt  }
0x62: {  	_ =	shalt  }
0x63: {  	_ =	shalt  }
0x64: {  	_ =	shalt  }
0x65: {  	_ =	shalt  }
0x66: {  	_ =	shalt  }
0x67: {  	_ =	shalt  }
0x68: {  	_ =	shalt  }
0x69: {  	_ =	shalt  }
0x6a: {  	_ =	shalt  }
0x6b: {  	_ =	shalt  }
0x6c: {  	_ =	shalt  }
0x6d: {  	_ =	shalt  }
0x6e: {  	_ =	shalt  }
0x6f: {  	_ =	shalt  }
0x70: {  	_ =	shalt  }
0x71: {  	_ =	shalt  }
0x72: {  	_ =	shalt  }
0x73: {  	_ =	shalt  }
0x74: {  	_ =	shalt  }
0x75: {  	_ =	shalt  }
0x76: {  	_ =	shalt  }
0x77: {  	_ =	shalt  }
0x78: {  	_ =	shalt  }
0x79: {  	_ =	shalt  }
0x7a: {  	_ =	shalt  }
0x7b: {  	_ =	shalt  }
0x7c: {  	_ =	shalt  }
0x7d: {  	_ =	shalt  }
0x7e: {  	_ =	shalt  }
0x7f: {  	_ =	shalt  }
0x80: {  	_ =	shalt  }
0x81: {  	_ =	shalt  }
0x82: {  	_ =	shalt  }
0x83: {  	_ =	shalt  }
0x84: {  	_ =	shalt  }
0x85: {  	_ =	shalt  }
0x86: {  	_ =	shalt  }
0x87: {  	_ =	shalt  }
.Lfunc_end0:
.L_simem_size_0:
called_computation.3_lowered:
.L_overlay_start_0:
0x88: {  	s2 =	sld [smem:$0x3FD9]  }
0x89: {  	s3 =	sld [smem:$0x3FFE];
	_ =	sdelay $0x1  }
0x8a: {  	s1 =	srdreg.scid  }
0x8b: {  	s0 =	sand.u32 $0x1, s1  }
0x8c: {  	s17 =	sshll.u32 s0, $0xA;
	s2 =	sadd.s32 s3, s2  }
0x8d: {  	s2 =	sadd.s32 s2, s17  }
0x8e: {  	[smem:$0x3FC0] =	sst s2  }
0x8f: {  	_ = 	snop  }
0x90: {  	s2 =	sld [smem:$0x3FD0];
	(tm) =	ssettm $0x1  }
0x91: {  	s18 =	sld [smem:$0x3FFB];
	_ =	sdelay $0x3  }
0x92: {  	_ =	strace s18  }
0x93: {  	s3 =	sld [smem:$0x3FFC];
	_ =	sdelay $0x3  }
0x94: {  	_ =	strace s3  }
0x95: {  	s3 =	sld [smem:$0x3FFD];
	_ =	sdelay $0x3  }
0x96: {  	_ =	strace s3  }
0x97: {  	_ =	strace $0x8FFFFFFF  }
0x98: {  	s19 =	sld [smem:$0x3FDB];
	_ =	sdelay $0x1  }
0x99: {  	s4 =	simm.s32 $_scs_section_size  }
0x9a: {  	s5 =	simm.s32 $_size__tile_overlayer_lowered;
	s6 =	simm.s32 $_tile_overlayer_lowered  }
0x9b: {  	s22 =	simm.s32 $0x1BFF;
	s21 =	sshll.u32 s6, $0x1;
	s3 =	sadd.s32 s4, s19  }
0x9c: {  	s7 =	simm.s32 $0x0;
	s20 =	sshll.u32 s5, $0x1;
	s5 =	sadd.s32 s21, s3  }
0x9d: {  	[timem:s7], [sflag:s22] =	dma.local [hbm:s5], s20  }
0x9e: {  	_ =	swait.ge [sflag:s22], s20  }
0x9f: {  	s4 =	ssub.s32 $0x0, s20;
	[sflag:s22] =	ssyncset.done $0x0  }
0xa0: {  	[sflag:s22] =	ssyncadd.s32 s4;
	_ =	sdelay $0x1  }
0xa1: {  	s23 =	simm.s32 $0x1B8B  }
0xa2: {  	_ =	swait.ge [sflag:s23], $0x1  }
0xa3: {  	[sflag:s23] =	ssyncset.done $0x0  }
0xa4: {  	s25 =	simm.s32 $0x1B8E;
	s24 =	sld [smem:$0x3FFE];
	[sflag:s23] =	ssyncadd.s32 $0xFFFFFFFF  }
0xa5: {  	s26 =	simm.s32 $execute0_lowered;
	[smem:$0x3FD2] =	sst s25  }
0xa6: {  	s5 =	sshll.u32 s26, $0x1;
	_ =	strace $0x8000004F;
	[dreg:$0x1] =	wrdreg $0xFFFFFFFF  }
0xa7: {  	s28 =	simm.s32 $_size_execute0_lowered;
	s3 =	sadd.s32 s3, s5;
	[dreg:$0x0] =	wrdreg $0x0  }
0xa8: {  	s5 =	sshll.u32 s28, $0x1;
	[dreg:$0x2] =	wrdreg s3  }
0xa9: {  	[dreg:$0x3] =	wrdreg s5  }
0xaa: {  	[dreg:$0x4] =	wrdreg $0xC0  }
0xab: {  	_ =	task [dreg:s7], $0x5FFFF  }
0xac: {  	[dreg:$0x1] =	wrdreg $0xFFFFFFFF  }
0xad: {  	[dreg:$0x0] =	wrdreg $0x60  }
0xae: {  	[dreg:$0x2] =	wrdreg s2  }
0xaf: {  	[dreg:$0x3] =	wrdreg s24  }
0xb0: {  	[dreg:$0x4] =	wrdreg $0x12E200  }
0xb1: {  	[dreg:$0x5] =	wrdreg $0x9  }
0xb2: {  	_ =	task.clear_ibuf [dreg:s7], $0x6FFFF;
	_ =	strace $0x9000004F  }
0xb3: {  	s29 =	simm.s32 $0x9;
	_ =	strace $0x80000051  }
0xb4: {  	_ =	swait.ge [sflag:s29], $0x1  }
0xb5: {  	[sflag:s29] =	ssyncadd.s32 $0xFFFFFFFF  }
0xb6: {  	_ =	strace $0x90000051  }
0xb7: {  	_ =	sfence  }
0xb8: {  	s30 =	sld [smem:$0x0];
	_ =	sdelay $0x2  }
0xb9: {  	s31 =	sshll.u32 s1, $0xD;
	s1 =	sshrl.u32 s1, $0x2  }
0xba: {  	s3 =	sand.u32 $0x4000, s31;
	s1 =	sadd.s32 s1, s30  }
0xbb: {  	s0 =	sor.u32 s3, s0;
	s1 =	sshll.u32 s1, $0x11  }
0xbc: {  	s0 =	sor.u32 s1, s0  }
0xbd: {  	s0 =	sadd.s32 $0x8F2B, s0  }
0xbe: {  	[sflag:s0] =	ssyncadd.remote.s32 $0x1  }
0xbf: {  	_ =	sfence.sel $0xFFFF  }
0xc0: {  	[dreg:$0x0] =	wrdreg $0xFFFFFFFF;
	(pc) =	sbr.abs _section_cstart, $3  }
0xc1: {  	[dreg:$0x1] =	wrdreg $0xFFFFFFFF  }
0xc2: {  	_ =	task.clear_ibuf [dreg:s7], $0x2FFFF;
	_ =	strace $0x9FFFFFFF  }
0xc3: {  	(tm) =	ssettm $0x7FFFFFFF  }
tec
execute0_lowered:
.L_overlay_start_1:
0x0: {  	(tag) =	ssettag $0x1  }
0x1: {  	s0 =	rddreg [dreg:$0x0]  }
0x2: {  	s2 =	rddreg [dreg:$0x1]  }
0x3: {  	s1 =	rddreg [dreg:$0x2];
	s3 =	srdreg.scid  }
0x4: {  	s9 =	stileid.u32;
	s14 =	simm.s32 $0x10E20;
	s15 =	simm.s32 $0xD  }
0x5: {  	s21 =	simm.s32 $0x8E20;
	s29 =	simm.s32 $0xEE20;
	s30 =	simm.s32 $0x1  }
0x6: {  	s31 =	simm.s32 $0x2;
	s16 =	simm.s32 $0x4;
	s28 =	simm.s32 $0x9  }
0x7: {  	s5 =	sand.u32 $0x1, s3;
	s3 =	simm.s32 $0x0;
	s7 =	smul.u32 $0xA000, s9  }
0x8: {  	s6 =	smul.u32 $0xA0000, s5;
	[smem:$0x7FF] =	sst s3;
	s4 =	sshll.u32 s5, $0x4  }
0x9: {  	s5 =	ssub.s32 $0x2, s5;
	_ =	strace $0x80000050;
	s8 =	sor.u32 s9, s4  }
0xa: {  	s4 =	sadd.s32 $0x2600, s2;
	s9 =	smul.u32 $0x28000, s9;
	s17 =	sshrl.u32 s5, $0x1  }
0xb: {  	s20 =	sadd.s32 s7, s1;
	s6 =	sadd.s32 s7, s6;
	s8 =	smul.u32 $0x2710, s8  }
0xc: {  	s10 =	ssub.s32 s5, s17;
	s17 =	simm.s32 $0x80;
	s7 =	simm.s32 $0xA  }
0xd: {  	s6 =	sshrl.u32 s6, $0x3;
	s18 =	sshrl.u32 s9, $0x2;
	s22 =	smax.u32 s10, $0x1  }
0xe: {  	s9 =	simm.s32 $0xC;
	s10 =	simm.s32 $0x10;
	s2 =	sadd.s32 s6, s2  }
0xf: {  	s8 =	sshrl.u32 s8, $0x3;
	s6 =	sadd.s32 s18, s1;
	[dreg:$0x6] =	wrdreg s22  }
0x10: {  	s18 =	simm.s32 $0x4E20;
	s22 =	simm.s32 $0x6;
	s19 =	sadd.s32 $0x16000, s2  }
0x11: {  	s5 =	sadd.s32 s0, s8;
	s23 =	sadd.s32 $0x2000, s6;
	[dreg:$0x5] =	wrdreg s19  }
0x12: {  	s24 =	sadd.s32 $0x4000, s6;
	s25 =	sadd.s32 $0x6000, s6;
	[dreg:$0x7] =	wrdreg s23  }
0x13: {  	s26 =	sadd.s32 $0x8000, s6;
	s2 =	simm.s32 $0x8;
	[dreg:$0x8] =	wrdreg s24  }
0x14: {  	s8 =	simm.s32 $0xB;
	s0 =	sadd.s32 $0x9C40, s5;
	[dreg:$0x9] =	wrdreg s25  }
0x15: {  	[dreg:$0xa] =	wrdreg s26;
	s19 =	simm.s32 $0x6E20;
	s23 =	simm.s32 $0xAE20  }
0x16: {  	s25 =	sshrl.u32 s20, $0x3;
	s26 =	simm.s32 $0xCE20;
	s20 =	simm.s32 $0x5  }
0x17: {  	v0 =	vimm.f32 $0.0e+00;
	s24 =	simm.s32 $0x7;
	[dreg:$0x4] =	wrdreg s0;
	s0 =	simm.s32 $0x3  }
.LBB2_1:
0x18: {  	s12 =	simm.s32 $0x100;
	s11 =	simm.s32 $0x0  }
.LBB2_2:
0x19: {  	p0 =	sne.s32 s12, $0x7F00;
	[tilespmem:s11+$0x10E50] =	vst v0;
	s13 =	smov.u32 s12;
	s12 =	sadd.s32 $0x100, s12  }
.Ltmp0:
0x1a: {  	[tilespmem:s11+$0x10E40] =	vst v0;
	(pc) =	sbr.rel @p0 .LBB2_2-.Ltmp0, $3  }
0x1b: {  	[tilespmem:s11+$0x10E20] =	vst v0  }
0x1c: {  	[tilespmem:s11+$0x10E30] =	vst v0;
	_ =	sdelay $0x1  }
0x1d: {  	s11 =	sshra.s32 s13, $0x2  }
0x1e: {  	[tilespmem:s11+$0x10E50] =	vst v0  }
0x1f: {  	[tilespmem:s11+$0x10E40] =	vst v0  }
0x20: {  	[tilespmem:s11+$0x10E20] =	vst v0  }
0x21: {  	[tilespmem:s11+$0x10E30] =	vst v0  }
0x22: {  	[spmem:s6] =	stream.linear.scatter [tilespmem:s14], [sflag:$0xD], $0x2000, $0x38;
	[tilespmem:$0x1CE20] =	vst v63  }
0x23: {  	_ =	swait.ge [sflag:s15], $0x2000  }
0x24: {  	[sflag:s15] =	ssyncset.done $0x0  }
0x25: {  	s13 =	rddreg [dreg:$0x7];
	[sflag:s15] =	ssyncadd.s32 $0xFFFFE000  }
0x26: {  	[spmem:s13] =	stream.linear.scatter [tilespmem:s14], [sflag:$0xD], $0x2000, $0x38;
	[tilespmem:$0x1CE20] =	vst v63  }
0x27: {  	_ =	swait.ge [sflag:s15], $0x2000  }
0x28: {  	[sflag:s15] =	ssyncset.done $0x0  }
0x29: {  	s12 =	rddreg [dreg:$0x8];
	[sflag:s15] =	ssyncadd.s32 $0xFFFFE000  }
0x2a: {  	[spmem:s12] =	stream.linear.scatter [tilespmem:s14], [sflag:$0xD], $0x2000, $0x38;
	[tilespmem:$0x1CE20] =	vst v63  }
0x2b: {  	_ =	swait.ge [sflag:s15], $0x2000  }
0x2c: {  	[sflag:s15] =	ssyncset.done $0x0  }
0x2d: {  	s13 =	rddreg [dreg:$0x9];
	[sflag:s15] =	ssyncadd.s32 $0xFFFFE000  }
0x2e: {  	[spmem:s13] =	stream.linear.scatter [tilespmem:s14], [sflag:$0xD], $0x2000, $0x38;
	[tilespmem:$0x1CE20] =	vst v63  }
0x2f: {  	_ =	swait.ge [sflag:s15], $0x2000  }
0x30: {  	[sflag:s15] =	ssyncset.done $0x0  }
0x31: {  	s12 =	rddreg [dreg:$0xa];
	[sflag:s15] =	ssyncadd.s32 $0xFFFFE000  }
0x32: {  	[spmem:s12] =	stream.linear.scatter [tilespmem:s14], [sflag:$0xD], $0x2000, $0x38;
	[tilespmem:$0x1CE20] =	vst v63  }
0x33: {  	_ =	swait.ge [sflag:s15], $0x2000  }
0x34: {  	[sflag:s15] =	ssyncset.done $0x0  }
0x35: {  	s11 =	simm.s32 $0x0;
	[sflag:s15] =	ssyncadd.s32 $0xFFFFE000  }
0x36: {  	[tilespmem:s11], [sflag:$0xD] =	stream.linear.gather [hbm4b:s5+s11], $0x2710, $0x38;
	[tilespmem:$0x1CE20] =	vst v63  }
0x37: {  	_ =	swait.ge [sflag:s15], $0x2710  }
0x38: {  	[sflag:s15] =	ssyncset.done $0x0  }
0x39: {  	s13 =	simm.s32 $0x2710;
	s12 =	rddreg [dreg:$0x4];
	[sflag:s15] =	ssyncadd.s32 $0xFFFFD8F0  }
0x3a: {  	[tilespmem:s13], [sflag:$0xD] =	stream.linear.gather [hbm4b:s12+s11], $0x2710, $0x38;
	[tilespmem:$0x1CE20] =	vst v63  }
0x3b: {  	_ =	swait.ge [sflag:s15], $0x2710  }
0x3c: {  	[sflag:s15] =	ssyncset.done $0x0  }
0x3d: {  	[sflag:s15] =	ssyncadd.s32 $0xFFFFD8F0  }
0x3e: {  	[bflag:$0x0] =	sbarrier.arrive $0xFFFF  }
0x3f: {  	[tilespmem:s18], [sflag:$0x1] =	stream.indirect.gather [hbm4b:s4+s17], $0x40, s11, s17, $0xb8;
	[tilespmem:$0x1CE20] =	vst v63  }
0x40: {  	_ = 	snop  }
0x41: {  	[tilespmem:s19], [sflag:$0x2] =	stream.indirect.gather [hbm4b:s4+s17], $0x40, s17, s17, $0xb8;
	[tilespmem:$0x1CE20] =	vst v63  }
0x42: {  	s13 =	simm.s32 $0x100  }
0x43: {  	[tilespmem:s21], [sflag:$0x3] =	stream.indirect.gather [hbm4b:s4+s17], $0x40, s13, s17, $0xb8;
	[tilespmem:$0x1CE20] =	vst v63  }
0x44: {  	s12 =	simm.s32 $0x180  }
0x45: {  	[tilespmem:s23], [sflag:$0x4] =	stream.indirect.gather [hbm4b:s4+s17], $0x40, s12, s17, $0xb8;
	[tilespmem:$0x1CE20] =	vst v63  }
0x46: {  	s13 =	simm.s32 $0x200  }
0x47: {  	[tilespmem:s26], [sflag:$0x5] =	stream.indirect.gather [hbm4b:s4+s17], $0x40, s13, s17, $0xb8;
	[tilespmem:$0x1CE20] =	vst v63  }
0x48: {  	s12 =	simm.s32 $0x280  }
0x49: {  	[tilespmem:s29], [sflag:$0x6] =	stream.indirect.gather [hbm4b:s4+s17], $0x40, s12, s17, $0xb8;
	[tilespmem:$0x1CE20] =	vst v63  }
0x4a: {  	_ =	swait.ge [sflag:s30], $0x2000  }
0x4b: {  	[sflag:s30] =	ssyncset.done $0x0  }
0x4c: {  	s13 =	simm.s32 $0x2710;
	[sflag:s30] =	ssyncadd.s32 $0xFFFFE000  }
0x4d: {  	[spmem:s1] =	stream.indirect.scatter.add.f32 [tilespmem:s18], [sflag:$0x7], $0x40, s13, s17, $0xb8;
	[tilespmem:$0x1CE20] =	vst v63  }
0x4e: {  	_ =	swait.ge [sflag:s31], $0x2000  }
0x4f: {  	[sflag:s31] =	ssyncset.done $0x0  }
0x50: {  	s12 =	simm.s32 $0x2790;
	[sflag:s31] =	ssyncadd.s32 $0xFFFFE000  }
0x51: {  	[spmem:s1] =	stream.indirect.scatter.add.f32 [tilespmem:s19], [sflag:$0x8], $0x40, s12, s17, $0xb8;
	[tilespmem:$0x1CE20] =	vst v63  }
0x52: {  	_ =	swait.ge [sflag:s0], $0x2000  }
0x53: {  	[sflag:s0] =	ssyncset.done $0x0  }
0x54: {  	s13 =	simm.s32 $0x2810;
	[sflag:s0] =	ssyncadd.s32 $0xFFFFE000  }
0x55: {  	[spmem:s1] =	stream.indirect.scatter.add.f32 [tilespmem:s21], [sflag:$0x9], $0x40, s13, s17, $0xb8;
	[tilespmem:$0x1CE20] =	vst v63  }
0x56: {  	_ =	swait.ge [sflag:s16], $0x2000  }
0x57: {  	[sflag:s16] =	ssyncset.done $0x0  }
0x58: {  	s12 =	simm.s32 $0x2890;
	[sflag:s16] =	ssyncadd.s32 $0xFFFFE000  }
0x59: {  	[spmem:s1] =	stream.indirect.scatter.add.f32 [tilespmem:s23], [sflag:$0xA], $0x40, s12, s17, $0xb8;
	[tilespmem:$0x1CE20] =	vst v63  }
0x5a: {  	_ =	swait.ge [sflag:s20], $0x2000  }
0x5b: {  	[sflag:s20] =	ssyncset.done $0x0  }
0x5c: {  	s13 =	simm.s32 $0x2910;
	[sflag:s20] =	ssyncadd.s32 $0xFFFFE000  }
0x5d: {  	[spmem:s1] =	stream.indirect.scatter.add.f32 [tilespmem:s26], [sflag:$0xB], $0x40, s13, s17, $0xb8;
	[tilespmem:$0x1CE20] =	vst v63  }
0x5e: {  	_ =	swait.ge [sflag:s22], $0x2000  }
0x5f: {  	[sflag:s22] =	ssyncset.done $0x0  }
0x60: {  	s12 =	simm.s32 $0x2990;
	[sflag:s22] =	ssyncadd.s32 $0xFFFFE000  }
0x61: {  	[spmem:s1] =	stream.indirect.scatter.add.f32 [tilespmem:s29], [sflag:$0xC], $0x40, s12, s17, $0xb8;
	[tilespmem:$0x1CE20] =	vst v63  }
0x62: {  	_ =	swait.ge [sflag:s24], $0x2000  }
0x63: {  	[sflag:s24] =	ssyncset.done $0x0  }
0x64: {  	s13 =	simm.s32 $0x300;
	[sflag:s24] =	ssyncadd.s32 $0xFFFFE000  }
0x65: {  	[tilespmem:s18], [sflag:$0x1] =	stream.indirect.gather [hbm4b:s4+s17], $0x40, s13, s17, $0xb8;
	[tilespmem:$0x1CE20] =	vst v63  }
0x66: {  	_ =	swait.ge [sflag:s2], $0x2000  }
0x67: {  	[sflag:s2] =	ssyncset.done $0x0  }
0x68: {  	s12 =	simm.s32 $0x380;
	[sflag:s2] =	ssyncadd.s32 $0xFFFFE000  }
0x69: {  	[tilespmem:s19], [sflag:$0x2] =	stream.indirect.gather [hbm4b:s4+s17], $0x40, s12, s17, $0xb8;
	[tilespmem:$0x1CE20] =	vst v63  }
0x6a: {  	_ =	swait.ge [sflag:s28], $0x2000  }
0x6b: {  	[sflag:s28] =	ssyncset.done $0x0  }
0x6c: {  	s13 =	simm.s32 $0x400;
	[sflag:s28] =	ssyncadd.s32 $0xFFFFE000  }
0x6d: {  	[tilespmem:s21], [sflag:$0x3] =	stream.indirect.gather [hbm4b:s4+s17], $0x40, s13, s17, $0xb8;
	[tilespmem:$0x1CE20] =	vst v63  }
0x6e: {  	_ =	swait.ge [sflag:s7], $0x2000  }
0x6f: {  	[sflag:s7] =	ssyncset.done $0x0  }
0x70: {  	s12 =	simm.s32 $0x480;
	[sflag:s7] =	ssyncadd.s32 $0xFFFFE000  }
0x71: {  	[tilespmem:s23], [sflag:$0x4] =	stream.indirect.gather [hbm4b:s4+s17], $0x40, s12, s17, $0xb8;
	[tilespmem:$0x1CE20] =	vst v63  }
0x72: {  	_ =	swait.ge [sflag:s8], $0x2000  }
0x73: {  	[sflag:s8] =	ssyncset.done $0x0  }
0x74: {  	s13 =	simm.s32 $0x500;
	[sflag:s8] =	ssyncadd.s32 $0xFFFFE000  }
0x75: {  	[tilespmem:s26], [sflag:$0x5] =	stream.indirect.gather [hbm4b:s4+s17], $0x40, s13, s17, $0xb8;
	[tilespmem:$0x1CE20] =	vst v63  }
0x76: {  	_ =	swait.ge [sflag:s9], $0x2000  }
0x77: {  	[sflag:s9] =	ssyncset.done $0x0  }
0x78: {  	s11 =	simm.s32 $0xC00;
	s12 =	simm.s32 $0x580;
	[sflag:s9] =	ssyncadd.s32 $0xFFFFE000  }
.LBB2_4:
0x79: {  	[tilespmem:s29], [sflag:$0x6] =	stream.indirect.gather [hbm4b:s4+s17], $0x40, s12, s17, $0xb8;
	[tilespmem:$0x1CE20] =	vst v63  }
0x7a: {  	s12 =	smov.u32 s11  }
0x7b: {  	p0 =	sne.s32 s11, $0x8400;
	s11 =	sadd.s32 $0xC00, s11;
	_ =	swait.ge [sflag:s30], $0x2000  }
0x7c: {  	s12 =	sshra.s32 s12, $0x2;
	[sflag:s30] =	ssyncset.done $0x0  }
0x7d: {  	s13 =	sadd.s32 $0x2710, s12;
	[sflag:s30] =	ssyncadd.s32 $0xFFFFE000  }
0x7e: {  	[spmem:s1] =	stream.indirect.scatter.add.f32 [tilespmem:s18], [sflag:$0x7], $0x40, s13, s17, $0xb8;
	[tilespmem:$0x1CE20] =	vst v63  }
0x7f: {  	_ =	swait.ge [sflag:s31], $0x2000  }
0x80: {  	[sflag:s31] =	ssyncset.done $0x0  }
0x81: {  	s13 =	sadd.s32 $0x2790, s12;
	[sflag:s31] =	ssyncadd.s32 $0xFFFFE000  }
0x82: {  	[spmem:s1] =	stream.indirect.scatter.add.f32 [tilespmem:s19], [sflag:$0x8], $0x40, s13, s17, $0xb8;
	[tilespmem:$0x1CE20] =	vst v63  }
0x83: {  	_ =	swait.ge [sflag:s0], $0x2000  }
0x84: {  	[sflag:s0] =	ssyncset.done $0x0  }
0x85: {  	s13 =	sadd.s32 $0x2810, s12;
	[sflag:s0] =	ssyncadd.s32 $0xFFFFE000  }
0x86: {  	[spmem:s1] =	stream.indirect.scatter.add.f32 [tilespmem:s21], [sflag:$0x9], $0x40, s13, s17, $0xb8;
	[tilespmem:$0x1CE20] =	vst v63  }
0x87: {  	_ =	swait.ge [sflag:s16], $0x2000  }
0x88: {  	[sflag:s16] =	ssyncset.done $0x0  }
0x89: {  	s13 =	sadd.s32 $0x2890, s12;
	[sflag:s16] =	ssyncadd.s32 $0xFFFFE000  }
0x8a: {  	[spmem:s1] =	stream.indirect.scatter.add.f32 [tilespmem:s23], [sflag:$0xA], $0x40, s13, s17, $0xb8;
	[tilespmem:$0x1CE20] =	vst v63  }
0x8b: {  	_ =	swait.ge [sflag:s20], $0x2000  }
0x8c: {  	[sflag:s20] =	ssyncset.done $0x0  }
0x8d: {  	s13 =	sadd.s32 $0x2910, s12;
	[sflag:s20] =	ssyncadd.s32 $0xFFFFE000  }
0x8e: {  	[spmem:s1] =	stream.indirect.scatter.add.f32 [tilespmem:s26], [sflag:$0xB], $0x40, s13, s17, $0xb8;
	[tilespmem:$0x1CE20] =	vst v63  }
0x8f: {  	_ =	swait.ge [sflag:s22], $0x2000  }
0x90: {  	[sflag:s22] =	ssyncset.done $0x0  }
0x91: {  	s13 =	sadd.s32 $0x2990, s12;
	[sflag:s22] =	ssyncadd.s32 $0xFFFFE000  }
0x92: {  	[spmem:s1] =	stream.indirect.scatter.add.f32 [tilespmem:s29], [sflag:$0xC], $0x40, s13, s17, $0xb8;
	[tilespmem:$0x1CE20] =	vst v63  }
0x93: {  	_ =	swait.ge [sflag:s24], $0x2000  }
0x94: {  	[sflag:s24] =	ssyncset.done $0x0  }
0x95: {  	s13 =	sadd.s32 $0x300, s12;
	[sflag:s24] =	ssyncadd.s32 $0xFFFFE000  }
0x96: {  	[tilespmem:s18], [sflag:$0x1] =	stream.indirect.gather [hbm4b:s4+s17], $0x40, s13, s17, $0xb8;
	[tilespmem:$0x1CE20] =	vst v63  }
0x97: {  	_ =	swait.ge [sflag:s2], $0x2000  }
0x98: {  	[sflag:s2] =	ssyncset.done $0x0  }
0x99: {  	s13 =	sadd.s32 $0x380, s12;
	[sflag:s2] =	ssyncadd.s32 $0xFFFFE000  }
0x9a: {  	[tilespmem:s19], [sflag:$0x2] =	stream.indirect.gather [hbm4b:s4+s17], $0x40, s13, s17, $0xb8;
	[tilespmem:$0x1CE20] =	vst v63  }
0x9b: {  	_ =	swait.ge [sflag:s28], $0x2000  }
0x9c: {  	[sflag:s28] =	ssyncset.done $0x0  }
0x9d: {  	s13 =	sadd.s32 $0x400, s12;
	[sflag:s28] =	ssyncadd.s32 $0xFFFFE000  }
0x9e: {  	[tilespmem:s21], [sflag:$0x3] =	stream.indirect.gather [hbm4b:s4+s17], $0x40, s13, s17, $0xb8;
	[tilespmem:$0x1CE20] =	vst v63  }
0x9f: {  	_ =	swait.ge [sflag:s7], $0x2000  }
0xa0: {  	[sflag:s7] =	ssyncset.done $0x0  }
0xa1: {  	s13 =	sadd.s32 $0x480, s12;
	[sflag:s7] =	ssyncadd.s32 $0xFFFFE000  }
0xa2: {  	[tilespmem:s23], [sflag:$0x4] =	stream.indirect.gather [hbm4b:s4+s17], $0x40, s13, s17, $0xb8;
	[tilespmem:$0x1CE20] =	vst v63  }
0xa3: {  	_ =	swait.ge [sflag:s8], $0x2000  }
0xa4: {  	[sflag:s8] =	ssyncset.done $0x0  }
.Ltmp1:
0xa5: {  	s13 =	sadd.s32 $0x500, s12;
	[sflag:s8] =	ssyncadd.s32 $0xFFFFE000;
	(pc) =	sbr.rel @p0 .LBB2_4-.Ltmp1, $4  }
0xa6: {  	[tilespmem:s26], [sflag:$0x5] =	stream.indirect.gather [hbm4b:s4+s17], $0x40, s13, s17, $0xb8;
	[tilespmem:$0x1CE20] =	vst v63  }
0xa7: {  	_ =	swait.ge [sflag:s9], $0x2000  }
0xa8: {  	[sflag:s9] =	ssyncset.done $0x0  }
0xa9: {  	s12 =	sadd.s32 $0x580, s12;
	[sflag:s9] =	ssyncadd.s32 $0xFFFFE000  }
0xaa: {  	[tilespmem:s29], [sflag:$0x6] =	stream.indirect.gather [hbm4b:s4+s17], $0x40, s12, s17, $0xb8;
	[tilespmem:$0x1CE20] =	vst v63  }
0xab: {  	_ =	swait.ge [sflag:s30], $0x2000  }
0xac: {  	[sflag:s30] =	ssyncset.done $0x0  }
0xad: {  	s11 =	simm.s32 $0x4B10;
	[sflag:s30] =	ssyncadd.s32 $0xFFFFE000  }
0xae: {  	[spmem:s1] =	stream.indirect.scatter.add.f32 [tilespmem:s18], [sflag:$0x7], $0x40, s11, s17, $0xb8;
	[tilespmem:$0x1CE20] =	vst v63  }
0xaf: {  	_ =	swait.ge [sflag:s31], $0x2000  }
0xb0: {  	[sflag:s31] =	ssyncset.done $0x0  }
0xb1: {  	s13 =	simm.s32 $0x4B90;
	[sflag:s31] =	ssyncadd.s32 $0xFFFFE000  }
0xb2: {  	[spmem:s1] =	stream.indirect.scatter.add.f32 [tilespmem:s19], [sflag:$0x8], $0x40, s13, s17, $0xb8;
	[tilespmem:$0x1CE20] =	vst v63  }
0xb3: {  	_ =	swait.ge [sflag:s0], $0x2000  }
0xb4: {  	[sflag:s0] =	ssyncset.done $0x0  }
0xb5: {  	s12 =	simm.s32 $0x4C10;
	[sflag:s0] =	ssyncadd.s32 $0xFFFFE000  }
0xb6: {  	[spmem:s1] =	stream.indirect.scatter.add.f32 [tilespmem:s21], [sflag:$0x9], $0x40, s12, s17, $0xb8;
	[tilespmem:$0x1CE20] =	vst v63  }
0xb7: {  	_ =	swait.ge [sflag:s16], $0x2000  }
0xb8: {  	[sflag:s16] =	ssyncset.done $0x0  }
0xb9: {  	s13 =	simm.s32 $0x4C90;
	[sflag:s16] =	ssyncadd.s32 $0xFFFFE000  }
0xba: {  	[spmem:s1] =	stream.indirect.scatter.add.f32 [tilespmem:s23], [sflag:$0xA], $0x40, s13, s17, $0xb8;
	[tilespmem:$0x1CE20] =	vst v63  }
0xbb: {  	_ =	swait.ge [sflag:s20], $0x2000  }
0xbc: {  	[sflag:s20] =	ssyncset.done $0x0  }
0xbd: {  	s12 =	simm.s32 $0x4D10;
	[sflag:s20] =	ssyncadd.s32 $0xFFFFE000  }
0xbe: {  	[spmem:s1] =	stream.indirect.scatter.add.f32 [tilespmem:s26], [sflag:$0xB], $0x40, s12, s17, $0xb8;
	[tilespmem:$0x1CE20] =	vst v63  }
0xbf: {  	_ =	swait.ge [sflag:s22], $0x2000  }
0xc0: {  	[sflag:s22] =	ssyncset.done $0x0  }
0xc1: {  	s13 =	simm.s32 $0x4D90;
	[sflag:s22] =	ssyncadd.s32 $0xFFFFE000  }
0xc2: {  	[spmem:s1] =	stream.indirect.scatter.add.f32 [tilespmem:s29], [sflag:$0xC], $0x40, s13, s17, $0xb8;
	[tilespmem:$0x1CE20] =	vst v63  }
0xc3: {  	_ =	swait.ge [sflag:s24], $0x2000  }
0xc4: {  	[sflag:s24] =	ssyncset.done $0x0  }
0xc5: {  	[sflag:s24] =	ssyncadd.s32 $0xFFFFE000  }
0xc6: {  	_ =	swait.ge [sflag:s2], $0x2000  }
0xc7: {  	[sflag:s2] =	ssyncset.done $0x0  }
0xc8: {  	[sflag:s2] =	ssyncadd.s32 $0xFFFFE000  }
0xc9: {  	_ =	swait.ge [sflag:s28], $0x2000  }
0xca: {  	[sflag:s28] =	ssyncset.done $0x0  }
0xcb: {  	[sflag:s28] =	ssyncadd.s32 $0xFFFFE000  }
0xcc: {  	_ =	swait.ge [sflag:s7], $0x2000  }
0xcd: {  	[sflag:s7] =	ssyncset.done $0x0  }
0xce: {  	[sflag:s7] =	ssyncadd.s32 $0xFFFFE000  }
0xcf: {  	_ =	swait.ge [sflag:s8], $0x2000  }
0xd0: {  	[sflag:s8] =	ssyncset.done $0x0  }
0xd1: {  	[sflag:s8] =	ssyncadd.s32 $0xFFFFE000  }
0xd2: {  	_ =	swait.ge [sflag:s9], $0x2000  }
0xd3: {  	[sflag:s9] =	ssyncset.done $0x0  }
0xd4: {  	s12 =	simm.s32 $0x2700;
	[sflag:s9] =	ssyncadd.s32 $0xFFFFE000  }
0xd5: {  	[tilespmem:s18], [sflag:$0xD] =	stream.indirect.gather [hbm4b:s4+s10], $0x40, s12, s10, $0xb8;
	[tilespmem:$0x1CE20] =	vst v63  }
0xd6: {  	_ =	swait.ge [sflag:s15], $0x400  }
0xd7: {  	[sflag:s15] =	ssyncset.done $0x0  }
0xd8: {  	s13 =	simm.s32 $0x4E10;
	[sflag:s15] =	ssyncadd.s32 $0xFFFFFC00  }
0xd9: {  	[spmem:s1] =	stream.indirect.scatter.add.f32 [tilespmem:s18], [sflag:$0xD], $0x40, s13, s10, $0xb8;
	[tilespmem:$0x1CE20] =	vst v63  }
0xda: {  	_ =	swait.ge [sflag:s15], $0x400  }
0xdb: {  	[sflag:s15] =	ssyncset.done $0x0  }
0xdc: {  	s12 =	stileid.u32;
	[sflag:s15] =	ssyncadd.s32 $0xFFFFFC00  }
0xdd: {  	s11 =	sshll.u32 s12, $0x6;
	[bflag:$0x0] =	sbarrier.arrive $0xFFFF  }
0xde: {  	s11 =	sor.u32 $0x1C0D, s11;
	s13 =	rddreg [dreg:$0x5]  }
0xdf: {  	[hbm:s13], [sflag:s11] =	dma.local [spmem:s25], $0x1400  }
0xe0: {  	_ =	swait.ge [sflag:s15], $0x1400  }
0xe1: {  	s3 =	sadd.s32 $0x1, s3;
	s13 =	rddreg [dreg:$0x6]  }
0xe2: {  	p0 =	sne.s32 s3, s13  }
.Ltmp2:
0xe3: {  	_ = 	snop;
	(pc) =	sbr.rel @p0 .LBB2_1-.Ltmp2, $3  }
0xe4: {  	_ =	sdelay $0x1  }
0xe5: {  	[sflag:s15] =	ssyncset.done $0x0  }
0xe6: {  	[sflag:s15] =	ssyncadd.s32 $0xFFFFEC00  }
0xe7: {  	_ =	sfence.sel $0x180000  }
0xe8: {  	[bflag:$0x0] =	sbarrier.arrive $0xFFFF  }
0xe9: {  	_ =	strace $0x90000050  }
0xea: {  	s0 =	stileid.u32;
	[bflag:$0x2] =	sbarrier.arrive $0xFFFF  }
0xeb: {  	p0 =	sne.s32 s0, $0x0;
	s0 =	rddreg [dreg:$0x3]  }
0xec: {  	s0 =	sadd.s32 @!p0 $0x100000, s0  }
0xed: {  	[sflag:s0] =	ssyncadd.tile.s32 @!p0 $0x1;
	_ =	shalt  }
.Lfunc_end2:
_tile_overlayer_lowered:
.L_overlay_start_2:
0xee: {  	(tag) =	ssettag $0x2  }
0xef: {  	s0 =	rddreg [dreg:$0x0];
	s2 =	stileid.u32  }
0xf0: {  	s1 =	rddreg [dreg:$0x1];
	p0 =	sne.s32 s2, $0x0  }
0xf1: {  	s3 =	rddreg [dreg:$0x2];
	[bflag:$0x3] =	sbarrier.arrive $0xFFFF;
	s2 =	simm.s32 @!p0 $0x1C0D  }
0xf2: {  	[timem:s3], [sflag:s2] =	dma.local @!p0 [hbm:s0], s1  }
0xf3: {  	s0 =	simm.s32 @!p0 $0xD  }
0xf4: {  	_ =	swait.ge @!p0 [sflag:s0], s1  }
0xf5: {  	s1 =	ssub.s32 @!p0 $0x0, s1;
	[sflag:s0] =	ssyncset.done @!p0 $0x0  }
0xf6: {  	[sflag:s0] =	ssyncadd.s32 @!p0 s1  }
0xf7: {  	[bflag:$0x3] =	sbarrier.arrive $0xFFFF  }
0xf8: {  	_ =	shalt  }

</sc_bundles>
